<compile_context>
chip_gen: v7x
topology: tpu7x:2x2x1
jax: 0.10.2.dev20260603
libtpu: 0.0.44.dev20260713+nightly
codegen_flags: <defaults>
</compile_context>

<pallas_src>
import jax
import jax.numpy as jnp
from jax import lax
from jax.experimental import pallas as pl
from jax.experimental.pallas import tpu as pltpu
from jax.experimental.pallas import tpu_sc as plsc

VX, VY = 0.16, 0.16
PC_RANGE = [0.0, -39.68, -3.0, 69.12, 39.68, 1.0]
X_OFFSET = VX / 2 + PC_RANGE[0]
Y_OFFSET = VY / 2 + PC_RANGE[1]
X_L = 432
Y_L = 496
MAXP = 32
P = 40000
P_PAD = 40960
B = 2
OUT_DIM = 64
EPS = 1e-3
ZCONST = (PC_RANGE[5] + PC_RANGE[2]) / 2.0
YX = Y_L * X_L
PLANE_B = OUT_DIM * YX
NEG = -1e30

NP_BLK = 1024
N_BLK = P_PAD // NP_BLK



def _p1_body(pil_ref, coors_ref, npp_ref, cx_ref, cy_ref, cb_ref,
             rhs_ref, s8_ref, wct_ref, t_ref, xmax_ref, idx_ref):
    pil = pil_ref[...]
    scores = jnp.dot(pil, rhs_ref[...],
                     preferred_element_type=jnp.float32)
    npp = npp_ref[...]
    jlane = lax.broadcasted_iota(jnp.int32, (1, 2048), 1) // OUT_DIM
    masked = jnp.where(jlane < npp, scores, NEG)
    m = masked
    w = 1024
    while w >= OUT_DIM:
        m = jnp.maximum(m[:, :w], m[:, w:2 * w])
        w //= 2
    sums = jnp.dot(pil, s8_ref[...],
                   preferred_element_type=jnp.float32)
    nppf = npp.astype(jnp.float32)
    coors = coors_ref[...]
    cf = coors.astype(jnp.float32)
    cxf = cf[:, 0:1] * VX + X_OFFSET
    cyf = cf[:, 1:2] * VY + Y_OFFSET
    mx = sums[:, 0:1] / nppf
    my = sums[:, 1:2] / nppf
    mz = sums[:, 2:3] / nppf
    ones = jnp.ones_like(cxf)
    zer = jnp.zeros_like(cxf)
    cp = jnp.concatenate([cxf, cyf, mx, my, mz, ones, zer, zer], axis=1)
    bias = jnp.dot(cp, wct_ref[...],
                   preferred_element_type=jnp.float32)
    cand0 = jnp.where(npp < MAXP, 0.0, NEG)
    m3 = jnp.maximum(m + bias, cand0)
    out = jnp.maximum(m3 + t_ref[...], 0.0)
    xmax_ref[...] = jnp.concatenate(
        [out, jnp.zeros((NP_BLK, 64), jnp.float32)], axis=1)
    idx_ref[...] = (cb_ref[...] * YX + cy_ref[...] * X_L + cx_ref[...])


def _phase1(pillars128, coors, npp2, cx2d, cy2d, cb2d, rhs, s8, wct, tvec):
    return pl.pallas_call(
        _p1_body,
        grid=(N_BLK,),
        in_specs=[
            pl.BlockSpec((NP_BLK, 128), lambda i: (i, 0)),
            pl.BlockSpec((NP_BLK, 4), lambda i: (i, 0)),
            pl.BlockSpec((NP_BLK, 1), lambda i: (i, 0)),
            pl.BlockSpec((8, 128), lambda i: (i, 0)),
            pl.BlockSpec((8, 128), lambda i: (i, 0)),
            pl.BlockSpec((8, 128), lambda i: (i, 0)),
            pl.BlockSpec((128, 2048), lambda i: (0, 0)),
            pl.BlockSpec((128, 8), lambda i: (0, 0)),
            pl.BlockSpec((8, 64), lambda i: (0, 0)),
            pl.BlockSpec((1, 64), lambda i: (0, 0)),
        ],
        out_specs=[
            pl.BlockSpec((NP_BLK, 128), lambda i: (i, 0)),
            pl.BlockSpec((8, 128), lambda i: (i, 0)),
        ],
        out_shape=[
            jax.ShapeDtypeStruct((P_PAD, 128), jnp.float32),
            jax.ShapeDtypeStruct((P_PAD // 128, 128), jnp.int32),
        ],
    )(pillars128, coors, npp2, cx2d, cy2d, cb2d, rhs, s8, wct, tvec)



NC = 2
NS = 16
NW = NC * NS
SLAB = 13 * 1024
SLAB_LAST = YX - 15 * SLAB
CCH = 1024
TAILC = SLAB_LAST - 14 * CCH
GB = 128
BUFW = CCH + 16
DUMP = CCH + 1
WMAP = SLAB_LAST


def _p2_body(xmax_hbm, idx_hbm, out_hbm, win, ibuf, cpil, ccell, cp2,
             gbuf, buf, sem):
    t = lax.axis_index("s") * NC + lax.axis_index("c")
    k = t % NS
    last = k == NS - 1
    slabsize = jnp.where(last, SLAB_LAST, SLAB)
    tbase = k * SLAB
    cellbase = (t // NS) * YX + tbase

    neg1 = jnp.full((16,), -1, jnp.int32)

    def wz(i, _):
        win[pl.ds(i * 16, 16)] = neg1
        return 0
    lax.fori_loop(0, WMAP // 16, wz, 0)
    zf = jnp.zeros((16,), jnp.float32)
    for cch in range(OUT_DIM):
        def bz(i, _):
            buf[cch, pl.ds(i * 16, 16)] = zf
            return 0
        lax.fori_loop(0, BUFW // 16, bz, 0)

    iota16 = lax.broadcasted_iota(jnp.int32, (16,), 0)

    for kb in range(P_PAD // 2048):
        pltpu.sync_copy(idx_hbm.at[pl.ds(kb * 2048, 2048)], ibuf)
        base0 = kb * 2048

        def claim(v, _):
            cellv = ibuf[pl.ds(v * 16, 16)]
            localv = cellv - cellbase
            pids = base0 + v * 16 + iota16
            m = (localv >= 0) & (localv < slabsize) & (pids < P)
            plsc.store_scatter(win, [localv], pids, mask=m)
            return 0
        lax.fori_loop(0, 128, claim, 0)

    b64 = (t // NS) * OUT_DIM

    def do_chunk(ci, csz):
        def comp(q, cnt):
            wv = win[pl.ds(ci * CCH + q * 16, 16)]
            m = wv >= 0
            cells = q * 16 + iota16
            cs = jnp.cumsum(m.astype(jnp.int32))
            pos = cnt + cs - 1
            plsc.store_scatter(cpil, [pos], wv, mask=m)
            plsc.store_scatter(ccell, [pos], cells, mask=m)
            return cnt + jnp.max(cs)
        cnt = lax.fori_loop(0, csz // 16, comp, jnp.int32(0))
        for u in range(GB // 16):
            cpil[pl.ds(cnt + u * 16, 16)] = jnp.zeros((16,), jnp.int32)
            ccell[pl.ds(cnt + u * 16, 16)] = jnp.full((16,), DUMP, jnp.int32)
        nb = (cnt + GB - 1) // GB

        def gather_place(g, _):
            def cpy(i, _3):
                cp2[pl.ds(i * 16, 16)] = cpil[pl.ds(g * GB + i * 16, 16)]
                return 0
            lax.fori_loop(0, GB // 16, cpy, 0)
            pltpu.async_copy(xmax_hbm.at[cp2], gbuf, sem).wait()

            def place(r, _2):
                cellv = ccell[pl.ds(g * GB + r, 16)][0] + jnp.zeros(
                    (16,), jnp.int32)
                for k in range(4):
                    vals = gbuf[r, pl.ds(k * 16, 16)]
                    plsc.store_scatter(buf, [iota16 + k * 16, cellv], vals)
                return 0
            lax.fori_loop(0, GB, place, 0)
            return 0
        lax.fori_loop(0, nb, gather_place, 0)

        dst0 = tbase + ci * CCH
        pltpu.async_copy(
            buf.at[:, pl.ds(0, csz)],
            out_hbm.at[pl.ds(b64, OUT_DIM), pl.ds(dst0, csz)],
            sem).wait()

        def rz(g, _):
            def rzp(r, _2):
                cellv = ccell[pl.ds(g * GB + r, 16)][0] + jnp.zeros(
                    (16,), jnp.int32)
                for k in range(4):
                    plsc.store_scatter(buf, [iota16 + k * 16, cellv],
                                       jnp.zeros((16,), jnp.float32))
                return 0
            lax.fori_loop(0, GB, rzp, 0)
            return 0
        lax.fori_loop(0, nb, rz, 0)

    def chunk_body(ci, _):
        do_chunk(ci, CCH)
        return 0
    nfull = jnp.where(last, 14, 13)
    lax.fori_loop(0, nfull, chunk_body, 0)

    @pl.when(last)
    def _tail():
        do_chunk(14, TAILC)


def _phase2(xmax, idx2d):
    mesh = plsc.VectorSubcoreMesh(core_axis_name="c", subcore_axis_name="s",
                                  num_cores=NC, num_subcores=NS)
    return pl.kernel(
        _p2_body,
        out_type=jax.ShapeDtypeStruct((B * OUT_DIM, YX), jnp.float32),
        mesh=mesh,
        compiler_params=pltpu.CompilerParams(needs_layout_passes=False),
        scratch_types=[
            pltpu.VMEM((WMAP,), jnp.int32),
            pltpu.VMEM((2048,), jnp.int32),
            pltpu.VMEM((CCH + 2 * GB,), jnp.int32),
            pltpu.VMEM((CCH + 2 * GB,), jnp.int32),
            pltpu.VMEM((GB,), jnp.int32),
            pltpu.VMEM((GB, 128), jnp.float32),
            pltpu.VMEM((OUT_DIM, BUFW), jnp.float32),
            pltpu.SemaphoreType.DMA,
        ],
    )(xmax, idx2d)


def _r_body(canvas_ref, out_ref):
    v = canvas_ref[...]
    out_ref[...] = v.reshape(1, 8, Y_L, X_L)


def _relayout(out2):
    return pl.pallas_call(
        _r_body,
        grid=(B, OUT_DIM // 8),
        in_specs=[pl.BlockSpec((8, YX), lambda b, c: (b * 8 + c, 0))],
        out_specs=pl.BlockSpec((1, 8, Y_L, X_L), lambda b, c: (b, c, 0, 0)),
        out_shape=jax.ShapeDtypeStruct((B, OUT_DIM, Y_L, X_L), jnp.float32),
    )(out2)




def kernel(pillars, coors_batch, npoints_per_pillar, W, bn_gamma, bn_beta,
           bn_mean, bn_var):
    f32 = jnp.float32
    s = bn_gamma / jnp.sqrt(bn_var + EPS)
    t = bn_beta - bn_mean * s
    wx = (W[:, 0] + W[:, 4] + W[:, 7]) * s
    wy = (W[:, 1] + W[:, 5] + W[:, 8]) * s
    wz = (W[:, 2] + W[:, 6]) * s
    wr = W[:, 3] * s
    w4s = jnp.stack([wx, wy, wz, wr], axis=0)
    rhs = jnp.kron(jnp.eye(32, dtype=f32), w4s)
    s8 = jnp.tile(jnp.eye(4, dtype=f32), (32, 1))
    s8 = jnp.concatenate([s8, jnp.zeros((128, 4), f32)], axis=1)
    wct = jnp.stack([
        -(W[:, 0] + W[:, 7]) * s,
        -(W[:, 1] + W[:, 8]) * s,
        -W[:, 4] * s,
        -W[:, 5] * s,
        -W[:, 6] * s,
        ZCONST * W[:, 9] * s,
        jnp.zeros_like(s),
        jnp.zeros_like(s),
    ], axis=0)
    tvec = t.reshape(1, OUT_DIM)

    npad = P_PAD - P
    pillars128 = jnp.pad(pillars.reshape(P, 128), ((0, npad), (0, 0)))
    coorsp = jnp.pad(coors_batch, ((0, npad), (0, 0)))
    npp2 = jnp.pad(npoints_per_pillar.reshape(P, 1), ((0, npad), (0, 0)),
                   constant_values=1)
    cx2d = coorsp[:, 0].reshape(P_PAD // 128, 128)
    cy2d = coorsp[:, 1].reshape(P_PAD // 128, 128)
    cb2d = coorsp[:, 3].reshape(P_PAD // 128, 128)

    xmax, idx2d = _phase1(pillars128, coorsp, npp2, cx2d, cy2d, cb2d,
                          rhs, s8, wct, tvec)
    out2 = _phase2(xmax, idx2d.reshape(P_PAD))
    return _relayout(out2)

# --- scband reference (transcript-rebuilt; emitter-appended) ---
"""Pipeline reference for scband-pillar-feature-extraction-2989297238034 (READ-ONLY COPY).

The authoritative reference and input builder live on the scoring server;
editing this copy changes nothing except your own understanding.
"""

import jax, jax.numpy as jnp
import numpy as np

VX, VY = 0.16, 0.16
PC_RANGE = [0.0, -39.68, -3.0, 69.12, 39.68, 1.0]
X_OFFSET = VX / 2 + PC_RANGE[0]
Y_OFFSET = VY / 2 + PC_RANGE[1]
X_L = int((PC_RANGE[3] - PC_RANGE[0]) / VX)  # 432
Y_L = int((PC_RANGE[4] - PC_RANGE[1]) / VY)  # 496
MAXP = 32
P = 40000
B = 2
IN_DIM = 10
OUT_DIM = 64
EPS = 1e-3


def setup_inputs(seed: int = 0) -> dict:
    key = jax.random.key(seed)
    k1, k2, k3, k4, k5 = jax.random.split(key, 5)
    pillars = jax.random.normal(k1, (P, MAXP, 4), dtype=jnp.float32)
    cx = jax.random.randint(k2, (P, 1), 0, X_L)
    cy = jax.random.randint(k3, (P, 1), 0, Y_L)
    cz = jnp.zeros((P, 1), dtype=jnp.int32)
    # batch index column: sorted so pillars are grouped per sample
    bcol = jnp.sort(jax.random.randint(k4, (P, 1), 0, B))
    coors_batch = jnp.concatenate([cx, cy, cz, bcol], axis=1).astype(jnp.int32)
    npoints_per_pillar = jax.random.randint(k5, (P,), 1, MAXP + 1).astype(jnp.int32)
    kw = jax.random.fold_in(key, 7)
    W = jax.random.normal(kw, (OUT_DIM, IN_DIM), dtype=jnp.float32) * 0.1
    bn_gamma = jnp.ones((OUT_DIM,), jnp.float32)
    bn_beta = jnp.zeros((OUT_DIM,), jnp.float32)
    bn_mean = jnp.zeros((OUT_DIM,), jnp.float32)
    bn_var = jnp.ones((OUT_DIM,), jnp.float32)
    return {"pillars": pillars, "coors_batch": coors_batch,
            "npoints_per_pillar": npoints_per_pillar, "W": W,
            "bn_gamma": bn_gamma, "bn_beta": bn_beta,
            "bn_mean": bn_mean, "bn_var": bn_var}


def reference(pillars, coors_batch, npoints_per_pillar, W, bn_gamma, bn_beta, bn_mean, bn_var):
    npp = npoints_per_pillar.astype(jnp.float32)
    # per-pillar mean offset of xyz
    offset_pt_center = pillars[:, :, :3] - jnp.sum(pillars[:, :, :3], axis=1, keepdims=True) / npp[:, None, None]
    # offset to pillar center in x/y
    x_off = pillars[:, :, 0:1] - (coors_batch[:, None, 0:1].astype(jnp.float32) * VX + X_OFFSET)
    y_off = pillars[:, :, 1:2] - (coors_batch[:, None, 1:2].astype(jnp.float32) * VY + Y_OFFSET)
    z_off = jnp.full(x_off.shape, (PC_RANGE[5] + PC_RANGE[2]) / 2.0, dtype=jnp.float32)
    features = jnp.concatenate([pillars, offset_pt_center, x_off, y_off, z_off], axis=-1)
    features = features.at[:, :, 0:1].set(x_off)
    features = features.at[:, :, 1:2].set(y_off)
    # mask out padded points
    mask = (jnp.arange(MAXP)[None, :] < npoints_per_pillar[:, None]).astype(jnp.float32)
    features = features * mask[:, :, None]
    # linear (no bias) -> BN (inference stats) -> relu -> max over points
    x = features @ W.T
    x = (x - bn_mean) / jnp.sqrt(bn_var + EPS) * bn_gamma + bn_beta
    x = jax.nn.relu(x)
    x_max = jnp.max(x, axis=1)  # [P, OUT_DIM]
    # scatter (overwrite) into BEV canvas per batch element
    canvas = jnp.zeros((B, X_L, Y_L, OUT_DIM), dtype=x_max.dtype)
    canvas = canvas.at[coors_batch[:, 3], coors_batch[:, 0], coors_batch[:, 1]].set(x_max)
    # per-sample permute(2,1,0): [X,Y,C] -> [C,Y,X], stacked over batch
    return jnp.transpose(canvas, (0, 3, 2, 1))

if __name__ == "__main__":
    import jax
    _d = setup_inputs()
    print(jax.jit(kernel)(*tuple(_d.values())))

</pallas_src>

<mosaic_0001>
#map = affine_map<(d0, d1) -> (0, 0)>
#map1 = affine_map<(d0, d1) -> (0)>
module attributes {stable_mosaic.version = 14 : i64} {
  func.func @_p2_body(%arg0: i32, %arg1: i32, %arg2: memref<40960x128xf32, #tpu.memory_space<hbm>>, %arg3: memref<40960xi32, #tpu.memory_space<hbm>>, %arg4: memref<128x214272xf32, #tpu.memory_space<hbm>>, %arg5: memref<14592xi32, #tpu.memory_space<vmem>>, %arg6: memref<2048xi32, #tpu.memory_space<vmem>>, %arg7: memref<1280xi32, #tpu.memory_space<vmem>>, %arg8: memref<1280xi32, #tpu.memory_space<vmem>>, %arg9: memref<128xi32, #tpu.memory_space<vmem>>, %arg10: memref<128x128xf32, #tpu.memory_space<vmem>>, %arg11: memref<64x1040xf32, #tpu.memory_space<vmem>>, %arg12: memref<!tpu.dma_semaphore, #tpu.memory_space<semaphore_mem>>) attributes {dimension_semantics = [#tpu.dimension_semantics<core_parallel>, #tpu.dimension_semantics<subcore_parallel>], iteration_bounds = array<i64: 2, 16>, scalar_prefetch = 0 : i64, scratch_operands = 8 : i64, tpu.core_type = #tpu.core_type<sc_vector_subcore>, window_params = [{transform_indices = #map}, {transform_indices = #map1}, {transform_indices = #map}]} {
    %mul3A = arith.constant 2 : i32
    %mul3A_0 = arith.muli %arg1, %mul3A : i32
    %add3A = arith.addi %mul3A_0, %arg0 : i32
    %jit3A = arith.constant 16 : i32
    %eq3A = arith.constant 0 : i32
    %eq3A_1 = arith.cmpi eq, %jit3A, %eq3A : i32
    %jit3A_2 = arith.constant 1 : i32
    %select_n3A = arith.select %eq3A_1, %jit3A_2, %jit3A : i32
    %rem3A = arith.remsi %add3A, %select_n3A : i32
    %ne3A = arith.constant 0 : i32
    %ne3A_3 = arith.cmpi ne, %rem3A, %ne3A : i32
    %lt3A = arith.constant 0 : i32
    %lt3A_4 = arith.cmpi slt, %rem3A, %lt3A : i32
    %lt3A_5 = arith.constant 0 : i32
    %lt3A_6 = arith.cmpi slt, %select_n3A, %lt3A_5 : i32
    %ne3A_7 = arith.xori %lt3A_4, %lt3A_6 : i1
    %and3A = arith.andi %ne3A_7, %ne3A_3 : i1
    %add3A_8 = arith.addi %rem3A, %select_n3A : i32
    %select_n3A_9 = arith.select %and3A, %add3A_8, %rem3A : i32
    %eq3A_10 = arith.constant 15 : i32
    %eq3A_11 = arith.cmpi eq, %select_n3A_9, %eq3A_10 : i32
    %jit3A_12 = arith.constant 14592 : i32
    %jit3A_13 = arith.constant 13312 : i32
    %select_n3A_14 = arith.select %eq3A_11, %jit3A_12, %jit3A_13 : i32
    %mul3A_15 = arith.constant 13312 : i32
    %mul3A_16 = arith.muli %select_n3A_9, %mul3A_15 : i32
    %jit3A_17 = arith.constant 16 : i32
    %div3A = arith.divsi %add3A, %jit3A_17 : i32
    %sign3A = arith.constant 0 : i32
    %sign3A_18 = arith.cmpi sgt, %add3A, %sign3A : i32
    %sign3A_19 = arith.extui %sign3A_18 : i1 to i32
    %sign3A_20 = arith.constant 0 : i32
    %sign3A_21 = arith.cmpi slt, %add3A, %sign3A_20 : i32
    %sign3A_22 = arith.extui %sign3A_21 : i1 to i32
    %sign3A_23 = arith.subi %sign3A_19, %sign3A_22 : i32
    %sign3A_24 = arith.constant 0 : i32
    %sign3A_25 = arith.cmpi sgt, %jit3A_17, %sign3A_24 : i32
    %sign3A_26 = arith.extui %sign3A_25 : i1 to i32
    %sign3A_27 = arith.constant 0 : i32
    %sign3A_28 = arith.cmpi slt, %jit3A_17, %sign3A_27 : i32
    %sign3A_29 = arith.extui %sign3A_28 : i1 to i32
    %sign3A_30 = arith.subi %sign3A_26, %sign3A_29 : i32
    %ne3A_31 = arith.cmpi ne, %sign3A_23, %sign3A_30 : i32
    %rem3A_32 = arith.remsi %add3A, %jit3A_17 : i32
    %ne3A_33 = arith.constant 0 : i32
    %ne3A_34 = arith.cmpi ne, %rem3A_32, %ne3A_33 : i32
    %and3A_35 = arith.andi %ne3A_31, %ne3A_34 : i1
    %sub3A = arith.constant 1 : i32
    %sub3A_36 = arith.subi %div3A, %sub3A : i32
    %select_n3A_37 = arith.select %and3A_35, %sub3A_36, %div3A : i32
    %mul3A_38 = arith.constant 214272 : i32
    %mul3A_39 = arith.muli %select_n3A_37, %mul3A_38 : i32
    %add3A_40 = arith.addi %mul3A_39, %mul3A_16 : i32
    %broadcast_in_dim3A = arith.constant -1 : i32
    %broadcast_in_dim3A_41 = vector.broadcast %broadcast_in_dim3A : i32 to vector<16xi32>
    %scan3A = arith.constant 0 : i32
    %scan3A_42 = arith.constant 0 : i32
    %scan3A_43 = arith.constant 912 : i32
    %scan3A_44 = arith.addi %scan3A_42, %scan3A_43 : i32
    %scan3A_45 = arith.constant 1 : i32
    %scan3A_46 = scf.for %scan3A_679 = %scan3A_42 to %scan3A_44 step %scan3A_45 iter_args(%scan3A_680 = %scan3A) -> (i32)  : i32 {
      %mul3A_681 = arith.constant 16 : i32
      %mul3A_682 = arith.muli %scan3A_679, %mul3A_681 : i32
      %swap3A = arith.index_cast %mul3A_682 : i32 to index
      %swap3A_683 = tpu.vector_load %arg5[%swap3A] {strides = array<i32>} : memref<14592xi32, #tpu.memory_space<vmem>>, vector<16xi32>,
      tpu.vector_store %arg5[%swap3A], %broadcast_in_dim3A_41 {strides = array<i32>} : memref<14592xi32, #tpu.memory_space<vmem>>, vector<16xi32>,
      %scan3A_684 = arith.constant 0 : i32
      scf.yield %scan3A_684 : i32
    }
    %scan3A_47 = arith.constant 912 : i32
    %broadcast_in_dim3A_48 = arith.constant 0.000000e+00 : f32
    %broadcast_in_dim3A_49 = vector.broadcast %broadcast_in_dim3A_48 : f32 to vector<16xf32>
    %scan3A_50 = arith.constant 0 : i32
    %scan3A_51 = arith.constant 0 : i32
    %scan3A_52 = arith.constant 65 : i32
    %scan3A_53 = arith.addi %scan3A_51, %scan3A_52 : i32
    %scan3A_54 = arith.constant 1 : i32
    %scan3A_55 = scf.for %scan3A_679 = %scan3A_51 to %scan3A_53 step %scan3A_54 iter_args(%scan3A_680 = %scan3A_50) -> (i32)  : i32 {
      %mul3A_681 = arith.constant 16 : i32
      %mul3A_682 = arith.muli %scan3A_679, %mul3A_681 : i32
      %swap3A = arith.constant 0 : i32
      %swap3A_683 = arith.index_cast %swap3A : i32 to index
      %swap3A_684 = arith.index_cast %mul3A_682 : i32 to index
      %swap3A_685 = tpu.vector_load %arg11[%swap3A_683, %swap3A_684] {strides = array<i32>} : memref<64x1040xf32, #tpu.memory_space<vmem>>, vector<16xf32>,
      tpu.vector_store %arg11[%swap3A_683, %swap3A_684], %broadcast_in_dim3A_49 {strides = array<i32>} : memref<64x1040xf32, #tpu.memory_space<vmem>>, vector<16xf32>,
      %scan3A_686 = arith.constant 0 : i32
      scf.yield %scan3A_686 : i32
    }
    %scan3A_56 = arith.constant 65 : i32
    %scan3A_57 = arith.constant 0 : i32
    %scan3A_58 = arith.constant 0 : i32
    %scan3A_59 = arith.constant 65 : i32
    %scan3A_60 = arith.addi %scan3A_58, %scan3A_59 : i32
    %scan3A_61 = arith.constant 1 : i32
    %scan3A_62 = scf.for %scan3A_679 = %scan3A_58 to %scan3A_60 step %scan3A_61 iter_args(%scan3A_680 = %scan3A_57) -> (i32)  : i32 {
      %mul3A_681 = arith.constant 16 : i32
      %mul3A_682 = arith.muli %scan3A_679, %mul3A_681 : i32
      %swap3A = arith.constant 1 : i32
      %swap3A_683 = arith.index_cast %swap3A : i32 to index
      %swap3A_684 = arith.index_cast %mul3A_682 : i32 to index
      %swap3A_685 = tpu.vector_load %arg11[%swap3A_683, %swap3A_684] {strides = array<i32>} : memref<64x1040xf32, #tpu.memory_space<vmem>>, vector<16xf32>,
      tpu.vector_store %arg11[%swap3A_683, %swap3A_684], %broadcast_in_dim3A_49 {strides = array<i32>} : memref<64x1040xf32, #tpu.memory_space<vmem>>, vector<16xf32>,
      %scan3A_686 = arith.constant 0 : i32
      scf.yield %scan3A_686 : i32
    }
    %scan3A_63 = arith.constant 65 : i32
    %scan3A_64 = arith.constant 0 : i32
    %scan3A_65 = arith.constant 0 : i32
    %scan3A_66 = arith.constant 65 : i32
    %scan3A_67 = arith.addi %scan3A_65, %scan3A_66 : i32
    %scan3A_68 = arith.constant 1 : i32
    %scan3A_69 = scf.for %scan3A_679 = %scan3A_65 to %scan3A_67 step %scan3A_68 iter_args(%scan3A_680 = %scan3A_64) -> (i32)  : i32 {
      %mul3A_681 = arith.constant 16 : i32
      %mul3A_682 = arith.muli %scan3A_679, %mul3A_681 : i32
      %swap3A = arith.constant 2 : i32
      %swap3A_683 = arith.index_cast %swap3A : i32 to index
      %swap3A_684 = arith.index_cast %mul3A_682 : i32 to index
      %swap3A_685 = tpu.vector_load %arg11[%swap3A_683, %swap3A_684] {strides = array<i32>} : memref<64x1040xf32, #tpu.memory_space<vmem>>, vector<16xf32>,
      tpu.vector_store %arg11[%swap3A_683, %swap3A_684], %broadcast_in_dim3A_49 {strides = array<i32>} : memref<64x1040xf32, #tpu.memory_space<vmem>>, vector<16xf32>,
      %scan3A_686 = arith.constant 0 : i32
      scf.yield %scan3A_686 : i32
    }
    %scan3A_70 = arith.constant 65 : i32
    %scan3A_71 = arith.constant 0 : i32
    %scan3A_72 = arith.constant 0 : i32
    %scan3A_73 = arith.constant 65 : i32
    %scan3A_74 = arith.addi %scan3A_72, %scan3A_73 : i32
    %scan3A_75 = arith.constant 1 : i32
    %scan3A_76 = scf.for %scan3A_679 = %scan3A_72 to %scan3A_74 step %scan3A_75 iter_args(%scan3A_680 = %scan3A_71) -> (i32)  : i32 {
      %mul3A_681 = arith.constant 16 : i32
      %mul3A_682 = arith.muli %scan3A_679, %mul3A_681 : i32
      %swap3A = arith.constant 3 : i32
      %swap3A_683 = arith.index_cast %swap3A : i32 to index
      %swap3A_684 = arith.index_cast %mul3A_682 : i32 to index
      %swap3A_685 = tpu.vector_load %arg11[%swap3A_683, %swap3A_684] {strides = array<i32>} : memref<64x1040xf32, #tpu.memory_space<vmem>>, vector<16xf32>,
      tpu.vector_store %arg11[%swap3A_683, %swap3A_684], %broadcast_in_dim3A_49 {strides = array<i32>} : memref<64x1040xf32, #tpu.memory_space<vmem>>, vector<16xf32>,
      %scan3A_686 = arith.constant 0 : i32
      scf.yield %scan3A_686 : i32
    }
    %scan3A_77 = arith.constant 65 : i32
    %scan3A_78 = arith.constant 0 : i32
    %scan3A_79 = arith.constant 0 : i32
    %scan3A_80 = arith.constant 65 : i32
    %scan3A_81 = arith.addi %scan3A_79, %scan3A_80 : i32
    %scan3A_82 = arith.constant 1 : i32
    %scan3A_83 = scf.for %scan3A_679 = %scan3A_79 to %scan3A_81 step %scan3A_82 iter_args(%scan3A_680 = %scan3A_78) -> (i32)  : i32 {
      %mul3A_681 = arith.constant 16 : i32
      %mul3A_682 = arith.muli %scan3A_679, %mul3A_681 : i32
      %swap3A = arith.constant 4 : i32
      %swap3A_683 = arith.index_cast %swap3A : i32 to index
      %swap3A_684 = arith.index_cast %mul3A_682 : i32 to index
      %swap3A_685 = tpu.vector_load %arg11[%swap3A_683, %swap3A_684] {strides = array<i32>} : memref<64x1040xf32, #tpu.memory_space<vmem>>, vector<16xf32>,
      tpu.vector_store %arg11[%swap3A_683, %swap3A_684], %broadcast_in_dim3A_49 {strides = array<i32>} : memref<64x1040xf32, #tpu.memory_space<vmem>>, vector<16xf32>,
      %scan3A_686 = arith.constant 0 : i32
      scf.yield %scan3A_686 : i32
    }
    %scan3A_84 = arith.constant 65 : i32
    %scan3A_85 = arith.constant 0 : i32
    %scan3A_86 = arith.constant 0 : i32
    %scan3A_87 = arith.constant 65 : i32
    %scan3A_88 = arith.addi %scan3A_86, %scan3A_87 : i32
    %scan3A_89 = arith.constant 1 : i32
    %scan3A_90 = scf.for %scan3A_679 = %scan3A_86 to %scan3A_88 step %scan3A_89 iter_args(%scan3A_680 = %scan3A_85) -> (i32)  : i32 {
      %mul3A_681 = arith.constant 16 : i32
      %mul3A_682 = arith.muli %scan3A_679, %mul3A_681 : i32
      %swap3A = arith.constant 5 : i32
      %swap3A_683 = arith.index_cast %swap3A : i32 to index
      %swap3A_684 = arith.index_cast %mul3A_682 : i32 to index
      %swap3A_685 = tpu.vector_load %arg11[%swap3A_683, %swap3A_684] {strides = array<i32>} : memref<64x1040xf32, #tpu.memory_space<vmem>>, vector<16xf32>,
      tpu.vector_store %arg11[%swap3A_683, %swap3A_684], %broadcast_in_dim3A_49 {strides = array<i32>} : memref<64x1040xf32, #tpu.memory_space<vmem>>, vector<16xf32>,
      %scan3A_686 = arith.constant 0 : i32
      scf.yield %scan3A_686 : i32
    }
    %scan3A_91 = arith.constant 65 : i32
    %scan3A_92 = arith.constant 0 : i32
    %scan3A_93 = arith.constant 0 : i32
    %scan3A_94 = arith.constant 65 : i32
    %scan3A_95 = arith.addi %scan3A_93, %scan3A_94 : i32
    %scan3A_96 = arith.constant 1 : i32
    %scan3A_97 = scf.for %scan3A_679 = %scan3A_93 to %scan3A_95 step %scan3A_96 iter_args(%scan3A_680 = %scan3A_92) -> (i32)  : i32 {
      %mul3A_681 = arith.constant 16 : i32
      %mul3A_682 = arith.muli %scan3A_679, %mul3A_681 : i32
      %swap3A = arith.constant 6 : i32
      %swap3A_683 = arith.index_cast %swap3A : i32 to index
      %swap3A_684 = arith.index_cast %mul3A_682 : i32 to index
      %swap3A_685 = tpu.vector_load %arg11[%swap3A_683, %swap3A_684] {strides = array<i32>} : memref<64x1040xf32, #tpu.memory_space<vmem>>, vector<16xf32>,
      tpu.vector_store %arg11[%swap3A_683, %swap3A_684], %broadcast_in_dim3A_49 {strides = array<i32>} : memref<64x1040xf32, #tpu.memory_space<vmem>>, vector<16xf32>,
      %scan3A_686 = arith.constant 0 : i32
      scf.yield %scan3A_686 : i32
    }
    %scan3A_98 = arith.constant 65 : i32
    %scan3A_99 = arith.constant 0 : i32
    %scan3A_100 = arith.constant 0 : i32
    %scan3A_101 = arith.constant 65 : i32
    %scan3A_102 = arith.addi %scan3A_100, %scan3A_101 : i32
    %scan3A_103 = arith.constant 1 : i32
    %scan3A_104 = scf.for %scan3A_679 = %scan3A_100 to %scan3A_102 step %scan3A_103 iter_args(%scan3A_680 = %scan3A_99) -> (i32)  : i32 {
      %mul3A_681 = arith.constant 16 : i32
      %mul3A_682 = arith.muli %scan3A_679, %mul3A_681 : i32
      %swap3A = arith.constant 7 : i32
      %swap3A_683 = arith.index_cast %swap3A : i32 to index
      %swap3A_684 = arith.index_cast %mul3A_682 : i32 to index
      %swap3A_685 = tpu.vector_load %arg11[%swap3A_683, %swap3A_684] {strides = array<i32>} : memref<64x1040xf32, #tpu.memory_space<vmem>>, vector<16xf32>,
      tpu.vector_store %arg11[%swap3A_683, %swap3A_684], %broadcast_in_dim3A_49 {strides = array<i32>} : memref<64x1040xf32, #tpu.memory_space<vmem>>, vector<16xf32>,
      %scan3A_686 = arith.constant 0 : i32
      scf.yield %scan3A_686 : i32
    }
    %scan3A_105 = arith.constant 65 : i32
    %scan3A_106 = arith.constant 0 : i32
    %scan3A_107 = arith.constant 0 : i32
    %scan3A_108 = arith.constant 65 : i32
    %scan3A_109 = arith.addi %scan3A_107, %scan3A_108 : i32
    %scan3A_110 = arith.constant 1 : i32
    %scan3A_111 = scf.for %scan3A_679 = %scan3A_107 to %scan3A_109 step %scan3A_110 iter_args(%scan3A_680 = %scan3A_106) -> (i32)  : i32 {
      %mul3A_681 = arith.constant 16 : i32
      %mul3A_682 = arith.muli %scan3A_679, %mul3A_681 : i32
      %swap3A = arith.constant 8 : i32
      %swap3A_683 = arith.index_cast %swap3A : i32 to index
      %swap3A_684 = arith.index_cast %mul3A_682 : i32 to index
      %swap3A_685 = tpu.vector_load %arg11[%swap3A_683, %swap3A_684] {strides = array<i32>} : memref<64x1040xf32, #tpu.memory_space<vmem>>, vector<16xf32>,
      tpu.vector_store %arg11[%swap3A_683, %swap3A_684], %broadcast_in_dim3A_49 {strides = array<i32>} : memref<64x1040xf32, #tpu.memory_space<vmem>>, vector<16xf32>,
      %scan3A_686 = arith.constant 0 : i32
      scf.yield %scan3A_686 : i32
    }
    %scan3A_112 = arith.constant 65 : i32
    %scan3A_113 = arith.constant 0 : i32
    %scan3A_114 = arith.constant 0 : i32
    %scan3A_115 = arith.constant 65 : i32
    %scan3A_116 = arith.addi %scan3A_114, %scan3A_115 : i32
    %scan3A_117 = arith.constant 1 : i32
    %scan3A_118 = scf.for %scan3A_679 = %scan3A_114 to %scan3A_116 step %scan3A_117 iter_args(%scan3A_680 = %scan3A_113) -> (i32)  : i32 {
      %mul3A_681 = arith.constant 16 : i32
      %mul3A_682 = arith.muli %scan3A_679, %mul3A_681 : i32
      %swap3A = arith.constant 9 : i32
      %swap3A_683 = arith.index_cast %swap3A : i32 to index
      %swap3A_684 = arith.index_cast %mul3A_682 : i32 to index
      %swap3A_685 = tpu.vector_load %arg11[%swap3A_683, %swap3A_684] {strides = array<i32>} : memref<64x1040xf32, #tpu.memory_space<vmem>>, vector<16xf32>,
      tpu.vector_store %arg11[%swap3A_683, %swap3A_684], %broadcast_in_dim3A_49 {strides = array<i32>} : memref<64x1040xf32, #tpu.memory_space<vmem>>, vector<16xf32>,
      %scan3A_686 = arith.constant 0 : i32
      scf.yield %scan3A_686 : i32
    }
    %scan3A_119 = arith.constant 65 : i32
    %scan3A_120 = arith.constant 0 : i32
    %scan3A_121 = arith.constant 0 : i32
    %scan3A_122 = arith.constant 65 : i32
    %scan3A_123 = arith.addi %scan3A_121, %scan3A_122 : i32
    %scan3A_124 = arith.constant 1 : i32
    %scan3A_125 = scf.for %scan3A_679 = %scan3A_121 to %scan3A_123 step %scan3A_124 iter_args(%scan3A_680 = %scan3A_120) -> (i32)  : i32 {
      %mul3A_681 = arith.constant 16 : i32
      %mul3A_682 = arith.muli %scan3A_679, %mul3A_681 : i32
      %swap3A = arith.constant 10 : i32
      %swap3A_683 = arith.index_cast %swap3A : i32 to index
      %swap3A_684 = arith.index_cast %mul3A_682 : i32 to index
      %swap3A_685 = tpu.vector_load %arg11[%swap3A_683, %swap3A_684] {strides = array<i32>} : memref<64x1040xf32, #tpu.memory_space<vmem>>, vector<16xf32>,
      tpu.vector_store %arg11[%swap3A_683, %swap3A_684], %broadcast_in_dim3A_49 {strides = array<i32>} : memref<64x1040xf32, #tpu.memory_space<vmem>>, vector<16xf32>,
      %scan3A_686 = arith.constant 0 : i32
      scf.yield %scan3A_686 : i32
    }
    %scan3A_126 = arith.constant 65 : i32
    %scan3A_127 = arith.constant 0 : i32
    %scan3A_128 = arith.constant 0 : i32
    %scan3A_129 = arith.constant 65 : i32
    %scan3A_130 = arith.addi %scan3A_128, %scan3A_129 : i32
    %scan3A_131 = arith.constant 1 : i32
    %scan3A_132 = scf.for %scan3A_679 = %scan3A_128 to %scan3A_130 step %scan3A_131 iter_args(%scan3A_680 = %scan3A_127) -> (i32)  : i32 {
      %mul3A_681 = arith.constant 16 : i32
      %mul3A_682 = arith.muli %scan3A_679, %mul3A_681 : i32
      %swap3A = arith.constant 11 : i32
      %swap3A_683 = arith.index_cast %swap3A : i32 to index
      %swap3A_684 = arith.index_cast %mul3A_682 : i32 to index
      %swap3A_685 = tpu.vector_load %arg11[%swap3A_683, %swap3A_684] {strides = array<i32>} : memref<64x1040xf32, #tpu.memory_space<vmem>>, vector<16xf32>,
      tpu.vector_store %arg11[%swap3A_683, %swap3A_684], %broadcast_in_dim3A_49 {strides = array<i32>} : memref<64x1040xf32, #tpu.memory_space<vmem>>, vector<16xf32>,
      %scan3A_686 = arith.constant 0 : i32
      scf.yield %scan3A_686 : i32
    }
    %scan3A_133 = arith.constant 65 : i32
    %scan3A_134 = arith.constant 0 : i32
    %scan3A_135 = arith.constant 0 : i32
    %scan3A_136 = arith.constant 65 : i32
    %scan3A_137 = arith.addi %scan3A_135, %scan3A_136 : i32
    %scan3A_138 = arith.constant 1 : i32
    %scan3A_139 = scf.for %scan3A_679 = %scan3A_135 to %scan3A_137 step %scan3A_138 iter_args(%scan3A_680 = %scan3A_134) -> (i32)  : i32 {
      %mul3A_681 = arith.constant 16 : i32
      %mul3A_682 = arith.muli %scan3A_679, %mul3A_681 : i32
      %swap3A = arith.constant 12 : i32
      %swap3A_683 = arith.index_cast %swap3A : i32 to index
      %swap3A_684 = arith.index_cast %mul3A_682 : i32 to index
      %swap3A_685 = tpu.vector_load %arg11[%swap3A_683, %swap3A_684] {strides = array<i32>} : memref<64x1040xf32, #tpu.memory_space<vmem>>, vector<16xf32>,
      tpu.vector_store %arg11[%swap3A_683, %swap3A_684], %broadcast_in_dim3A_49 {strides = array<i32>} : memref<64x1040xf32, #tpu.memory_space<vmem>>, vector<16xf32>,
      %scan3A_686 = arith.constant 0 : i32
      scf.yield %scan3A_686 : i32
    }
    %scan3A_140 = arith.constant 65 : i32
    %scan3A_141 = arith.constant 0 : i32
    %scan3A_142 = arith.constant 0 : i32
    %scan3A_143 = arith.constant 65 : i32
    %scan3A_144 = arith.addi %scan3A_142, %scan3A_143 : i32
    %scan3A_145 = arith.constant 1 : i32
    %scan3A_146 = scf.for %scan3A_679 = %scan3A_142 to %scan3A_144 step %scan3A_145 iter_args(%scan3A_680 = %scan3A_141) -> (i32)  : i32 {
      %mul3A_681 = arith.constant 16 : i32
      %mul3A_682 = arith.muli %scan3A_679, %mul3A_681 : i32
      %swap3A = arith.constant 13 : i32
      %swap3A_683 = arith.index_cast %swap3A : i32 to index
      %swap3A_684 = arith.index_cast %mul3A_682 : i32 to index
      %swap3A_685 = tpu.vector_load %arg11[%swap3A_683, %swap3A_684] {strides = array<i32>} : memref<64x1040xf32, #tpu.memory_space<vmem>>, vector<16xf32>,
      tpu.vector_store %arg11[%swap3A_683, %swap3A_684], %broadcast_in_dim3A_49 {strides = array<i32>} : memref<64x1040xf32, #tpu.memory_space<vmem>>, vector<16xf32>,
      %scan3A_686 = arith.constant 0 : i32
      scf.yield %scan3A_686 : i32
    }
    %scan3A_147 = arith.constant 65 : i32
    %scan3A_148 = arith.constant 0 : i32
    %scan3A_149 = arith.constant 0 : i32
    %scan3A_150 = arith.constant 65 : i32
    %scan3A_151 = arith.addi %scan3A_149, %scan3A_150 : i32
    %scan3A_152 = arith.constant 1 : i32
    %scan3A_153 = scf.for %scan3A_679 = %scan3A_149 to %scan3A_151 step %scan3A_152 iter_args(%scan3A_680 = %scan3A_148) -> (i32)  : i32 {
      %mul3A_681 = arith.constant 16 : i32
      %mul3A_682 = arith.muli %scan3A_679, %mul3A_681 : i32
      %swap3A = arith.constant 14 : i32
      %swap3A_683 = arith.index_cast %swap3A : i32 to index
      %swap3A_684 = arith.index_cast %mul3A_682 : i32 to index
      %swap3A_685 = tpu.vector_load %arg11[%swap3A_683, %swap3A_684] {strides = array<i32>} : memref<64x1040xf32, #tpu.memory_space<vmem>>, vector<16xf32>,
      tpu.vector_store %arg11[%swap3A_683, %swap3A_684], %broadcast_in_dim3A_49 {strides = array<i32>} : memref<64x1040xf32, #tpu.memory_space<vmem>>, vector<16xf32>,
      %scan3A_686 = arith.constant 0 : i32
      scf.yield %scan3A_686 : i32
    }
    %scan3A_154 = arith.constant 65 : i32
    %scan3A_155 = arith.constant 0 : i32
    %scan3A_156 = arith.constant 0 : i32
    %scan3A_157 = arith.constant 65 : i32
    %scan3A_158 = arith.addi %scan3A_156, %scan3A_157 : i32
    %scan3A_159 = arith.constant 1 : i32
    %scan3A_160 = scf.for %scan3A_679 = %scan3A_156 to %scan3A_158 step %scan3A_159 iter_args(%scan3A_680 = %scan3A_155) -> (i32)  : i32 {
      %mul3A_681 = arith.constant 16 : i32
      %mul3A_682 = arith.muli %scan3A_679, %mul3A_681 : i32
      %swap3A = arith.constant 15 : i32
      %swap3A_683 = arith.index_cast %swap3A : i32 to index
      %swap3A_684 = arith.index_cast %mul3A_682 : i32 to index
      %swap3A_685 = tpu.vector_load %arg11[%swap3A_683, %swap3A_684] {strides = array<i32>} : memref<64x1040xf32, #tpu.memory_space<vmem>>, vector<16xf32>,
      tpu.vector_store %arg11[%swap3A_683, %swap3A_684], %broadcast_in_dim3A_49 {strides = array<i32>} : memref<64x1040xf32, #tpu.memory_space<vmem>>, vector<16xf32>,
      %scan3A_686 = arith.constant 0 : i32
      scf.yield %scan3A_686 : i32
    }
    %scan3A_161 = arith.constant 65 : i32
    %scan3A_162 = arith.constant 0 : i32
    %scan3A_163 = arith.constant 0 : i32
    %scan3A_164 = arith.constant 65 : i32
    %scan3A_165 = arith.addi %scan3A_163, %scan3A_164 : i32
    %scan3A_166 = arith.constant 1 : i32
    %scan3A_167 = scf.for %scan3A_679 = %scan3A_163 to %scan3A_165 step %scan3A_166 iter_args(%scan3A_680 = %scan3A_162) -> (i32)  : i32 {
      %mul3A_681 = arith.constant 16 : i32
      %mul3A_682 = arith.muli %scan3A_679, %mul3A_681 : i32
      %swap3A = arith.constant 16 : i32
      %swap3A_683 = arith.index_cast %swap3A : i32 to index
      %swap3A_684 = arith.index_cast %mul3A_682 : i32 to index
      %swap3A_685 = tpu.vector_load %arg11[%swap3A_683, %swap3A_684] {strides = array<i32>} : memref<64x1040xf32, #tpu.memory_space<vmem>>, vector<16xf32>,
      tpu.vector_store %arg11[%swap3A_683, %swap3A_684], %broadcast_in_dim3A_49 {strides = array<i32>} : memref<64x1040xf32, #tpu.memory_space<vmem>>, vector<16xf32>,
      %scan3A_686 = arith.constant 0 : i32
      scf.yield %scan3A_686 : i32
    }
    %scan3A_168 = arith.constant 65 : i32
    %scan3A_169 = arith.constant 0 : i32
    %scan3A_170 = arith.constant 0 : i32
    %scan3A_171 = arith.constant 65 : i32
    %scan3A_172 = arith.addi %scan3A_170, %scan3A_171 : i32
    %scan3A_173 = arith.constant 1 : i32
    %scan3A_174 = scf.for %scan3A_679 = %scan3A_170 to %scan3A_172 step %scan3A_173 iter_args(%scan3A_680 = %scan3A_169) -> (i32)  : i32 {
      %mul3A_681 = arith.constant 16 : i32
      %mul3A_682 = arith.muli %scan3A_679, %mul3A_681 : i32
      %swap3A = arith.constant 17 : i32
      %swap3A_683 = arith.index_cast %swap3A : i32 to index
      %swap3A_684 = arith.index_cast %mul3A_682 : i32 to index
      %swap3A_685 = tpu.vector_load %arg11[%swap3A_683, %swap3A_684] {strides = array<i32>} : memref<64x1040xf32, #tpu.memory_space<vmem>>, vector<16xf32>,
      tpu.vector_store %arg11[%swap3A_683, %swap3A_684], %broadcast_in_dim3A_49 {strides = array<i32>} : memref<64x1040xf32, #tpu.memory_space<vmem>>, vector<16xf32>,
      %scan3A_686 = arith.constant 0 : i32
      scf.yield %scan3A_686 : i32
    }
    %scan3A_175 = arith.constant 65 : i32
    %scan3A_176 = arith.constant 0 : i32
    %scan3A_177 = arith.constant 0 : i32
    %scan3A_178 = arith.constant 65 : i32
    %scan3A_179 = arith.addi %scan3A_177, %scan3A_178 : i32
    %scan3A_180 = arith.constant 1 : i32
    %scan3A_181 = scf.for %scan3A_679 = %scan3A_177 to %scan3A_179 step %scan3A_180 iter_args(%scan3A_680 = %scan3A_176) -> (i32)  : i32 {
      %mul3A_681 = arith.constant 16 : i32
      %mul3A_682 = arith.muli %scan3A_679, %mul3A_681 : i32
      %swap3A = arith.constant 18 : i32
      %swap3A_683 = arith.index_cast %swap3A : i32 to index
      %swap3A_684 = arith.index_cast %mul3A_682 : i32 to index
      %swap3A_685 = tpu.vector_load %arg11[%swap3A_683, %swap3A_684] {strides = array<i32>} : memref<64x1040xf32, #tpu.memory_space<vmem>>, vector<16xf32>,
      tpu.vector_store %arg11[%swap3A_683, %swap3A_684], %broadcast_in_dim3A_49 {strides = array<i32>} : memref<64x1040xf32, #tpu.memory_space<vmem>>, vector<16xf32>,
      %scan3A_686 = arith.constant 0 : i32
      scf.yield %scan3A_686 : i32
    }
    %scan3A_182 = arith.constant 65 : i32
    %scan3A_183 = arith.constant 0 : i32
    %scan3A_184 = arith.constant 0 : i32
    %scan3A_185 = arith.constant 65 : i32
    %scan3A_186 = arith.addi %scan3A_184, %scan3A_185 : i32
    %scan3A_187 = arith.constant 1 : i32
    %scan3A_188 = scf.for %scan3A_679 = %scan3A_184 to %scan3A_186 step %scan3A_187 iter_args(%scan3A_680 = %scan3A_183) -> (i32)  : i32 {
      %mul3A_681 = arith.constant 16 : i32
      %mul3A_682 = arith.muli %scan3A_679, %mul3A_681 : i32
      %swap3A = arith.constant 19 : i32
      %swap3A_683 = arith.index_cast %swap3A : i32 to index
      %swap3A_684 = arith.index_cast %mul3A_682 : i32 to index
      %swap3A_685 = tpu.vector_load %arg11[%swap3A_683, %swap3A_684] {strides = array<i32>} : memref<64x1040xf32, #tpu.memory_space<vmem>>, vector<16xf32>,
      tpu.vector_store %arg11[%swap3A_683, %swap3A_684], %broadcast_in_dim3A_49 {strides = array<i32>} : memref<64x1040xf32, #tpu.memory_space<vmem>>, vector<16xf32>,
      %scan3A_686 = arith.constant 0 : i32
      scf.yield %scan3A_686 : i32
    }
    %scan3A_189 = arith.constant 65 : i32
    %scan3A_190 = arith.constant 0 : i32
    %scan3A_191 = arith.constant 0 : i32
    %scan3A_192 = arith.constant 65 : i32
    %scan3A_193 = arith.addi %scan3A_191, %scan3A_192 : i32
    %scan3A_194 = arith.constant 1 : i32
    %scan3A_195 = scf.for %scan3A_679 = %scan3A_191 to %scan3A_193 step %scan3A_194 iter_args(%scan3A_680 = %scan3A_190) -> (i32)  : i32 {
      %mul3A_681 = arith.constant 16 : i32
      %mul3A_682 = arith.muli %scan3A_679, %mul3A_681 : i32
      %swap3A = arith.constant 20 : i32
      %swap3A_683 = arith.index_cast %swap3A : i32 to index
      %swap3A_684 = arith.index_cast %mul3A_682 : i32 to index
      %swap3A_685 = tpu.vector_load %arg11[%swap3A_683, %swap3A_684] {strides = array<i32>} : memref<64x1040xf32, #tpu.memory_space<vmem>>, vector<16xf32>,
      tpu.vector_store %arg11[%swap3A_683, %swap3A_684], %broadcast_in_dim3A_49 {strides = array<i32>} : memref<64x1040xf32, #tpu.memory_space<vmem>>, vector<16xf32>,
      %scan3A_686 = arith.constant 0 : i32
      scf.yield %scan3A_686 : i32
    }
    %scan3A_196 = arith.constant 65 : i32
    %scan3A_197 = arith.constant 0 : i32
    %scan3A_198 = arith.constant 0 : i32
    %scan3A_199 = arith.constant 65 : i32
    %scan3A_200 = arith.addi %scan3A_198, %scan3A_199 : i32
    %scan3A_201 = arith.constant 1 : i32
    %scan3A_202 = scf.for %scan3A_679 = %scan3A_198 to %scan3A_200 step %scan3A_201 iter_args(%scan3A_680 = %scan3A_197) -> (i32)  : i32 {
      %mul3A_681 = arith.constant 16 : i32
      %mul3A_682 = arith.muli %scan3A_679, %mul3A_681 : i32
      %swap3A = arith.constant 21 : i32
      %swap3A_683 = arith.index_cast %swap3A : i32 to index
      %swap3A_684 = arith.index_cast %mul3A_682 : i32 to index
      %swap3A_685 = tpu.vector_load %arg11[%swap3A_683, %swap3A_684] {strides = array<i32>} : memref<64x1040xf32, #tpu.memory_space<vmem>>, vector<16xf32>,
      tpu.vector_store %arg11[%swap3A_683, %swap3A_684], %broadcast_in_dim3A_49 {strides = array<i32>} : memref<64x1040xf32, #tpu.memory_space<vmem>>, vector<16xf32>,
      %scan3A_686 = arith.constant 0 : i32
      scf.yield %scan3A_686 : i32
    }
    %scan3A_203 = arith.constant 65 : i32
    %scan3A_204 = arith.constant 0 : i32
    %scan3A_205 = arith.constant 0 : i32
    %scan3A_206 = arith.constant 65 : i32
    %scan3A_207 = arith.addi %scan3A_205, %scan3A_206 : i32
    %scan3A_208 = arith.constant 1 : i32
    %scan3A_209 = scf.for %scan3A_679 = %scan3A_205 to %scan3A_207 step %scan3A_208 iter_args(%scan3A_680 = %scan3A_204) -> (i32)  : i32 {
      %mul3A_681 = arith.constant 16 : i32
      %mul3A_682 = arith.muli %scan3A_679, %mul3A_681 : i32
      %swap3A = arith.constant 22 : i32
      %swap3A_683 = arith.index_cast %swap3A : i32 to index
      %swap3A_684 = arith.index_cast %mul3A_682 : i32 to index
      %swap3A_685 = tpu.vector_load %arg11[%swap3A_683, %swap3A_684] {strides = array<i32>} : memref<64x1040xf32, #tpu.memory_space<vmem>>, vector<16xf32>,
      tpu.vector_store %arg11[%swap3A_683, %swap3A_684], %broadcast_in_dim3A_49 {strides = array<i32>} : memref<64x1040xf32, #tpu.memory_space<vmem>>, vector<16xf32>,
      %scan3A_686 = arith.constant 0 : i32
      scf.yield %scan3A_686 : i32
    }
    %scan3A_210 = arith.constant 65 : i32
    %scan3A_211 = arith.constant 0 : i32
    %scan3A_212 = arith.constant 0 : i32
    %scan3A_213 = arith.constant 65 : i32
    %scan3A_214 = arith.addi %scan3A_212, %scan3A_213 : i32
    %scan3A_215 = arith.constant 1 : i32
    %scan3A_216 = scf.for %scan3A_679 = %scan3A_212 to %scan3A_214 step %scan3A_215 iter_args(%scan3A_680 = %scan3A_211) -> (i32)  : i32 {
      %mul3A_681 = arith.constant 16 : i32
      %mul3A_682 = arith.muli %scan3A_679, %mul3A_681 : i32
      %swap3A = arith.constant 23 : i32
      %swap3A_683 = arith.index_cast %swap3A : i32 to index
      %swap3A_684 = arith.index_cast %mul3A_682 : i32 to index
      %swap3A_685 = tpu.vector_load %arg11[%swap3A_683, %swap3A_684] {strides = array<i32>} : memref<64x1040xf32, #tpu.memory_space<vmem>>, vector<16xf32>,
      tpu.vector_store %arg11[%swap3A_683, %swap3A_684], %broadcast_in_dim3A_49 {strides = array<i32>} : memref<64x1040xf32, #tpu.memory_space<vmem>>, vector<16xf32>,
      %scan3A_686 = arith.constant 0 : i32
      scf.yield %scan3A_686 : i32
    }
    %scan3A_217 = arith.constant 65 : i32
    %scan3A_218 = arith.constant 0 : i32
    %scan3A_219 = arith.constant 0 : i32
    %scan3A_220 = arith.constant 65 : i32
    %scan3A_221 = arith.addi %scan3A_219, %scan3A_220 : i32
    %scan3A_222 = arith.constant 1 : i32
    %scan3A_223 = scf.for %scan3A_679 = %scan3A_219 to %scan3A_221 step %scan3A_222 iter_args(%scan3A_680 = %scan3A_218) -> (i32)  : i32 {
      %mul3A_681 = arith.constant 16 : i32
      %mul3A_682 = arith.muli %scan3A_679, %mul3A_681 : i32
      %swap3A = arith.constant 24 : i32
      %swap3A_683 = arith.index_cast %swap3A : i32 to index
      %swap3A_684 = arith.index_cast %mul3A_682 : i32 to index
      %swap3A_685 = tpu.vector_load %arg11[%swap3A_683, %swap3A_684] {strides = array<i32>} : memref<64x1040xf32, #tpu.memory_space<vmem>>, vector<16xf32>,
      tpu.vector_store %arg11[%swap3A_683, %swap3A_684], %broadcast_in_dim3A_49 {strides = array<i32>} : memref<64x1040xf32, #tpu.memory_space<vmem>>, vector<16xf32>,
      %scan3A_686 = arith.constant 0 : i32
      scf.yield %scan3A_686 : i32
    }
    %scan3A_224 = arith.constant 65 : i32
    %scan3A_225 = arith.constant 0 : i32
    %scan3A_226 = arith.constant 0 : i32
    %scan3A_227 = arith.constant 65 : i32
    %scan3A_228 = arith.addi %scan3A_226, %scan3A_227 : i32
    %scan3A_229 = arith.constant 1 : i32
    %scan3A_230 = scf.for %scan3A_679 = %scan3A_226 to %scan3A_228 step %scan3A_229 iter_args(%scan3A_680 = %scan3A_225) -> (i32)  : i32 {
      %mul3A_681 = arith.constant 16 : i32
      %mul3A_682 = arith.muli %scan3A_679, %mul3A_681 : i32
      %swap3A = arith.constant 25 : i32
      %swap3A_683 = arith.index_cast %swap3A : i32 to index
      %swap3A_684 = arith.index_cast %mul3A_682 : i32 to index
      %swap3A_685 = tpu.vector_load %arg11[%swap3A_683, %swap3A_684] {strides = array<i32>} : memref<64x1040xf32, #tpu.memory_space<vmem>>, vector<16xf32>,
      tpu.vector_store %arg11[%swap3A_683, %swap3A_684], %broadcast_in_dim3A_49 {strides = array<i32>} : memref<64x1040xf32, #tpu.memory_space<vmem>>, vector<16xf32>,
      %scan3A_686 = arith.constant 0 : i32
      scf.yield %scan3A_686 : i32
    }
    %scan3A_231 = arith.constant 65 : i32
    %scan3A_232 = arith.constant 0 : i32
    %scan3A_233 = arith.constant 0 : i32
    %scan3A_234 = arith.constant 65 : i32
    %scan3A_235 = arith.addi %scan3A_233, %scan3A_234 : i32
    %scan3A_236 = arith.constant 1 : i32
    %scan3A_237 = scf.for %scan3A_679 = %scan3A_233 to %scan3A_235 step %scan3A_236 iter_args(%scan3A_680 = %scan3A_232) -> (i32)  : i32 {
      %mul3A_681 = arith.constant 16 : i32
      %mul3A_682 = arith.muli %scan3A_679, %mul3A_681 : i32
      %swap3A = arith.constant 26 : i32
      %swap3A_683 = arith.index_cast %swap3A : i32 to index
      %swap3A_684 = arith.index_cast %mul3A_682 : i32 to index
      %swap3A_685 = tpu.vector_load %arg11[%swap3A_683, %swap3A_684] {strides = array<i32>} : memref<64x1040xf32, #tpu.memory_space<vmem>>, vector<16xf32>,
      tpu.vector_store %arg11[%swap3A_683, %swap3A_684], %broadcast_in_dim3A_49 {strides = array<i32>} : memref<64x1040xf32, #tpu.memory_space<vmem>>, vector<16xf32>,
      %scan3A_686 = arith.constant 0 : i32
      scf.yield %scan3A_686 : i32
    }
    %scan3A_238 = arith.constant 65 : i32
    %scan3A_239 = arith.constant 0 : i32
    %scan3A_240 = arith.constant 0 : i32
    %scan3A_241 = arith.constant 65 : i32
    %scan3A_242 = arith.addi %scan3A_240, %scan3A_241 : i32
    %scan3A_243 = arith.constant 1 : i32
    %scan3A_244 = scf.for %scan3A_679 = %scan3A_240 to %scan3A_242 step %scan3A_243 iter_args(%scan3A_680 = %scan3A_239) -> (i32)  : i32 {
      %mul3A_681 = arith.constant 16 : i32
      %mul3A_682 = arith.muli %scan3A_679, %mul3A_681 : i32
      %swap3A = arith.constant 27 : i32
      %swap3A_683 = arith.index_cast %swap3A : i32 to index
      %swap3A_684 = arith.index_cast %mul3A_682 : i32 to index
      %swap3A_685 = tpu.vector_load %arg11[%swap3A_683, %swap3A_684] {strides = array<i32>} : memref<64x1040xf32, #tpu.memory_space<vmem>>, vector<16xf32>,
      tpu.vector_store %arg11[%swap3A_683, %swap3A_684], %broadcast_in_dim3A_49 {strides = array<i32>} : memref<64x1040xf32, #tpu.memory_space<vmem>>, vector<16xf32>,
      %scan3A_686 = arith.constant 0 : i32
      scf.yield %scan3A_686 : i32
    }
    %scan3A_245 = arith.constant 65 : i32
    %scan3A_246 = arith.constant 0 : i32
    %scan3A_247 = arith.constant 0 : i32
    %scan3A_248 = arith.constant 65 : i32
    %scan3A_249 = arith.addi %scan3A_247, %scan3A_248 : i32
    %scan3A_250 = arith.constant 1 : i32
    %scan3A_251 = scf.for %scan3A_679 = %scan3A_247 to %scan3A_249 step %scan3A_250 iter_args(%scan3A_680 = %scan3A_246) -> (i32)  : i32 {
      %mul3A_681 = arith.constant 16 : i32
      %mul3A_682 = arith.muli %scan3A_679, %mul3A_681 : i32
      %swap3A = arith.constant 28 : i32
      %swap3A_683 = arith.index_cast %swap3A : i32 to index
      %swap3A_684 = arith.index_cast %mul3A_682 : i32 to index
      %swap3A_685 = tpu.vector_load %arg11[%swap3A_683, %swap3A_684] {strides = array<i32>} : memref<64x1040xf32, #tpu.memory_space<vmem>>, vector<16xf32>,
      tpu.vector_store %arg11[%swap3A_683, %swap3A_684], %broadcast_in_dim3A_49 {strides = array<i32>} : memref<64x1040xf32, #tpu.memory_space<vmem>>, vector<16xf32>,
      %scan3A_686 = arith.constant 0 : i32
      scf.yield %scan3A_686 : i32
    }
    %scan3A_252 = arith.constant 65 : i32
    %scan3A_253 = arith.constant 0 : i32
    %scan3A_254 = arith.constant 0 : i32
    %scan3A_255 = arith.constant 65 : i32
    %scan3A_256 = arith.addi %scan3A_254, %scan3A_255 : i32
    %scan3A_257 = arith.constant 1 : i32
    %scan3A_258 = scf.for %scan3A_679 = %scan3A_254 to %scan3A_256 step %scan3A_257 iter_args(%scan3A_680 = %scan3A_253) -> (i32)  : i32 {
      %mul3A_681 = arith.constant 16 : i32
      %mul3A_682 = arith.muli %scan3A_679, %mul3A_681 : i32
      %swap3A = arith.constant 29 : i32
      %swap3A_683 = arith.index_cast %swap3A : i32 to index
      %swap3A_684 = arith.index_cast %mul3A_682 : i32 to index
      %swap3A_685 = tpu.vector_load %arg11[%swap3A_683, %swap3A_684] {strides = array<i32>} : memref<64x1040xf32, #tpu.memory_space<vmem>>, vector<16xf32>,
      tpu.vector_store %arg11[%swap3A_683, %swap3A_684], %broadcast_in_dim3A_49 {strides = array<i32>} : memref<64x1040xf32, #tpu.memory_space<vmem>>, vector<16xf32>,
      %scan3A_686 = arith.constant 0 : i32
      scf.yield %scan3A_686 : i32
    }
    %scan3A_259 = arith.constant 65 : i32
    %scan3A_260 = arith.constant 0 : i32
    %scan3A_261 = arith.constant 0 : i32
    %scan3A_262 = arith.constant 65 : i32
    %scan3A_263 = arith.addi %scan3A_261, %scan3A_262 : i32
    %scan3A_264 = arith.constant 1 : i32
    %scan3A_265 = scf.for %scan3A_679 = %scan3A_261 to %scan3A_263 step %scan3A_264 iter_args(%scan3A_680 = %scan3A_260) -> (i32)  : i32 {
      %mul3A_681 = arith.constant 16 : i32
      %mul3A_682 = arith.muli %scan3A_679, %mul3A_681 : i32
      %swap3A = arith.constant 30 : i32
      %swap3A_683 = arith.index_cast %swap3A : i32 to index
      %swap3A_684 = arith.index_cast %mul3A_682 : i32 to index
      %swap3A_685 = tpu.vector_load %arg11[%swap3A_683, %swap3A_684] {strides = array<i32>} : memref<64x1040xf32, #tpu.memory_space<vmem>>, vector<16xf32>,
      tpu.vector_store %arg11[%swap3A_683, %swap3A_684], %broadcast_in_dim3A_49 {strides = array<i32>} : memref<64x1040xf32, #tpu.memory_space<vmem>>, vector<16xf32>,
      %scan3A_686 = arith.constant 0 : i32
      scf.yield %scan3A_686 : i32
    }
    %scan3A_266 = arith.constant 65 : i32
    %scan3A_267 = arith.constant 0 : i32
    %scan3A_268 = arith.constant 0 : i32
    %scan3A_269 = arith.constant 65 : i32
    %scan3A_270 = arith.addi %scan3A_268, %scan3A_269 : i32
    %scan3A_271 = arith.constant 1 : i32
    %scan3A_272 = scf.for %scan3A_679 = %scan3A_268 to %scan3A_270 step %scan3A_271 iter_args(%scan3A_680 = %scan3A_267) -> (i32)  : i32 {
      %mul3A_681 = arith.constant 16 : i32
      %mul3A_682 = arith.muli %scan3A_679, %mul3A_681 : i32
      %swap3A = arith.constant 31 : i32
      %swap3A_683 = arith.index_cast %swap3A : i32 to index
      %swap3A_684 = arith.index_cast %mul3A_682 : i32 to index
      %swap3A_685 = tpu.vector_load %arg11[%swap3A_683, %swap3A_684] {strides = array<i32>} : memref<64x1040xf32, #tpu.memory_space<vmem>>, vector<16xf32>,
      tpu.vector_store %arg11[%swap3A_683, %swap3A_684], %broadcast_in_dim3A_49 {strides = array<i32>} : memref<64x1040xf32, #tpu.memory_space<vmem>>, vector<16xf32>,
      %scan3A_686 = arith.constant 0 : i32
      scf.yield %scan3A_686 : i32
    }
    %scan3A_273 = arith.constant 65 : i32
    %scan3A_274 = arith.constant 0 : i32
    %scan3A_275 = arith.constant 0 : i32
    %scan3A_276 = arith.constant 65 : i32
    %scan3A_277 = arith.addi %scan3A_275, %scan3A_276 : i32
    %scan3A_278 = arith.constant 1 : i32
    %scan3A_279 = scf.for %scan3A_679 = %scan3A_275 to %scan3A_277 step %scan3A_278 iter_args(%scan3A_680 = %scan3A_274) -> (i32)  : i32 {
      %mul3A_681 = arith.constant 16 : i32
      %mul3A_682 = arith.muli %scan3A_679, %mul3A_681 : i32
      %swap3A = arith.constant 32 : i32
      %swap3A_683 = arith.index_cast %swap3A : i32 to index
      %swap3A_684 = arith.index_cast %mul3A_682 : i32 to index
      %swap3A_685 = tpu.vector_load %arg11[%swap3A_683, %swap3A_684] {strides = array<i32>} : memref<64x1040xf32, #tpu.memory_space<vmem>>, vector<16xf32>,
      tpu.vector_store %arg11[%swap3A_683, %swap3A_684], %broadcast_in_dim3A_49 {strides = array<i32>} : memref<64x1040xf32, #tpu.memory_space<vmem>>, vector<16xf32>,
      %scan3A_686 = arith.constant 0 : i32
      scf.yield %scan3A_686 : i32
    }
    %scan3A_280 = arith.constant 65 : i32
    %scan3A_281 = arith.constant 0 : i32
    %scan3A_282 = arith.constant 0 : i32
    %scan3A_283 = arith.constant 65 : i32
    %scan3A_284 = arith.addi %scan3A_282, %scan3A_283 : i32
    %scan3A_285 = arith.constant 1 : i32
    %scan3A_286 = scf.for %scan3A_679 = %scan3A_282 to %scan3A_284 step %scan3A_285 iter_args(%scan3A_680 = %scan3A_281) -> (i32)  : i32 {
      %mul3A_681 = arith.constant 16 : i32
      %mul3A_682 = arith.muli %scan3A_679, %mul3A_681 : i32
      %swap3A = arith.constant 33 : i32
      %swap3A_683 = arith.index_cast %swap3A : i32 to index
      %swap3A_684 = arith.index_cast %mul3A_682 : i32 to index
      %swap3A_685 = tpu.vector_load %arg11[%swap3A_683, %swap3A_684] {strides = array<i32>} : memref<64x1040xf32, #tpu.memory_space<vmem>>, vector<16xf32>,
      tpu.vector_store %arg11[%swap3A_683, %swap3A_684], %broadcast_in_dim3A_49 {strides = array<i32>} : memref<64x1040xf32, #tpu.memory_space<vmem>>, vector<16xf32>,
      %scan3A_686 = arith.constant 0 : i32
      scf.yield %scan3A_686 : i32
    }
    %scan3A_287 = arith.constant 65 : i32
    %scan3A_288 = arith.constant 0 : i32
    %scan3A_289 = arith.constant 0 : i32
    %scan3A_290 = arith.constant 65 : i32
    %scan3A_291 = arith.addi %scan3A_289, %scan3A_290 : i32
    %scan3A_292 = arith.constant 1 : i32
    %scan3A_293 = scf.for %scan3A_679 = %scan3A_289 to %scan3A_291 step %scan3A_292 iter_args(%scan3A_680 = %scan3A_288) -> (i32)  : i32 {
      %mul3A_681 = arith.constant 16 : i32
      %mul3A_682 = arith.muli %scan3A_679, %mul3A_681 : i32
      %swap3A = arith.constant 34 : i32
      %swap3A_683 = arith.index_cast %swap3A : i32 to index
      %swap3A_684 = arith.index_cast %mul3A_682 : i32 to index
      %swap3A_685 = tpu.vector_load %arg11[%swap3A_683, %swap3A_684] {strides = array<i32>} : memref<64x1040xf32, #tpu.memory_space<vmem>>, vector<16xf32>,
      tpu.vector_store %arg11[%swap3A_683, %swap3A_684], %broadcast_in_dim3A_49 {strides = array<i32>} : memref<64x1040xf32, #tpu.memory_space<vmem>>, vector<16xf32>,
      %scan3A_686 = arith.constant 0 : i32
      scf.yield %scan3A_686 : i32
    }
    %scan3A_294 = arith.constant 65 : i32
    %scan3A_295 = arith.constant 0 : i32
    %scan3A_296 = arith.constant 0 : i32
    %scan3A_297 = arith.constant 65 : i32
    %scan3A_298 = arith.addi %scan3A_296, %scan3A_297 : i32
    %scan3A_299 = arith.constant 1 : i32
    %scan3A_300 = scf.for %scan3A_679 = %scan3A_296 to %scan3A_298 step %scan3A_299 iter_args(%scan3A_680 = %scan3A_295) -> (i32)  : i32 {
      %mul3A_681 = arith.constant 16 : i32
      %mul3A_682 = arith.muli %scan3A_679, %mul3A_681 : i32
      %swap3A = arith.constant 35 : i32
      %swap3A_683 = arith.index_cast %swap3A : i32 to index
      %swap3A_684 = arith.index_cast %mul3A_682 : i32 to index
      %swap3A_685 = tpu.vector_load %arg11[%swap3A_683, %swap3A_684] {strides = array<i32>} : memref<64x1040xf32, #tpu.memory_space<vmem>>, vector<16xf32>,
      tpu.vector_store %arg11[%swap3A_683, %swap3A_684], %broadcast_in_dim3A_49 {strides = array<i32>} : memref<64x1040xf32, #tpu.memory_space<vmem>>, vector<16xf32>,
      %scan3A_686 = arith.constant 0 : i32
      scf.yield %scan3A_686 : i32
    }
    %scan3A_301 = arith.constant 65 : i32
    %scan3A_302 = arith.constant 0 : i32
    %scan3A_303 = arith.constant 0 : i32
    %scan3A_304 = arith.constant 65 : i32
    %scan3A_305 = arith.addi %scan3A_303, %scan3A_304 : i32
    %scan3A_306 = arith.constant 1 : i32
    %scan3A_307 = scf.for %scan3A_679 = %scan3A_303 to %scan3A_305 step %scan3A_306 iter_args(%scan3A_680 = %scan3A_302) -> (i32)  : i32 {
      %mul3A_681 = arith.constant 16 : i32
      %mul3A_682 = arith.muli %scan3A_679, %mul3A_681 : i32
      %swap3A = arith.constant 36 : i32
      %swap3A_683 = arith.index_cast %swap3A : i32 to index
      %swap3A_684 = arith.index_cast %mul3A_682 : i32 to index
      %swap3A_685 = tpu.vector_load %arg11[%swap3A_683, %swap3A_684] {strides = array<i32>} : memref<64x1040xf32, #tpu.memory_space<vmem>>, vector<16xf32>,
      tpu.vector_store %arg11[%swap3A_683, %swap3A_684], %broadcast_in_dim3A_49 {strides = array<i32>} : memref<64x1040xf32, #tpu.memory_space<vmem>>, vector<16xf32>,
      %scan3A_686 = arith.constant 0 : i32
      scf.yield %scan3A_686 : i32
    }
    %scan3A_308 = arith.constant 65 : i32
    %scan3A_309 = arith.constant 0 : i32
    %scan3A_310 = arith.constant 0 : i32
    %scan3A_311 = arith.constant 65 : i32
    %scan3A_312 = arith.addi %scan3A_310, %scan3A_311 : i32
    %scan3A_313 = arith.constant 1 : i32
    %scan3A_314 = scf.for %scan3A_679 = %scan3A_310 to %scan3A_312 step %scan3A_313 iter_args(%scan3A_680 = %scan3A_309) -> (i32)  : i32 {
      %mul3A_681 = arith.constant 16 : i32
      %mul3A_682 = arith.muli %scan3A_679, %mul3A_681 : i32
      %swap3A = arith.constant 37 : i32
      %swap3A_683 = arith.index_cast %swap3A : i32 to index
      %swap3A_684 = arith.index_cast %mul3A_682 : i32 to index
      %swap3A_685 = tpu.vector_load %arg11[%swap3A_683, %swap3A_684] {strides = array<i32>} : memref<64x1040xf32, #tpu.memory_space<vmem>>, vector<16xf32>,
      tpu.vector_store %arg11[%swap3A_683, %swap3A_684], %broadcast_in_dim3A_49 {strides = array<i32>} : memref<64x1040xf32, #tpu.memory_space<vmem>>, vector<16xf32>,
      %scan3A_686 = arith.constant 0 : i32
      scf.yield %scan3A_686 : i32
    }
    %scan3A_315 = arith.constant 65 : i32
    %scan3A_316 = arith.constant 0 : i32
    %scan3A_317 = arith.constant 0 : i32
    %scan3A_318 = arith.constant 65 : i32
    %scan3A_319 = arith.addi %scan3A_317, %scan3A_318 : i32
    %scan3A_320 = arith.constant 1 : i32
    %scan3A_321 = scf.for %scan3A_679 = %scan3A_317 to %scan3A_319 step %scan3A_320 iter_args(%scan3A_680 = %scan3A_316) -> (i32)  : i32 {
      %mul3A_681 = arith.constant 16 : i32
      %mul3A_682 = arith.muli %scan3A_679, %mul3A_681 : i32
      %swap3A = arith.constant 38 : i32
      %swap3A_683 = arith.index_cast %swap3A : i32 to index
      %swap3A_684 = arith.index_cast %mul3A_682 : i32 to index
      %swap3A_685 = tpu.vector_load %arg11[%swap3A_683, %swap3A_684] {strides = array<i32>} : memref<64x1040xf32, #tpu.memory_space<vmem>>, vector<16xf32>,
      tpu.vector_store %arg11[%swap3A_683, %swap3A_684], %broadcast_in_dim3A_49 {strides = array<i32>} : memref<64x1040xf32, #tpu.memory_space<vmem>>, vector<16xf32>,
      %scan3A_686 = arith.constant 0 : i32
      scf.yield %scan3A_686 : i32
    }
    %scan3A_322 = arith.constant 65 : i32
    %scan3A_323 = arith.constant 0 : i32
    %scan3A_324 = arith.constant 0 : i32
    %scan3A_325 = arith.constant 65 : i32
    %scan3A_326 = arith.addi %scan3A_324, %scan3A_325 : i32
    %scan3A_327 = arith.constant 1 : i32
    %scan3A_328 = scf.for %scan3A_679 = %scan3A_324 to %scan3A_326 step %scan3A_327 iter_args(%scan3A_680 = %scan3A_323) -> (i32)  : i32 {
      %mul3A_681 = arith.constant 16 : i32
      %mul3A_682 = arith.muli %scan3A_679, %mul3A_681 : i32
      %swap3A = arith.constant 39 : i32
      %swap3A_683 = arith.index_cast %swap3A : i32 to index
      %swap3A_684 = arith.index_cast %mul3A_682 : i32 to index
      %swap3A_685 = tpu.vector_load %arg11[%swap3A_683, %swap3A_684] {strides = array<i32>} : memref<64x1040xf32, #tpu.memory_space<vmem>>, vector<16xf32>,
      tpu.vector_store %arg11[%swap3A_683, %swap3A_684], %broadcast_in_dim3A_49 {strides = array<i32>} : memref<64x1040xf32, #tpu.memory_space<vmem>>, vector<16xf32>,
      %scan3A_686 = arith.constant 0 : i32
      scf.yield %scan3A_686 : i32
    }
    %scan3A_329 = arith.constant 65 : i32
    %scan3A_330 = arith.constant 0 : i32
    %scan3A_331 = arith.constant 0 : i32
    %scan3A_332 = arith.constant 65 : i32
    %scan3A_333 = arith.addi %scan3A_331, %scan3A_332 : i32
    %scan3A_334 = arith.constant 1 : i32
    %scan3A_335 = scf.for %scan3A_679 = %scan3A_331 to %scan3A_333 step %scan3A_334 iter_args(%scan3A_680 = %scan3A_330) -> (i32)  : i32 {
      %mul3A_681 = arith.constant 16 : i32
      %mul3A_682 = arith.muli %scan3A_679, %mul3A_681 : i32
      %swap3A = arith.constant 40 : i32
      %swap3A_683 = arith.index_cast %swap3A : i32 to index
      %swap3A_684 = arith.index_cast %mul3A_682 : i32 to index
      %swap3A_685 = tpu.vector_load %arg11[%swap3A_683, %swap3A_684] {strides = array<i32>} : memref<64x1040xf32, #tpu.memory_space<vmem>>, vector<16xf32>,
      tpu.vector_store %arg11[%swap3A_683, %swap3A_684], %broadcast_in_dim3A_49 {strides = array<i32>} : memref<64x1040xf32, #tpu.memory_space<vmem>>, vector<16xf32>,
      %scan3A_686 = arith.constant 0 : i32
      scf.yield %scan3A_686 : i32
    }
    %scan3A_336 = arith.constant 65 : i32
    %scan3A_337 = arith.constant 0 : i32
    %scan3A_338 = arith.constant 0 : i32
    %scan3A_339 = arith.constant 65 : i32
    %scan3A_340 = arith.addi %scan3A_338, %scan3A_339 : i32
    %scan3A_341 = arith.constant 1 : i32
    %scan3A_342 = scf.for %scan3A_679 = %scan3A_338 to %scan3A_340 step %scan3A_341 iter_args(%scan3A_680 = %scan3A_337) -> (i32)  : i32 {
      %mul3A_681 = arith.constant 16 : i32
      %mul3A_682 = arith.muli %scan3A_679, %mul3A_681 : i32
      %swap3A = arith.constant 41 : i32
      %swap3A_683 = arith.index_cast %swap3A : i32 to index
      %swap3A_684 = arith.index_cast %mul3A_682 : i32 to index
      %swap3A_685 = tpu.vector_load %arg11[%swap3A_683, %swap3A_684] {strides = array<i32>} : memref<64x1040xf32, #tpu.memory_space<vmem>>, vector<16xf32>,
      tpu.vector_store %arg11[%swap3A_683, %swap3A_684], %broadcast_in_dim3A_49 {strides = array<i32>} : memref<64x1040xf32, #tpu.memory_space<vmem>>, vector<16xf32>,
      %scan3A_686 = arith.constant 0 : i32
      scf.yield %scan3A_686 : i32
    }
    %scan3A_343 = arith.constant 65 : i32
    %scan3A_344 = arith.constant 0 : i32
    %scan3A_345 = arith.constant 0 : i32
    %scan3A_346 = arith.constant 65 : i32
    %scan3A_347 = arith.addi %scan3A_345, %scan3A_346 : i32
    %scan3A_348 = arith.constant 1 : i32
    %scan3A_349 = scf.for %scan3A_679 = %scan3A_345 to %scan3A_347 step %scan3A_348 iter_args(%scan3A_680 = %scan3A_344) -> (i32)  : i32 {
      %mul3A_681 = arith.constant 16 : i32
      %mul3A_682 = arith.muli %scan3A_679, %mul3A_681 : i32
      %swap3A = arith.constant 42 : i32
      %swap3A_683 = arith.index_cast %swap3A : i32 to index
      %swap3A_684 = arith.index_cast %mul3A_682 : i32 to index
      %swap3A_685 = tpu.vector_load %arg11[%swap3A_683, %swap3A_684] {strides = array<i32>} : memref<64x1040xf32, #tpu.memory_space<vmem>>, vector<16xf32>,
      tpu.vector_store %arg11[%swap3A_683, %swap3A_684], %broadcast_in_dim3A_49 {strides = array<i32>} : memref<64x1040xf32, #tpu.memory_space<vmem>>, vector<16xf32>,
      %scan3A_686 = arith.constant 0 : i32
      scf.yield %scan3A_686 : i32
    }
    %scan3A_350 = arith.constant 65 : i32
    %scan3A_351 = arith.constant 0 : i32
    %scan3A_352 = arith.constant 0 : i32
    %scan3A_353 = arith.constant 65 : i32
    %scan3A_354 = arith.addi %scan3A_352, %scan3A_353 : i32
    %scan3A_355 = arith.constant 1 : i32
    %scan3A_356 = scf.for %scan3A_679 = %scan3A_352 to %scan3A_354 step %scan3A_355 iter_args(%scan3A_680 = %scan3A_351) -> (i32)  : i32 {
      %mul3A_681 = arith.constant 16 : i32
      %mul3A_682 = arith.muli %scan3A_679, %mul3A_681 : i32
      %swap3A = arith.constant 43 : i32
      %swap3A_683 = arith.index_cast %swap3A : i32 to index
      %swap3A_684 = arith.index_cast %mul3A_682 : i32 to index
      %swap3A_685 = tpu.vector_load %arg11[%swap3A_683, %swap3A_684] {strides = array<i32>} : memref<64x1040xf32, #tpu.memory_space<vmem>>, vector<16xf32>,
      tpu.vector_store %arg11[%swap3A_683, %swap3A_684], %broadcast_in_dim3A_49 {strides = array<i32>} : memref<64x1040xf32, #tpu.memory_space<vmem>>, vector<16xf32>,
      %scan3A_686 = arith.constant 0 : i32
      scf.yield %scan3A_686 : i32
    }
    %scan3A_357 = arith.constant 65 : i32
    %scan3A_358 = arith.constant 0 : i32
    %scan3A_359 = arith.constant 0 : i32
    %scan3A_360 = arith.constant 65 : i32
    %scan3A_361 = arith.addi %scan3A_359, %scan3A_360 : i32
    %scan3A_362 = arith.constant 1 : i32
    %scan3A_363 = scf.for %scan3A_679 = %scan3A_359 to %scan3A_361 step %scan3A_362 iter_args(%scan3A_680 = %scan3A_358) -> (i32)  : i32 {
      %mul3A_681 = arith.constant 16 : i32
      %mul3A_682 = arith.muli %scan3A_679, %mul3A_681 : i32
      %swap3A = arith.constant 44 : i32
      %swap3A_683 = arith.index_cast %swap3A : i32 to index
      %swap3A_684 = arith.index_cast %mul3A_682 : i32 to index
      %swap3A_685 = tpu.vector_load %arg11[%swap3A_683, %swap3A_684] {strides = array<i32>} : memref<64x1040xf32, #tpu.memory_space<vmem>>, vector<16xf32>,
      tpu.vector_store %arg11[%swap3A_683, %swap3A_684], %broadcast_in_dim3A_49 {strides = array<i32>} : memref<64x1040xf32, #tpu.memory_space<vmem>>, vector<16xf32>,
      %scan3A_686 = arith.constant 0 : i32
      scf.yield %scan3A_686 : i32
    }
    %scan3A_364 = arith.constant 65 : i32
    %scan3A_365 = arith.constant 0 : i32
    %scan3A_366 = arith.constant 0 : i32
    %scan3A_367 = arith.constant 65 : i32
    %scan3A_368 = arith.addi %scan3A_366, %scan3A_367 : i32
    %scan3A_369 = arith.constant 1 : i32
    %scan3A_370 = scf.for %scan3A_679 = %scan3A_366 to %scan3A_368 step %scan3A_369 iter_args(%scan3A_680 = %scan3A_365) -> (i32)  : i32 {
      %mul3A_681 = arith.constant 16 : i32
      %mul3A_682 = arith.muli %scan3A_679, %mul3A_681 : i32
      %swap3A = arith.constant 45 : i32
      %swap3A_683 = arith.index_cast %swap3A : i32 to index
      %swap3A_684 = arith.index_cast %mul3A_682 : i32 to index
      %swap3A_685 = tpu.vector_load %arg11[%swap3A_683, %swap3A_684] {strides = array<i32>} : memref<64x1040xf32, #tpu.memory_space<vmem>>, vector<16xf32>,
      tpu.vector_store %arg11[%swap3A_683, %swap3A_684], %broadcast_in_dim3A_49 {strides = array<i32>} : memref<64x1040xf32, #tpu.memory_space<vmem>>, vector<16xf32>,
      %scan3A_686 = arith.constant 0 : i32
      scf.yield %scan3A_686 : i32
    }
    %scan3A_371 = arith.constant 65 : i32
    %scan3A_372 = arith.constant 0 : i32
    %scan3A_373 = arith.constant 0 : i32
    %scan3A_374 = arith.constant 65 : i32
    %scan3A_375 = arith.addi %scan3A_373, %scan3A_374 : i32
    %scan3A_376 = arith.constant 1 : i32
    %scan3A_377 = scf.for %scan3A_679 = %scan3A_373 to %scan3A_375 step %scan3A_376 iter_args(%scan3A_680 = %scan3A_372) -> (i32)  : i32 {
      %mul3A_681 = arith.constant 16 : i32
      %mul3A_682 = arith.muli %scan3A_679, %mul3A_681 : i32
      %swap3A = arith.constant 46 : i32
      %swap3A_683 = arith.index_cast %swap3A : i32 to index
      %swap3A_684 = arith.index_cast %mul3A_682 : i32 to index
      %swap3A_685 = tpu.vector_load %arg11[%swap3A_683, %swap3A_684] {strides = array<i32>} : memref<64x1040xf32, #tpu.memory_space<vmem>>, vector<16xf32>,
      tpu.vector_store %arg11[%swap3A_683, %swap3A_684], %broadcast_in_dim3A_49 {strides = array<i32>} : memref<64x1040xf32, #tpu.memory_space<vmem>>, vector<16xf32>,
      %scan3A_686 = arith.constant 0 : i32
      scf.yield %scan3A_686 : i32
    }
    %scan3A_378 = arith.constant 65 : i32
    %scan3A_379 = arith.constant 0 : i32
    %scan3A_380 = arith.constant 0 : i32
    %scan3A_381 = arith.constant 65 : i32
    %scan3A_382 = arith.addi %scan3A_380, %scan3A_381 : i32
    %scan3A_383 = arith.constant 1 : i32
    %scan3A_384 = scf.for %scan3A_679 = %scan3A_380 to %scan3A_382 step %scan3A_383 iter_args(%scan3A_680 = %scan3A_379) -> (i32)  : i32 {
      %mul3A_681 = arith.constant 16 : i32
      %mul3A_682 = arith.muli %scan3A_679, %mul3A_681 : i32
      %swap3A = arith.constant 47 : i32
      %swap3A_683 = arith.index_cast %swap3A : i32 to index
      %swap3A_684 = arith.index_cast %mul3A_682 : i32 to index
      %swap3A_685 = tpu.vector_load %arg11[%swap3A_683, %swap3A_684] {strides = array<i32>} : memref<64x1040xf32, #tpu.memory_space<vmem>>, vector<16xf32>,
      tpu.vector_store %arg11[%swap3A_683, %swap3A_684], %broadcast_in_dim3A_49 {strides = array<i32>} : memref<64x1040xf32, #tpu.memory_space<vmem>>, vector<16xf32>,
      %scan3A_686 = arith.constant 0 : i32
      scf.yield %scan3A_686 : i32
    }
    %scan3A_385 = arith.constant 65 : i32
    %scan3A_386 = arith.constant 0 : i32
    %scan3A_387 = arith.constant 0 : i32
    %scan3A_388 = arith.constant 65 : i32
    %scan3A_389 = arith.addi %scan3A_387, %scan3A_388 : i32
    %scan3A_390 = arith.constant 1 : i32
    %scan3A_391 = scf.for %scan3A_679 = %scan3A_387 to %scan3A_389 step %scan3A_390 iter_args(%scan3A_680 = %scan3A_386) -> (i32)  : i32 {
      %mul3A_681 = arith.constant 16 : i32
      %mul3A_682 = arith.muli %scan3A_679, %mul3A_681 : i32
      %swap3A = arith.constant 48 : i32
      %swap3A_683 = arith.index_cast %swap3A : i32 to index
      %swap3A_684 = arith.index_cast %mul3A_682 : i32 to index
      %swap3A_685 = tpu.vector_load %arg11[%swap3A_683, %swap3A_684] {strides = array<i32>} : memref<64x1040xf32, #tpu.memory_space<vmem>>, vector<16xf32>,
      tpu.vector_store %arg11[%swap3A_683, %swap3A_684], %broadcast_in_dim3A_49 {strides = array<i32>} : memref<64x1040xf32, #tpu.memory_space<vmem>>, vector<16xf32>,
      %scan3A_686 = arith.constant 0 : i32
      scf.yield %scan3A_686 : i32
    }
    %scan3A_392 = arith.constant 65 : i32
    %scan3A_393 = arith.constant 0 : i32
    %scan3A_394 = arith.constant 0 : i32
    %scan3A_395 = arith.constant 65 : i32
    %scan3A_396 = arith.addi %scan3A_394, %scan3A_395 : i32
    %scan3A_397 = arith.constant 1 : i32
    %scan3A_398 = scf.for %scan3A_679 = %scan3A_394 to %scan3A_396 step %scan3A_397 iter_args(%scan3A_680 = %scan3A_393) -> (i32)  : i32 {
      %mul3A_681 = arith.constant 16 : i32
      %mul3A_682 = arith.muli %scan3A_679, %mul3A_681 : i32
      %swap3A = arith.constant 49 : i32
      %swap3A_683 = arith.index_cast %swap3A : i32 to index
      %swap3A_684 = arith.index_cast %mul3A_682 : i32 to index
      %swap3A_685 = tpu.vector_load %arg11[%swap3A_683, %swap3A_684] {strides = array<i32>} : memref<64x1040xf32, #tpu.memory_space<vmem>>, vector<16xf32>,
      tpu.vector_store %arg11[%swap3A_683, %swap3A_684], %broadcast_in_dim3A_49 {strides = array<i32>} : memref<64x1040xf32, #tpu.memory_space<vmem>>, vector<16xf32>,
      %scan3A_686 = arith.constant 0 : i32
      scf.yield %scan3A_686 : i32
    }
    %scan3A_399 = arith.constant 65 : i32
    %scan3A_400 = arith.constant 0 : i32
    %scan3A_401 = arith.constant 0 : i32
    %scan3A_402 = arith.constant 65 : i32
    %scan3A_403 = arith.addi %scan3A_401, %scan3A_402 : i32
    %scan3A_404 = arith.constant 1 : i32
    %scan3A_405 = scf.for %scan3A_679 = %scan3A_401 to %scan3A_403 step %scan3A_404 iter_args(%scan3A_680 = %scan3A_400) -> (i32)  : i32 {
      %mul3A_681 = arith.constant 16 : i32
      %mul3A_682 = arith.muli %scan3A_679, %mul3A_681 : i32
      %swap3A = arith.constant 50 : i32
      %swap3A_683 = arith.index_cast %swap3A : i32 to index
      %swap3A_684 = arith.index_cast %mul3A_682 : i32 to index
      %swap3A_685 = tpu.vector_load %arg11[%swap3A_683, %swap3A_684] {strides = array<i32>} : memref<64x1040xf32, #tpu.memory_space<vmem>>, vector<16xf32>,
      tpu.vector_store %arg11[%swap3A_683, %swap3A_684], %broadcast_in_dim3A_49 {strides = array<i32>} : memref<64x1040xf32, #tpu.memory_space<vmem>>, vector<16xf32>,
      %scan3A_686 = arith.constant 0 : i32
      scf.yield %scan3A_686 : i32
    }
    %scan3A_406 = arith.constant 65 : i32
    %scan3A_407 = arith.constant 0 : i32
    %scan3A_408 = arith.constant 0 : i32
    %scan3A_409 = arith.constant 65 : i32
    %scan3A_410 = arith.addi %scan3A_408, %scan3A_409 : i32
    %scan3A_411 = arith.constant 1 : i32
    %scan3A_412 = scf.for %scan3A_679 = %scan3A_408 to %scan3A_410 step %scan3A_411 iter_args(%scan3A_680 = %scan3A_407) -> (i32)  : i32 {
      %mul3A_681 = arith.constant 16 : i32
      %mul3A_682 = arith.muli %scan3A_679, %mul3A_681 : i32
      %swap3A = arith.constant 51 : i32
      %swap3A_683 = arith.index_cast %swap3A : i32 to index
      %swap3A_684 = arith.index_cast %mul3A_682 : i32 to index
      %swap3A_685 = tpu.vector_load %arg11[%swap3A_683, %swap3A_684] {strides = array<i32>} : memref<64x1040xf32, #tpu.memory_space<vmem>>, vector<16xf32>,
      tpu.vector_store %arg11[%swap3A_683, %swap3A_684], %broadcast_in_dim3A_49 {strides = array<i32>} : memref<64x1040xf32, #tpu.memory_space<vmem>>, vector<16xf32>,
      %scan3A_686 = arith.constant 0 : i32
      scf.yield %scan3A_686 : i32
    }
    %scan3A_413 = arith.constant 65 : i32
    %scan3A_414 = arith.constant 0 : i32
    %scan3A_415 = arith.constant 0 : i32
    %scan3A_416 = arith.constant 65 : i32
    %scan3A_417 = arith.addi %scan3A_415, %scan3A_416 : i32
    %scan3A_418 = arith.constant 1 : i32
    %scan3A_419 = scf.for %scan3A_679 = %scan3A_415 to %scan3A_417 step %scan3A_418 iter_args(%scan3A_680 = %scan3A_414) -> (i32)  : i32 {
      %mul3A_681 = arith.constant 16 : i32
      %mul3A_682 = arith.muli %scan3A_679, %mul3A_681 : i32
      %swap3A = arith.constant 52 : i32
      %swap3A_683 = arith.index_cast %swap3A : i32 to index
      %swap3A_684 = arith.index_cast %mul3A_682 : i32 to index
      %swap3A_685 = tpu.vector_load %arg11[%swap3A_683, %swap3A_684] {strides = array<i32>} : memref<64x1040xf32, #tpu.memory_space<vmem>>, vector<16xf32>,
      tpu.vector_store %arg11[%swap3A_683, %swap3A_684], %broadcast_in_dim3A_49 {strides = array<i32>} : memref<64x1040xf32, #tpu.memory_space<vmem>>, vector<16xf32>,
      %scan3A_686 = arith.constant 0 : i32
      scf.yield %scan3A_686 : i32
    }
    %scan3A_420 = arith.constant 65 : i32
    %scan3A_421 = arith.constant 0 : i32
    %scan3A_422 = arith.constant 0 : i32
    %scan3A_423 = arith.constant 65 : i32
    %scan3A_424 = arith.addi %scan3A_422, %scan3A_423 : i32
    %scan3A_425 = arith.constant 1 : i32
    %scan3A_426 = scf.for %scan3A_679 = %scan3A_422 to %scan3A_424 step %scan3A_425 iter_args(%scan3A_680 = %scan3A_421) -> (i32)  : i32 {
      %mul3A_681 = arith.constant 16 : i32
      %mul3A_682 = arith.muli %scan3A_679, %mul3A_681 : i32
      %swap3A = arith.constant 53 : i32
      %swap3A_683 = arith.index_cast %swap3A : i32 to index
      %swap3A_684 = arith.index_cast %mul3A_682 : i32 to index
      %swap3A_685 = tpu.vector_load %arg11[%swap3A_683, %swap3A_684] {strides = array<i32>} : memref<64x1040xf32, #tpu.memory_space<vmem>>, vector<16xf32>,
      tpu.vector_store %arg11[%swap3A_683, %swap3A_684], %broadcast_in_dim3A_49 {strides = array<i32>} : memref<64x1040xf32, #tpu.memory_space<vmem>>, vector<16xf32>,
      %scan3A_686 = arith.constant 0 : i32
      scf.yield %scan3A_686 : i32
    }
    %scan3A_427 = arith.constant 65 : i32
    %scan3A_428 = arith.constant 0 : i32
    %scan3A_429 = arith.constant 0 : i32
    %scan3A_430 = arith.constant 65 : i32
    %scan3A_431 = arith.addi %scan3A_429, %scan3A_430 : i32
    %scan3A_432 = arith.constant 1 : i32
    %scan3A_433 = scf.for %scan3A_679 = %scan3A_429 to %scan3A_431 step %scan3A_432 iter_args(%scan3A_680 = %scan3A_428) -> (i32)  : i32 {
      %mul3A_681 = arith.constant 16 : i32
      %mul3A_682 = arith.muli %scan3A_679, %mul3A_681 : i32
      %swap3A = arith.constant 54 : i32
      %swap3A_683 = arith.index_cast %swap3A : i32 to index
      %swap3A_684 = arith.index_cast %mul3A_682 : i32 to index
      %swap3A_685 = tpu.vector_load %arg11[%swap3A_683, %swap3A_684] {strides = array<i32>} : memref<64x1040xf32, #tpu.memory_space<vmem>>, vector<16xf32>,
      tpu.vector_store %arg11[%swap3A_683, %swap3A_684], %broadcast_in_dim3A_49 {strides = array<i32>} : memref<64x1040xf32, #tpu.memory_space<vmem>>, vector<16xf32>,
      %scan3A_686 = arith.constant 0 : i32
      scf.yield %scan3A_686 : i32
    }
    %scan3A_434 = arith.constant 65 : i32
    %scan3A_435 = arith.constant 0 : i32
    %scan3A_436 = arith.constant 0 : i32
    %scan3A_437 = arith.constant 65 : i32
    %scan3A_438 = arith.addi %scan3A_436, %scan3A_437 : i32
    %scan3A_439 = arith.constant 1 : i32
    %scan3A_440 = scf.for %scan3A_679 = %scan3A_436 to %scan3A_438 step %scan3A_439 iter_args(%scan3A_680 = %scan3A_435) -> (i32)  : i32 {
      %mul3A_681 = arith.constant 16 : i32
      %mul3A_682 = arith.muli %scan3A_679, %mul3A_681 : i32
      %swap3A = arith.constant 55 : i32
      %swap3A_683 = arith.index_cast %swap3A : i32 to index
      %swap3A_684 = arith.index_cast %mul3A_682 : i32 to index
      %swap3A_685 = tpu.vector_load %arg11[%swap3A_683, %swap3A_684] {strides = array<i32>} : memref<64x1040xf32, #tpu.memory_space<vmem>>, vector<16xf32>,
      tpu.vector_store %arg11[%swap3A_683, %swap3A_684], %broadcast_in_dim3A_49 {strides = array<i32>} : memref<64x1040xf32, #tpu.memory_space<vmem>>, vector<16xf32>,
      %scan3A_686 = arith.constant 0 : i32
      scf.yield %scan3A_686 : i32
    }
    %scan3A_441 = arith.constant 65 : i32
    %scan3A_442 = arith.constant 0 : i32
    %scan3A_443 = arith.constant 0 : i32
    %scan3A_444 = arith.constant 65 : i32
    %scan3A_445 = arith.addi %scan3A_443, %scan3A_444 : i32
    %scan3A_446 = arith.constant 1 : i32
    %scan3A_447 = scf.for %scan3A_679 = %scan3A_443 to %scan3A_445 step %scan3A_446 iter_args(%scan3A_680 = %scan3A_442) -> (i32)  : i32 {
      %mul3A_681 = arith.constant 16 : i32
      %mul3A_682 = arith.muli %scan3A_679, %mul3A_681 : i32
      %swap3A = arith.constant 56 : i32
      %swap3A_683 = arith.index_cast %swap3A : i32 to index
      %swap3A_684 = arith.index_cast %mul3A_682 : i32 to index
      %swap3A_685 = tpu.vector_load %arg11[%swap3A_683, %swap3A_684] {strides = array<i32>} : memref<64x1040xf32, #tpu.memory_space<vmem>>, vector<16xf32>,
      tpu.vector_store %arg11[%swap3A_683, %swap3A_684], %broadcast_in_dim3A_49 {strides = array<i32>} : memref<64x1040xf32, #tpu.memory_space<vmem>>, vector<16xf32>,
      %scan3A_686 = arith.constant 0 : i32
      scf.yield %scan3A_686 : i32
    }
    %scan3A_448 = arith.constant 65 : i32
    %scan3A_449 = arith.constant 0 : i32
    %scan3A_450 = arith.constant 0 : i32
    %scan3A_451 = arith.constant 65 : i32
    %scan3A_452 = arith.addi %scan3A_450, %scan3A_451 : i32
    %scan3A_453 = arith.constant 1 : i32
    %scan3A_454 = scf.for %scan3A_679 = %scan3A_450 to %scan3A_452 step %scan3A_453 iter_args(%scan3A_680 = %scan3A_449) -> (i32)  : i32 {
      %mul3A_681 = arith.constant 16 : i32
      %mul3A_682 = arith.muli %scan3A_679, %mul3A_681 : i32
      %swap3A = arith.constant 57 : i32
      %swap3A_683 = arith.index_cast %swap3A : i32 to index
      %swap3A_684 = arith.index_cast %mul3A_682 : i32 to index
      %swap3A_685 = tpu.vector_load %arg11[%swap3A_683, %swap3A_684] {strides = array<i32>} : memref<64x1040xf32, #tpu.memory_space<vmem>>, vector<16xf32>,
      tpu.vector_store %arg11[%swap3A_683, %swap3A_684], %broadcast_in_dim3A_49 {strides = array<i32>} : memref<64x1040xf32, #tpu.memory_space<vmem>>, vector<16xf32>,
      %scan3A_686 = arith.constant 0 : i32
      scf.yield %scan3A_686 : i32
    }
    %scan3A_455 = arith.constant 65 : i32
    %scan3A_456 = arith.constant 0 : i32
    %scan3A_457 = arith.constant 0 : i32
    %scan3A_458 = arith.constant 65 : i32
    %scan3A_459 = arith.addi %scan3A_457, %scan3A_458 : i32
    %scan3A_460 = arith.constant 1 : i32
    %scan3A_461 = scf.for %scan3A_679 = %scan3A_457 to %scan3A_459 step %scan3A_460 iter_args(%scan3A_680 = %scan3A_456) -> (i32)  : i32 {
      %mul3A_681 = arith.constant 16 : i32
      %mul3A_682 = arith.muli %scan3A_679, %mul3A_681 : i32
      %swap3A = arith.constant 58 : i32
      %swap3A_683 = arith.index_cast %swap3A : i32 to index
      %swap3A_684 = arith.index_cast %mul3A_682 : i32 to index
      %swap3A_685 = tpu.vector_load %arg11[%swap3A_683, %swap3A_684] {strides = array<i32>} : memref<64x1040xf32, #tpu.memory_space<vmem>>, vector<16xf32>,
      tpu.vector_store %arg11[%swap3A_683, %swap3A_684], %broadcast_in_dim3A_49 {strides = array<i32>} : memref<64x1040xf32, #tpu.memory_space<vmem>>, vector<16xf32>,
      %scan3A_686 = arith.constant 0 : i32
      scf.yield %scan3A_686 : i32
    }
    %scan3A_462 = arith.constant 65 : i32
    %scan3A_463 = arith.constant 0 : i32
    %scan3A_464 = arith.constant 0 : i32
    %scan3A_465 = arith.constant 65 : i32
    %scan3A_466 = arith.addi %scan3A_464, %scan3A_465 : i32
    %scan3A_467 = arith.constant 1 : i32
    %scan3A_468 = scf.for %scan3A_679 = %scan3A_464 to %scan3A_466 step %scan3A_467 iter_args(%scan3A_680 = %scan3A_463) -> (i32)  : i32 {
      %mul3A_681 = arith.constant 16 : i32
      %mul3A_682 = arith.muli %scan3A_679, %mul3A_681 : i32
      %swap3A = arith.constant 59 : i32
      %swap3A_683 = arith.index_cast %swap3A : i32 to index
      %swap3A_684 = arith.index_cast %mul3A_682 : i32 to index
      %swap3A_685 = tpu.vector_load %arg11[%swap3A_683, %swap3A_684] {strides = array<i32>} : memref<64x1040xf32, #tpu.memory_space<vmem>>, vector<16xf32>,
      tpu.vector_store %arg11[%swap3A_683, %swap3A_684], %broadcast_in_dim3A_49 {strides = array<i32>} : memref<64x1040xf32, #tpu.memory_space<vmem>>, vector<16xf32>,
      %scan3A_686 = arith.constant 0 : i32
      scf.yield %scan3A_686 : i32
    }
    %scan3A_469 = arith.constant 65 : i32
    %scan3A_470 = arith.constant 0 : i32
    %scan3A_471 = arith.constant 0 : i32
    %scan3A_472 = arith.constant 65 : i32
    %scan3A_473 = arith.addi %scan3A_471, %scan3A_472 : i32
    %scan3A_474 = arith.constant 1 : i32
    %scan3A_475 = scf.for %scan3A_679 = %scan3A_471 to %scan3A_473 step %scan3A_474 iter_args(%scan3A_680 = %scan3A_470) -> (i32)  : i32 {
      %mul3A_681 = arith.constant 16 : i32
      %mul3A_682 = arith.muli %scan3A_679, %mul3A_681 : i32
      %swap3A = arith.constant 60 : i32
      %swap3A_683 = arith.index_cast %swap3A : i32 to index
      %swap3A_684 = arith.index_cast %mul3A_682 : i32 to index
      %swap3A_685 = tpu.vector_load %arg11[%swap3A_683, %swap3A_684] {strides = array<i32>} : memref<64x1040xf32, #tpu.memory_space<vmem>>, vector<16xf32>,
      tpu.vector_store %arg11[%swap3A_683, %swap3A_684], %broadcast_in_dim3A_49 {strides = array<i32>} : memref<64x1040xf32, #tpu.memory_space<vmem>>, vector<16xf32>,
      %scan3A_686 = arith.constant 0 : i32
      scf.yield %scan3A_686 : i32
    }
    %scan3A_476 = arith.constant 65 : i32
    %scan3A_477 = arith.constant 0 : i32
    %scan3A_478 = arith.constant 0 : i32
    %scan3A_479 = arith.constant 65 : i32
    %scan3A_480 = arith.addi %scan3A_478, %scan3A_479 : i32
    %scan3A_481 = arith.constant 1 : i32
    %scan3A_482 = scf.for %scan3A_679 = %scan3A_478 to %scan3A_480 step %scan3A_481 iter_args(%scan3A_680 = %scan3A_477) -> (i32)  : i32 {
      %mul3A_681 = arith.constant 16 : i32
      %mul3A_682 = arith.muli %scan3A_679, %mul3A_681 : i32
      %swap3A = arith.constant 61 : i32
      %swap3A_683 = arith.index_cast %swap3A : i32 to index
      %swap3A_684 = arith.index_cast %mul3A_682 : i32 to index
      %swap3A_685 = tpu.vector_load %arg11[%swap3A_683, %swap3A_684] {strides = array<i32>} : memref<64x1040xf32, #tpu.memory_space<vmem>>, vector<16xf32>,
      tpu.vector_store %arg11[%swap3A_683, %swap3A_684], %broadcast_in_dim3A_49 {strides = array<i32>} : memref<64x1040xf32, #tpu.memory_space<vmem>>, vector<16xf32>,
      %scan3A_686 = arith.constant 0 : i32
      scf.yield %scan3A_686 : i32
    }
    %scan3A_483 = arith.constant 65 : i32
    %scan3A_484 = arith.constant 0 : i32
    %scan3A_485 = arith.constant 0 : i32
    %scan3A_486 = arith.constant 65 : i32
    %scan3A_487 = arith.addi %scan3A_485, %scan3A_486 : i32
    %scan3A_488 = arith.constant 1 : i32
    %scan3A_489 = scf.for %scan3A_679 = %scan3A_485 to %scan3A_487 step %scan3A_488 iter_args(%scan3A_680 = %scan3A_484) -> (i32)  : i32 {
      %mul3A_681 = arith.constant 16 : i32
      %mul3A_682 = arith.muli %scan3A_679, %mul3A_681 : i32
      %swap3A = arith.constant 62 : i32
      %swap3A_683 = arith.index_cast %swap3A : i32 to index
      %swap3A_684 = arith.index_cast %mul3A_682 : i32 to index
      %swap3A_685 = tpu.vector_load %arg11[%swap3A_683, %swap3A_684] {strides = array<i32>} : memref<64x1040xf32, #tpu.memory_space<vmem>>, vector<16xf32>,
      tpu.vector_store %arg11[%swap3A_683, %swap3A_684], %broadcast_in_dim3A_49 {strides = array<i32>} : memref<64x1040xf32, #tpu.memory_space<vmem>>, vector<16xf32>,
      %scan3A_686 = arith.constant 0 : i32
      scf.yield %scan3A_686 : i32
    }
    %scan3A_490 = arith.constant 65 : i32
    %scan3A_491 = arith.constant 0 : i32
    %scan3A_492 = arith.constant 0 : i32
    %scan3A_493 = arith.constant 65 : i32
    %scan3A_494 = arith.addi %scan3A_492, %scan3A_493 : i32
    %scan3A_495 = arith.constant 1 : i32
    %scan3A_496 = scf.for %scan3A_679 = %scan3A_492 to %scan3A_494 step %scan3A_495 iter_args(%scan3A_680 = %scan3A_491) -> (i32)  : i32 {
      %mul3A_681 = arith.constant 16 : i32
      %mul3A_682 = arith.muli %scan3A_679, %mul3A_681 : i32
      %swap3A = arith.constant 63 : i32
      %swap3A_683 = arith.index_cast %swap3A : i32 to index
      %swap3A_684 = arith.index_cast %mul3A_682 : i32 to index
      %swap3A_685 = tpu.vector_load %arg11[%swap3A_683, %swap3A_684] {strides = array<i32>} : memref<64x1040xf32, #tpu.memory_space<vmem>>, vector<16xf32>,
      tpu.vector_store %arg11[%swap3A_683, %swap3A_684], %broadcast_in_dim3A_49 {strides = array<i32>} : memref<64x1040xf32, #tpu.memory_space<vmem>>, vector<16xf32>,
      %scan3A_686 = arith.constant 0 : i32
      scf.yield %scan3A_686 : i32
    }
    %scan3A_497 = arith.constant 65 : i32
    %iota3A = tpu.iota {dimensions = array<i32: 0>} : vector<16xi32>
    "tpu.region"() ({
      %run_scoped3A = tpu.sem_alloc : memref<!tpu.dma_semaphore, #tpu.memory_space<semaphore_mem>>
      %dma_start3A = arith.constant 0 : i32
      %dma_start3A_679 = tpu.memref_slice %arg3[%dma_start3A] : memref<40960xi32, #tpu.memory_space<hbm>> -> memref<2048xi32, #tpu.memory_space<hbm>>
      %dma_start3A_680 = arith.constant 0 : i32
      %dma_start3A_681 = tpu.memref_slice %arg3[%dma_start3A_680] : memref<40960xi32, #tpu.memory_space<hbm>> -> memref<2048xi32, #tpu.memory_space<hbm>>
      tpu.enqueue_dma source(%dma_start3A_681 : memref<2048xi32, #tpu.memory_space<hbm>>) target(%arg6 : memref<2048xi32, #tpu.memory_space<vmem>>) target_semaphore(%run_scoped3A : memref<!tpu.dma_semaphore, #tpu.memory_space<semaphore_mem>>)
      %dma_wait3A = arith.constant 0 : i32
      %dma_wait3A_682 = tpu.memref_slice %arg3[%dma_wait3A] : memref<40960xi32, #tpu.memory_space<hbm>> -> memref<2048xi32, #tpu.memory_space<hbm>>
      %dma_wait3A_683 = arith.constant 0 : i32
      %dma_wait3A_684 = tpu.memref_slice %arg3[%dma_wait3A_683] : memref<40960xi32, #tpu.memory_space<hbm>> -> memref<2048xi32, #tpu.memory_space<hbm>>
      tpu.wait_dma2 semaphore(%run_scoped3A : memref<!tpu.dma_semaphore, #tpu.memory_space<semaphore_mem>>) src(%dma_wait3A_684 : memref<2048xi32, #tpu.memory_space<hbm>>) dst(%arg6 : memref<2048xi32, #tpu.memory_space<vmem>>)
      tpu.yield
    }) : () -> ()
    %scan3A_498 = arith.constant 0 : i32
    %scan3A_499 = arith.constant 0 : i32
    %scan3A_500 = arith.constant 128 : i32
    %scan3A_501 = arith.addi %scan3A_499, %scan3A_500 : i32
    %scan3A_502 = arith.constant 1 : i32
    %scan3A_503 = scf.for %scan3A_679 = %scan3A_499 to %scan3A_501 step %scan3A_502 iter_args(%scan3A_680 = %scan3A_498) -> (i32)  : i32 {
      %mul3A_681 = arith.constant 16 : i32
      %mul3A_682 = arith.muli %scan3A_679, %mul3A_681 : i32
      %get3A = arith.index_cast %mul3A_682 : i32 to index
      %get3A_683 = tpu.vector_load %arg6[%get3A] {strides = array<i32>} : memref<2048xi32, #tpu.memory_space<vmem>>, vector<16xi32>,
      %sub3A_684 = vector.broadcast %add3A_40 : i32 to vector<16xi32>
      %sub3A_685 = arith.subi %get3A_683, %sub3A_684 : vector<16xi32>
      %mul3A_686 = arith.constant 16 : i32
      %mul3A_687 = arith.muli %scan3A_679, %mul3A_686 : i32
      %add3A_688 = arith.constant 0 : i32
      %add3A_689 = arith.addi %add3A_688, %mul3A_687 : i32
      %add3A_690 = vector.broadcast %add3A_689 : i32 to vector<16xi32>
      %add3A_691 = arith.addi %add3A_690, %iota3A : vector<16xi32>
      %ge3A = arith.constant 0 : i32
      %ge3A_692 = vector.broadcast %ge3A : i32 to vector<16xi32>
      %ge3A_693 = arith.cmpi sge, %sub3A_685, %ge3A_692 : vector<16xi32>
      %lt3A_694 = vector.broadcast %select_n3A_14 : i32 to vector<16xi32>
      %lt3A_695 = arith.cmpi slt, %sub3A_685, %lt3A_694 : vector<16xi32>
      %and3A_696 = arith.andi %ge3A_693, %lt3A_695 : vector<16xi1>
      %lt3A_697 = arith.constant 40000 : i32
      %lt3A_698 = vector.broadcast %lt3A_697 : i32 to vector<16xi32>
      %lt3A_699 = arith.cmpi slt, %add3A_691, %lt3A_698 : vector<16xi32>
      %and3A_700 = arith.andi %and3A_696, %lt3A_699 : vector<16xi1>
      tpu.vector_store_idx %arg5[%sub3A_685], %add3A_691 masked %and3A_700 : memref<14592xi32, #tpu.memory_space<vmem>>[vector<16xi32>], vector<16xi32>, vector<16xi1>
      %scan3A_701 = arith.constant 0 : i32
      scf.yield %scan3A_701 : i32
    }
    %scan3A_504 = arith.constant 128 : i32
    "tpu.region"() ({
      %run_scoped3A = tpu.sem_alloc : memref<!tpu.dma_semaphore, #tpu.memory_space<semaphore_mem>>
      %dma_start3A = arith.constant 2048 : i32
      %dma_start3A_679 = tpu.memref_slice %arg3[%dma_start3A] : memref<40960xi32, #tpu.memory_space<hbm>> -> memref<2048xi32, #tpu.memory_space<hbm>>
      %dma_start3A_680 = arith.constant 2048 : i32
      %dma_start3A_681 = tpu.memref_slice %arg3[%dma_start3A_680] : memref<40960xi32, #tpu.memory_space<hbm>> -> memref<2048xi32, #tpu.memory_space<hbm>>
      tpu.enqueue_dma source(%dma_start3A_681 : memref<2048xi32, #tpu.memory_space<hbm>>) target(%arg6 : memref<2048xi32, #tpu.memory_space<vmem>>) target_semaphore(%run_scoped3A : memref<!tpu.dma_semaphore, #tpu.memory_space<semaphore_mem>>)
      %dma_wait3A = arith.constant 2048 : i32
      %dma_wait3A_682 = tpu.memref_slice %arg3[%dma_wait3A] : memref<40960xi32, #tpu.memory_space<hbm>> -> memref<2048xi32, #tpu.memory_space<hbm>>
      %dma_wait3A_683 = arith.constant 2048 : i32
      %dma_wait3A_684 = tpu.memref_slice %arg3[%dma_wait3A_683] : memref<40960xi32, #tpu.memory_space<hbm>> -> memref<2048xi32, #tpu.memory_space<hbm>>
      tpu.wait_dma2 semaphore(%run_scoped3A : memref<!tpu.dma_semaphore, #tpu.memory_space<semaphore_mem>>) src(%dma_wait3A_684 : memref<2048xi32, #tpu.memory_space<hbm>>) dst(%arg6 : memref<2048xi32, #tpu.memory_space<vmem>>)
      tpu.yield
    }) : () -> ()
    %scan3A_505 = arith.constant 0 : i32
    %scan3A_506 = arith.constant 0 : i32
    %scan3A_507 = arith.constant 128 : i32
    %scan3A_508 = arith.addi %scan3A_506, %scan3A_507 : i32
    %scan3A_509 = arith.constant 1 : i32
    %scan3A_510 = scf.for %scan3A_679 = %scan3A_506 to %scan3A_508 step %scan3A_509 iter_args(%scan3A_680 = %scan3A_505) -> (i32)  : i32 {
      %mul3A_681 = arith.constant 16 : i32
      %mul3A_682 = arith.muli %scan3A_679, %mul3A_681 : i32
      %get3A = arith.index_cast %mul3A_682 : i32 to index
      %get3A_683 = tpu.vector_load %arg6[%get3A] {strides = array<i32>} : memref<2048xi32, #tpu.memory_space<vmem>>, vector<16xi32>,
      %sub3A_684 = vector.broadcast %add3A_40 : i32 to vector<16xi32>
      %sub3A_685 = arith.subi %get3A_683, %sub3A_684 : vector<16xi32>
      %mul3A_686 = arith.constant 16 : i32
      %mul3A_687 = arith.muli %scan3A_679, %mul3A_686 : i32
      %add3A_688 = arith.constant 2048 : i32
      %add3A_689 = arith.addi %add3A_688, %mul3A_687 : i32
      %add3A_690 = vector.broadcast %add3A_689 : i32 to vector<16xi32>
      %add3A_691 = arith.addi %add3A_690, %iota3A : vector<16xi32>
      %ge3A = arith.constant 0 : i32
      %ge3A_692 = vector.broadcast %ge3A : i32 to vector<16xi32>
      %ge3A_693 = arith.cmpi sge, %sub3A_685, %ge3A_692 : vector<16xi32>
      %lt3A_694 = vector.broadcast %select_n3A_14 : i32 to vector<16xi32>
      %lt3A_695 = arith.cmpi slt, %sub3A_685, %lt3A_694 : vector<16xi32>
      %and3A_696 = arith.andi %ge3A_693, %lt3A_695 : vector<16xi1>
      %lt3A_697 = arith.constant 40000 : i32
      %lt3A_698 = vector.broadcast %lt3A_697 : i32 to vector<16xi32>
      %lt3A_699 = arith.cmpi slt, %add3A_691, %lt3A_698 : vector<16xi32>
      %and3A_700 = arith.andi %and3A_696, %lt3A_699 : vector<16xi1>
      tpu.vector_store_idx %arg5[%sub3A_685], %add3A_691 masked %and3A_700 : memref<14592xi32, #tpu.memory_space<vmem>>[vector<16xi32>], vector<16xi32>, vector<16xi1>
      %scan3A_701 = arith.constant 0 : i32
      scf.yield %scan3A_701 : i32
    }
    %scan3A_511 = arith.constant 128 : i32
    "tpu.region"() ({
      %run_scoped3A = tpu.sem_alloc : memref<!tpu.dma_semaphore, #tpu.memory_space<semaphore_mem>>
      %dma_start3A = arith.constant 4096 : i32
      %dma_start3A_679 = tpu.memref_slice %arg3[%dma_start3A] : memref<40960xi32, #tpu.memory_space<hbm>> -> memref<2048xi32, #tpu.memory_space<hbm>>
      %dma_start3A_680 = arith.constant 4096 : i32
      %dma_start3A_681 = tpu.memref_slice %arg3[%dma_start3A_680] : memref<40960xi32, #tpu.memory_space<hbm>> -> memref<2048xi32, #tpu.memory_space<hbm>>
      tpu.enqueue_dma source(%dma_start3A_681 : memref<2048xi32, #tpu.memory_space<hbm>>) target(%arg6 : memref<2048xi32, #tpu.memory_space<vmem>>) target_semaphore(%run_scoped3A : memref<!tpu.dma_semaphore, #tpu.memory_space<semaphore_mem>>)
      %dma_wait3A = arith.constant 4096 : i32
      %dma_wait3A_682 = tpu.memref_slice %arg3[%dma_wait3A] : memref<40960xi32, #tpu.memory_space<hbm>> -> memref<2048xi32, #tpu.memory_space<hbm>>
      %dma_wait3A_683 = arith.constant 4096 : i32
      %dma_wait3A_684 = tpu.memref_slice %arg3[%dma_wait3A_683] : memref<40960xi32, #tpu.memory_space<hbm>> -> memref<2048xi32, #tpu.memory_space<hbm>>
      tpu.wait_dma2 semaphore(%run_scoped3A : memref<!tpu.dma_semaphore, #tpu.memory_space<semaphore_mem>>) src(%dma_wait3A_684 : memref<2048xi32, #tpu.memory_space<hbm>>) dst(%arg6 : memref<2048xi32, #tpu.memory_space<vmem>>)
      tpu.yield
    }) : () -> ()
    %scan3A_512 = arith.constant 0 : i32
    %scan3A_513 = arith.constant 0 : i32
    %scan3A_514 = arith.constant 128 : i32
    %scan3A_515 = arith.addi %scan3A_513, %scan3A_514 : i32
    %scan3A_516 = arith.constant 1 : i32
    %scan3A_517 = scf.for %scan3A_679 = %scan3A_513 to %scan3A_515 step %scan3A_516 iter_args(%scan3A_680 = %scan3A_512) -> (i32)  : i32 {
      %mul3A_681 = arith.constant 16 : i32
      %mul3A_682 = arith.muli %scan3A_679, %mul3A_681 : i32
      %get3A = arith.index_cast %mul3A_682 : i32 to index
      %get3A_683 = tpu.vector_load %arg6[%get3A] {strides = array<i32>} : memref<2048xi32, #tpu.memory_space<vmem>>, vector<16xi32>,
      %sub3A_684 = vector.broadcast %add3A_40 : i32 to vector<16xi32>
      %sub3A_685 = arith.subi %get3A_683, %sub3A_684 : vector<16xi32>
      %mul3A_686 = arith.constant 16 : i32
      %mul3A_687 = arith.muli %scan3A_679, %mul3A_686 : i32
      %add3A_688 = arith.constant 4096 : i32
      %add3A_689 = arith.addi %add3A_688, %mul3A_687 : i32
      %add3A_690 = vector.broadcast %add3A_689 : i32 to vector<16xi32>
      %add3A_691 = arith.addi %add3A_690, %iota3A : vector<16xi32>
      %ge3A = arith.constant 0 : i32
      %ge3A_692 = vector.broadcast %ge3A : i32 to vector<16xi32>
      %ge3A_693 = arith.cmpi sge, %sub3A_685, %ge3A_692 : vector<16xi32>
      %lt3A_694 = vector.broadcast %select_n3A_14 : i32 to vector<16xi32>
      %lt3A_695 = arith.cmpi slt, %sub3A_685, %lt3A_694 : vector<16xi32>
      %and3A_696 = arith.andi %ge3A_693, %lt3A_695 : vector<16xi1>
      %lt3A_697 = arith.constant 40000 : i32
      %lt3A_698 = vector.broadcast %lt3A_697 : i32 to vector<16xi32>
      %lt3A_699 = arith.cmpi slt, %add3A_691, %lt3A_698 : vector<16xi32>
      %and3A_700 = arith.andi %and3A_696, %lt3A_699 : vector<16xi1>
      tpu.vector_store_idx %arg5[%sub3A_685], %add3A_691 masked %and3A_700 : memref<14592xi32, #tpu.memory_space<vmem>>[vector<16xi32>], vector<16xi32>, vector<16xi1>
      %scan3A_701 = arith.constant 0 : i32
      scf.yield %scan3A_701 : i32
    }
    %scan3A_518 = arith.constant 128 : i32
    "tpu.region"() ({
      %run_scoped3A = tpu.sem_alloc : memref<!tpu.dma_semaphore, #tpu.memory_space<semaphore_mem>>
      %dma_start3A = arith.constant 6144 : i32
      %dma_start3A_679 = tpu.memref_slice %arg3[%dma_start3A] : memref<40960xi32, #tpu.memory_space<hbm>> -> memref<2048xi32, #tpu.memory_space<hbm>>
      %dma_start3A_680 = arith.constant 6144 : i32
      %dma_start3A_681 = tpu.memref_slice %arg3[%dma_start3A_680] : memref<40960xi32, #tpu.memory_space<hbm>> -> memref<2048xi32, #tpu.memory_space<hbm>>
      tpu.enqueue_dma source(%dma_start3A_681 : memref<2048xi32, #tpu.memory_space<hbm>>) target(%arg6 : memref<2048xi32, #tpu.memory_space<vmem>>) target_semaphore(%run_scoped3A : memref<!tpu.dma_semaphore, #tpu.memory_space<semaphore_mem>>)
      %dma_wait3A = arith.constant 6144 : i32
      %dma_wait3A_682 = tpu.memref_slice %arg3[%dma_wait3A] : memref<40960xi32, #tpu.memory_space<hbm>> -> memref<2048xi32, #tpu.memory_space<hbm>>
      %dma_wait3A_683 = arith.constant 6144 : i32
      %dma_wait3A_684 = tpu.memref_slice %arg3[%dma_wait3A_683] : memref<40960xi32, #tpu.memory_space<hbm>> -> memref<2048xi32, #tpu.memory_space<hbm>>
      tpu.wait_dma2 semaphore(%run_scoped3A : memref<!tpu.dma_semaphore, #tpu.memory_space<semaphore_mem>>) src(%dma_wait3A_684 : memref<2048xi32, #tpu.memory_space<hbm>>) dst(%arg6 : memref<2048xi32, #tpu.memory_space<vmem>>)
      tpu.yield
    }) : () -> ()
    %scan3A_519 = arith.constant 0 : i32
    %scan3A_520 = arith.constant 0 : i32
    %scan3A_521 = arith.constant 128 : i32
    %scan3A_522 = arith.addi %scan3A_520, %scan3A_521 : i32
    %scan3A_523 = arith.constant 1 : i32
    %scan3A_524 = scf.for %scan3A_679 = %scan3A_520 to %scan3A_522 step %scan3A_523 iter_args(%scan3A_680 = %scan3A_519) -> (i32)  : i32 {
      %mul3A_681 = arith.constant 16 : i32
      %mul3A_682 = arith.muli %scan3A_679, %mul3A_681 : i32
      %get3A = arith.index_cast %mul3A_682 : i32 to index
      %get3A_683 = tpu.vector_load %arg6[%get3A] {strides = array<i32>} : memref<2048xi32, #tpu.memory_space<vmem>>, vector<16xi32>,
      %sub3A_684 = vector.broadcast %add3A_40 : i32 to vector<16xi32>
      %sub3A_685 = arith.subi %get3A_683, %sub3A_684 : vector<16xi32>
      %mul3A_686 = arith.constant 16 : i32
      %mul3A_687 = arith.muli %scan3A_679, %mul3A_686 : i32
      %add3A_688 = arith.constant 6144 : i32
      %add3A_689 = arith.addi %add3A_688, %mul3A_687 : i32
      %add3A_690 = vector.broadcast %add3A_689 : i32 to vector<16xi32>
      %add3A_691 = arith.addi %add3A_690, %iota3A : vector<16xi32>
      %ge3A = arith.constant 0 : i32
      %ge3A_692 = vector.broadcast %ge3A : i32 to vector<16xi32>
      %ge3A_693 = arith.cmpi sge, %sub3A_685, %ge3A_692 : vector<16xi32>
      %lt3A_694 = vector.broadcast %select_n3A_14 : i32 to vector<16xi32>
      %lt3A_695 = arith.cmpi slt, %sub3A_685, %lt3A_694 : vector<16xi32>
      %and3A_696 = arith.andi %ge3A_693, %lt3A_695 : vector<16xi1>
      %lt3A_697 = arith.constant 40000 : i32
      %lt3A_698 = vector.broadcast %lt3A_697 : i32 to vector<16xi32>
      %lt3A_699 = arith.cmpi slt, %add3A_691, %lt3A_698 : vector<16xi32>
      %and3A_700 = arith.andi %and3A_696, %lt3A_699 : vector<16xi1>
      tpu.vector_store_idx %arg5[%sub3A_685], %add3A_691 masked %and3A_700 : memref<14592xi32, #tpu.memory_space<vmem>>[vector<16xi32>], vector<16xi32>, vector<16xi1>
      %scan3A_701 = arith.constant 0 : i32
      scf.yield %scan3A_701 : i32
    }
    %scan3A_525 = arith.constant 128 : i32
    "tpu.region"() ({
      %run_scoped3A = tpu.sem_alloc : memref<!tpu.dma_semaphore, #tpu.memory_space<semaphore_mem>>
      %dma_start3A = arith.constant 8192 : i32
      %dma_start3A_679 = tpu.memref_slice %arg3[%dma_start3A] : memref<40960xi32, #tpu.memory_space<hbm>> -> memref<2048xi32, #tpu.memory_space<hbm>>
      %dma_start3A_680 = arith.constant 8192 : i32
      %dma_start3A_681 = tpu.memref_slice %arg3[%dma_start3A_680] : memref<40960xi32, #tpu.memory_space<hbm>> -> memref<2048xi32, #tpu.memory_space<hbm>>
      tpu.enqueue_dma source(%dma_start3A_681 : memref<2048xi32, #tpu.memory_space<hbm>>) target(%arg6 : memref<2048xi32, #tpu.memory_space<vmem>>) target_semaphore(%run_scoped3A : memref<!tpu.dma_semaphore, #tpu.memory_space<semaphore_mem>>)
      %dma_wait3A = arith.constant 8192 : i32
      %dma_wait3A_682 = tpu.memref_slice %arg3[%dma_wait3A] : memref<40960xi32, #tpu.memory_space<hbm>> -> memref<2048xi32, #tpu.memory_space<hbm>>
      %dma_wait3A_683 = arith.constant 8192 : i32
      %dma_wait3A_684 = tpu.memref_slice %arg3[%dma_wait3A_683] : memref<40960xi32, #tpu.memory_space<hbm>> -> memref<2048xi32, #tpu.memory_space<hbm>>
      tpu.wait_dma2 semaphore(%run_scoped3A : memref<!tpu.dma_semaphore, #tpu.memory_space<semaphore_mem>>) src(%dma_wait3A_684 : memref<2048xi32, #tpu.memory_space<hbm>>) dst(%arg6 : memref<2048xi32, #tpu.memory_space<vmem>>)
      tpu.yield
    }) : () -> ()
    %scan3A_526 = arith.constant 0 : i32
    %scan3A_527 = arith.constant 0 : i32
    %scan3A_528 = arith.constant 128 : i32
    %scan3A_529 = arith.addi %scan3A_527, %scan3A_528 : i32
    %scan3A_530 = arith.constant 1 : i32
    %scan3A_531 = scf.for %scan3A_679 = %scan3A_527 to %scan3A_529 step %scan3A_530 iter_args(%scan3A_680 = %scan3A_526) -> (i32)  : i32 {
      %mul3A_681 = arith.constant 16 : i32
      %mul3A_682 = arith.muli %scan3A_679, %mul3A_681 : i32
      %get3A = arith.index_cast %mul3A_682 : i32 to index
      %get3A_683 = tpu.vector_load %arg6[%get3A] {strides = array<i32>} : memref<2048xi32, #tpu.memory_space<vmem>>, vector<16xi32>,
      %sub3A_684 = vector.broadcast %add3A_40 : i32 to vector<16xi32>
      %sub3A_685 = arith.subi %get3A_683, %sub3A_684 : vector<16xi32>
      %mul3A_686 = arith.constant 16 : i32
      %mul3A_687 = arith.muli %scan3A_679, %mul3A_686 : i32
      %add3A_688 = arith.constant 8192 : i32
      %add3A_689 = arith.addi %add3A_688, %mul3A_687 : i32
      %add3A_690 = vector.broadcast %add3A_689 : i32 to vector<16xi32>
      %add3A_691 = arith.addi %add3A_690, %iota3A : vector<16xi32>
      %ge3A = arith.constant 0 : i32
      %ge3A_692 = vector.broadcast %ge3A : i32 to vector<16xi32>
      %ge3A_693 = arith.cmpi sge, %sub3A_685, %ge3A_692 : vector<16xi32>
      %lt3A_694 = vector.broadcast %select_n3A_14 : i32 to vector<16xi32>
      %lt3A_695 = arith.cmpi slt, %sub3A_685, %lt3A_694 : vector<16xi32>
      %and3A_696 = arith.andi %ge3A_693, %lt3A_695 : vector<16xi1>
      %lt3A_697 = arith.constant 40000 : i32
      %lt3A_698 = vector.broadcast %lt3A_697 : i32 to vector<16xi32>
      %lt3A_699 = arith.cmpi slt, %add3A_691, %lt3A_698 : vector<16xi32>
      %and3A_700 = arith.andi %and3A_696, %lt3A_699 : vector<16xi1>
      tpu.vector_store_idx %arg5[%sub3A_685], %add3A_691 masked %and3A_700 : memref<14592xi32, #tpu.memory_space<vmem>>[vector<16xi32>], vector<16xi32>, vector<16xi1>
      %scan3A_701 = arith.constant 0 : i32
      scf.yield %scan3A_701 : i32
    }
    %scan3A_532 = arith.constant 128 : i32
    "tpu.region"() ({
      %run_scoped3A = tpu.sem_alloc : memref<!tpu.dma_semaphore, #tpu.memory_space<semaphore_mem>>
      %dma_start3A = arith.constant 10240 : i32
      %dma_start3A_679 = tpu.memref_slice %arg3[%dma_start3A] : memref<40960xi32, #tpu.memory_space<hbm>> -> memref<2048xi32, #tpu.memory_space<hbm>>
      %dma_start3A_680 = arith.constant 10240 : i32
      %dma_start3A_681 = tpu.memref_slice %arg3[%dma_start3A_680] : memref<40960xi32, #tpu.memory_space<hbm>> -> memref<2048xi32, #tpu.memory_space<hbm>>
      tpu.enqueue_dma source(%dma_start3A_681 : memref<2048xi32, #tpu.memory_space<hbm>>) target(%arg6 : memref<2048xi32, #tpu.memory_space<vmem>>) target_semaphore(%run_scoped3A : memref<!tpu.dma_semaphore, #tpu.memory_space<semaphore_mem>>)
      %dma_wait3A = arith.constant 10240 : i32
      %dma_wait3A_682 = tpu.memref_slice %arg3[%dma_wait3A] : memref<40960xi32, #tpu.memory_space<hbm>> -> memref<2048xi32, #tpu.memory_space<hbm>>
      %dma_wait3A_683 = arith.constant 10240 : i32
      %dma_wait3A_684 = tpu.memref_slice %arg3[%dma_wait3A_683] : memref<40960xi32, #tpu.memory_space<hbm>> -> memref<2048xi32, #tpu.memory_space<hbm>>
      tpu.wait_dma2 semaphore(%run_scoped3A : memref<!tpu.dma_semaphore, #tpu.memory_space<semaphore_mem>>) src(%dma_wait3A_684 : memref<2048xi32, #tpu.memory_space<hbm>>) dst(%arg6 : memref<2048xi32, #tpu.memory_space<vmem>>)
      tpu.yield
    }) : () -> ()
    %scan3A_533 = arith.constant 0 : i32
    %scan3A_534 = arith.constant 0 : i32
    %scan3A_535 = arith.constant 128 : i32
    %scan3A_536 = arith.addi %scan3A_534, %scan3A_535 : i32
    %scan3A_537 = arith.constant 1 : i32
    %scan3A_538 = scf.for %scan3A_679 = %scan3A_534 to %scan3A_536 step %scan3A_537 iter_args(%scan3A_680 = %scan3A_533) -> (i32)  : i32 {
      %mul3A_681 = arith.constant 16 : i32
      %mul3A_682 = arith.muli %scan3A_679, %mul3A_681 : i32
      %get3A = arith.index_cast %mul3A_682 : i32 to index
      %get3A_683 = tpu.vector_load %arg6[%get3A] {strides = array<i32>} : memref<2048xi32, #tpu.memory_space<vmem>>, vector<16xi32>,
      %sub3A_684 = vector.broadcast %add3A_40 : i32 to vector<16xi32>
      %sub3A_685 = arith.subi %get3A_683, %sub3A_684 : vector<16xi32>
      %mul3A_686 = arith.constant 16 : i32
      %mul3A_687 = arith.muli %scan3A_679, %mul3A_686 : i32
      %add3A_688 = arith.constant 10240 : i32
      %add3A_689 = arith.addi %add3A_688, %mul3A_687 : i32
      %add3A_690 = vector.broadcast %add3A_689 : i32 to vector<16xi32>
      %add3A_691 = arith.addi %add3A_690, %iota3A : vector<16xi32>
      %ge3A = arith.constant 0 : i32
      %ge3A_692 = vector.broadcast %ge3A : i32 to vector<16xi32>
      %ge3A_693 = arith.cmpi sge, %sub3A_685, %ge3A_692 : vector<16xi32>
      %lt3A_694 = vector.broadcast %select_n3A_14 : i32 to vector<16xi32>
      %lt3A_695 = arith.cmpi slt, %sub3A_685, %lt3A_694 : vector<16xi32>
      %and3A_696 = arith.andi %ge3A_693, %lt3A_695 : vector<16xi1>
      %lt3A_697 = arith.constant 40000 : i32
      %lt3A_698 = vector.broadcast %lt3A_697 : i32 to vector<16xi32>
      %lt3A_699 = arith.cmpi slt, %add3A_691, %lt3A_698 : vector<16xi32>
      %and3A_700 = arith.andi %and3A_696, %lt3A_699 : vector<16xi1>
      tpu.vector_store_idx %arg5[%sub3A_685], %add3A_691 masked %and3A_700 : memref<14592xi32, #tpu.memory_space<vmem>>[vector<16xi32>], vector<16xi32>, vector<16xi1>
      %scan3A_701 = arith.constant 0 : i32
      scf.yield %scan3A_701 : i32
    }
    %scan3A_539 = arith.constant 128 : i32
    "tpu.region"() ({
      %run_scoped3A = tpu.sem_alloc : memref<!tpu.dma_semaphore, #tpu.memory_space<semaphore_mem>>
      %dma_start3A = arith.constant 12288 : i32
      %dma_start3A_679 = tpu.memref_slice %arg3[%dma_start3A] : memref<40960xi32, #tpu.memory_space<hbm>> -> memref<2048xi32, #tpu.memory_space<hbm>>
      %dma_start3A_680 = arith.constant 12288 : i32
      %dma_start3A_681 = tpu.memref_slice %arg3[%dma_start3A_680] : memref<40960xi32, #tpu.memory_space<hbm>> -> memref<2048xi32, #tpu.memory_space<hbm>>
      tpu.enqueue_dma source(%dma_start3A_681 : memref<2048xi32, #tpu.memory_space<hbm>>) target(%arg6 : memref<2048xi32, #tpu.memory_space<vmem>>) target_semaphore(%run_scoped3A : memref<!tpu.dma_semaphore, #tpu.memory_space<semaphore_mem>>)
      %dma_wait3A = arith.constant 12288 : i32
      %dma_wait3A_682 = tpu.memref_slice %arg3[%dma_wait3A] : memref<40960xi32, #tpu.memory_space<hbm>> -> memref<2048xi32, #tpu.memory_space<hbm>>
      %dma_wait3A_683 = arith.constant 12288 : i32
      %dma_wait3A_684 = tpu.memref_slice %arg3[%dma_wait3A_683] : memref<40960xi32, #tpu.memory_space<hbm>> -> memref<2048xi32, #tpu.memory_space<hbm>>
      tpu.wait_dma2 semaphore(%run_scoped3A : memref<!tpu.dma_semaphore, #tpu.memory_space<semaphore_mem>>) src(%dma_wait3A_684 : memref<2048xi32, #tpu.memory_space<hbm>>) dst(%arg6 : memref<2048xi32, #tpu.memory_space<vmem>>)
      tpu.yield
    }) : () -> ()
    %scan3A_540 = arith.constant 0 : i32
    %scan3A_541 = arith.constant 0 : i32
    %scan3A_542 = arith.constant 128 : i32
    %scan3A_543 = arith.addi %scan3A_541, %scan3A_542 : i32
    %scan3A_544 = arith.constant 1 : i32
    %scan3A_545 = scf.for %scan3A_679 = %scan3A_541 to %scan3A_543 step %scan3A_544 iter_args(%scan3A_680 = %scan3A_540) -> (i32)  : i32 {
      %mul3A_681 = arith.constant 16 : i32
      %mul3A_682 = arith.muli %scan3A_679, %mul3A_681 : i32
      %get3A = arith.index_cast %mul3A_682 : i32 to index
      %get3A_683 = tpu.vector_load %arg6[%get3A] {strides = array<i32>} : memref<2048xi32, #tpu.memory_space<vmem>>, vector<16xi32>,
      %sub3A_684 = vector.broadcast %add3A_40 : i32 to vector<16xi32>
      %sub3A_685 = arith.subi %get3A_683, %sub3A_684 : vector<16xi32>
      %mul3A_686 = arith.constant 16 : i32
      %mul3A_687 = arith.muli %scan3A_679, %mul3A_686 : i32
      %add3A_688 = arith.constant 12288 : i32
      %add3A_689 = arith.addi %add3A_688, %mul3A_687 : i32
      %add3A_690 = vector.broadcast %add3A_689 : i32 to vector<16xi32>
      %add3A_691 = arith.addi %add3A_690, %iota3A : vector<16xi32>
      %ge3A = arith.constant 0 : i32
      %ge3A_692 = vector.broadcast %ge3A : i32 to vector<16xi32>
      %ge3A_693 = arith.cmpi sge, %sub3A_685, %ge3A_692 : vector<16xi32>
      %lt3A_694 = vector.broadcast %select_n3A_14 : i32 to vector<16xi32>
      %lt3A_695 = arith.cmpi slt, %sub3A_685, %lt3A_694 : vector<16xi32>
      %and3A_696 = arith.andi %ge3A_693, %lt3A_695 : vector<16xi1>
      %lt3A_697 = arith.constant 40000 : i32
      %lt3A_698 = vector.broadcast %lt3A_697 : i32 to vector<16xi32>
      %lt3A_699 = arith.cmpi slt, %add3A_691, %lt3A_698 : vector<16xi32>
      %and3A_700 = arith.andi %and3A_696, %lt3A_699 : vector<16xi1>
      tpu.vector_store_idx %arg5[%sub3A_685], %add3A_691 masked %and3A_700 : memref<14592xi32, #tpu.memory_space<vmem>>[vector<16xi32>], vector<16xi32>, vector<16xi1>
      %scan3A_701 = arith.constant 0 : i32
      scf.yield %scan3A_701 : i32
    }
    %scan3A_546 = arith.constant 128 : i32
    "tpu.region"() ({
      %run_scoped3A = tpu.sem_alloc : memref<!tpu.dma_semaphore, #tpu.memory_space<semaphore_mem>>
      %dma_start3A = arith.constant 14336 : i32
      %dma_start3A_679 = tpu.memref_slice %arg3[%dma_start3A] : memref<40960xi32, #tpu.memory_space<hbm>> -> memref<2048xi32, #tpu.memory_space<hbm>>
      %dma_start3A_680 = arith.constant 14336 : i32
      %dma_start3A_681 = tpu.memref_slice %arg3[%dma_start3A_680] : memref<40960xi32, #tpu.memory_space<hbm>> -> memref<2048xi32, #tpu.memory_space<hbm>>
      tpu.enqueue_dma source(%dma_start3A_681 : memref<2048xi32, #tpu.memory_space<hbm>>) target(%arg6 : memref<2048xi32, #tpu.memory_space<vmem>>) target_semaphore(%run_scoped3A : memref<!tpu.dma_semaphore, #tpu.memory_space<semaphore_mem>>)
      %dma_wait3A = arith.constant 14336 : i32
      %dma_wait3A_682 = tpu.memref_slice %arg3[%dma_wait3A] : memref<40960xi32, #tpu.memory_space<hbm>> -> memref<2048xi32, #tpu.memory_space<hbm>>
      %dma_wait3A_683 = arith.constant 14336 : i32
      %dma_wait3A_684 = tpu.memref_slice %arg3[%dma_wait3A_683] : memref<40960xi32, #tpu.memory_space<hbm>> -> memref<2048xi32, #tpu.memory_space<hbm>>
      tpu.wait_dma2 semaphore(%run_scoped3A : memref<!tpu.dma_semaphore, #tpu.memory_space<semaphore_mem>>) src(%dma_wait3A_684 : memref<2048xi32, #tpu.memory_space<hbm>>) dst(%arg6 : memref<2048xi32, #tpu.memory_space<vmem>>)
      tpu.yield
    }) : () -> ()
    %scan3A_547 = arith.constant 0 : i32
    %scan3A_548 = arith.constant 0 : i32
    %scan3A_549 = arith.constant 128 : i32
    %scan3A_550 = arith.addi %scan3A_548, %scan3A_549 : i32
    %scan3A_551 = arith.constant 1 : i32
    %scan3A_552 = scf.for %scan3A_679 = %scan3A_548 to %scan3A_550 step %scan3A_551 iter_args(%scan3A_680 = %scan3A_547) -> (i32)  : i32 {
      %mul3A_681 = arith.constant 16 : i32
      %mul3A_682 = arith.muli %scan3A_679, %mul3A_681 : i32
      %get3A = arith.index_cast %mul3A_682 : i32 to index
      %get3A_683 = tpu.vector_load %arg6[%get3A] {strides = array<i32>} : memref<2048xi32, #tpu.memory_space<vmem>>, vector<16xi32>,
      %sub3A_684 = vector.broadcast %add3A_40 : i32 to vector<16xi32>
      %sub3A_685 = arith.subi %get3A_683, %sub3A_684 : vector<16xi32>
      %mul3A_686 = arith.constant 16 : i32
      %mul3A_687 = arith.muli %scan3A_679, %mul3A_686 : i32
      %add3A_688 = arith.constant 14336 : i32
      %add3A_689 = arith.addi %add3A_688, %mul3A_687 : i32
      %add3A_690 = vector.broadcast %add3A_689 : i32 to vector<16xi32>
      %add3A_691 = arith.addi %add3A_690, %iota3A : vector<16xi32>
      %ge3A = arith.constant 0 : i32
      %ge3A_692 = vector.broadcast %ge3A : i32 to vector<16xi32>
      %ge3A_693 = arith.cmpi sge, %sub3A_685, %ge3A_692 : vector<16xi32>
      %lt3A_694 = vector.broadcast %select_n3A_14 : i32 to vector<16xi32>
      %lt3A_695 = arith.cmpi slt, %sub3A_685, %lt3A_694 : vector<16xi32>
      %and3A_696 = arith.andi %ge3A_693, %lt3A_695 : vector<16xi1>
      %lt3A_697 = arith.constant 40000 : i32
      %lt3A_698 = vector.broadcast %lt3A_697 : i32 to vector<16xi32>
      %lt3A_699 = arith.cmpi slt, %add3A_691, %lt3A_698 : vector<16xi32>
      %and3A_700 = arith.andi %and3A_696, %lt3A_699 : vector<16xi1>
      tpu.vector_store_idx %arg5[%sub3A_685], %add3A_691 masked %and3A_700 : memref<14592xi32, #tpu.memory_space<vmem>>[vector<16xi32>], vector<16xi32>, vector<16xi1>
      %scan3A_701 = arith.constant 0 : i32
      scf.yield %scan3A_701 : i32
    }
    %scan3A_553 = arith.constant 128 : i32
    "tpu.region"() ({
      %run_scoped3A = tpu.sem_alloc : memref<!tpu.dma_semaphore, #tpu.memory_space<semaphore_mem>>
      %dma_start3A = arith.constant 16384 : i32
      %dma_start3A_679 = tpu.memref_slice %arg3[%dma_start3A] : memref<40960xi32, #tpu.memory_space<hbm>> -> memref<2048xi32, #tpu.memory_space<hbm>>
      %dma_start3A_680 = arith.constant 16384 : i32
      %dma_start3A_681 = tpu.memref_slice %arg3[%dma_start3A_680] : memref<40960xi32, #tpu.memory_space<hbm>> -> memref<2048xi32, #tpu.memory_space<hbm>>
      tpu.enqueue_dma source(%dma_start3A_681 : memref<2048xi32, #tpu.memory_space<hbm>>) target(%arg6 : memref<2048xi32, #tpu.memory_space<vmem>>) target_semaphore(%run_scoped3A : memref<!tpu.dma_semaphore, #tpu.memory_space<semaphore_mem>>)
      %dma_wait3A = arith.constant 16384 : i32
      %dma_wait3A_682 = tpu.memref_slice %arg3[%dma_wait3A] : memref<40960xi32, #tpu.memory_space<hbm>> -> memref<2048xi32, #tpu.memory_space<hbm>>
      %dma_wait3A_683 = arith.constant 16384 : i32
      %dma_wait3A_684 = tpu.memref_slice %arg3[%dma_wait3A_683] : memref<40960xi32, #tpu.memory_space<hbm>> -> memref<2048xi32, #tpu.memory_space<hbm>>
      tpu.wait_dma2 semaphore(%run_scoped3A : memref<!tpu.dma_semaphore, #tpu.memory_space<semaphore_mem>>) src(%dma_wait3A_684 : memref<2048xi32, #tpu.memory_space<hbm>>) dst(%arg6 : memref<2048xi32, #tpu.memory_space<vmem>>)
      tpu.yield
    }) : () -> ()
    %scan3A_554 = arith.constant 0 : i32
    %scan3A_555 = arith.constant 0 : i32
    %scan3A_556 = arith.constant 128 : i32
    %scan3A_557 = arith.addi %scan3A_555, %scan3A_556 : i32
    %scan3A_558 = arith.constant 1 : i32
    %scan3A_559 = scf.for %scan3A_679 = %scan3A_555 to %scan3A_557 step %scan3A_558 iter_args(%scan3A_680 = %scan3A_554) -> (i32)  : i32 {
      %mul3A_681 = arith.constant 16 : i32
      %mul3A_682 = arith.muli %scan3A_679, %mul3A_681 : i32
      %get3A = arith.index_cast %mul3A_682 : i32 to index
      %get3A_683 = tpu.vector_load %arg6[%get3A] {strides = array<i32>} : memref<2048xi32, #tpu.memory_space<vmem>>, vector<16xi32>,
      %sub3A_684 = vector.broadcast %add3A_40 : i32 to vector<16xi32>
      %sub3A_685 = arith.subi %get3A_683, %sub3A_684 : vector<16xi32>
      %mul3A_686 = arith.constant 16 : i32
      %mul3A_687 = arith.muli %scan3A_679, %mul3A_686 : i32
      %add3A_688 = arith.constant 16384 : i32
      %add3A_689 = arith.addi %add3A_688, %mul3A_687 : i32
      %add3A_690 = vector.broadcast %add3A_689 : i32 to vector<16xi32>
      %add3A_691 = arith.addi %add3A_690, %iota3A : vector<16xi32>
      %ge3A = arith.constant 0 : i32
      %ge3A_692 = vector.broadcast %ge3A : i32 to vector<16xi32>
      %ge3A_693 = arith.cmpi sge, %sub3A_685, %ge3A_692 : vector<16xi32>
      %lt3A_694 = vector.broadcast %select_n3A_14 : i32 to vector<16xi32>
      %lt3A_695 = arith.cmpi slt, %sub3A_685, %lt3A_694 : vector<16xi32>
      %and3A_696 = arith.andi %ge3A_693, %lt3A_695 : vector<16xi1>
      %lt3A_697 = arith.constant 40000 : i32
      %lt3A_698 = vector.broadcast %lt3A_697 : i32 to vector<16xi32>
      %lt3A_699 = arith.cmpi slt, %add3A_691, %lt3A_698 : vector<16xi32>
      %and3A_700 = arith.andi %and3A_696, %lt3A_699 : vector<16xi1>
      tpu.vector_store_idx %arg5[%sub3A_685], %add3A_691 masked %and3A_700 : memref<14592xi32, #tpu.memory_space<vmem>>[vector<16xi32>], vector<16xi32>, vector<16xi1>
      %scan3A_701 = arith.constant 0 : i32
      scf.yield %scan3A_701 : i32
    }
    %scan3A_560 = arith.constant 128 : i32
    "tpu.region"() ({
      %run_scoped3A = tpu.sem_alloc : memref<!tpu.dma_semaphore, #tpu.memory_space<semaphore_mem>>
      %dma_start3A = arith.constant 18432 : i32
      %dma_start3A_679 = tpu.memref_slice %arg3[%dma_start3A] : memref<40960xi32, #tpu.memory_space<hbm>> -> memref<2048xi32, #tpu.memory_space<hbm>>
      %dma_start3A_680 = arith.constant 18432 : i32
      %dma_start3A_681 = tpu.memref_slice %arg3[%dma_start3A_680] : memref<40960xi32, #tpu.memory_space<hbm>> -> memref<2048xi32, #tpu.memory_space<hbm>>
      tpu.enqueue_dma source(%dma_start3A_681 : memref<2048xi32, #tpu.memory_space<hbm>>) target(%arg6 : memref<2048xi32, #tpu.memory_space<vmem>>) target_semaphore(%run_scoped3A : memref<!tpu.dma_semaphore, #tpu.memory_space<semaphore_mem>>)
      %dma_wait3A = arith.constant 18432 : i32
      %dma_wait3A_682 = tpu.memref_slice %arg3[%dma_wait3A] : memref<40960xi32, #tpu.memory_space<hbm>> -> memref<2048xi32, #tpu.memory_space<hbm>>
      %dma_wait3A_683 = arith.constant 18432 : i32
      %dma_wait3A_684 = tpu.memref_slice %arg3[%dma_wait3A_683] : memref<40960xi32, #tpu.memory_space<hbm>> -> memref<2048xi32, #tpu.memory_space<hbm>>
      tpu.wait_dma2 semaphore(%run_scoped3A : memref<!tpu.dma_semaphore, #tpu.memory_space<semaphore_mem>>) src(%dma_wait3A_684 : memref<2048xi32, #tpu.memory_space<hbm>>) dst(%arg6 : memref<2048xi32, #tpu.memory_space<vmem>>)
      tpu.yield
    }) : () -> ()
    %scan3A_561 = arith.constant 0 : i32
    %scan3A_562 = arith.constant 0 : i32
    %scan3A_563 = arith.constant 128 : i32
    %scan3A_564 = arith.addi %scan3A_562, %scan3A_563 : i32
    %scan3A_565 = arith.constant 1 : i32
    %scan3A_566 = scf.for %scan3A_679 = %scan3A_562 to %scan3A_564 step %scan3A_565 iter_args(%scan3A_680 = %scan3A_561) -> (i32)  : i32 {
      %mul3A_681 = arith.constant 16 : i32
      %mul3A_682 = arith.muli %scan3A_679, %mul3A_681 : i32
      %get3A = arith.index_cast %mul3A_682 : i32 to index
      %get3A_683 = tpu.vector_load %arg6[%get3A] {strides = array<i32>} : memref<2048xi32, #tpu.memory_space<vmem>>, vector<16xi32>,
      %sub3A_684 = vector.broadcast %add3A_40 : i32 to vector<16xi32>
      %sub3A_685 = arith.subi %get3A_683, %sub3A_684 : vector<16xi32>
      %mul3A_686 = arith.constant 16 : i32
      %mul3A_687 = arith.muli %scan3A_679, %mul3A_686 : i32
      %add3A_688 = arith.constant 18432 : i32
      %add3A_689 = arith.addi %add3A_688, %mul3A_687 : i32
      %add3A_690 = vector.broadcast %add3A_689 : i32 to vector<16xi32>
      %add3A_691 = arith.addi %add3A_690, %iota3A : vector<16xi32>
      %ge3A = arith.constant 0 : i32
      %ge3A_692 = vector.broadcast %ge3A : i32 to vector<16xi32>
      %ge3A_693 = arith.cmpi sge, %sub3A_685, %ge3A_692 : vector<16xi32>
      %lt3A_694 = vector.broadcast %select_n3A_14 : i32 to vector<16xi32>
      %lt3A_695 = arith.cmpi slt, %sub3A_685, %lt3A_694 : vector<16xi32>
      %and3A_696 = arith.andi %ge3A_693, %lt3A_695 : vector<16xi1>
      %lt3A_697 = arith.constant 40000 : i32
      %lt3A_698 = vector.broadcast %lt3A_697 : i32 to vector<16xi32>
      %lt3A_699 = arith.cmpi slt, %add3A_691, %lt3A_698 : vector<16xi32>
      %and3A_700 = arith.andi %and3A_696, %lt3A_699 : vector<16xi1>
      tpu.vector_store_idx %arg5[%sub3A_685], %add3A_691 masked %and3A_700 : memref<14592xi32, #tpu.memory_space<vmem>>[vector<16xi32>], vector<16xi32>, vector<16xi1>
      %scan3A_701 = arith.constant 0 : i32
      scf.yield %scan3A_701 : i32
    }
    %scan3A_567 = arith.constant 128 : i32
    "tpu.region"() ({
      %run_scoped3A = tpu.sem_alloc : memref<!tpu.dma_semaphore, #tpu.memory_space<semaphore_mem>>
      %dma_start3A = arith.constant 20480 : i32
      %dma_start3A_679 = tpu.memref_slice %arg3[%dma_start3A] : memref<40960xi32, #tpu.memory_space<hbm>> -> memref<2048xi32, #tpu.memory_space<hbm>>
      %dma_start3A_680 = arith.constant 20480 : i32
      %dma_start3A_681 = tpu.memref_slice %arg3[%dma_start3A_680] : memref<40960xi32, #tpu.memory_space<hbm>> -> memref<2048xi32, #tpu.memory_space<hbm>>
      tpu.enqueue_dma source(%dma_start3A_681 : memref<2048xi32, #tpu.memory_space<hbm>>) target(%arg6 : memref<2048xi32, #tpu.memory_space<vmem>>) target_semaphore(%run_scoped3A : memref<!tpu.dma_semaphore, #tpu.memory_space<semaphore_mem>>)
      %dma_wait3A = arith.constant 20480 : i32
      %dma_wait3A_682 = tpu.memref_slice %arg3[%dma_wait3A] : memref<40960xi32, #tpu.memory_space<hbm>> -> memref<2048xi32, #tpu.memory_space<hbm>>
      %dma_wait3A_683 = arith.constant 20480 : i32
      %dma_wait3A_684 = tpu.memref_slice %arg3[%dma_wait3A_683] : memref<40960xi32, #tpu.memory_space<hbm>> -> memref<2048xi32, #tpu.memory_space<hbm>>
      tpu.wait_dma2 semaphore(%run_scoped3A : memref<!tpu.dma_semaphore, #tpu.memory_space<semaphore_mem>>) src(%dma_wait3A_684 : memref<2048xi32, #tpu.memory_space<hbm>>) dst(%arg6 : memref<2048xi32, #tpu.memory_space<vmem>>)
      tpu.yield
    }) : () -> ()
    %scan3A_568 = arith.constant 0 : i32
    %scan3A_569 = arith.constant 0 : i32
    %scan3A_570 = arith.constant 128 : i32
    %scan3A_571 = arith.addi %scan3A_569, %scan3A_570 : i32
    %scan3A_572 = arith.constant 1 : i32
    %scan3A_573 = scf.for %scan3A_679 = %scan3A_569 to %scan3A_571 step %scan3A_572 iter_args(%scan3A_680 = %scan3A_568) -> (i32)  : i32 {
      %mul3A_681 = arith.constant 16 : i32
      %mul3A_682 = arith.muli %scan3A_679, %mul3A_681 : i32
      %get3A = arith.index_cast %mul3A_682 : i32 to index
      %get3A_683 = tpu.vector_load %arg6[%get3A] {strides = array<i32>} : memref<2048xi32, #tpu.memory_space<vmem>>, vector<16xi32>,
      %sub3A_684 = vector.broadcast %add3A_40 : i32 to vector<16xi32>
      %sub3A_685 = arith.subi %get3A_683, %sub3A_684 : vector<16xi32>
      %mul3A_686 = arith.constant 16 : i32
      %mul3A_687 = arith.muli %scan3A_679, %mul3A_686 : i32
      %add3A_688 = arith.constant 20480 : i32
      %add3A_689 = arith.addi %add3A_688, %mul3A_687 : i32
      %add3A_690 = vector.broadcast %add3A_689 : i32 to vector<16xi32>
      %add3A_691 = arith.addi %add3A_690, %iota3A : vector<16xi32>
      %ge3A = arith.constant 0 : i32
      %ge3A_692 = vector.broadcast %ge3A : i32 to vector<16xi32>
      %ge3A_693 = arith.cmpi sge, %sub3A_685, %ge3A_692 : vector<16xi32>
      %lt3A_694 = vector.broadcast %select_n3A_14 : i32 to vector<16xi32>
      %lt3A_695 = arith.cmpi slt, %sub3A_685, %lt3A_694 : vector<16xi32>
      %and3A_696 = arith.andi %ge3A_693, %lt3A_695 : vector<16xi1>
      %lt3A_697 = arith.constant 40000 : i32
      %lt3A_698 = vector.broadcast %lt3A_697 : i32 to vector<16xi32>
      %lt3A_699 = arith.cmpi slt, %add3A_691, %lt3A_698 : vector<16xi32>
      %and3A_700 = arith.andi %and3A_696, %lt3A_699 : vector<16xi1>
      tpu.vector_store_idx %arg5[%sub3A_685], %add3A_691 masked %and3A_700 : memref<14592xi32, #tpu.memory_space<vmem>>[vector<16xi32>], vector<16xi32>, vector<16xi1>
      %scan3A_701 = arith.constant 0 : i32
      scf.yield %scan3A_701 : i32
    }
    %scan3A_574 = arith.constant 128 : i32
    "tpu.region"() ({
      %run_scoped3A = tpu.sem_alloc : memref<!tpu.dma_semaphore, #tpu.memory_space<semaphore_mem>>
      %dma_start3A = arith.constant 22528 : i32
      %dma_start3A_679 = tpu.memref_slice %arg3[%dma_start3A] : memref<40960xi32, #tpu.memory_space<hbm>> -> memref<2048xi32, #tpu.memory_space<hbm>>
      %dma_start3A_680 = arith.constant 22528 : i32
      %dma_start3A_681 = tpu.memref_slice %arg3[%dma_start3A_680] : memref<40960xi32, #tpu.memory_space<hbm>> -> memref<2048xi32, #tpu.memory_space<hbm>>
      tpu.enqueue_dma source(%dma_start3A_681 : memref<2048xi32, #tpu.memory_space<hbm>>) target(%arg6 : memref<2048xi32, #tpu.memory_space<vmem>>) target_semaphore(%run_scoped3A : memref<!tpu.dma_semaphore, #tpu.memory_space<semaphore_mem>>)
      %dma_wait3A = arith.constant 22528 : i32
      %dma_wait3A_682 = tpu.memref_slice %arg3[%dma_wait3A] : memref<40960xi32, #tpu.memory_space<hbm>> -> memref<2048xi32, #tpu.memory_space<hbm>>
      %dma_wait3A_683 = arith.constant 22528 : i32
      %dma_wait3A_684 = tpu.memref_slice %arg3[%dma_wait3A_683] : memref<40960xi32, #tpu.memory_space<hbm>> -> memref<2048xi32, #tpu.memory_space<hbm>>
      tpu.wait_dma2 semaphore(%run_scoped3A : memref<!tpu.dma_semaphore, #tpu.memory_space<semaphore_mem>>) src(%dma_wait3A_684 : memref<2048xi32, #tpu.memory_space<hbm>>) dst(%arg6 : memref<2048xi32, #tpu.memory_space<vmem>>)
      tpu.yield
    }) : () -> ()
    %scan3A_575 = arith.constant 0 : i32
    %scan3A_576 = arith.constant 0 : i32
    %scan3A_577 = arith.constant 128 : i32
    %scan3A_578 = arith.addi %scan3A_576, %scan3A_577 : i32
    %scan3A_579 = arith.constant 1 : i32
    %scan3A_580 = scf.for %scan3A_679 = %scan3A_576 to %scan3A_578 step %scan3A_579 iter_args(%scan3A_680 = %scan3A_575) -> (i32)  : i32 {
      %mul3A_681 = arith.constant 16 : i32
      %mul3A_682 = arith.muli %scan3A_679, %mul3A_681 : i32
      %get3A = arith.index_cast %mul3A_682 : i32 to index
      %get3A_683 = tpu.vector_load %arg6[%get3A] {strides = array<i32>} : memref<2048xi32, #tpu.memory_space<vmem>>, vector<16xi32>,
      %sub3A_684 = vector.broadcast %add3A_40 : i32 to vector<16xi32>
      %sub3A_685 = arith.subi %get3A_683, %sub3A_684 : vector<16xi32>
      %mul3A_686 = arith.constant 16 : i32
      %mul3A_687 = arith.muli %scan3A_679, %mul3A_686 : i32
      %add3A_688 = arith.constant 22528 : i32
      %add3A_689 = arith.addi %add3A_688, %mul3A_687 : i32
      %add3A_690 = vector.broadcast %add3A_689 : i32 to vector<16xi32>
      %add3A_691 = arith.addi %add3A_690, %iota3A : vector<16xi32>
      %ge3A = arith.constant 0 : i32
      %ge3A_692 = vector.broadcast %ge3A : i32 to vector<16xi32>
      %ge3A_693 = arith.cmpi sge, %sub3A_685, %ge3A_692 : vector<16xi32>
      %lt3A_694 = vector.broadcast %select_n3A_14 : i32 to vector<16xi32>
      %lt3A_695 = arith.cmpi slt, %sub3A_685, %lt3A_694 : vector<16xi32>
      %and3A_696 = arith.andi %ge3A_693, %lt3A_695 : vector<16xi1>
      %lt3A_697 = arith.constant 40000 : i32
      %lt3A_698 = vector.broadcast %lt3A_697 : i32 to vector<16xi32>
      %lt3A_699 = arith.cmpi slt, %add3A_691, %lt3A_698 : vector<16xi32>
      %and3A_700 = arith.andi %and3A_696, %lt3A_699 : vector<16xi1>
      tpu.vector_store_idx %arg5[%sub3A_685], %add3A_691 masked %and3A_700 : memref<14592xi32, #tpu.memory_space<vmem>>[vector<16xi32>], vector<16xi32>, vector<16xi1>
      %scan3A_701 = arith.constant 0 : i32
      scf.yield %scan3A_701 : i32
    }
    %scan3A_581 = arith.constant 128 : i32
    "tpu.region"() ({
      %run_scoped3A = tpu.sem_alloc : memref<!tpu.dma_semaphore, #tpu.memory_space<semaphore_mem>>
      %dma_start3A = arith.constant 24576 : i32
      %dma_start3A_679 = tpu.memref_slice %arg3[%dma_start3A] : memref<40960xi32, #tpu.memory_space<hbm>> -> memref<2048xi32, #tpu.memory_space<hbm>>
      %dma_start3A_680 = arith.constant 24576 : i32
      %dma_start3A_681 = tpu.memref_slice %arg3[%dma_start3A_680] : memref<40960xi32, #tpu.memory_space<hbm>> -> memref<2048xi32, #tpu.memory_space<hbm>>
      tpu.enqueue_dma source(%dma_start3A_681 : memref<2048xi32, #tpu.memory_space<hbm>>) target(%arg6 : memref<2048xi32, #tpu.memory_space<vmem>>) target_semaphore(%run_scoped3A : memref<!tpu.dma_semaphore, #tpu.memory_space<semaphore_mem>>)
      %dma_wait3A = arith.constant 24576 : i32
      %dma_wait3A_682 = tpu.memref_slice %arg3[%dma_wait3A] : memref<40960xi32, #tpu.memory_space<hbm>> -> memref<2048xi32, #tpu.memory_space<hbm>>
      %dma_wait3A_683 = arith.constant 24576 : i32
      %dma_wait3A_684 = tpu.memref_slice %arg3[%dma_wait3A_683] : memref<40960xi32, #tpu.memory_space<hbm>> -> memref<2048xi32, #tpu.memory_space<hbm>>
      tpu.wait_dma2 semaphore(%run_scoped3A : memref<!tpu.dma_semaphore, #tpu.memory_space<semaphore_mem>>) src(%dma_wait3A_684 : memref<2048xi32, #tpu.memory_space<hbm>>) dst(%arg6 : memref<2048xi32, #tpu.memory_space<vmem>>)
      tpu.yield
    }) : () -> ()
    %scan3A_582 = arith.constant 0 : i32
    %scan3A_583 = arith.constant 0 : i32
    %scan3A_584 = arith.constant 128 : i32
    %scan3A_585 = arith.addi %scan3A_583, %scan3A_584 : i32
    %scan3A_586 = arith.constant 1 : i32
    %scan3A_587 = scf.for %scan3A_679 = %scan3A_583 to %scan3A_585 step %scan3A_586 iter_args(%scan3A_680 = %scan3A_582) -> (i32)  : i32 {
      %mul3A_681 = arith.constant 16 : i32
      %mul3A_682 = arith.muli %scan3A_679, %mul3A_681 : i32
      %get3A = arith.index_cast %mul3A_682 : i32 to index
      %get3A_683 = tpu.vector_load %arg6[%get3A] {strides = array<i32>} : memref<2048xi32, #tpu.memory_space<vmem>>, vector<16xi32>,
      %sub3A_684 = vector.broadcast %add3A_40 : i32 to vector<16xi32>
      %sub3A_685 = arith.subi %get3A_683, %sub3A_684 : vector<16xi32>
      %mul3A_686 = arith.constant 16 : i32
      %mul3A_687 = arith.muli %scan3A_679, %mul3A_686 : i32
      %add3A_688 = arith.constant 24576 : i32
      %add3A_689 = arith.addi %add3A_688, %mul3A_687 : i32
      %add3A_690 = vector.broadcast %add3A_689 : i32 to vector<16xi32>
      %add3A_691 = arith.addi %add3A_690, %iota3A : vector<16xi32>
      %ge3A = arith.constant 0 : i32
      %ge3A_692 = vector.broadcast %ge3A : i32 to vector<16xi32>
      %ge3A_693 = arith.cmpi sge, %sub3A_685, %ge3A_692 : vector<16xi32>
      %lt3A_694 = vector.broadcast %select_n3A_14 : i32 to vector<16xi32>
      %lt3A_695 = arith.cmpi slt, %sub3A_685, %lt3A_694 : vector<16xi32>
      %and3A_696 = arith.andi %ge3A_693, %lt3A_695 : vector<16xi1>
      %lt3A_697 = arith.constant 40000 : i32
      %lt3A_698 = vector.broadcast %lt3A_697 : i32 to vector<16xi32>
      %lt3A_699 = arith.cmpi slt, %add3A_691, %lt3A_698 : vector<16xi32>
      %and3A_700 = arith.andi %and3A_696, %lt3A_699 : vector<16xi1>
      tpu.vector_store_idx %arg5[%sub3A_685], %add3A_691 masked %and3A_700 : memref<14592xi32, #tpu.memory_space<vmem>>[vector<16xi32>], vector<16xi32>, vector<16xi1>
      %scan3A_701 = arith.constant 0 : i32
      scf.yield %scan3A_701 : i32
    }
    %scan3A_588 = arith.constant 128 : i32
    "tpu.region"() ({
      %run_scoped3A = tpu.sem_alloc : memref<!tpu.dma_semaphore, #tpu.memory_space<semaphore_mem>>
      %dma_start3A = arith.constant 26624 : i32
      %dma_start3A_679 = tpu.memref_slice %arg3[%dma_start3A] : memref<40960xi32, #tpu.memory_space<hbm>> -> memref<2048xi32, #tpu.memory_space<hbm>>
      %dma_start3A_680 = arith.constant 26624 : i32
      %dma_start3A_681 = tpu.memref_slice %arg3[%dma_start3A_680] : memref<40960xi32, #tpu.memory_space<hbm>> -> memref<2048xi32, #tpu.memory_space<hbm>>
      tpu.enqueue_dma source(%dma_start3A_681 : memref<2048xi32, #tpu.memory_space<hbm>>) target(%arg6 : memref<2048xi32, #tpu.memory_space<vmem>>) target_semaphore(%run_scoped3A : memref<!tpu.dma_semaphore, #tpu.memory_space<semaphore_mem>>)
      %dma_wait3A = arith.constant 26624 : i32
      %dma_wait3A_682 = tpu.memref_slice %arg3[%dma_wait3A] : memref<40960xi32, #tpu.memory_space<hbm>> -> memref<2048xi32, #tpu.memory_space<hbm>>
      %dma_wait3A_683 = arith.constant 26624 : i32
      %dma_wait3A_684 = tpu.memref_slice %arg3[%dma_wait3A_683] : memref<40960xi32, #tpu.memory_space<hbm>> -> memref<2048xi32, #tpu.memory_space<hbm>>
      tpu.wait_dma2 semaphore(%run_scoped3A : memref<!tpu.dma_semaphore, #tpu.memory_space<semaphore_mem>>) src(%dma_wait3A_684 : memref<2048xi32, #tpu.memory_space<hbm>>) dst(%arg6 : memref<2048xi32, #tpu.memory_space<vmem>>)
      tpu.yield
    }) : () -> ()
    %scan3A_589 = arith.constant 0 : i32
    %scan3A_590 = arith.constant 0 : i32
    %scan3A_591 = arith.constant 128 : i32
    %scan3A_592 = arith.addi %scan3A_590, %scan3A_591 : i32
    %scan3A_593 = arith.constant 1 : i32
    %scan3A_594 = scf.for %scan3A_679 = %scan3A_590 to %scan3A_592 step %scan3A_593 iter_args(%scan3A_680 = %scan3A_589) -> (i32)  : i32 {
      %mul3A_681 = arith.constant 16 : i32
      %mul3A_682 = arith.muli %scan3A_679, %mul3A_681 : i32
      %get3A = arith.index_cast %mul3A_682 : i32 to index
      %get3A_683 = tpu.vector_load %arg6[%get3A] {strides = array<i32>} : memref<2048xi32, #tpu.memory_space<vmem>>, vector<16xi32>,
      %sub3A_684 = vector.broadcast %add3A_40 : i32 to vector<16xi32>
      %sub3A_685 = arith.subi %get3A_683, %sub3A_684 : vector<16xi32>
      %mul3A_686 = arith.constant 16 : i32
      %mul3A_687 = arith.muli %scan3A_679, %mul3A_686 : i32
      %add3A_688 = arith.constant 26624 : i32
      %add3A_689 = arith.addi %add3A_688, %mul3A_687 : i32
      %add3A_690 = vector.broadcast %add3A_689 : i32 to vector<16xi32>
      %add3A_691 = arith.addi %add3A_690, %iota3A : vector<16xi32>
      %ge3A = arith.constant 0 : i32
      %ge3A_692 = vector.broadcast %ge3A : i32 to vector<16xi32>
      %ge3A_693 = arith.cmpi sge, %sub3A_685, %ge3A_692 : vector<16xi32>
      %lt3A_694 = vector.broadcast %select_n3A_14 : i32 to vector<16xi32>
      %lt3A_695 = arith.cmpi slt, %sub3A_685, %lt3A_694 : vector<16xi32>
      %and3A_696 = arith.andi %ge3A_693, %lt3A_695 : vector<16xi1>
      %lt3A_697 = arith.constant 40000 : i32
      %lt3A_698 = vector.broadcast %lt3A_697 : i32 to vector<16xi32>
      %lt3A_699 = arith.cmpi slt, %add3A_691, %lt3A_698 : vector<16xi32>
      %and3A_700 = arith.andi %and3A_696, %lt3A_699 : vector<16xi1>
      tpu.vector_store_idx %arg5[%sub3A_685], %add3A_691 masked %and3A_700 : memref<14592xi32, #tpu.memory_space<vmem>>[vector<16xi32>], vector<16xi32>, vector<16xi1>
      %scan3A_701 = arith.constant 0 : i32
      scf.yield %scan3A_701 : i32
    }
    %scan3A_595 = arith.constant 128 : i32
    "tpu.region"() ({
      %run_scoped3A = tpu.sem_alloc : memref<!tpu.dma_semaphore, #tpu.memory_space<semaphore_mem>>
      %dma_start3A = arith.constant 28672 : i32
      %dma_start3A_679 = tpu.memref_slice %arg3[%dma_start3A] : memref<40960xi32, #tpu.memory_space<hbm>> -> memref<2048xi32, #tpu.memory_space<hbm>>
      %dma_start3A_680 = arith.constant 28672 : i32
      %dma_start3A_681 = tpu.memref_slice %arg3[%dma_start3A_680] : memref<40960xi32, #tpu.memory_space<hbm>> -> memref<2048xi32, #tpu.memory_space<hbm>>
      tpu.enqueue_dma source(%dma_start3A_681 : memref<2048xi32, #tpu.memory_space<hbm>>) target(%arg6 : memref<2048xi32, #tpu.memory_space<vmem>>) target_semaphore(%run_scoped3A : memref<!tpu.dma_semaphore, #tpu.memory_space<semaphore_mem>>)
      %dma_wait3A = arith.constant 28672 : i32
      %dma_wait3A_682 = tpu.memref_slice %arg3[%dma_wait3A] : memref<40960xi32, #tpu.memory_space<hbm>> -> memref<2048xi32, #tpu.memory_space<hbm>>
      %dma_wait3A_683 = arith.constant 28672 : i32
      %dma_wait3A_684 = tpu.memref_slice %arg3[%dma_wait3A_683] : memref<40960xi32, #tpu.memory_space<hbm>> -> memref<2048xi32, #tpu.memory_space<hbm>>
      tpu.wait_dma2 semaphore(%run_scoped3A : memref<!tpu.dma_semaphore, #tpu.memory_space<semaphore_mem>>) src(%dma_wait3A_684 : memref<2048xi32, #tpu.memory_space<hbm>>) dst(%arg6 : memref<2048xi32, #tpu.memory_space<vmem>>)
      tpu.yield
    }) : () -> ()
    %scan3A_596 = arith.constant 0 : i32
    %scan3A_597 = arith.constant 0 : i32
    %scan3A_598 = arith.constant 128 : i32
    %scan3A_599 = arith.addi %scan3A_597, %scan3A_598 : i32
    %scan3A_600 = arith.constant 1 : i32
    %scan3A_601 = scf.for %scan3A_679 = %scan3A_597 to %scan3A_599 step %scan3A_600 iter_args(%scan3A_680 = %scan3A_596) -> (i32)  : i32 {
      %mul3A_681 = arith.constant 16 : i32
      %mul3A_682 = arith.muli %scan3A_679, %mul3A_681 : i32
      %get3A = arith.index_cast %mul3A_682 : i32 to index
      %get3A_683 = tpu.vector_load %arg6[%get3A] {strides = array<i32>} : memref<2048xi32, #tpu.memory_space<vmem>>, vector<16xi32>,
      %sub3A_684 = vector.broadcast %add3A_40 : i32 to vector<16xi32>
      %sub3A_685 = arith.subi %get3A_683, %sub3A_684 : vector<16xi32>
      %mul3A_686 = arith.constant 16 : i32
      %mul3A_687 = arith.muli %scan3A_679, %mul3A_686 : i32
      %add3A_688 = arith.constant 28672 : i32
      %add3A_689 = arith.addi %add3A_688, %mul3A_687 : i32
      %add3A_690 = vector.broadcast %add3A_689 : i32 to vector<16xi32>
      %add3A_691 = arith.addi %add3A_690, %iota3A : vector<16xi32>
      %ge3A = arith.constant 0 : i32
      %ge3A_692 = vector.broadcast %ge3A : i32 to vector<16xi32>
      %ge3A_693 = arith.cmpi sge, %sub3A_685, %ge3A_692 : vector<16xi32>
      %lt3A_694 = vector.broadcast %select_n3A_14 : i32 to vector<16xi32>
      %lt3A_695 = arith.cmpi slt, %sub3A_685, %lt3A_694 : vector<16xi32>
      %and3A_696 = arith.andi %ge3A_693, %lt3A_695 : vector<16xi1>
      %lt3A_697 = arith.constant 40000 : i32
      %lt3A_698 = vector.broadcast %lt3A_697 : i32 to vector<16xi32>
      %lt3A_699 = arith.cmpi slt, %add3A_691, %lt3A_698 : vector<16xi32>
      %and3A_700 = arith.andi %and3A_696, %lt3A_699 : vector<16xi1>
      tpu.vector_store_idx %arg5[%sub3A_685], %add3A_691 masked %and3A_700 : memref<14592xi32, #tpu.memory_space<vmem>>[vector<16xi32>], vector<16xi32>, vector<16xi1>
      %scan3A_701 = arith.constant 0 : i32
      scf.yield %scan3A_701 : i32
    }
    %scan3A_602 = arith.constant 128 : i32
    "tpu.region"() ({
      %run_scoped3A = tpu.sem_alloc : memref<!tpu.dma_semaphore, #tpu.memory_space<semaphore_mem>>
      %dma_start3A = arith.constant 30720 : i32
      %dma_start3A_679 = tpu.memref_slice %arg3[%dma_start3A] : memref<40960xi32, #tpu.memory_space<hbm>> -> memref<2048xi32, #tpu.memory_space<hbm>>
      %dma_start3A_680 = arith.constant 30720 : i32
      %dma_start3A_681 = tpu.memref_slice %arg3[%dma_start3A_680] : memref<40960xi32, #tpu.memory_space<hbm>> -> memref<2048xi32, #tpu.memory_space<hbm>>
      tpu.enqueue_dma source(%dma_start3A_681 : memref<2048xi32, #tpu.memory_space<hbm>>) target(%arg6 : memref<2048xi32, #tpu.memory_space<vmem>>) target_semaphore(%run_scoped3A : memref<!tpu.dma_semaphore, #tpu.memory_space<semaphore_mem>>)
      %dma_wait3A = arith.constant 30720 : i32
      %dma_wait3A_682 = tpu.memref_slice %arg3[%dma_wait3A] : memref<40960xi32, #tpu.memory_space<hbm>> -> memref<2048xi32, #tpu.memory_space<hbm>>
      %dma_wait3A_683 = arith.constant 30720 : i32
      %dma_wait3A_684 = tpu.memref_slice %arg3[%dma_wait3A_683] : memref<40960xi32, #tpu.memory_space<hbm>> -> memref<2048xi32, #tpu.memory_space<hbm>>
      tpu.wait_dma2 semaphore(%run_scoped3A : memref<!tpu.dma_semaphore, #tpu.memory_space<semaphore_mem>>) src(%dma_wait3A_684 : memref<2048xi32, #tpu.memory_space<hbm>>) dst(%arg6 : memref<2048xi32, #tpu.memory_space<vmem>>)
      tpu.yield
    }) : () -> ()
    %scan3A_603 = arith.constant 0 : i32
    %scan3A_604 = arith.constant 0 : i32
    %scan3A_605 = arith.constant 128 : i32
    %scan3A_606 = arith.addi %scan3A_604, %scan3A_605 : i32
    %scan3A_607 = arith.constant 1 : i32
    %scan3A_608 = scf.for %scan3A_679 = %scan3A_604 to %scan3A_606 step %scan3A_607 iter_args(%scan3A_680 = %scan3A_603) -> (i32)  : i32 {
      %mul3A_681 = arith.constant 16 : i32
      %mul3A_682 = arith.muli %scan3A_679, %mul3A_681 : i32
      %get3A = arith.index_cast %mul3A_682 : i32 to index
      %get3A_683 = tpu.vector_load %arg6[%get3A] {strides = array<i32>} : memref<2048xi32, #tpu.memory_space<vmem>>, vector<16xi32>,
      %sub3A_684 = vector.broadcast %add3A_40 : i32 to vector<16xi32>
      %sub3A_685 = arith.subi %get3A_683, %sub3A_684 : vector<16xi32>
      %mul3A_686 = arith.constant 16 : i32
      %mul3A_687 = arith.muli %scan3A_679, %mul3A_686 : i32
      %add3A_688 = arith.constant 30720 : i32
      %add3A_689 = arith.addi %add3A_688, %mul3A_687 : i32
      %add3A_690 = vector.broadcast %add3A_689 : i32 to vector<16xi32>
      %add3A_691 = arith.addi %add3A_690, %iota3A : vector<16xi32>
      %ge3A = arith.constant 0 : i32
      %ge3A_692 = vector.broadcast %ge3A : i32 to vector<16xi32>
      %ge3A_693 = arith.cmpi sge, %sub3A_685, %ge3A_692 : vector<16xi32>
      %lt3A_694 = vector.broadcast %select_n3A_14 : i32 to vector<16xi32>
      %lt3A_695 = arith.cmpi slt, %sub3A_685, %lt3A_694 : vector<16xi32>
      %and3A_696 = arith.andi %ge3A_693, %lt3A_695 : vector<16xi1>
      %lt3A_697 = arith.constant 40000 : i32
      %lt3A_698 = vector.broadcast %lt3A_697 : i32 to vector<16xi32>
      %lt3A_699 = arith.cmpi slt, %add3A_691, %lt3A_698 : vector<16xi32>
      %and3A_700 = arith.andi %and3A_696, %lt3A_699 : vector<16xi1>
      tpu.vector_store_idx %arg5[%sub3A_685], %add3A_691 masked %and3A_700 : memref<14592xi32, #tpu.memory_space<vmem>>[vector<16xi32>], vector<16xi32>, vector<16xi1>
      %scan3A_701 = arith.constant 0 : i32
      scf.yield %scan3A_701 : i32
    }
    %scan3A_609 = arith.constant 128 : i32
    "tpu.region"() ({
      %run_scoped3A = tpu.sem_alloc : memref<!tpu.dma_semaphore, #tpu.memory_space<semaphore_mem>>
      %dma_start3A = arith.constant 32768 : i32
      %dma_start3A_679 = tpu.memref_slice %arg3[%dma_start3A] : memref<40960xi32, #tpu.memory_space<hbm>> -> memref<2048xi32, #tpu.memory_space<hbm>>
      %dma_start3A_680 = arith.constant 32768 : i32
      %dma_start3A_681 = tpu.memref_slice %arg3[%dma_start3A_680] : memref<40960xi32, #tpu.memory_space<hbm>> -> memref<2048xi32, #tpu.memory_space<hbm>>
      tpu.enqueue_dma source(%dma_start3A_681 : memref<2048xi32, #tpu.memory_space<hbm>>) target(%arg6 : memref<2048xi32, #tpu.memory_space<vmem>>) target_semaphore(%run_scoped3A : memref<!tpu.dma_semaphore, #tpu.memory_space<semaphore_mem>>)
      %dma_wait3A = arith.constant 32768 : i32
      %dma_wait3A_682 = tpu.memref_slice %arg3[%dma_wait3A] : memref<40960xi32, #tpu.memory_space<hbm>> -> memref<2048xi32, #tpu.memory_space<hbm>>
      %dma_wait3A_683 = arith.constant 32768 : i32
      %dma_wait3A_684 = tpu.memref_slice %arg3[%dma_wait3A_683] : memref<40960xi32, #tpu.memory_space<hbm>> -> memref<2048xi32, #tpu.memory_space<hbm>>
      tpu.wait_dma2 semaphore(%run_scoped3A : memref<!tpu.dma_semaphore, #tpu.memory_space<semaphore_mem>>) src(%dma_wait3A_684 : memref<2048xi32, #tpu.memory_space<hbm>>) dst(%arg6 : memref<2048xi32, #tpu.memory_space<vmem>>)
      tpu.yield
    }) : () -> ()
    %scan3A_610 = arith.constant 0 : i32
    %scan3A_611 = arith.constant 0 : i32
    %scan3A_612 = arith.constant 128 : i32
    %scan3A_613 = arith.addi %scan3A_611, %scan3A_612 : i32
    %scan3A_614 = arith.constant 1 : i32
    %scan3A_615 = scf.for %scan3A_679 = %scan3A_611 to %scan3A_613 step %scan3A_614 iter_args(%scan3A_680 = %scan3A_610) -> (i32)  : i32 {
      %mul3A_681 = arith.constant 16 : i32
      %mul3A_682 = arith.muli %scan3A_679, %mul3A_681 : i32
      %get3A = arith.index_cast %mul3A_682 : i32 to index
      %get3A_683 = tpu.vector_load %arg6[%get3A] {strides = array<i32>} : memref<2048xi32, #tpu.memory_space<vmem>>, vector<16xi32>,
      %sub3A_684 = vector.broadcast %add3A_40 : i32 to vector<16xi32>
      %sub3A_685 = arith.subi %get3A_683, %sub3A_684 : vector<16xi32>
      %mul3A_686 = arith.constant 16 : i32
      %mul3A_687 = arith.muli %scan3A_679, %mul3A_686 : i32
      %add3A_688 = arith.constant 32768 : i32
      %add3A_689 = arith.addi %add3A_688, %mul3A_687 : i32
      %add3A_690 = vector.broadcast %add3A_689 : i32 to vector<16xi32>
      %add3A_691 = arith.addi %add3A_690, %iota3A : vector<16xi32>
      %ge3A = arith.constant 0 : i32
      %ge3A_692 = vector.broadcast %ge3A : i32 to vector<16xi32>
      %ge3A_693 = arith.cmpi sge, %sub3A_685, %ge3A_692 : vector<16xi32>
      %lt3A_694 = vector.broadcast %select_n3A_14 : i32 to vector<16xi32>
      %lt3A_695 = arith.cmpi slt, %sub3A_685, %lt3A_694 : vector<16xi32>
      %and3A_696 = arith.andi %ge3A_693, %lt3A_695 : vector<16xi1>
      %lt3A_697 = arith.constant 40000 : i32
      %lt3A_698 = vector.broadcast %lt3A_697 : i32 to vector<16xi32>
      %lt3A_699 = arith.cmpi slt, %add3A_691, %lt3A_698 : vector<16xi32>
      %and3A_700 = arith.andi %and3A_696, %lt3A_699 : vector<16xi1>
      tpu.vector_store_idx %arg5[%sub3A_685], %add3A_691 masked %and3A_700 : memref<14592xi32, #tpu.memory_space<vmem>>[vector<16xi32>], vector<16xi32>, vector<16xi1>
      %scan3A_701 = arith.constant 0 : i32
      scf.yield %scan3A_701 : i32
    }
    %scan3A_616 = arith.constant 128 : i32
    "tpu.region"() ({
      %run_scoped3A = tpu.sem_alloc : memref<!tpu.dma_semaphore, #tpu.memory_space<semaphore_mem>>
      %dma_start3A = arith.constant 34816 : i32
      %dma_start3A_679 = tpu.memref_slice %arg3[%dma_start3A] : memref<40960xi32, #tpu.memory_space<hbm>> -> memref<2048xi32, #tpu.memory_space<hbm>>
      %dma_start3A_680 = arith.constant 34816 : i32
      %dma_start3A_681 = tpu.memref_slice %arg3[%dma_start3A_680] : memref<40960xi32, #tpu.memory_space<hbm>> -> memref<2048xi32, #tpu.memory_space<hbm>>
      tpu.enqueue_dma source(%dma_start3A_681 : memref<2048xi32, #tpu.memory_space<hbm>>) target(%arg6 : memref<2048xi32, #tpu.memory_space<vmem>>) target_semaphore(%run_scoped3A : memref<!tpu.dma_semaphore, #tpu.memory_space<semaphore_mem>>)
      %dma_wait3A = arith.constant 34816 : i32
      %dma_wait3A_682 = tpu.memref_slice %arg3[%dma_wait3A] : memref<40960xi32, #tpu.memory_space<hbm>> -> memref<2048xi32, #tpu.memory_space<hbm>>
      %dma_wait3A_683 = arith.constant 34816 : i32
      %dma_wait3A_684 = tpu.memref_slice %arg3[%dma_wait3A_683] : memref<40960xi32, #tpu.memory_space<hbm>> -> memref<2048xi32, #tpu.memory_space<hbm>>
      tpu.wait_dma2 semaphore(%run_scoped3A : memref<!tpu.dma_semaphore, #tpu.memory_space<semaphore_mem>>) src(%dma_wait3A_684 : memref<2048xi32, #tpu.memory_space<hbm>>) dst(%arg6 : memref<2048xi32, #tpu.memory_space<vmem>>)
      tpu.yield
    }) : () -> ()
    %scan3A_617 = arith.constant 0 : i32
    %scan3A_618 = arith.constant 0 : i32
    %scan3A_619 = arith.constant 128 : i32
    %scan3A_620 = arith.addi %scan3A_618, %scan3A_619 : i32
    %scan3A_621 = arith.constant 1 : i32
    %scan3A_622 = scf.for %scan3A_679 = %scan3A_618 to %scan3A_620 step %scan3A_621 iter_args(%scan3A_680 = %scan3A_617) -> (i32)  : i32 {
      %mul3A_681 = arith.constant 16 : i32
      %mul3A_682 = arith.muli %scan3A_679, %mul3A_681 : i32
      %get3A = arith.index_cast %mul3A_682 : i32 to index
      %get3A_683 = tpu.vector_load %arg6[%get3A] {strides = array<i32>} : memref<2048xi32, #tpu.memory_space<vmem>>, vector<16xi32>,
      %sub3A_684 = vector.broadcast %add3A_40 : i32 to vector<16xi32>
      %sub3A_685 = arith.subi %get3A_683, %sub3A_684 : vector<16xi32>
      %mul3A_686 = arith.constant 16 : i32
      %mul3A_687 = arith.muli %scan3A_679, %mul3A_686 : i32
      %add3A_688 = arith.constant 34816 : i32
      %add3A_689 = arith.addi %add3A_688, %mul3A_687 : i32
      %add3A_690 = vector.broadcast %add3A_689 : i32 to vector<16xi32>
      %add3A_691 = arith.addi %add3A_690, %iota3A : vector<16xi32>
      %ge3A = arith.constant 0 : i32
      %ge3A_692 = vector.broadcast %ge3A : i32 to vector<16xi32>
      %ge3A_693 = arith.cmpi sge, %sub3A_685, %ge3A_692 : vector<16xi32>
      %lt3A_694 = vector.broadcast %select_n3A_14 : i32 to vector<16xi32>
      %lt3A_695 = arith.cmpi slt, %sub3A_685, %lt3A_694 : vector<16xi32>
      %and3A_696 = arith.andi %ge3A_693, %lt3A_695 : vector<16xi1>
      %lt3A_697 = arith.constant 40000 : i32
      %lt3A_698 = vector.broadcast %lt3A_697 : i32 to vector<16xi32>
      %lt3A_699 = arith.cmpi slt, %add3A_691, %lt3A_698 : vector<16xi32>
      %and3A_700 = arith.andi %and3A_696, %lt3A_699 : vector<16xi1>
      tpu.vector_store_idx %arg5[%sub3A_685], %add3A_691 masked %and3A_700 : memref<14592xi32, #tpu.memory_space<vmem>>[vector<16xi32>], vector<16xi32>, vector<16xi1>
      %scan3A_701 = arith.constant 0 : i32
      scf.yield %scan3A_701 : i32
    }
    %scan3A_623 = arith.constant 128 : i32
    "tpu.region"() ({
      %run_scoped3A = tpu.sem_alloc : memref<!tpu.dma_semaphore, #tpu.memory_space<semaphore_mem>>
      %dma_start3A = arith.constant 36864 : i32
      %dma_start3A_679 = tpu.memref_slice %arg3[%dma_start3A] : memref<40960xi32, #tpu.memory_space<hbm>> -> memref<2048xi32, #tpu.memory_space<hbm>>
      %dma_start3A_680 = arith.constant 36864 : i32
      %dma_start3A_681 = tpu.memref_slice %arg3[%dma_start3A_680] : memref<40960xi32, #tpu.memory_space<hbm>> -> memref<2048xi32, #tpu.memory_space<hbm>>
      tpu.enqueue_dma source(%dma_start3A_681 : memref<2048xi32, #tpu.memory_space<hbm>>) target(%arg6 : memref<2048xi32, #tpu.memory_space<vmem>>) target_semaphore(%run_scoped3A : memref<!tpu.dma_semaphore, #tpu.memory_space<semaphore_mem>>)
      %dma_wait3A = arith.constant 36864 : i32
      %dma_wait3A_682 = tpu.memref_slice %arg3[%dma_wait3A] : memref<40960xi32, #tpu.memory_space<hbm>> -> memref<2048xi32, #tpu.memory_space<hbm>>
      %dma_wait3A_683 = arith.constant 36864 : i32
      %dma_wait3A_684 = tpu.memref_slice %arg3[%dma_wait3A_683] : memref<40960xi32, #tpu.memory_space<hbm>> -> memref<2048xi32, #tpu.memory_space<hbm>>
      tpu.wait_dma2 semaphore(%run_scoped3A : memref<!tpu.dma_semaphore, #tpu.memory_space<semaphore_mem>>) src(%dma_wait3A_684 : memref<2048xi32, #tpu.memory_space<hbm>>) dst(%arg6 : memref<2048xi32, #tpu.memory_space<vmem>>)
      tpu.yield
    }) : () -> ()
    %scan3A_624 = arith.constant 0 : i32
    %scan3A_625 = arith.constant 0 : i32
    %scan3A_626 = arith.constant 128 : i32
    %scan3A_627 = arith.addi %scan3A_625, %scan3A_626 : i32
    %scan3A_628 = arith.constant 1 : i32
    %scan3A_629 = scf.for %scan3A_679 = %scan3A_625 to %scan3A_627 step %scan3A_628 iter_args(%scan3A_680 = %scan3A_624) -> (i32)  : i32 {
      %mul3A_681 = arith.constant 16 : i32
      %mul3A_682 = arith.muli %scan3A_679, %mul3A_681 : i32
      %get3A = arith.index_cast %mul3A_682 : i32 to index
      %get3A_683 = tpu.vector_load %arg6[%get3A] {strides = array<i32>} : memref<2048xi32, #tpu.memory_space<vmem>>, vector<16xi32>,
      %sub3A_684 = vector.broadcast %add3A_40 : i32 to vector<16xi32>
      %sub3A_685 = arith.subi %get3A_683, %sub3A_684 : vector<16xi32>
      %mul3A_686 = arith.constant 16 : i32
      %mul3A_687 = arith.muli %scan3A_679, %mul3A_686 : i32
      %add3A_688 = arith.constant 36864 : i32
      %add3A_689 = arith.addi %add3A_688, %mul3A_687 : i32
      %add3A_690 = vector.broadcast %add3A_689 : i32 to vector<16xi32>
      %add3A_691 = arith.addi %add3A_690, %iota3A : vector<16xi32>
      %ge3A = arith.constant 0 : i32
      %ge3A_692 = vector.broadcast %ge3A : i32 to vector<16xi32>
      %ge3A_693 = arith.cmpi sge, %sub3A_685, %ge3A_692 : vector<16xi32>
      %lt3A_694 = vector.broadcast %select_n3A_14 : i32 to vector<16xi32>
      %lt3A_695 = arith.cmpi slt, %sub3A_685, %lt3A_694 : vector<16xi32>
      %and3A_696 = arith.andi %ge3A_693, %lt3A_695 : vector<16xi1>
      %lt3A_697 = arith.constant 40000 : i32
      %lt3A_698 = vector.broadcast %lt3A_697 : i32 to vector<16xi32>
      %lt3A_699 = arith.cmpi slt, %add3A_691, %lt3A_698 : vector<16xi32>
      %and3A_700 = arith.andi %and3A_696, %lt3A_699 : vector<16xi1>
      tpu.vector_store_idx %arg5[%sub3A_685], %add3A_691 masked %and3A_700 : memref<14592xi32, #tpu.memory_space<vmem>>[vector<16xi32>], vector<16xi32>, vector<16xi1>
      %scan3A_701 = arith.constant 0 : i32
      scf.yield %scan3A_701 : i32
    }
    %scan3A_630 = arith.constant 128 : i32
    "tpu.region"() ({
      %run_scoped3A = tpu.sem_alloc : memref<!tpu.dma_semaphore, #tpu.memory_space<semaphore_mem>>
      %dma_start3A = arith.constant 38912 : i32
      %dma_start3A_679 = tpu.memref_slice %arg3[%dma_start3A] : memref<40960xi32, #tpu.memory_space<hbm>> -> memref<2048xi32, #tpu.memory_space<hbm>>
      %dma_start3A_680 = arith.constant 38912 : i32
      %dma_start3A_681 = tpu.memref_slice %arg3[%dma_start3A_680] : memref<40960xi32, #tpu.memory_space<hbm>> -> memref<2048xi32, #tpu.memory_space<hbm>>
      tpu.enqueue_dma source(%dma_start3A_681 : memref<2048xi32, #tpu.memory_space<hbm>>) target(%arg6 : memref<2048xi32, #tpu.memory_space<vmem>>) target_semaphore(%run_scoped3A : memref<!tpu.dma_semaphore, #tpu.memory_space<semaphore_mem>>)
      %dma_wait3A = arith.constant 38912 : i32
      %dma_wait3A_682 = tpu.memref_slice %arg3[%dma_wait3A] : memref<40960xi32, #tpu.memory_space<hbm>> -> memref<2048xi32, #tpu.memory_space<hbm>>
      %dma_wait3A_683 = arith.constant 38912 : i32
      %dma_wait3A_684 = tpu.memref_slice %arg3[%dma_wait3A_683] : memref<40960xi32, #tpu.memory_space<hbm>> -> memref<2048xi32, #tpu.memory_space<hbm>>
      tpu.wait_dma2 semaphore(%run_scoped3A : memref<!tpu.dma_semaphore, #tpu.memory_space<semaphore_mem>>) src(%dma_wait3A_684 : memref<2048xi32, #tpu.memory_space<hbm>>) dst(%arg6 : memref<2048xi32, #tpu.memory_space<vmem>>)
      tpu.yield
    }) : () -> ()
    %scan3A_631 = arith.constant 0 : i32
    %scan3A_632 = arith.constant 0 : i32
    %scan3A_633 = arith.constant 128 : i32
    %scan3A_634 = arith.addi %scan3A_632, %scan3A_633 : i32
    %scan3A_635 = arith.constant 1 : i32
    %scan3A_636 = scf.for %scan3A_679 = %scan3A_632 to %scan3A_634 step %scan3A_635 iter_args(%scan3A_680 = %scan3A_631) -> (i32)  : i32 {
      %mul3A_681 = arith.constant 16 : i32
      %mul3A_682 = arith.muli %scan3A_679, %mul3A_681 : i32
      %get3A = arith.index_cast %mul3A_682 : i32 to index
      %get3A_683 = tpu.vector_load %arg6[%get3A] {strides = array<i32>} : memref<2048xi32, #tpu.memory_space<vmem>>, vector<16xi32>,
      %sub3A_684 = vector.broadcast %add3A_40 : i32 to vector<16xi32>
      %sub3A_685 = arith.subi %get3A_683, %sub3A_684 : vector<16xi32>
      %mul3A_686 = arith.constant 16 : i32
      %mul3A_687 = arith.muli %scan3A_679, %mul3A_686 : i32
      %add3A_688 = arith.constant 38912 : i32
      %add3A_689 = arith.addi %add3A_688, %mul3A_687 : i32
      %add3A_690 = vector.broadcast %add3A_689 : i32 to vector<16xi32>
      %add3A_691 = arith.addi %add3A_690, %iota3A : vector<16xi32>
      %ge3A = arith.constant 0 : i32
      %ge3A_692 = vector.broadcast %ge3A : i32 to vector<16xi32>
      %ge3A_693 = arith.cmpi sge, %sub3A_685, %ge3A_692 : vector<16xi32>
      %lt3A_694 = vector.broadcast %select_n3A_14 : i32 to vector<16xi32>
      %lt3A_695 = arith.cmpi slt, %sub3A_685, %lt3A_694 : vector<16xi32>
      %and3A_696 = arith.andi %ge3A_693, %lt3A_695 : vector<16xi1>
      %lt3A_697 = arith.constant 40000 : i32
      %lt3A_698 = vector.broadcast %lt3A_697 : i32 to vector<16xi32>
      %lt3A_699 = arith.cmpi slt, %add3A_691, %lt3A_698 : vector<16xi32>
      %and3A_700 = arith.andi %and3A_696, %lt3A_699 : vector<16xi1>
      tpu.vector_store_idx %arg5[%sub3A_685], %add3A_691 masked %and3A_700 : memref<14592xi32, #tpu.memory_space<vmem>>[vector<16xi32>], vector<16xi32>, vector<16xi1>
      %scan3A_701 = arith.constant 0 : i32
      scf.yield %scan3A_701 : i32
    }
    %scan3A_637 = arith.constant 128 : i32
    %jit3A_638 = arith.constant 16 : i32
    %div3A_639 = arith.divsi %add3A, %jit3A_638 : i32
    %sign3A_640 = arith.constant 0 : i32
    %sign3A_641 = arith.cmpi sgt, %add3A, %sign3A_640 : i32
    %sign3A_642 = arith.extui %sign3A_641 : i1 to i32
    %sign3A_643 = arith.constant 0 : i32
    %sign3A_644 = arith.cmpi slt, %add3A, %sign3A_643 : i32
    %sign3A_645 = arith.extui %sign3A_644 : i1 to i32
    %sign3A_646 = arith.subi %sign3A_642, %sign3A_645 : i32
    %sign3A_647 = arith.constant 0 : i32
    %sign3A_648 = arith.cmpi sgt, %jit3A_638, %sign3A_647 : i32
    %sign3A_649 = arith.extui %sign3A_648 : i1 to i32
    %sign3A_650 = arith.constant 0 : i32
    %sign3A_651 = arith.cmpi slt, %jit3A_638, %sign3A_650 : i32
    %sign3A_652 = arith.extui %sign3A_651 : i1 to i32
    %sign3A_653 = arith.subi %sign3A_649, %sign3A_652 : i32
    %ne3A_654 = arith.cmpi ne, %sign3A_646, %sign3A_653 : i32
    %rem3A_655 = arith.remsi %add3A, %jit3A_638 : i32
    %ne3A_656 = arith.constant 0 : i32
    %ne3A_657 = arith.cmpi ne, %rem3A_655, %ne3A_656 : i32
    %and3A_658 = arith.andi %ne3A_654, %ne3A_657 : i1
    %sub3A_659 = arith.constant 1 : i32
    %sub3A_660 = arith.subi %div3A_639, %sub3A_659 : i32
    %select_n3A_661 = arith.select %and3A_658, %sub3A_660, %div3A_639 : i32
    %mul3A_662 = arith.constant 64 : i32
    %mul3A_663 = arith.muli %select_n3A_661, %mul3A_662 : i32
    %jit3A_664 = arith.constant 14 : i32
    %jit3A_665 = arith.constant 13 : i32
    %select_n3A_666 = arith.select %eq3A_11, %jit3A_664, %jit3A_665 : i32
    %while3A = arith.constant 0 : i32
    %while3A_667 = arith.constant 0 : i32
    %while3A_668 = arith.subi %select_n3A_666, %while3A : i32
    %while3A_669 = arith.addi %while3A, %while3A_668 : i32
    %while3A_670 = arith.constant 1 : i32
    %while3A_671 = arith.divsi %while3A_668, %while3A_670 : i32
    %while3A_672 = arith.muli %while3A_671, %while3A_670 : i32
    %while3A_673 = arith.addi %while3A, %while3A_672 : i32
    %while3A_674 = arith.constant 1 : i32
    %while3A_675 = scf.for %while3A_679 = %while3A to %while3A_673 step %while3A_674 iter_args(%while3A_680 = %while3A_667) -> (i32)  : i32 {
      %scan3A_681 = arith.constant 0 : i32
      %scan3A_682 = arith.constant 0 : i32
      %scan3A_683 = arith.constant 64 : i32
      %scan3A_684 = arith.addi %scan3A_682, %scan3A_683 : i32
      %scan3A_685 = arith.constant 1 : i32
      %scan3A_686 = scf.for %scan3A_853 = %scan3A_682 to %scan3A_684 step %scan3A_685 iter_args(%scan3A_854 = %scan3A_681) -> (i32)  : i32 {
        %mul3A_855 = arith.constant 1024 : i32
        %mul3A_856 = arith.muli %while3A_679, %mul3A_855 : i32
        %mul3A_857 = arith.constant 16 : i32
        %mul3A_858 = arith.muli %scan3A_853, %mul3A_857 : i32
        %add3A_859 = arith.addi %mul3A_856, %mul3A_858 : i32
        %get3A = arith.index_cast %add3A_859 : i32 to index
        %get3A_860 = tpu.vector_load %arg5[%get3A] {strides = array<i32>} : memref<14592xi32, #tpu.memory_space<vmem>>, vector<16xi32>,
        %ge3A = arith.constant 0 : i32
        %ge3A_861 = vector.broadcast %ge3A : i32 to vector<16xi32>
        %ge3A_862 = arith.cmpi sge, %get3A_860, %ge3A_861 : vector<16xi32>
        %mul3A_863 = arith.constant 16 : i32
        %mul3A_864 = arith.muli %scan3A_853, %mul3A_863 : i32
        %add3A_865 = vector.broadcast %mul3A_864 : i32 to vector<16xi32>
        %add3A_866 = arith.addi %add3A_865, %iota3A : vector<16xi32>
        %convert_element_type3A_867 = arith.extui %ge3A_862 : vector<16xi1> to vector<16xi32>
        %cumsum3A = arith.constant true
        %cumsum3A_868 = vector.broadcast %cumsum3A : i1 to vector<16xi1>
        %cumsum3A_869 = tpu.scan <sum>, %convert_element_type3A_867 masked %cumsum3A_868 : vector<16xi32>, vector<16xi1> -> vector<16xi32>
        %add3A_870 = vector.broadcast %scan3A_854 : i32 to vector<16xi32>
        %add3A_871 = arith.addi %add3A_870, %cumsum3A_869 : vector<16xi32>
        %sub3A_872 = arith.constant 1 : i32
        %sub3A_873 = vector.broadcast %sub3A_872 : i32 to vector<16xi32>
        %sub3A_874 = arith.subi %add3A_871, %sub3A_873 : vector<16xi32>
        tpu.vector_store_idx %arg7[%sub3A_874], %get3A_860 masked %ge3A_862 : memref<1280xi32, #tpu.memory_space<vmem>>[vector<16xi32>], vector<16xi32>, vector<16xi1>
        tpu.vector_store_idx %arg8[%sub3A_874], %add3A_866 masked %ge3A_862 : memref<1280xi32, #tpu.memory_space<vmem>>[vector<16xi32>], vector<16xi32>, vector<16xi1>
        %reduce_max3A = arith.constant true
        %reduce_max3A_875 = vector.broadcast %reduce_max3A : i1 to vector<16xi1>
        %reduce_max3A_876 = arith.constant -2147483648 : i32
        %reduce_max3A_877 = vector.broadcast %reduce_max3A_876 : i32 to vector<16xi32>
        %reduce_max3A_878 = arith.xori %cumsum3A_869, %reduce_max3A_877 : vector<16xi32>
        %reduce_max3A_879 = tpu.scan <max>, %reduce_max3A_878 masked %reduce_max3A_875 : vector<16xi32>, vector<16xi1> -> vector<16xi32>
        %reduce_max3A_880 = arith.xori %reduce_max3A_879, %reduce_max3A_877 : vector<16xi32>
        %reduce_max3A_881 = vector.extract %reduce_max3A_880[15] : i32 from vector<16xi32>
        %add3A_882 = arith.addi %scan3A_854, %reduce_max3A_881 : i32
        scf.yield %add3A_882 : i32
      }
      %scan3A_687 = arith.constant 64 : i32
      %broadcast_in_dim3A_688 = arith.constant 0 : i32
      %broadcast_in_dim3A_689 = vector.broadcast %broadcast_in_dim3A_688 : i32 to vector<16xi32>
      %add3A_690 = arith.constant 0 : i32
      %add3A_691 = arith.addi %scan3A_686, %add3A_690 : i32
      %swap3A = arith.index_cast %add3A_691 : i32 to index
      %swap3A_692 = tpu.vector_load %arg7[%swap3A] {strides = array<i32>} : memref<1280xi32, #tpu.memory_space<vmem>>, vector<16xi32>,
      tpu.vector_store %arg7[%swap3A], %broadcast_in_dim3A_689 {strides = array<i32>} : memref<1280xi32, #tpu.memory_space<vmem>>, vector<16xi32>,
      %broadcast_in_dim3A_693 = arith.constant 1025 : i32
      %broadcast_in_dim3A_694 = vector.broadcast %broadcast_in_dim3A_693 : i32 to vector<16xi32>
      %add3A_695 = arith.constant 0 : i32
      %add3A_696 = arith.addi %scan3A_686, %add3A_695 : i32
      %swap3A_697 = arith.index_cast %add3A_696 : i32 to index
      %swap3A_698 = tpu.vector_load %arg8[%swap3A_697] {strides = array<i32>} : memref<1280xi32, #tpu.memory_space<vmem>>, vector<16xi32>,
      tpu.vector_store %arg8[%swap3A_697], %broadcast_in_dim3A_694 {strides = array<i32>} : memref<1280xi32, #tpu.memory_space<vmem>>, vector<16xi32>,
      %broadcast_in_dim3A_699 = arith.constant 0 : i32
      %broadcast_in_dim3A_700 = vector.broadcast %broadcast_in_dim3A_699 : i32 to vector<16xi32>
      %add3A_701 = arith.constant 16 : i32
      %add3A_702 = arith.addi %scan3A_686, %add3A_701 : i32
      %swap3A_703 = arith.index_cast %add3A_702 : i32 to index
      %swap3A_704 = tpu.vector_load %arg7[%swap3A_703] {strides = array<i32>} : memref<1280xi32, #tpu.memory_space<vmem>>, vector<16xi32>,
      tpu.vector_store %arg7[%swap3A_703], %broadcast_in_dim3A_700 {strides = array<i32>} : memref<1280xi32, #tpu.memory_space<vmem>>, vector<16xi32>,
      %broadcast_in_dim3A_705 = arith.constant 1025 : i32
      %broadcast_in_dim3A_706 = vector.broadcast %broadcast_in_dim3A_705 : i32 to vector<16xi32>
      %add3A_707 = arith.constant 16 : i32
      %add3A_708 = arith.addi %scan3A_686, %add3A_707 : i32
      %swap3A_709 = arith.index_cast %add3A_708 : i32 to index
      %swap3A_710 = tpu.vector_load %arg8[%swap3A_709] {strides = array<i32>} : memref<1280xi32, #tpu.memory_space<vmem>>, vector<16xi32>,
      tpu.vector_store %arg8[%swap3A_709], %broadcast_in_dim3A_706 {strides = array<i32>} : memref<1280xi32, #tpu.memory_space<vmem>>, vector<16xi32>,
      %broadcast_in_dim3A_711 = arith.constant 0 : i32
      %broadcast_in_dim3A_712 = vector.broadcast %broadcast_in_dim3A_711 : i32 to vector<16xi32>
      %add3A_713 = arith.constant 32 : i32
      %add3A_714 = arith.addi %scan3A_686, %add3A_713 : i32
      %swap3A_715 = arith.index_cast %add3A_714 : i32 to index
      %swap3A_716 = tpu.vector_load %arg7[%swap3A_715] {strides = array<i32>} : memref<1280xi32, #tpu.memory_space<vmem>>, vector<16xi32>,
      tpu.vector_store %arg7[%swap3A_715], %broadcast_in_dim3A_712 {strides = array<i32>} : memref<1280xi32, #tpu.memory_space<vmem>>, vector<16xi32>,
      %broadcast_in_dim3A_717 = arith.constant 1025 : i32
      %broadcast_in_dim3A_718 = vector.broadcast %broadcast_in_dim3A_717 : i32 to vector<16xi32>
      %add3A_719 = arith.constant 32 : i32
      %add3A_720 = arith.addi %scan3A_686, %add3A_719 : i32
      %swap3A_721 = arith.index_cast %add3A_720 : i32 to index
      %swap3A_722 = tpu.vector_load %arg8[%swap3A_721] {strides = array<i32>} : memref<1280xi32, #tpu.memory_space<vmem>>, vector<16xi32>,
      tpu.vector_store %arg8[%swap3A_721], %broadcast_in_dim3A_718 {strides = array<i32>} : memref<1280xi32, #tpu.memory_space<vmem>>, vector<16xi32>,
      %broadcast_in_dim3A_723 = arith.constant 0 : i32
      %broadcast_in_dim3A_724 = vector.broadcast %broadcast_in_dim3A_723 : i32 to vector<16xi32>
      %add3A_725 = arith.constant 48 : i32
      %add3A_726 = arith.addi %scan3A_686, %add3A_725 : i32
      %swap3A_727 = arith.index_cast %add3A_726 : i32 to index
      %swap3A_728 = tpu.vector_load %arg7[%swap3A_727] {strides = array<i32>} : memref<1280xi32, #tpu.memory_space<vmem>>, vector<16xi32>,
      tpu.vector_store %arg7[%swap3A_727], %broadcast_in_dim3A_724 {strides = array<i32>} : memref<1280xi32, #tpu.memory_space<vmem>>, vector<16xi32>,
      %broadcast_in_dim3A_729 = arith.constant 1025 : i32
      %broadcast_in_dim3A_730 = vector.broadcast %broadcast_in_dim3A_729 : i32 to vector<16xi32>
      %add3A_731 = arith.constant 48 : i32
      %add3A_732 = arith.addi %scan3A_686, %add3A_731 : i32
      %swap3A_733 = arith.index_cast %add3A_732 : i32 to index
      %swap3A_734 = tpu.vector_load %arg8[%swap3A_733] {strides = array<i32>} : memref<1280xi32, #tpu.memory_space<vmem>>, vector<16xi32>,
      tpu.vector_store %arg8[%swap3A_733], %broadcast_in_dim3A_730 {strides = array<i32>} : memref<1280xi32, #tpu.memory_space<vmem>>, vector<16xi32>,
      %broadcast_in_dim3A_735 = arith.constant 0 : i32
      %broadcast_in_dim3A_736 = vector.broadcast %broadcast_in_dim3A_735 : i32 to vector<16xi32>
      %add3A_737 = arith.constant 64 : i32
      %add3A_738 = arith.addi %scan3A_686, %add3A_737 : i32
      %swap3A_739 = arith.index_cast %add3A_738 : i32 to index
      %swap3A_740 = tpu.vector_load %arg7[%swap3A_739] {strides = array<i32>} : memref<1280xi32, #tpu.memory_space<vmem>>, vector<16xi32>,
      tpu.vector_store %arg7[%swap3A_739], %broadcast_in_dim3A_736 {strides = array<i32>} : memref<1280xi32, #tpu.memory_space<vmem>>, vector<16xi32>,
      %broadcast_in_dim3A_741 = arith.constant 1025 : i32
      %broadcast_in_dim3A_742 = vector.broadcast %broadcast_in_dim3A_741 : i32 to vector<16xi32>
      %add3A_743 = arith.constant 64 : i32
      %add3A_744 = arith.addi %scan3A_686, %add3A_743 : i32
      %swap3A_745 = arith.index_cast %add3A_744 : i32 to index
      %swap3A_746 = tpu.vector_load %arg8[%swap3A_745] {strides = array<i32>} : memref<1280xi32, #tpu.memory_space<vmem>>, vector<16xi32>,
      tpu.vector_store %arg8[%swap3A_745], %broadcast_in_dim3A_742 {strides = array<i32>} : memref<1280xi32, #tpu.memory_space<vmem>>, vector<16xi32>,
      %broadcast_in_dim3A_747 = arith.constant 0 : i32
      %broadcast_in_dim3A_748 = vector.broadcast %broadcast_in_dim3A_747 : i32 to vector<16xi32>
      %add3A_749 = arith.constant 80 : i32
      %add3A_750 = arith.addi %scan3A_686, %add3A_749 : i32
      %swap3A_751 = arith.index_cast %add3A_750 : i32 to index
      %swap3A_752 = tpu.vector_load %arg7[%swap3A_751] {strides = array<i32>} : memref<1280xi32, #tpu.memory_space<vmem>>, vector<16xi32>,
      tpu.vector_store %arg7[%swap3A_751], %broadcast_in_dim3A_748 {strides = array<i32>} : memref<1280xi32, #tpu.memory_space<vmem>>, vector<16xi32>,
      %broadcast_in_dim3A_753 = arith.constant 1025 : i32
      %broadcast_in_dim3A_754 = vector.broadcast %broadcast_in_dim3A_753 : i32 to vector<16xi32>
      %add3A_755 = arith.constant 80 : i32
      %add3A_756 = arith.addi %scan3A_686, %add3A_755 : i32
      %swap3A_757 = arith.index_cast %add3A_756 : i32 to index
      %swap3A_758 = tpu.vector_load %arg8[%swap3A_757] {strides = array<i32>} : memref<1280xi32, #tpu.memory_space<vmem>>, vector<16xi32>,
      tpu.vector_store %arg8[%swap3A_757], %broadcast_in_dim3A_754 {strides = array<i32>} : memref<1280xi32, #tpu.memory_space<vmem>>, vector<16xi32>,
      %broadcast_in_dim3A_759 = arith.constant 0 : i32
      %broadcast_in_dim3A_760 = vector.broadcast %broadcast_in_dim3A_759 : i32 to vector<16xi32>
      %add3A_761 = arith.constant 96 : i32
      %add3A_762 = arith.addi %scan3A_686, %add3A_761 : i32
      %swap3A_763 = arith.index_cast %add3A_762 : i32 to index
      %swap3A_764 = tpu.vector_load %arg7[%swap3A_763] {strides = array<i32>} : memref<1280xi32, #tpu.memory_space<vmem>>, vector<16xi32>,
      tpu.vector_store %arg7[%swap3A_763], %broadcast_in_dim3A_760 {strides = array<i32>} : memref<1280xi32, #tpu.memory_space<vmem>>, vector<16xi32>,
      %broadcast_in_dim3A_765 = arith.constant 1025 : i32
      %broadcast_in_dim3A_766 = vector.broadcast %broadcast_in_dim3A_765 : i32 to vector<16xi32>
      %add3A_767 = arith.constant 96 : i32
      %add3A_768 = arith.addi %scan3A_686, %add3A_767 : i32
      %swap3A_769 = arith.index_cast %add3A_768 : i32 to index
      %swap3A_770 = tpu.vector_load %arg8[%swap3A_769] {strides = array<i32>} : memref<1280xi32, #tpu.memory_space<vmem>>, vector<16xi32>,
      tpu.vector_store %arg8[%swap3A_769], %broadcast_in_dim3A_766 {strides = array<i32>} : memref<1280xi32, #tpu.memory_space<vmem>>, vector<16xi32>,
      %broadcast_in_dim3A_771 = arith.constant 0 : i32
      %broadcast_in_dim3A_772 = vector.broadcast %broadcast_in_dim3A_771 : i32 to vector<16xi32>
      %add3A_773 = arith.constant 112 : i32
      %add3A_774 = arith.addi %scan3A_686, %add3A_773 : i32
      %swap3A_775 = arith.index_cast %add3A_774 : i32 to index
      %swap3A_776 = tpu.vector_load %arg7[%swap3A_775] {strides = array<i32>} : memref<1280xi32, #tpu.memory_space<vmem>>, vector<16xi32>,
      tpu.vector_store %arg7[%swap3A_775], %broadcast_in_dim3A_772 {strides = array<i32>} : memref<1280xi32, #tpu.memory_space<vmem>>, vector<16xi32>,
      %broadcast_in_dim3A_777 = arith.constant 1025 : i32
      %broadcast_in_dim3A_778 = vector.broadcast %broadcast_in_dim3A_777 : i32 to vector<16xi32>
      %add3A_779 = arith.constant 112 : i32
      %add3A_780 = arith.addi %scan3A_686, %add3A_779 : i32
      %swap3A_781 = arith.index_cast %add3A_780 : i32 to index
      %swap3A_782 = tpu.vector_load %arg8[%swap3A_781] {strides = array<i32>} : memref<1280xi32, #tpu.memory_space<vmem>>, vector<16xi32>,
      tpu.vector_store %arg8[%swap3A_781], %broadcast_in_dim3A_778 {strides = array<i32>} : memref<1280xi32, #tpu.memory_space<vmem>>, vector<16xi32>,
      %add3A_783 = arith.constant 128 : i32
      %add3A_784 = arith.addi %scan3A_686, %add3A_783 : i32
      %sub3A_785 = arith.constant 1 : i32
      %sub3A_786 = arith.subi %add3A_784, %sub3A_785 : i32
      %jit3A_787 = arith.constant 128 : i32
      %div3A_788 = arith.divsi %sub3A_786, %jit3A_787 : i32
      %sign3A_789 = arith.constant 0 : i32
      %sign3A_790 = arith.cmpi sgt, %sub3A_786, %sign3A_789 : i32
      %sign3A_791 = arith.extui %sign3A_790 : i1 to i32
      %sign3A_792 = arith.constant 0 : i32
      %sign3A_793 = arith.cmpi slt, %sub3A_786, %sign3A_792 : i32
      %sign3A_794 = arith.extui %sign3A_793 : i1 to i32
      %sign3A_795 = arith.subi %sign3A_791, %sign3A_794 : i32
      %sign3A_796 = arith.constant 0 : i32
      %sign3A_797 = arith.cmpi sgt, %jit3A_787, %sign3A_796 : i32
      %sign3A_798 = arith.extui %sign3A_797 : i1 to i32
      %sign3A_799 = arith.constant 0 : i32
      %sign3A_800 = arith.cmpi slt, %jit3A_787, %sign3A_799 : i32
      %sign3A_801 = arith.extui %sign3A_800 : i1 to i32
      %sign3A_802 = arith.subi %sign3A_798, %sign3A_801 : i32
      %ne3A_803 = arith.cmpi ne, %sign3A_795, %sign3A_802 : i32
      %rem3A_804 = arith.remsi %sub3A_786, %jit3A_787 : i32
      %ne3A_805 = arith.constant 0 : i32
      %ne3A_806 = arith.cmpi ne, %rem3A_804, %ne3A_805 : i32
      %and3A_807 = arith.andi %ne3A_803, %ne3A_806 : i1
      %sub3A_808 = arith.constant 1 : i32
      %sub3A_809 = arith.subi %div3A_788, %sub3A_808 : i32
      %select_n3A_810 = arith.select %and3A_807, %sub3A_809, %div3A_788 : i32
      %while3A_811 = arith.constant 0 : i32
      %while3A_812 = arith.constant 0 : i32
      %while3A_813 = arith.subi %select_n3A_810, %while3A_811 : i32
      %while3A_814 = arith.addi %while3A_811, %while3A_813 : i32
      %while3A_815 = arith.constant 1 : i32
      %while3A_816 = arith.divsi %while3A_813, %while3A_815 : i32
      %while3A_817 = arith.muli %while3A_816, %while3A_815 : i32
      %while3A_818 = arith.addi %while3A_811, %while3A_817 : i32
      %while3A_819 = arith.constant 1 : i32
      %while3A_820 = scf.for %while3A_853 = %while3A_811 to %while3A_818 step %while3A_819 iter_args(%while3A_854 = %while3A_812) -> (i32)  : i32 {
        %scan3A_855 = arith.constant 0 : i32
        %scan3A_856 = arith.constant 0 : i32
        %scan3A_857 = arith.constant 8 : i32
        %scan3A_858 = arith.addi %scan3A_856, %scan3A_857 : i32
        %scan3A_859 = arith.constant 1 : i32
        %scan3A_860 = scf.for %scan3A_876 = %scan3A_856 to %scan3A_858 step %scan3A_859 iter_args(%scan3A_877 = %scan3A_855) -> (i32)  : i32 {
          %mul3A_878 = arith.constant 128 : i32
          %mul3A_879 = arith.muli %while3A_853, %mul3A_878 : i32
          %mul3A_880 = arith.constant 16 : i32
          %mul3A_881 = arith.muli %scan3A_876, %mul3A_880 : i32
          %add3A_882 = arith.addi %mul3A_879, %mul3A_881 : i32
          %get3A = arith.index_cast %add3A_882 : i32 to index
          %get3A_883 = tpu.vector_load %arg7[%get3A] {strides = array<i32>} : memref<1280xi32, #tpu.memory_space<vmem>>, vector<16xi32>,
          %mul3A_884 = arith.constant 16 : i32
          %mul3A_885 = arith.muli %scan3A_876, %mul3A_884 : i32
          %swap3A_886 = arith.index_cast %mul3A_885 : i32 to index
          %swap3A_887 = tpu.vector_load %arg9[%swap3A_886] {strides = array<i32>} : memref<128xi32, #tpu.memory_space<vmem>>, vector<16xi32>,
          tpu.vector_store %arg9[%swap3A_886], %get3A_883 {strides = array<i32>} : memref<128xi32, #tpu.memory_space<vmem>>, vector<16xi32>,
          %scan3A_888 = arith.constant 0 : i32
          scf.yield %scan3A_888 : i32
        }
        %scan3A_861 = arith.constant 8 : i32
        %dma_start3A_862 = arith.constant 0 : i32
        %dma_start3A_863 = arith.constant 0 : i32
        %dma_start3A_864 = tpu.memref_slice %arg2[%dma_start3A_862, %dma_start3A_863] : memref<40960x128xf32, #tpu.memory_space<hbm>> -> memref<40960x128xf32, #tpu.memory_space<hbm>>
        tpu.enqueue_indirect_dma source(%dma_start3A_864 : memref<40960x128xf32, #tpu.memory_space<hbm>>) target(%arg10 : memref<128x128xf32, #tpu.memory_space<vmem>>) offsets(%arg9 : memref<128xi32, #tpu.memory_space<vmem>>) semaphore(%arg12 : memref<!tpu.dma_semaphore, #tpu.memory_space<semaphore_mem>>)
        %dma_wait3A_865 = arith.constant 0 : i32
        %dma_wait3A_866 = arith.constant 0 : i32
        %dma_wait3A_867 = tpu.memref_slice %arg2[%dma_wait3A_865, %dma_wait3A_866] : memref<40960x128xf32, #tpu.memory_space<hbm>> -> memref<40960x128xf32, #tpu.memory_space<hbm>>
        tpu.wait_indirect_dma semaphore(%arg12 : memref<!tpu.dma_semaphore, #tpu.memory_space<semaphore_mem>>) src(%dma_wait3A_867 : memref<40960x128xf32, #tpu.memory_space<hbm>>) dst(%arg10 : memref<128x128xf32, #tpu.memory_space<vmem>>)
        %scan3A_868 = arith.constant 0 : i32
        %scan3A_869 = arith.constant 0 : i32
        %scan3A_870 = arith.constant 128 : i32
        %scan3A_871 = arith.addi %scan3A_869, %scan3A_870 : i32
        %scan3A_872 = arith.constant 1 : i32
        %scan3A_873 = scf.for %scan3A_876 = %scan3A_869 to %scan3A_871 step %scan3A_872 iter_args(%scan3A_877 = %scan3A_868) -> (i32)  : i32 {
          %mul3A_878 = arith.constant 128 : i32
          %mul3A_879 = arith.muli %while3A_853, %mul3A_878 : i32
          %add3A_880 = arith.addi %mul3A_879, %scan3A_876 : i32
          %get3A = arith.index_cast %add3A_880 : i32 to index
          %get3A_881 = tpu.vector_load %arg8[%get3A] {strides = array<i32>} : memref<1280xi32, #tpu.memory_space<vmem>>, vector<16xi32>,
          %slice3A = vector.extract_strided_slice %get3A_881 {offsets = [0], sizes = [1], strides = [1]} : vector<16xi32> to vector<1xi32>
          %squeeze3A = vector.extract %slice3A[0] : i32 from vector<1xi32>
          %broadcast_in_dim3A_882 = arith.constant 0 : i32
          %broadcast_in_dim3A_883 = vector.broadcast %broadcast_in_dim3A_882 : i32 to vector<16xi32>
          %add3A_884 = vector.broadcast %squeeze3A : i32 to vector<16xi32>
          %add3A_885 = arith.addi %add3A_884, %broadcast_in_dim3A_883 : vector<16xi32>
          %get3A_886 = arith.index_cast %scan3A_876 : i32 to index
          %get3A_887 = arith.constant 0 : index
          %get3A_888 = tpu.vector_load %arg10[%get3A_886, %get3A_887] {strides = array<i32>} : memref<128x128xf32, #tpu.memory_space<vmem>>, vector<16xf32>,
          %add3A_889 = arith.constant 0 : i32
          %add3A_890 = vector.broadcast %add3A_889 : i32 to vector<16xi32>
          %add3A_891 = arith.addi %iota3A, %add3A_890 : vector<16xi32>
          tpu.vector_store_idx %arg11[%add3A_891, %add3A_885], %get3A_888 : memref<64x1040xf32, #tpu.memory_space<vmem>>[vector<16xi32>, vector<16xi32>], vector<16xf32>,
          %get3A_892 = arith.index_cast %scan3A_876 : i32 to index
          %get3A_893 = arith.constant 16 : index
          %get3A_894 = tpu.vector_load %arg10[%get3A_892, %get3A_893] {strides = array<i32>} : memref<128x128xf32, #tpu.memory_space<vmem>>, vector<16xf32>,
          %add3A_895 = arith.constant 16 : i32
          %add3A_896 = vector.broadcast %add3A_895 : i32 to vector<16xi32>
          %add3A_897 = arith.addi %iota3A, %add3A_896 : vector<16xi32>
          tpu.vector_store_idx %arg11[%add3A_897, %add3A_885], %get3A_894 : memref<64x1040xf32, #tpu.memory_space<vmem>>[vector<16xi32>, vector<16xi32>], vector<16xf32>,
          %get3A_898 = arith.index_cast %scan3A_876 : i32 to index
          %get3A_899 = arith.constant 32 : index
          %get3A_900 = tpu.vector_load %arg10[%get3A_898, %get3A_899] {strides = array<i32>} : memref<128x128xf32, #tpu.memory_space<vmem>>, vector<16xf32>,
          %add3A_901 = arith.constant 32 : i32
          %add3A_902 = vector.broadcast %add3A_901 : i32 to vector<16xi32>
          %add3A_903 = arith.addi %iota3A, %add3A_902 : vector<16xi32>
          tpu.vector_store_idx %arg11[%add3A_903, %add3A_885], %get3A_900 : memref<64x1040xf32, #tpu.memory_space<vmem>>[vector<16xi32>, vector<16xi32>], vector<16xf32>,
          %get3A_904 = arith.index_cast %scan3A_876 : i32 to index
          %get3A_905 = arith.constant 48 : index
          %get3A_906 = tpu.vector_load %arg10[%get3A_904, %get3A_905] {strides = array<i32>} : memref<128x128xf32, #tpu.memory_space<vmem>>, vector<16xf32>,
          %add3A_907 = arith.constant 48 : i32
          %add3A_908 = vector.broadcast %add3A_907 : i32 to vector<16xi32>
          %add3A_909 = arith.addi %iota3A, %add3A_908 : vector<16xi32>
          tpu.vector_store_idx %arg11[%add3A_909, %add3A_885], %get3A_906 : memref<64x1040xf32, #tpu.memory_space<vmem>>[vector<16xi32>, vector<16xi32>], vector<16xf32>,
          %scan3A_910 = arith.constant 0 : i32
          scf.yield %scan3A_910 : i32
        }
        %scan3A_874 = arith.constant 128 : i32
        %while3A_875 = arith.constant 0 : i32
        scf.yield %while3A_875 : i32
      }
      %while3A_821 = arith.constant 1 : i32
      %while3A_822 = scf.for %while3A_853 = %while3A_818 to %while3A_814 step %while3A_821 iter_args(%while3A_854 = %while3A_820) -> (i32)  : i32 {
        %scan3A_855 = arith.constant 0 : i32
        %scan3A_856 = arith.constant 0 : i32
        %scan3A_857 = arith.constant 8 : i32
        %scan3A_858 = arith.addi %scan3A_856, %scan3A_857 : i32
        %scan3A_859 = arith.constant 1 : i32
        %scan3A_860 = scf.for %scan3A_876 = %scan3A_856 to %scan3A_858 step %scan3A_859 iter_args(%scan3A_877 = %scan3A_855) -> (i32)  : i32 {
          %mul3A_878 = arith.constant 128 : i32
          %mul3A_879 = arith.muli %while3A_853, %mul3A_878 : i32
          %mul3A_880 = arith.constant 16 : i32
          %mul3A_881 = arith.muli %scan3A_876, %mul3A_880 : i32
          %add3A_882 = arith.addi %mul3A_879, %mul3A_881 : i32
          %get3A = arith.index_cast %add3A_882 : i32 to index
          %get3A_883 = tpu.vector_load %arg7[%get3A] {strides = array<i32>} : memref<1280xi32, #tpu.memory_space<vmem>>, vector<16xi32>,
          %mul3A_884 = arith.constant 16 : i32
          %mul3A_885 = arith.muli %scan3A_876, %mul3A_884 : i32
          %swap3A_886 = arith.index_cast %mul3A_885 : i32 to index
          %swap3A_887 = tpu.vector_load %arg9[%swap3A_886] {strides = array<i32>} : memref<128xi32, #tpu.memory_space<vmem>>, vector<16xi32>,
          tpu.vector_store %arg9[%swap3A_886], %get3A_883 {strides = array<i32>} : memref<128xi32, #tpu.memory_space<vmem>>, vector<16xi32>,
          %scan3A_888 = arith.constant 0 : i32
          scf.yield %scan3A_888 : i32
        }
        %scan3A_861 = arith.constant 8 : i32
        %dma_start3A_862 = arith.constant 0 : i32
        %dma_start3A_863 = arith.constant 0 : i32
        %dma_start3A_864 = tpu.memref_slice %arg2[%dma_start3A_862, %dma_start3A_863] : memref<40960x128xf32, #tpu.memory_space<hbm>> -> memref<40960x128xf32, #tpu.memory_space<hbm>>
        tpu.enqueue_indirect_dma source(%dma_start3A_864 : memref<40960x128xf32, #tpu.memory_space<hbm>>) target(%arg10 : memref<128x128xf32, #tpu.memory_space<vmem>>) offsets(%arg9 : memref<128xi32, #tpu.memory_space<vmem>>) semaphore(%arg12 : memref<!tpu.dma_semaphore, #tpu.memory_space<semaphore_mem>>)
        %dma_wait3A_865 = arith.constant 0 : i32
        %dma_wait3A_866 = arith.constant 0 : i32
        %dma_wait3A_867 = tpu.memref_slice %arg2[%dma_wait3A_865, %dma_wait3A_866] : memref<40960x128xf32, #tpu.memory_space<hbm>> -> memref<40960x128xf32, #tpu.memory_space<hbm>>
        tpu.wait_indirect_dma semaphore(%arg12 : memref<!tpu.dma_semaphore, #tpu.memory_space<semaphore_mem>>) src(%dma_wait3A_867 : memref<40960x128xf32, #tpu.memory_space<hbm>>) dst(%arg10 : memref<128x128xf32, #tpu.memory_space<vmem>>)
        %scan3A_868 = arith.constant 0 : i32
        %scan3A_869 = arith.constant 0 : i32
        %scan3A_870 = arith.constant 128 : i32
        %scan3A_871 = arith.addi %scan3A_869, %scan3A_870 : i32
        %scan3A_872 = arith.constant 1 : i32
        %scan3A_873 = scf.for %scan3A_876 = %scan3A_869 to %scan3A_871 step %scan3A_872 iter_args(%scan3A_877 = %scan3A_868) -> (i32)  : i32 {
          %mul3A_878 = arith.constant 128 : i32
          %mul3A_879 = arith.muli %while3A_853, %mul3A_878 : i32
          %add3A_880 = arith.addi %mul3A_879, %scan3A_876 : i32
          %get3A = arith.index_cast %add3A_880 : i32 to index
          %get3A_881 = tpu.vector_load %arg8[%get3A] {strides = array<i32>} : memref<1280xi32, #tpu.memory_space<vmem>>, vector<16xi32>,
          %slice3A = vector.extract_strided_slice %get3A_881 {offsets = [0], sizes = [1], strides = [1]} : vector<16xi32> to vector<1xi32>
          %squeeze3A = vector.extract %slice3A[0] : i32 from vector<1xi32>
          %broadcast_in_dim3A_882 = arith.constant 0 : i32
          %broadcast_in_dim3A_883 = vector.broadcast %broadcast_in_dim3A_882 : i32 to vector<16xi32>
          %add3A_884 = vector.broadcast %squeeze3A : i32 to vector<16xi32>
          %add3A_885 = arith.addi %add3A_884, %broadcast_in_dim3A_883 : vector<16xi32>
          %get3A_886 = arith.index_cast %scan3A_876 : i32 to index
          %get3A_887 = arith.constant 0 : index
          %get3A_888 = tpu.vector_load %arg10[%get3A_886, %get3A_887] {strides = array<i32>} : memref<128x128xf32, #tpu.memory_space<vmem>>, vector<16xf32>,
          %add3A_889 = arith.constant 0 : i32
          %add3A_890 = vector.broadcast %add3A_889 : i32 to vector<16xi32>
          %add3A_891 = arith.addi %iota3A, %add3A_890 : vector<16xi32>
          tpu.vector_store_idx %arg11[%add3A_891, %add3A_885], %get3A_888 : memref<64x1040xf32, #tpu.memory_space<vmem>>[vector<16xi32>, vector<16xi32>], vector<16xf32>,
          %get3A_892 = arith.index_cast %scan3A_876 : i32 to index
          %get3A_893 = arith.constant 16 : index
          %get3A_894 = tpu.vector_load %arg10[%get3A_892, %get3A_893] {strides = array<i32>} : memref<128x128xf32, #tpu.memory_space<vmem>>, vector<16xf32>,
          %add3A_895 = arith.constant 16 : i32
          %add3A_896 = vector.broadcast %add3A_895 : i32 to vector<16xi32>
          %add3A_897 = arith.addi %iota3A, %add3A_896 : vector<16xi32>
          tpu.vector_store_idx %arg11[%add3A_897, %add3A_885], %get3A_894 : memref<64x1040xf32, #tpu.memory_space<vmem>>[vector<16xi32>, vector<16xi32>], vector<16xf32>,
          %get3A_898 = arith.index_cast %scan3A_876 : i32 to index
          %get3A_899 = arith.constant 32 : index
          %get3A_900 = tpu.vector_load %arg10[%get3A_898, %get3A_899] {strides = array<i32>} : memref<128x128xf32, #tpu.memory_space<vmem>>, vector<16xf32>,
          %add3A_901 = arith.constant 32 : i32
          %add3A_902 = vector.broadcast %add3A_901 : i32 to vector<16xi32>
          %add3A_903 = arith.addi %iota3A, %add3A_902 : vector<16xi32>
          tpu.vector_store_idx %arg11[%add3A_903, %add3A_885], %get3A_900 : memref<64x1040xf32, #tpu.memory_space<vmem>>[vector<16xi32>, vector<16xi32>], vector<16xf32>,
          %get3A_904 = arith.index_cast %scan3A_876 : i32 to index
          %get3A_905 = arith.constant 48 : index
          %get3A_906 = tpu.vector_load %arg10[%get3A_904, %get3A_905] {strides = array<i32>} : memref<128x128xf32, #tpu.memory_space<vmem>>, vector<16xf32>,
          %add3A_907 = arith.constant 48 : i32
          %add3A_908 = vector.broadcast %add3A_907 : i32 to vector<16xi32>
          %add3A_909 = arith.addi %iota3A, %add3A_908 : vector<16xi32>
          tpu.vector_store_idx %arg11[%add3A_909, %add3A_885], %get3A_906 : memref<64x1040xf32, #tpu.memory_space<vmem>>[vector<16xi32>, vector<16xi32>], vector<16xf32>,
          %scan3A_910 = arith.constant 0 : i32
          scf.yield %scan3A_910 : i32
        }
        %scan3A_874 = arith.constant 128 : i32
        %while3A_875 = arith.constant 0 : i32
        scf.yield %while3A_875 : i32
      }
      %mul3A_823 = arith.constant 1024 : i32
      %mul3A_824 = arith.muli %while3A_679, %mul3A_823 : i32
      %add3A_825 = arith.addi %mul3A_16, %mul3A_824 : i32
      %dma_start3A = arith.constant 0 : i32
      %dma_start3A_826 = arith.constant 0 : i32
      %dma_start3A_827 = tpu.memref_slice %arg11[%dma_start3A, %dma_start3A_826] : memref<64x1040xf32, #tpu.memory_space<vmem>> -> memref<64x1024xf32, #tpu.memory_space<vmem>>
      %dma_start3A_828 = tpu.memref_slice %arg4[%mul3A_663, %add3A_825] : memref<128x214272xf32, #tpu.memory_space<hbm>> -> memref<64x1024xf32, #tpu.memory_space<hbm>>
      %dma_start3A_829 = tpu.memref_slice %arg4[%mul3A_663, %add3A_825] : memref<128x214272xf32, #tpu.memory_space<hbm>> -> memref<64x1024xf32, #tpu.memory_space<hbm>>
      %dma_start3A_830 = arith.constant 0 : i32
      %dma_start3A_831 = arith.constant 0 : i32
      %dma_start3A_832 = tpu.memref_slice %arg11[%dma_start3A_830, %dma_start3A_831] : memref<64x1040xf32, #tpu.memory_space<vmem>> -> memref<64x1024xf32, #tpu.memory_space<vmem>>
      tpu.enqueue_dma source(%dma_start3A_832 : memref<64x1024xf32, #tpu.memory_space<vmem>>) target(%dma_start3A_829 : memref<64x1024xf32, #tpu.memory_space<hbm>>) target_semaphore(%arg12 : memref<!tpu.dma_semaphore, #tpu.memory_space<semaphore_mem>>)
      %dma_wait3A = arith.constant 0 : i32
      %dma_wait3A_833 = arith.constant 0 : i32
      %dma_wait3A_834 = tpu.memref_slice %arg11[%dma_wait3A, %dma_wait3A_833] : memref<64x1040xf32, #tpu.memory_space<vmem>> -> memref<64x1024xf32, #tpu.memory_space<vmem>>
      %dma_wait3A_835 = tpu.memref_slice %arg4[%mul3A_663, %add3A_825] : memref<128x214272xf32, #tpu.memory_space<hbm>> -> memref<64x1024xf32, #tpu.memory_space<hbm>>
      %dma_wait3A_836 = tpu.memref_slice %arg4[%mul3A_663, %add3A_825] : memref<128x214272xf32, #tpu.memory_space<hbm>> -> memref<64x1024xf32, #tpu.memory_space<hbm>>
      %dma_wait3A_837 = arith.constant 0 : i32
      %dma_wait3A_838 = arith.constant 0 : i32
      %dma_wait3A_839 = tpu.memref_slice %arg11[%dma_wait3A_837, %dma_wait3A_838] : memref<64x1040xf32, #tpu.memory_space<vmem>> -> memref<64x1024xf32, #tpu.memory_space<vmem>>
      tpu.wait_dma2 semaphore(%arg12 : memref<!tpu.dma_semaphore, #tpu.memory_space<semaphore_mem>>) src(%dma_wait3A_839 : memref<64x1024xf32, #tpu.memory_space<vmem>>) dst(%dma_wait3A_836 : memref<64x1024xf32, #tpu.memory_space<hbm>>)
      %while3A_840 = arith.constant 0 : i32
      %while3A_841 = arith.constant 0 : i32
      %while3A_842 = arith.subi %select_n3A_810, %while3A_840 : i32
      %while3A_843 = arith.addi %while3A_840, %while3A_842 : i32
      %while3A_844 = arith.constant 1 : i32
      %while3A_845 = arith.divsi %while3A_842, %while3A_844 : i32
      %while3A_846 = arith.muli %while3A_845, %while3A_844 : i32
      %while3A_847 = arith.addi %while3A_840, %while3A_846 : i32
      %while3A_848 = arith.constant 1 : i32
      %while3A_849 = scf.for %while3A_853 = %while3A_840 to %while3A_847 step %while3A_848 iter_args(%while3A_854 = %while3A_841) -> (i32)  : i32 {
        %scan3A_855 = arith.constant 0 : i32
        %scan3A_856 = arith.constant 0 : i32
        %scan3A_857 = arith.constant 128 : i32
        %scan3A_858 = arith.addi %scan3A_856, %scan3A_857 : i32
        %scan3A_859 = arith.constant 1 : i32
        %scan3A_860 = scf.for %scan3A_863 = %scan3A_856 to %scan3A_858 step %scan3A_859 iter_args(%scan3A_864 = %scan3A_855) -> (i32)  : i32 {
          %mul3A_865 = arith.constant 128 : i32
          %mul3A_866 = arith.muli %while3A_853, %mul3A_865 : i32
          %add3A_867 = arith.addi %mul3A_866, %scan3A_863 : i32
          %get3A = arith.index_cast %add3A_867 : i32 to index
          %get3A_868 = tpu.vector_load %arg8[%get3A] {strides = array<i32>} : memref<1280xi32, #tpu.memory_space<vmem>>, vector<16xi32>,
          %slice3A = vector.extract_strided_slice %get3A_868 {offsets = [0], sizes = [1], strides = [1]} : vector<16xi32> to vector<1xi32>
          %squeeze3A = vector.extract %slice3A[0] : i32 from vector<1xi32>
          %broadcast_in_dim3A_869 = arith.constant 0 : i32
          %broadcast_in_dim3A_870 = vector.broadcast %broadcast_in_dim3A_869 : i32 to vector<16xi32>
          %add3A_871 = vector.broadcast %squeeze3A : i32 to vector<16xi32>
          %add3A_872 = arith.addi %add3A_871, %broadcast_in_dim3A_870 : vector<16xi32>
          %add3A_873 = arith.constant 0 : i32
          %add3A_874 = vector.broadcast %add3A_873 : i32 to vector<16xi32>
          %add3A_875 = arith.addi %iota3A, %add3A_874 : vector<16xi32>
          %broadcast_in_dim3A_876 = arith.constant 0.000000e+00 : f32
          %broadcast_in_dim3A_877 = vector.broadcast %broadcast_in_dim3A_876 : f32 to vector<16xf32>
          tpu.vector_store_idx %arg11[%add3A_875, %add3A_872], %broadcast_in_dim3A_877 : memref<64x1040xf32, #tpu.memory_space<vmem>>[vector<16xi32>, vector<16xi32>], vector<16xf32>,
          %add3A_878 = arith.constant 16 : i32
          %add3A_879 = vector.broadcast %add3A_878 : i32 to vector<16xi32>
          %add3A_880 = arith.addi %iota3A, %add3A_879 : vector<16xi32>
          %broadcast_in_dim3A_881 = arith.constant 0.000000e+00 : f32
          %broadcast_in_dim3A_882 = vector.broadcast %broadcast_in_dim3A_881 : f32 to vector<16xf32>
          tpu.vector_store_idx %arg11[%add3A_880, %add3A_872], %broadcast_in_dim3A_882 : memref<64x1040xf32, #tpu.memory_space<vmem>>[vector<16xi32>, vector<16xi32>], vector<16xf32>,
          %add3A_883 = arith.constant 32 : i32
          %add3A_884 = vector.broadcast %add3A_883 : i32 to vector<16xi32>
          %add3A_885 = arith.addi %iota3A, %add3A_884 : vector<16xi32>
          %broadcast_in_dim3A_886 = arith.constant 0.000000e+00 : f32
          %broadcast_in_dim3A_887 = vector.broadcast %broadcast_in_dim3A_886 : f32 to vector<16xf32>
          tpu.vector_store_idx %arg11[%add3A_885, %add3A_872], %broadcast_in_dim3A_887 : memref<64x1040xf32, #tpu.memory_space<vmem>>[vector<16xi32>, vector<16xi32>], vector<16xf32>,
          %add3A_888 = arith.constant 48 : i32
          %add3A_889 = vector.broadcast %add3A_888 : i32 to vector<16xi32>
          %add3A_890 = arith.addi %iota3A, %add3A_889 : vector<16xi32>
          %broadcast_in_dim3A_891 = arith.constant 0.000000e+00 : f32
          %broadcast_in_dim3A_892 = vector.broadcast %broadcast_in_dim3A_891 : f32 to vector<16xf32>
          tpu.vector_store_idx %arg11[%add3A_890, %add3A_872], %broadcast_in_dim3A_892 : memref<64x1040xf32, #tpu.memory_space<vmem>>[vector<16xi32>, vector<16xi32>], vector<16xf32>,
          %scan3A_893 = arith.constant 0 : i32
          scf.yield %scan3A_893 : i32
        }
        %scan3A_861 = arith.constant 128 : i32
        %while3A_862 = arith.constant 0 : i32
        scf.yield %while3A_862 : i32
      }
      %while3A_850 = arith.constant 1 : i32
      %while3A_851 = scf.for %while3A_853 = %while3A_847 to %while3A_843 step %while3A_850 iter_args(%while3A_854 = %while3A_849) -> (i32)  : i32 {
        %scan3A_855 = arith.constant 0 : i32
        %scan3A_856 = arith.constant 0 : i32
        %scan3A_857 = arith.constant 128 : i32
        %scan3A_858 = arith.addi %scan3A_856, %scan3A_857 : i32
        %scan3A_859 = arith.constant 1 : i32
        %scan3A_860 = scf.for %scan3A_863 = %scan3A_856 to %scan3A_858 step %scan3A_859 iter_args(%scan3A_864 = %scan3A_855) -> (i32)  : i32 {
          %mul3A_865 = arith.constant 128 : i32
          %mul3A_866 = arith.muli %while3A_853, %mul3A_865 : i32
          %add3A_867 = arith.addi %mul3A_866, %scan3A_863 : i32
          %get3A = arith.index_cast %add3A_867 : i32 to index
          %get3A_868 = tpu.vector_load %arg8[%get3A] {strides = array<i32>} : memref<1280xi32, #tpu.memory_space<vmem>>, vector<16xi32>,
          %slice3A = vector.extract_strided_slice %get3A_868 {offsets = [0], sizes = [1], strides = [1]} : vector<16xi32> to vector<1xi32>
          %squeeze3A = vector.extract %slice3A[0] : i32 from vector<1xi32>
          %broadcast_in_dim3A_869 = arith.constant 0 : i32
          %broadcast_in_dim3A_870 = vector.broadcast %broadcast_in_dim3A_869 : i32 to vector<16xi32>
          %add3A_871 = vector.broadcast %squeeze3A : i32 to vector<16xi32>
          %add3A_872 = arith.addi %add3A_871, %broadcast_in_dim3A_870 : vector<16xi32>
          %add3A_873 = arith.constant 0 : i32
          %add3A_874 = vector.broadcast %add3A_873 : i32 to vector<16xi32>
          %add3A_875 = arith.addi %iota3A, %add3A_874 : vector<16xi32>
          %broadcast_in_dim3A_876 = arith.constant 0.000000e+00 : f32
          %broadcast_in_dim3A_877 = vector.broadcast %broadcast_in_dim3A_876 : f32 to vector<16xf32>
          tpu.vector_store_idx %arg11[%add3A_875, %add3A_872], %broadcast_in_dim3A_877 : memref<64x1040xf32, #tpu.memory_space<vmem>>[vector<16xi32>, vector<16xi32>], vector<16xf32>,
          %add3A_878 = arith.constant 16 : i32
          %add3A_879 = vector.broadcast %add3A_878 : i32 to vector<16xi32>
          %add3A_880 = arith.addi %iota3A, %add3A_879 : vector<16xi32>
          %broadcast_in_dim3A_881 = arith.constant 0.000000e+00 : f32
          %broadcast_in_dim3A_882 = vector.broadcast %broadcast_in_dim3A_881 : f32 to vector<16xf32>
          tpu.vector_store_idx %arg11[%add3A_880, %add3A_872], %broadcast_in_dim3A_882 : memref<64x1040xf32, #tpu.memory_space<vmem>>[vector<16xi32>, vector<16xi32>], vector<16xf32>,
          %add3A_883 = arith.constant 32 : i32
          %add3A_884 = vector.broadcast %add3A_883 : i32 to vector<16xi32>
          %add3A_885 = arith.addi %iota3A, %add3A_884 : vector<16xi32>
          %broadcast_in_dim3A_886 = arith.constant 0.000000e+00 : f32
          %broadcast_in_dim3A_887 = vector.broadcast %broadcast_in_dim3A_886 : f32 to vector<16xf32>
          tpu.vector_store_idx %arg11[%add3A_885, %add3A_872], %broadcast_in_dim3A_887 : memref<64x1040xf32, #tpu.memory_space<vmem>>[vector<16xi32>, vector<16xi32>], vector<16xf32>,
          %add3A_888 = arith.constant 48 : i32
          %add3A_889 = vector.broadcast %add3A_888 : i32 to vector<16xi32>
          %add3A_890 = arith.addi %iota3A, %add3A_889 : vector<16xi32>
          %broadcast_in_dim3A_891 = arith.constant 0.000000e+00 : f32
          %broadcast_in_dim3A_892 = vector.broadcast %broadcast_in_dim3A_891 : f32 to vector<16xf32>
          tpu.vector_store_idx %arg11[%add3A_890, %add3A_872], %broadcast_in_dim3A_892 : memref<64x1040xf32, #tpu.memory_space<vmem>>[vector<16xi32>, vector<16xi32>], vector<16xf32>,
          %scan3A_893 = arith.constant 0 : i32
          scf.yield %scan3A_893 : i32
        }
        %scan3A_861 = arith.constant 128 : i32
        %while3A_862 = arith.constant 0 : i32
        scf.yield %while3A_862 : i32
      }
      %while3A_852 = arith.constant 0 : i32
      scf.yield %while3A_852 : i32
    }
    %while3A_676 = arith.constant 1 : i32
    %while3A_677 = scf.for %while3A_679 = %while3A_673 to %while3A_669 step %while3A_676 iter_args(%while3A_680 = %while3A_675) -> (i32)  : i32 {
      %scan3A_681 = arith.constant 0 : i32
      %scan3A_682 = arith.constant 0 : i32
      %scan3A_683 = arith.constant 64 : i32
      %scan3A_684 = arith.addi %scan3A_682, %scan3A_683 : i32
      %scan3A_685 = arith.constant 1 : i32
      %scan3A_686 = scf.for %scan3A_853 = %scan3A_682 to %scan3A_684 step %scan3A_685 iter_args(%scan3A_854 = %scan3A_681) -> (i32)  : i32 {
        %mul3A_855 = arith.constant 1024 : i32
        %mul3A_856 = arith.muli %while3A_679, %mul3A_855 : i32
        %mul3A_857 = arith.constant 16 : i32
        %mul3A_858 = arith.muli %scan3A_853, %mul3A_857 : i32
        %add3A_859 = arith.addi %mul3A_856, %mul3A_858 : i32
        %get3A = arith.index_cast %add3A_859 : i32 to index
        %get3A_860 = tpu.vector_load %arg5[%get3A] {strides = array<i32>} : memref<14592xi32, #tpu.memory_space<vmem>>, vector<16xi32>,
        %ge3A = arith.constant 0 : i32
        %ge3A_861 = vector.broadcast %ge3A : i32 to vector<16xi32>
        %ge3A_862 = arith.cmpi sge, %get3A_860, %ge3A_861 : vector<16xi32>
        %mul3A_863 = arith.constant 16 : i32
        %mul3A_864 = arith.muli %scan3A_853, %mul3A_863 : i32
        %add3A_865 = vector.broadcast %mul3A_864 : i32 to vector<16xi32>
        %add3A_866 = arith.addi %add3A_865, %iota3A : vector<16xi32>
        %convert_element_type3A_867 = arith.extui %ge3A_862 : vector<16xi1> to vector<16xi32>
        %cumsum3A = arith.constant true
        %cumsum3A_868 = vector.broadcast %cumsum3A : i1 to vector<16xi1>
        %cumsum3A_869 = tpu.scan <sum>, %convert_element_type3A_867 masked %cumsum3A_868 : vector<16xi32>, vector<16xi1> -> vector<16xi32>
        %add3A_870 = vector.broadcast %scan3A_854 : i32 to vector<16xi32>
        %add3A_871 = arith.addi %add3A_870, %cumsum3A_869 : vector<16xi32>
        %sub3A_872 = arith.constant 1 : i32
        %sub3A_873 = vector.broadcast %sub3A_872 : i32 to vector<16xi32>
        %sub3A_874 = arith.subi %add3A_871, %sub3A_873 : vector<16xi32>
        tpu.vector_store_idx %arg7[%sub3A_874], %get3A_860 masked %ge3A_862 : memref<1280xi32, #tpu.memory_space<vmem>>[vector<16xi32>], vector<16xi32>, vector<16xi1>
        tpu.vector_store_idx %arg8[%sub3A_874], %add3A_866 masked %ge3A_862 : memref<1280xi32, #tpu.memory_space<vmem>>[vector<16xi32>], vector<16xi32>, vector<16xi1>
        %reduce_max3A = arith.constant true
        %reduce_max3A_875 = vector.broadcast %reduce_max3A : i1 to vector<16xi1>
        %reduce_max3A_876 = arith.constant -2147483648 : i32
        %reduce_max3A_877 = vector.broadcast %reduce_max3A_876 : i32 to vector<16xi32>
        %reduce_max3A_878 = arith.xori %cumsum3A_869, %reduce_max3A_877 : vector<16xi32>
        %reduce_max3A_879 = tpu.scan <max>, %reduce_max3A_878 masked %reduce_max3A_875 : vector<16xi32>, vector<16xi1> -> vector<16xi32>
        %reduce_max3A_880 = arith.xori %reduce_max3A_879, %reduce_max3A_877 : vector<16xi32>
        %reduce_max3A_881 = vector.extract %reduce_max3A_880[15] : i32 from vector<16xi32>
        %add3A_882 = arith.addi %scan3A_854, %reduce_max3A_881 : i32
        scf.yield %add3A_882 : i32
      }
      %scan3A_687 = arith.constant 64 : i32
      %broadcast_in_dim3A_688 = arith.constant 0 : i32
      %broadcast_in_dim3A_689 = vector.broadcast %broadcast_in_dim3A_688 : i32 to vector<16xi32>
      %add3A_690 = arith.constant 0 : i32
      %add3A_691 = arith.addi %scan3A_686, %add3A_690 : i32
      %swap3A = arith.index_cast %add3A_691 : i32 to index
      %swap3A_692 = tpu.vector_load %arg7[%swap3A] {strides = array<i32>} : memref<1280xi32, #tpu.memory_space<vmem>>, vector<16xi32>,
      tpu.vector_store %arg7[%swap3A], %broadcast_in_dim3A_689 {strides = array<i32>} : memref<1280xi32, #tpu.memory_space<vmem>>, vector<16xi32>,
      %broadcast_in_dim3A_693 = arith.constant 1025 : i32
      %broadcast_in_dim3A_694 = vector.broadcast %broadcast_in_dim3A_693 : i32 to vector<16xi32>
      %add3A_695 = arith.constant 0 : i32
      %add3A_696 = arith.addi %scan3A_686, %add3A_695 : i32
      %swap3A_697 = arith.index_cast %add3A_696 : i32 to index
      %swap3A_698 = tpu.vector_load %arg8[%swap3A_697] {strides = array<i32>} : memref<1280xi32, #tpu.memory_space<vmem>>, vector<16xi32>,
      tpu.vector_store %arg8[%swap3A_697], %broadcast_in_dim3A_694 {strides = array<i32>} : memref<1280xi32, #tpu.memory_space<vmem>>, vector<16xi32>,
      %broadcast_in_dim3A_699 = arith.constant 0 : i32
      %broadcast_in_dim3A_700 = vector.broadcast %broadcast_in_dim3A_699 : i32 to vector<16xi32>
      %add3A_701 = arith.constant 16 : i32
      %add3A_702 = arith.addi %scan3A_686, %add3A_701 : i32
      %swap3A_703 = arith.index_cast %add3A_702 : i32 to index
      %swap3A_704 = tpu.vector_load %arg7[%swap3A_703] {strides = array<i32>} : memref<1280xi32, #tpu.memory_space<vmem>>, vector<16xi32>,
      tpu.vector_store %arg7[%swap3A_703], %broadcast_in_dim3A_700 {strides = array<i32>} : memref<1280xi32, #tpu.memory_space<vmem>>, vector<16xi32>,
      %broadcast_in_dim3A_705 = arith.constant 1025 : i32
      %broadcast_in_dim3A_706 = vector.broadcast %broadcast_in_dim3A_705 : i32 to vector<16xi32>
      %add3A_707 = arith.constant 16 : i32
      %add3A_708 = arith.addi %scan3A_686, %add3A_707 : i32
      %swap3A_709 = arith.index_cast %add3A_708 : i32 to index
      %swap3A_710 = tpu.vector_load %arg8[%swap3A_709] {strides = array<i32>} : memref<1280xi32, #tpu.memory_space<vmem>>, vector<16xi32>,
      tpu.vector_store %arg8[%swap3A_709], %broadcast_in_dim3A_706 {strides = array<i32>} : memref<1280xi32, #tpu.memory_space<vmem>>, vector<16xi32>,
      %broadcast_in_dim3A_711 = arith.constant 0 : i32
      %broadcast_in_dim3A_712 = vector.broadcast %broadcast_in_dim3A_711 : i32 to vector<16xi32>
      %add3A_713 = arith.constant 32 : i32
      %add3A_714 = arith.addi %scan3A_686, %add3A_713 : i32
      %swap3A_715 = arith.index_cast %add3A_714 : i32 to index
      %swap3A_716 = tpu.vector_load %arg7[%swap3A_715] {strides = array<i32>} : memref<1280xi32, #tpu.memory_space<vmem>>, vector<16xi32>,
      tpu.vector_store %arg7[%swap3A_715], %broadcast_in_dim3A_712 {strides = array<i32>} : memref<1280xi32, #tpu.memory_space<vmem>>, vector<16xi32>,
      %broadcast_in_dim3A_717 = arith.constant 1025 : i32
      %broadcast_in_dim3A_718 = vector.broadcast %broadcast_in_dim3A_717 : i32 to vector<16xi32>
      %add3A_719 = arith.constant 32 : i32
      %add3A_720 = arith.addi %scan3A_686, %add3A_719 : i32
      %swap3A_721 = arith.index_cast %add3A_720 : i32 to index
      %swap3A_722 = tpu.vector_load %arg8[%swap3A_721] {strides = array<i32>} : memref<1280xi32, #tpu.memory_space<vmem>>, vector<16xi32>,
      tpu.vector_store %arg8[%swap3A_721], %broadcast_in_dim3A_718 {strides = array<i32>} : memref<1280xi32, #tpu.memory_space<vmem>>, vector<16xi32>,
      %broadcast_in_dim3A_723 = arith.constant 0 : i32
      %broadcast_in_dim3A_724 = vector.broadcast %broadcast_in_dim3A_723 : i32 to vector<16xi32>
      %add3A_725 = arith.constant 48 : i32
      %add3A_726 = arith.addi %scan3A_686, %add3A_725 : i32
      %swap3A_727 = arith.index_cast %add3A_726 : i32 to index
      %swap3A_728 = tpu.vector_load %arg7[%swap3A_727] {strides = array<i32>} : memref<1280xi32, #tpu.memory_space<vmem>>, vector<16xi32>,
      tpu.vector_store %arg7[%swap3A_727], %broadcast_in_dim3A_724 {strides = array<i32>} : memref<1280xi32, #tpu.memory_space<vmem>>, vector<16xi32>,
      %broadcast_in_dim3A_729 = arith.constant 1025 : i32
      %broadcast_in_dim3A_730 = vector.broadcast %broadcast_in_dim3A_729 : i32 to vector<16xi32>
      %add3A_731 = arith.constant 48 : i32
      %add3A_732 = arith.addi %scan3A_686, %add3A_731 : i32
      %swap3A_733 = arith.index_cast %add3A_732 : i32 to index
      %swap3A_734 = tpu.vector_load %arg8[%swap3A_733] {strides = array<i32>} : memref<1280xi32, #tpu.memory_space<vmem>>, vector<16xi32>,
      tpu.vector_store %arg8[%swap3A_733], %broadcast_in_dim3A_730 {strides = array<i32>} : memref<1280xi32, #tpu.memory_space<vmem>>, vector<16xi32>,
      %broadcast_in_dim3A_735 = arith.constant 0 : i32
      %broadcast_in_dim3A_736 = vector.broadcast %broadcast_in_dim3A_735 : i32 to vector<16xi32>
      %add3A_737 = arith.constant 64 : i32
      %add3A_738 = arith.addi %scan3A_686, %add3A_737 : i32
      %swap3A_739 = arith.index_cast %add3A_738 : i32 to index
      %swap3A_740 = tpu.vector_load %arg7[%swap3A_739] {strides = array<i32>} : memref<1280xi32, #tpu.memory_space<vmem>>, vector<16xi32>,
      tpu.vector_store %arg7[%swap3A_739], %broadcast_in_dim3A_736 {strides = array<i32>} : memref<1280xi32, #tpu.memory_space<vmem>>, vector<16xi32>,
      %broadcast_in_dim3A_741 = arith.constant 1025 : i32
      %broadcast_in_dim3A_742 = vector.broadcast %broadcast_in_dim3A_741 : i32 to vector<16xi32>
      %add3A_743 = arith.constant 64 : i32
      %add3A_744 = arith.addi %scan3A_686, %add3A_743 : i32
      %swap3A_745 = arith.index_cast %add3A_744 : i32 to index
      %swap3A_746 = tpu.vector_load %arg8[%swap3A_745] {strides = array<i32>} : memref<1280xi32, #tpu.memory_space<vmem>>, vector<16xi32>,
      tpu.vector_store %arg8[%swap3A_745], %broadcast_in_dim3A_742 {strides = array<i32>} : memref<1280xi32, #tpu.memory_space<vmem>>, vector<16xi32>,
      %broadcast_in_dim3A_747 = arith.constant 0 : i32
      %broadcast_in_dim3A_748 = vector.broadcast %broadcast_in_dim3A_747 : i32 to vector<16xi32>
      %add3A_749 = arith.constant 80 : i32
      %add3A_750 = arith.addi %scan3A_686, %add3A_749 : i32
      %swap3A_751 = arith.index_cast %add3A_750 : i32 to index
      %swap3A_752 = tpu.vector_load %arg7[%swap3A_751] {strides = array<i32>} : memref<1280xi32, #tpu.memory_space<vmem>>, vector<16xi32>,
      tpu.vector_store %arg7[%swap3A_751], %broadcast_in_dim3A_748 {strides = array<i32>} : memref<1280xi32, #tpu.memory_space<vmem>>, vector<16xi32>,
      %broadcast_in_dim3A_753 = arith.constant 1025 : i32
      %broadcast_in_dim3A_754 = vector.broadcast %broadcast_in_dim3A_753 : i32 to vector<16xi32>
      %add3A_755 = arith.constant 80 : i32
      %add3A_756 = arith.addi %scan3A_686, %add3A_755 : i32
      %swap3A_757 = arith.index_cast %add3A_756 : i32 to index
      %swap3A_758 = tpu.vector_load %arg8[%swap3A_757] {strides = array<i32>} : memref<1280xi32, #tpu.memory_space<vmem>>, vector<16xi32>,
      tpu.vector_store %arg8[%swap3A_757], %broadcast_in_dim3A_754 {strides = array<i32>} : memref<1280xi32, #tpu.memory_space<vmem>>, vector<16xi32>,
      %broadcast_in_dim3A_759 = arith.constant 0 : i32
      %broadcast_in_dim3A_760 = vector.broadcast %broadcast_in_dim3A_759 : i32 to vector<16xi32>
      %add3A_761 = arith.constant 96 : i32
      %add3A_762 = arith.addi %scan3A_686, %add3A_761 : i32
      %swap3A_763 = arith.index_cast %add3A_762 : i32 to index
      %swap3A_764 = tpu.vector_load %arg7[%swap3A_763] {strides = array<i32>} : memref<1280xi32, #tpu.memory_space<vmem>>, vector<16xi32>,
      tpu.vector_store %arg7[%swap3A_763], %broadcast_in_dim3A_760 {strides = array<i32>} : memref<1280xi32, #tpu.memory_space<vmem>>, vector<16xi32>,
      %broadcast_in_dim3A_765 = arith.constant 1025 : i32
      %broadcast_in_dim3A_766 = vector.broadcast %broadcast_in_dim3A_765 : i32 to vector<16xi32>
      %add3A_767 = arith.constant 96 : i32
      %add3A_768 = arith.addi %scan3A_686, %add3A_767 : i32
      %swap3A_769 = arith.index_cast %add3A_768 : i32 to index
      %swap3A_770 = tpu.vector_load %arg8[%swap3A_769] {strides = array<i32>} : memref<1280xi32, #tpu.memory_space<vmem>>, vector<16xi32>,
      tpu.vector_store %arg8[%swap3A_769], %broadcast_in_dim3A_766 {strides = array<i32>} : memref<1280xi32, #tpu.memory_space<vmem>>, vector<16xi32>,
      %broadcast_in_dim3A_771 = arith.constant 0 : i32
      %broadcast_in_dim3A_772 = vector.broadcast %broadcast_in_dim3A_771 : i32 to vector<16xi32>
      %add3A_773 = arith.constant 112 : i32
      %add3A_774 = arith.addi %scan3A_686, %add3A_773 : i32
      %swap3A_775 = arith.index_cast %add3A_774 : i32 to index
      %swap3A_776 = tpu.vector_load %arg7[%swap3A_775] {strides = array<i32>} : memref<1280xi32, #tpu.memory_space<vmem>>, vector<16xi32>,
      tpu.vector_store %arg7[%swap3A_775], %broadcast_in_dim3A_772 {strides = array<i32>} : memref<1280xi32, #tpu.memory_space<vmem>>, vector<16xi32>,
      %broadcast_in_dim3A_777 = arith.constant 1025 : i32
      %broadcast_in_dim3A_778 = vector.broadcast %broadcast_in_dim3A_777 : i32 to vector<16xi32>
      %add3A_779 = arith.constant 112 : i32
      %add3A_780 = arith.addi %scan3A_686, %add3A_779 : i32
      %swap3A_781 = arith.index_cast %add3A_780 : i32 to index
      %swap3A_782 = tpu.vector_load %arg8[%swap3A_781] {strides = array<i32>} : memref<1280xi32, #tpu.memory_space<vmem>>, vector<16xi32>,
      tpu.vector_store %arg8[%swap3A_781], %broadcast_in_dim3A_778 {strides = array<i32>} : memref<1280xi32, #tpu.memory_space<vmem>>, vector<16xi32>,
      %add3A_783 = arith.constant 128 : i32
      %add3A_784 = arith.addi %scan3A_686, %add3A_783 : i32
      %sub3A_785 = arith.constant 1 : i32
      %sub3A_786 = arith.subi %add3A_784, %sub3A_785 : i32
      %jit3A_787 = arith.constant 128 : i32
      %div3A_788 = arith.divsi %sub3A_786, %jit3A_787 : i32
      %sign3A_789 = arith.constant 0 : i32
      %sign3A_790 = arith.cmpi sgt, %sub3A_786, %sign3A_789 : i32
      %sign3A_791 = arith.extui %sign3A_790 : i1 to i32
      %sign3A_792 = arith.constant 0 : i32
      %sign3A_793 = arith.cmpi slt, %sub3A_786, %sign3A_792 : i32
      %sign3A_794 = arith.extui %sign3A_793 : i1 to i32
      %sign3A_795 = arith.subi %sign3A_791, %sign3A_794 : i32
      %sign3A_796 = arith.constant 0 : i32
      %sign3A_797 = arith.cmpi sgt, %jit3A_787, %sign3A_796 : i32
      %sign3A_798 = arith.extui %sign3A_797 : i1 to i32
      %sign3A_799 = arith.constant 0 : i32
      %sign3A_800 = arith.cmpi slt, %jit3A_787, %sign3A_799 : i32
      %sign3A_801 = arith.extui %sign3A_800 : i1 to i32
      %sign3A_802 = arith.subi %sign3A_798, %sign3A_801 : i32
      %ne3A_803 = arith.cmpi ne, %sign3A_795, %sign3A_802 : i32
      %rem3A_804 = arith.remsi %sub3A_786, %jit3A_787 : i32
      %ne3A_805 = arith.constant 0 : i32
      %ne3A_806 = arith.cmpi ne, %rem3A_804, %ne3A_805 : i32
      %and3A_807 = arith.andi %ne3A_803, %ne3A_806 : i1
      %sub3A_808 = arith.constant 1 : i32
      %sub3A_809 = arith.subi %div3A_788, %sub3A_808 : i32
      %select_n3A_810 = arith.select %and3A_807, %sub3A_809, %div3A_788 : i32
      %while3A_811 = arith.constant 0 : i32
      %while3A_812 = arith.constant 0 : i32
      %while3A_813 = arith.subi %select_n3A_810, %while3A_811 : i32
      %while3A_814 = arith.addi %while3A_811, %while3A_813 : i32
      %while3A_815 = arith.constant 1 : i32
      %while3A_816 = arith.divsi %while3A_813, %while3A_815 : i32
      %while3A_817 = arith.muli %while3A_816, %while3A_815 : i32
      %while3A_818 = arith.addi %while3A_811, %while3A_817 : i32
      %while3A_819 = arith.constant 1 : i32
      %while3A_820 = scf.for %while3A_853 = %while3A_811 to %while3A_818 step %while3A_819 iter_args(%while3A_854 = %while3A_812) -> (i32)  : i32 {
        %scan3A_855 = arith.constant 0 : i32
        %scan3A_856 = arith.constant 0 : i32
        %scan3A_857 = arith.constant 8 : i32
        %scan3A_858 = arith.addi %scan3A_856, %scan3A_857 : i32
        %scan3A_859 = arith.constant 1 : i32
        %scan3A_860 = scf.for %scan3A_876 = %scan3A_856 to %scan3A_858 step %scan3A_859 iter_args(%scan3A_877 = %scan3A_855) -> (i32)  : i32 {
          %mul3A_878 = arith.constant 128 : i32
          %mul3A_879 = arith.muli %while3A_853, %mul3A_878 : i32
          %mul3A_880 = arith.constant 16 : i32
          %mul3A_881 = arith.muli %scan3A_876, %mul3A_880 : i32
          %add3A_882 = arith.addi %mul3A_879, %mul3A_881 : i32
          %get3A = arith.index_cast %add3A_882 : i32 to index
          %get3A_883 = tpu.vector_load %arg7[%get3A] {strides = array<i32>} : memref<1280xi32, #tpu.memory_space<vmem>>, vector<16xi32>,
          %mul3A_884 = arith.constant 16 : i32
          %mul3A_885 = arith.muli %scan3A_876, %mul3A_884 : i32
          %swap3A_886 = arith.index_cast %mul3A_885 : i32 to index
          %swap3A_887 = tpu.vector_load %arg9[%swap3A_886] {strides = array<i32>} : memref<128xi32, #tpu.memory_space<vmem>>, vector<16xi32>,
          tpu.vector_store %arg9[%swap3A_886], %get3A_883 {strides = array<i32>} : memref<128xi32, #tpu.memory_space<vmem>>, vector<16xi32>,
          %scan3A_888 = arith.constant 0 : i32
          scf.yield %scan3A_888 : i32
        }
        %scan3A_861 = arith.constant 8 : i32
        %dma_start3A_862 = arith.constant 0 : i32
        %dma_start3A_863 = arith.constant 0 : i32
        %dma_start3A_864 = tpu.memref_slice %arg2[%dma_start3A_862, %dma_start3A_863] : memref<40960x128xf32, #tpu.memory_space<hbm>> -> memref<40960x128xf32, #tpu.memory_space<hbm>>
        tpu.enqueue_indirect_dma source(%dma_start3A_864 : memref<40960x128xf32, #tpu.memory_space<hbm>>) target(%arg10 : memref<128x128xf32, #tpu.memory_space<vmem>>) offsets(%arg9 : memref<128xi32, #tpu.memory_space<vmem>>) semaphore(%arg12 : memref<!tpu.dma_semaphore, #tpu.memory_space<semaphore_mem>>)
        %dma_wait3A_865 = arith.constant 0 : i32
        %dma_wait3A_866 = arith.constant 0 : i32
        %dma_wait3A_867 = tpu.memref_slice %arg2[%dma_wait3A_865, %dma_wait3A_866] : memref<40960x128xf32, #tpu.memory_space<hbm>> -> memref<40960x128xf32, #tpu.memory_space<hbm>>
        tpu.wait_indirect_dma semaphore(%arg12 : memref<!tpu.dma_semaphore, #tpu.memory_space<semaphore_mem>>) src(%dma_wait3A_867 : memref<40960x128xf32, #tpu.memory_space<hbm>>) dst(%arg10 : memref<128x128xf32, #tpu.memory_space<vmem>>)
        %scan3A_868 = arith.constant 0 : i32
        %scan3A_869 = arith.constant 0 : i32
        %scan3A_870 = arith.constant 128 : i32
        %scan3A_871 = arith.addi %scan3A_869, %scan3A_870 : i32
        %scan3A_872 = arith.constant 1 : i32
        %scan3A_873 = scf.for %scan3A_876 = %scan3A_869 to %scan3A_871 step %scan3A_872 iter_args(%scan3A_877 = %scan3A_868) -> (i32)  : i32 {
          %mul3A_878 = arith.constant 128 : i32
          %mul3A_879 = arith.muli %while3A_853, %mul3A_878 : i32
          %add3A_880 = arith.addi %mul3A_879, %scan3A_876 : i32
          %get3A = arith.index_cast %add3A_880 : i32 to index
          %get3A_881 = tpu.vector_load %arg8[%get3A] {strides = array<i32>} : memref<1280xi32, #tpu.memory_space<vmem>>, vector<16xi32>,
          %slice3A = vector.extract_strided_slice %get3A_881 {offsets = [0], sizes = [1], strides = [1]} : vector<16xi32> to vector<1xi32>
          %squeeze3A = vector.extract %slice3A[0] : i32 from vector<1xi32>
          %broadcast_in_dim3A_882 = arith.constant 0 : i32
          %broadcast_in_dim3A_883 = vector.broadcast %broadcast_in_dim3A_882 : i32 to vector<16xi32>
          %add3A_884 = vector.broadcast %squeeze3A : i32 to vector<16xi32>
          %add3A_885 = arith.addi %add3A_884, %broadcast_in_dim3A_883 : vector<16xi32>
          %get3A_886 = arith.index_cast %scan3A_876 : i32 to index
          %get3A_887 = arith.constant 0 : index
          %get3A_888 = tpu.vector_load %arg10[%get3A_886, %get3A_887] {strides = array<i32>} : memref<128x128xf32, #tpu.memory_space<vmem>>, vector<16xf32>,
          %add3A_889 = arith.constant 0 : i32
          %add3A_890 = vector.broadcast %add3A_889 : i32 to vector<16xi32>
          %add3A_891 = arith.addi %iota3A, %add3A_890 : vector<16xi32>
          tpu.vector_store_idx %arg11[%add3A_891, %add3A_885], %get3A_888 : memref<64x1040xf32, #tpu.memory_space<vmem>>[vector<16xi32>, vector<16xi32>], vector<16xf32>,
          %get3A_892 = arith.index_cast %scan3A_876 : i32 to index
          %get3A_893 = arith.constant 16 : index
          %get3A_894 = tpu.vector_load %arg10[%get3A_892, %get3A_893] {strides = array<i32>} : memref<128x128xf32, #tpu.memory_space<vmem>>, vector<16xf32>,
          %add3A_895 = arith.constant 16 : i32
          %add3A_896 = vector.broadcast %add3A_895 : i32 to vector<16xi32>
          %add3A_897 = arith.addi %iota3A, %add3A_896 : vector<16xi32>
          tpu.vector_store_idx %arg11[%add3A_897, %add3A_885], %get3A_894 : memref<64x1040xf32, #tpu.memory_space<vmem>>[vector<16xi32>, vector<16xi32>], vector<16xf32>,
          %get3A_898 = arith.index_cast %scan3A_876 : i32 to index
          %get3A_899 = arith.constant 32 : index
          %get3A_900 = tpu.vector_load %arg10[%get3A_898, %get3A_899] {strides = array<i32>} : memref<128x128xf32, #tpu.memory_space<vmem>>, vector<16xf32>,
          %add3A_901 = arith.constant 32 : i32
          %add3A_902 = vector.broadcast %add3A_901 : i32 to vector<16xi32>
          %add3A_903 = arith.addi %iota3A, %add3A_902 : vector<16xi32>
          tpu.vector_store_idx %arg11[%add3A_903, %add3A_885], %get3A_900 : memref<64x1040xf32, #tpu.memory_space<vmem>>[vector<16xi32>, vector<16xi32>], vector<16xf32>,
          %get3A_904 = arith.index_cast %scan3A_876 : i32 to index
          %get3A_905 = arith.constant 48 : index
          %get3A_906 = tpu.vector_load %arg10[%get3A_904, %get3A_905] {strides = array<i32>} : memref<128x128xf32, #tpu.memory_space<vmem>>, vector<16xf32>,
          %add3A_907 = arith.constant 48 : i32
          %add3A_908 = vector.broadcast %add3A_907 : i32 to vector<16xi32>
          %add3A_909 = arith.addi %iota3A, %add3A_908 : vector<16xi32>
          tpu.vector_store_idx %arg11[%add3A_909, %add3A_885], %get3A_906 : memref<64x1040xf32, #tpu.memory_space<vmem>>[vector<16xi32>, vector<16xi32>], vector<16xf32>,
          %scan3A_910 = arith.constant 0 : i32
          scf.yield %scan3A_910 : i32
        }
        %scan3A_874 = arith.constant 128 : i32
        %while3A_875 = arith.constant 0 : i32
        scf.yield %while3A_875 : i32
      }
      %while3A_821 = arith.constant 1 : i32
      %while3A_822 = scf.for %while3A_853 = %while3A_818 to %while3A_814 step %while3A_821 iter_args(%while3A_854 = %while3A_820) -> (i32)  : i32 {
        %scan3A_855 = arith.constant 0 : i32
        %scan3A_856 = arith.constant 0 : i32
        %scan3A_857 = arith.constant 8 : i32
        %scan3A_858 = arith.addi %scan3A_856, %scan3A_857 : i32
        %scan3A_859 = arith.constant 1 : i32
        %scan3A_860 = scf.for %scan3A_876 = %scan3A_856 to %scan3A_858 step %scan3A_859 iter_args(%scan3A_877 = %scan3A_855) -> (i32)  : i32 {
          %mul3A_878 = arith.constant 128 : i32
          %mul3A_879 = arith.muli %while3A_853, %mul3A_878 : i32
          %mul3A_880 = arith.constant 16 : i32
          %mul3A_881 = arith.muli %scan3A_876, %mul3A_880 : i32
          %add3A_882 = arith.addi %mul3A_879, %mul3A_881 : i32
          %get3A = arith.index_cast %add3A_882 : i32 to index
          %get3A_883 = tpu.vector_load %arg7[%get3A] {strides = array<i32>} : memref<1280xi32, #tpu.memory_space<vmem>>, vector<16xi32>,
          %mul3A_884 = arith.constant 16 : i32
          %mul3A_885 = arith.muli %scan3A_876, %mul3A_884 : i32
          %swap3A_886 = arith.index_cast %mul3A_885 : i32 to index
          %swap3A_887 = tpu.vector_load %arg9[%swap3A_886] {strides = array<i32>} : memref<128xi32, #tpu.memory_space<vmem>>, vector<16xi32>,
          tpu.vector_store %arg9[%swap3A_886], %get3A_883 {strides = array<i32>} : memref<128xi32, #tpu.memory_space<vmem>>, vector<16xi32>,
          %scan3A_888 = arith.constant 0 : i32
          scf.yield %scan3A_888 : i32
        }
        %scan3A_861 = arith.constant 8 : i32
        %dma_start3A_862 = arith.constant 0 : i32
        %dma_start3A_863 = arith.constant 0 : i32
        %dma_start3A_864 = tpu.memref_slice %arg2[%dma_start3A_862, %dma_start3A_863] : memref<40960x128xf32, #tpu.memory_space<hbm>> -> memref<40960x128xf32, #tpu.memory_space<hbm>>
        tpu.enqueue_indirect_dma source(%dma_start3A_864 : memref<40960x128xf32, #tpu.memory_space<hbm>>) target(%arg10 : memref<128x128xf32, #tpu.memory_space<vmem>>) offsets(%arg9 : memref<128xi32, #tpu.memory_space<vmem>>) semaphore(%arg12 : memref<!tpu.dma_semaphore, #tpu.memory_space<semaphore_mem>>)
        %dma_wait3A_865 = arith.constant 0 : i32
        %dma_wait3A_866 = arith.constant 0 : i32
        %dma_wait3A_867 = tpu.memref_slice %arg2[%dma_wait3A_865, %dma_wait3A_866] : memref<40960x128xf32, #tpu.memory_space<hbm>> -> memref<40960x128xf32, #tpu.memory_space<hbm>>
        tpu.wait_indirect_dma semaphore(%arg12 : memref<!tpu.dma_semaphore, #tpu.memory_space<semaphore_mem>>) src(%dma_wait3A_867 : memref<40960x128xf32, #tpu.memory_space<hbm>>) dst(%arg10 : memref<128x128xf32, #tpu.memory_space<vmem>>)
        %scan3A_868 = arith.constant 0 : i32
        %scan3A_869 = arith.constant 0 : i32
        %scan3A_870 = arith.constant 128 : i32
        %scan3A_871 = arith.addi %scan3A_869, %scan3A_870 : i32
        %scan3A_872 = arith.constant 1 : i32
        %scan3A_873 = scf.for %scan3A_876 = %scan3A_869 to %scan3A_871 step %scan3A_872 iter_args(%scan3A_877 = %scan3A_868) -> (i32)  : i32 {
          %mul3A_878 = arith.constant 128 : i32
          %mul3A_879 = arith.muli %while3A_853, %mul3A_878 : i32
          %add3A_880 = arith.addi %mul3A_879, %scan3A_876 : i32
          %get3A = arith.index_cast %add3A_880 : i32 to index
          %get3A_881 = tpu.vector_load %arg8[%get3A] {strides = array<i32>} : memref<1280xi32, #tpu.memory_space<vmem>>, vector<16xi32>,
          %slice3A = vector.extract_strided_slice %get3A_881 {offsets = [0], sizes = [1], strides = [1]} : vector<16xi32> to vector<1xi32>
          %squeeze3A = vector.extract %slice3A[0] : i32 from vector<1xi32>
          %broadcast_in_dim3A_882 = arith.constant 0 : i32
          %broadcast_in_dim3A_883 = vector.broadcast %broadcast_in_dim3A_882 : i32 to vector<16xi32>
          %add3A_884 = vector.broadcast %squeeze3A : i32 to vector<16xi32>
          %add3A_885 = arith.addi %add3A_884, %broadcast_in_dim3A_883 : vector<16xi32>
          %get3A_886 = arith.index_cast %scan3A_876 : i32 to index
          %get3A_887 = arith.constant 0 : index
          %get3A_888 = tpu.vector_load %arg10[%get3A_886, %get3A_887] {strides = array<i32>} : memref<128x128xf32, #tpu.memory_space<vmem>>, vector<16xf32>,
          %add3A_889 = arith.constant 0 : i32
          %add3A_890 = vector.broadcast %add3A_889 : i32 to vector<16xi32>
          %add3A_891 = arith.addi %iota3A, %add3A_890 : vector<16xi32>
          tpu.vector_store_idx %arg11[%add3A_891, %add3A_885], %get3A_888 : memref<64x1040xf32, #tpu.memory_space<vmem>>[vector<16xi32>, vector<16xi32>], vector<16xf32>,
          %get3A_892 = arith.index_cast %scan3A_876 : i32 to index
          %get3A_893 = arith.constant 16 : index
          %get3A_894 = tpu.vector_load %arg10[%get3A_892, %get3A_893] {strides = array<i32>} : memref<128x128xf32, #tpu.memory_space<vmem>>, vector<16xf32>,
          %add3A_895 = arith.constant 16 : i32
          %add3A_896 = vector.broadcast %add3A_895 : i32 to vector<16xi32>
          %add3A_897 = arith.addi %iota3A, %add3A_896 : vector<16xi32>
          tpu.vector_store_idx %arg11[%add3A_897, %add3A_885], %get3A_894 : memref<64x1040xf32, #tpu.memory_space<vmem>>[vector<16xi32>, vector<16xi32>], vector<16xf32>,
          %get3A_898 = arith.index_cast %scan3A_876 : i32 to index
          %get3A_899 = arith.constant 32 : index
          %get3A_900 = tpu.vector_load %arg10[%get3A_898, %get3A_899] {strides = array<i32>} : memref<128x128xf32, #tpu.memory_space<vmem>>, vector<16xf32>,
          %add3A_901 = arith.constant 32 : i32
          %add3A_902 = vector.broadcast %add3A_901 : i32 to vector<16xi32>
          %add3A_903 = arith.addi %iota3A, %add3A_902 : vector<16xi32>
          tpu.vector_store_idx %arg11[%add3A_903, %add3A_885], %get3A_900 : memref<64x1040xf32, #tpu.memory_space<vmem>>[vector<16xi32>, vector<16xi32>], vector<16xf32>,
          %get3A_904 = arith.index_cast %scan3A_876 : i32 to index
          %get3A_905 = arith.constant 48 : index
          %get3A_906 = tpu.vector_load %arg10[%get3A_904, %get3A_905] {strides = array<i32>} : memref<128x128xf32, #tpu.memory_space<vmem>>, vector<16xf32>,
          %add3A_907 = arith.constant 48 : i32
          %add3A_908 = vector.broadcast %add3A_907 : i32 to vector<16xi32>
          %add3A_909 = arith.addi %iota3A, %add3A_908 : vector<16xi32>
          tpu.vector_store_idx %arg11[%add3A_909, %add3A_885], %get3A_906 : memref<64x1040xf32, #tpu.memory_space<vmem>>[vector<16xi32>, vector<16xi32>], vector<16xf32>,
          %scan3A_910 = arith.constant 0 : i32
          scf.yield %scan3A_910 : i32
        }
        %scan3A_874 = arith.constant 128 : i32
        %while3A_875 = arith.constant 0 : i32
        scf.yield %while3A_875 : i32
      }
      %mul3A_823 = arith.constant 1024 : i32
      %mul3A_824 = arith.muli %while3A_679, %mul3A_823 : i32
      %add3A_825 = arith.addi %mul3A_16, %mul3A_824 : i32
      %dma_start3A = arith.constant 0 : i32
      %dma_start3A_826 = arith.constant 0 : i32
      %dma_start3A_827 = tpu.memref_slice %arg11[%dma_start3A, %dma_start3A_826] : memref<64x1040xf32, #tpu.memory_space<vmem>> -> memref<64x1024xf32, #tpu.memory_space<vmem>>
      %dma_start3A_828 = tpu.memref_slice %arg4[%mul3A_663, %add3A_825] : memref<128x214272xf32, #tpu.memory_space<hbm>> -> memref<64x1024xf32, #tpu.memory_space<hbm>>
      %dma_start3A_829 = tpu.memref_slice %arg4[%mul3A_663, %add3A_825] : memref<128x214272xf32, #tpu.memory_space<hbm>> -> memref<64x1024xf32, #tpu.memory_space<hbm>>
      %dma_start3A_830 = arith.constant 0 : i32
      %dma_start3A_831 = arith.constant 0 : i32
      %dma_start3A_832 = tpu.memref_slice %arg11[%dma_start3A_830, %dma_start3A_831] : memref<64x1040xf32, #tpu.memory_space<vmem>> -> memref<64x1024xf32, #tpu.memory_space<vmem>>
      tpu.enqueue_dma source(%dma_start3A_832 : memref<64x1024xf32, #tpu.memory_space<vmem>>) target(%dma_start3A_829 : memref<64x1024xf32, #tpu.memory_space<hbm>>) target_semaphore(%arg12 : memref<!tpu.dma_semaphore, #tpu.memory_space<semaphore_mem>>)
      %dma_wait3A = arith.constant 0 : i32
      %dma_wait3A_833 = arith.constant 0 : i32
      %dma_wait3A_834 = tpu.memref_slice %arg11[%dma_wait3A, %dma_wait3A_833] : memref<64x1040xf32, #tpu.memory_space<vmem>> -> memref<64x1024xf32, #tpu.memory_space<vmem>>
      %dma_wait3A_835 = tpu.memref_slice %arg4[%mul3A_663, %add3A_825] : memref<128x214272xf32, #tpu.memory_space<hbm>> -> memref<64x1024xf32, #tpu.memory_space<hbm>>
      %dma_wait3A_836 = tpu.memref_slice %arg4[%mul3A_663, %add3A_825] : memref<128x214272xf32, #tpu.memory_space<hbm>> -> memref<64x1024xf32, #tpu.memory_space<hbm>>
      %dma_wait3A_837 = arith.constant 0 : i32
      %dma_wait3A_838 = arith.constant 0 : i32
      %dma_wait3A_839 = tpu.memref_slice %arg11[%dma_wait3A_837, %dma_wait3A_838] : memref<64x1040xf32, #tpu.memory_space<vmem>> -> memref<64x1024xf32, #tpu.memory_space<vmem>>
      tpu.wait_dma2 semaphore(%arg12 : memref<!tpu.dma_semaphore, #tpu.memory_space<semaphore_mem>>) src(%dma_wait3A_839 : memref<64x1024xf32, #tpu.memory_space<vmem>>) dst(%dma_wait3A_836 : memref<64x1024xf32, #tpu.memory_space<hbm>>)
      %while3A_840 = arith.constant 0 : i32
      %while3A_841 = arith.constant 0 : i32
      %while3A_842 = arith.subi %select_n3A_810, %while3A_840 : i32
      %while3A_843 = arith.addi %while3A_840, %while3A_842 : i32
      %while3A_844 = arith.constant 1 : i32
      %while3A_845 = arith.divsi %while3A_842, %while3A_844 : i32
      %while3A_846 = arith.muli %while3A_845, %while3A_844 : i32
      %while3A_847 = arith.addi %while3A_840, %while3A_846 : i32
      %while3A_848 = arith.constant 1 : i32
      %while3A_849 = scf.for %while3A_853 = %while3A_840 to %while3A_847 step %while3A_848 iter_args(%while3A_854 = %while3A_841) -> (i32)  : i32 {
        %scan3A_855 = arith.constant 0 : i32
        %scan3A_856 = arith.constant 0 : i32
        %scan3A_857 = arith.constant 128 : i32
        %scan3A_858 = arith.addi %scan3A_856, %scan3A_857 : i32
        %scan3A_859 = arith.constant 1 : i32
        %scan3A_860 = scf.for %scan3A_863 = %scan3A_856 to %scan3A_858 step %scan3A_859 iter_args(%scan3A_864 = %scan3A_855) -> (i32)  : i32 {
          %mul3A_865 = arith.constant 128 : i32
          %mul3A_866 = arith.muli %while3A_853, %mul3A_865 : i32
          %add3A_867 = arith.addi %mul3A_866, %scan3A_863 : i32
          %get3A = arith.index_cast %add3A_867 : i32 to index
          %get3A_868 = tpu.vector_load %arg8[%get3A] {strides = array<i32>} : memref<1280xi32, #tpu.memory_space<vmem>>, vector<16xi32>,
          %slice3A = vector.extract_strided_slice %get3A_868 {offsets = [0], sizes = [1], strides = [1]} : vector<16xi32> to vector<1xi32>
          %squeeze3A = vector.extract %slice3A[0] : i32 from vector<1xi32>
          %broadcast_in_dim3A_869 = arith.constant 0 : i32
          %broadcast_in_dim3A_870 = vector.broadcast %broadcast_in_dim3A_869 : i32 to vector<16xi32>
          %add3A_871 = vector.broadcast %squeeze3A : i32 to vector<16xi32>
          %add3A_872 = arith.addi %add3A_871, %broadcast_in_dim3A_870 : vector<16xi32>
          %add3A_873 = arith.constant 0 : i32
          %add3A_874 = vector.broadcast %add3A_873 : i32 to vector<16xi32>
          %add3A_875 = arith.addi %iota3A, %add3A_874 : vector<16xi32>
          %broadcast_in_dim3A_876 = arith.constant 0.000000e+00 : f32
          %broadcast_in_dim3A_877 = vector.broadcast %broadcast_in_dim3A_876 : f32 to vector<16xf32>
          tpu.vector_store_idx %arg11[%add3A_875, %add3A_872], %broadcast_in_dim3A_877 : memref<64x1040xf32, #tpu.memory_space<vmem>>[vector<16xi32>, vector<16xi32>], vector<16xf32>,
          %add3A_878 = arith.constant 16 : i32
          %add3A_879 = vector.broadcast %add3A_878 : i32 to vector<16xi32>
          %add3A_880 = arith.addi %iota3A, %add3A_879 : vector<16xi32>
          %broadcast_in_dim3A_881 = arith.constant 0.000000e+00 : f32
          %broadcast_in_dim3A_882 = vector.broadcast %broadcast_in_dim3A_881 : f32 to vector<16xf32>
          tpu.vector_store_idx %arg11[%add3A_880, %add3A_872], %broadcast_in_dim3A_882 : memref<64x1040xf32, #tpu.memory_space<vmem>>[vector<16xi32>, vector<16xi32>], vector<16xf32>,
          %add3A_883 = arith.constant 32 : i32
          %add3A_884 = vector.broadcast %add3A_883 : i32 to vector<16xi32>
          %add3A_885 = arith.addi %iota3A, %add3A_884 : vector<16xi32>
          %broadcast_in_dim3A_886 = arith.constant 0.000000e+00 : f32
          %broadcast_in_dim3A_887 = vector.broadcast %broadcast_in_dim3A_886 : f32 to vector<16xf32>
          tpu.vector_store_idx %arg11[%add3A_885, %add3A_872], %broadcast_in_dim3A_887 : memref<64x1040xf32, #tpu.memory_space<vmem>>[vector<16xi32>, vector<16xi32>], vector<16xf32>,
          %add3A_888 = arith.constant 48 : i32
          %add3A_889 = vector.broadcast %add3A_888 : i32 to vector<16xi32>
          %add3A_890 = arith.addi %iota3A, %add3A_889 : vector<16xi32>
          %broadcast_in_dim3A_891 = arith.constant 0.000000e+00 : f32
          %broadcast_in_dim3A_892 = vector.broadcast %broadcast_in_dim3A_891 : f32 to vector<16xf32>
          tpu.vector_store_idx %arg11[%add3A_890, %add3A_872], %broadcast_in_dim3A_892 : memref<64x1040xf32, #tpu.memory_space<vmem>>[vector<16xi32>, vector<16xi32>], vector<16xf32>,
          %scan3A_893 = arith.constant 0 : i32
          scf.yield %scan3A_893 : i32
        }
        %scan3A_861 = arith.constant 128 : i32
        %while3A_862 = arith.constant 0 : i32
        scf.yield %while3A_862 : i32
      }
      %while3A_850 = arith.constant 1 : i32
      %while3A_851 = scf.for %while3A_853 = %while3A_847 to %while3A_843 step %while3A_850 iter_args(%while3A_854 = %while3A_849) -> (i32)  : i32 {
        %scan3A_855 = arith.constant 0 : i32
        %scan3A_856 = arith.constant 0 : i32
        %scan3A_857 = arith.constant 128 : i32
        %scan3A_858 = arith.addi %scan3A_856, %scan3A_857 : i32
        %scan3A_859 = arith.constant 1 : i32
        %scan3A_860 = scf.for %scan3A_863 = %scan3A_856 to %scan3A_858 step %scan3A_859 iter_args(%scan3A_864 = %scan3A_855) -> (i32)  : i32 {
          %mul3A_865 = arith.constant 128 : i32
          %mul3A_866 = arith.muli %while3A_853, %mul3A_865 : i32
          %add3A_867 = arith.addi %mul3A_866, %scan3A_863 : i32
          %get3A = arith.index_cast %add3A_867 : i32 to index
          %get3A_868 = tpu.vector_load %arg8[%get3A] {strides = array<i32>} : memref<1280xi32, #tpu.memory_space<vmem>>, vector<16xi32>,
          %slice3A = vector.extract_strided_slice %get3A_868 {offsets = [0], sizes = [1], strides = [1]} : vector<16xi32> to vector<1xi32>
          %squeeze3A = vector.extract %slice3A[0] : i32 from vector<1xi32>
          %broadcast_in_dim3A_869 = arith.constant 0 : i32
          %broadcast_in_dim3A_870 = vector.broadcast %broadcast_in_dim3A_869 : i32 to vector<16xi32>
          %add3A_871 = vector.broadcast %squeeze3A : i32 to vector<16xi32>
          %add3A_872 = arith.addi %add3A_871, %broadcast_in_dim3A_870 : vector<16xi32>
          %add3A_873 = arith.constant 0 : i32
          %add3A_874 = vector.broadcast %add3A_873 : i32 to vector<16xi32>
          %add3A_875 = arith.addi %iota3A, %add3A_874 : vector<16xi32>
          %broadcast_in_dim3A_876 = arith.constant 0.000000e+00 : f32
          %broadcast_in_dim3A_877 = vector.broadcast %broadcast_in_dim3A_876 : f32 to vector<16xf32>
          tpu.vector_store_idx %arg11[%add3A_875, %add3A_872], %broadcast_in_dim3A_877 : memref<64x1040xf32, #tpu.memory_space<vmem>>[vector<16xi32>, vector<16xi32>], vector<16xf32>,
          %add3A_878 = arith.constant 16 : i32
          %add3A_879 = vector.broadcast %add3A_878 : i32 to vector<16xi32>
          %add3A_880 = arith.addi %iota3A, %add3A_879 : vector<16xi32>
          %broadcast_in_dim3A_881 = arith.constant 0.000000e+00 : f32
          %broadcast_in_dim3A_882 = vector.broadcast %broadcast_in_dim3A_881 : f32 to vector<16xf32>
          tpu.vector_store_idx %arg11[%add3A_880, %add3A_872], %broadcast_in_dim3A_882 : memref<64x1040xf32, #tpu.memory_space<vmem>>[vector<16xi32>, vector<16xi32>], vector<16xf32>,
          %add3A_883 = arith.constant 32 : i32
          %add3A_884 = vector.broadcast %add3A_883 : i32 to vector<16xi32>
          %add3A_885 = arith.addi %iota3A, %add3A_884 : vector<16xi32>
          %broadcast_in_dim3A_886 = arith.constant 0.000000e+00 : f32
          %broadcast_in_dim3A_887 = vector.broadcast %broadcast_in_dim3A_886 : f32 to vector<16xf32>
          tpu.vector_store_idx %arg11[%add3A_885, %add3A_872], %broadcast_in_dim3A_887 : memref<64x1040xf32, #tpu.memory_space<vmem>>[vector<16xi32>, vector<16xi32>], vector<16xf32>,
          %add3A_888 = arith.constant 48 : i32
          %add3A_889 = vector.broadcast %add3A_888 : i32 to vector<16xi32>
          %add3A_890 = arith.addi %iota3A, %add3A_889 : vector<16xi32>
          %broadcast_in_dim3A_891 = arith.constant 0.000000e+00 : f32
          %broadcast_in_dim3A_892 = vector.broadcast %broadcast_in_dim3A_891 : f32 to vector<16xf32>
          tpu.vector_store_idx %arg11[%add3A_890, %add3A_872], %broadcast_in_dim3A_892 : memref<64x1040xf32, #tpu.memory_space<vmem>>[vector<16xi32>, vector<16xi32>], vector<16xf32>,
          %scan3A_893 = arith.constant 0 : i32
          scf.yield %scan3A_893 : i32
        }
        %scan3A_861 = arith.constant 128 : i32
        %while3A_862 = arith.constant 0 : i32
        scf.yield %while3A_862 : i32
      }
      %while3A_852 = arith.constant 0 : i32
      scf.yield %while3A_852 : i32
    }
    %convert_element_type3A = arith.extui %eq3A_11 : i1 to i32
    %cond3A = arith.constant 0 : i32
    %cond3A_678 = arith.cmpi ne, %convert_element_type3A, %cond3A : i32
    scf.if %cond3A_678 {
      %scan3A_679 = arith.constant 0 : i32
      %scan3A_680 = arith.constant 0 : i32
      %scan3A_681 = arith.constant 16 : i32
      %scan3A_682 = arith.addi %scan3A_680, %scan3A_681 : i32
      %scan3A_683 = arith.constant 1 : i32
      %scan3A_684 = scf.for %scan3A_849 = %scan3A_680 to %scan3A_682 step %scan3A_683 iter_args(%scan3A_850 = %scan3A_679) -> (i32)  : i32 {
        %mul3A_851 = arith.constant 16 : i32
        %mul3A_852 = arith.muli %scan3A_849, %mul3A_851 : i32
        %add3A_853 = arith.constant 14336 : i32
        %add3A_854 = arith.addi %add3A_853, %mul3A_852 : i32
        %get3A = arith.index_cast %add3A_854 : i32 to index
        %get3A_855 = tpu.vector_load %arg5[%get3A] {strides = array<i32>} : memref<14592xi32, #tpu.memory_space<vmem>>, vector<16xi32>,
        %ge3A = arith.constant 0 : i32
        %ge3A_856 = vector.broadcast %ge3A : i32 to vector<16xi32>
        %ge3A_857 = arith.cmpi sge, %get3A_855, %ge3A_856 : vector<16xi32>
        %mul3A_858 = arith.constant 16 : i32
        %mul3A_859 = arith.muli %scan3A_849, %mul3A_858 : i32
        %add3A_860 = vector.broadcast %mul3A_859 : i32 to vector<16xi32>
        %add3A_861 = arith.addi %add3A_860, %iota3A : vector<16xi32>
        %convert_element_type3A_862 = arith.extui %ge3A_857 : vector<16xi1> to vector<16xi32>
        %cumsum3A = arith.constant true
        %cumsum3A_863 = vector.broadcast %cumsum3A : i1 to vector<16xi1>
        %cumsum3A_864 = tpu.scan <sum>, %convert_element_type3A_862 masked %cumsum3A_863 : vector<16xi32>, vector<16xi1> -> vector<16xi32>
        %add3A_865 = vector.broadcast %scan3A_850 : i32 to vector<16xi32>
        %add3A_866 = arith.addi %add3A_865, %cumsum3A_864 : vector<16xi32>
        %sub3A_867 = arith.constant 1 : i32
        %sub3A_868 = vector.broadcast %sub3A_867 : i32 to vector<16xi32>
        %sub3A_869 = arith.subi %add3A_866, %sub3A_868 : vector<16xi32>
        tpu.vector_store_idx %arg7[%sub3A_869], %get3A_855 masked %ge3A_857 : memref<1280xi32, #tpu.memory_space<vmem>>[vector<16xi32>], vector<16xi32>, vector<16xi1>
        tpu.vector_store_idx %arg8[%sub3A_869], %add3A_861 masked %ge3A_857 : memref<1280xi32, #tpu.memory_space<vmem>>[vector<16xi32>], vector<16xi32>, vector<16xi1>
        %reduce_max3A = arith.constant true
        %reduce_max3A_870 = vector.broadcast %reduce_max3A : i1 to vector<16xi1>
        %reduce_max3A_871 = arith.constant -2147483648 : i32
        %reduce_max3A_872 = vector.broadcast %reduce_max3A_871 : i32 to vector<16xi32>
        %reduce_max3A_873 = arith.xori %cumsum3A_864, %reduce_max3A_872 : vector<16xi32>
        %reduce_max3A_874 = tpu.scan <max>, %reduce_max3A_873 masked %reduce_max3A_870 : vector<16xi32>, vector<16xi1> -> vector<16xi32>
        %reduce_max3A_875 = arith.xori %reduce_max3A_874, %reduce_max3A_872 : vector<16xi32>
        %reduce_max3A_876 = vector.extract %reduce_max3A_875[15] : i32 from vector<16xi32>
        %add3A_877 = arith.addi %scan3A_850, %reduce_max3A_876 : i32
        scf.yield %add3A_877 : i32
      }
      %scan3A_685 = arith.constant 16 : i32
      %broadcast_in_dim3A_686 = arith.constant 0 : i32
      %broadcast_in_dim3A_687 = vector.broadcast %broadcast_in_dim3A_686 : i32 to vector<16xi32>
      %add3A_688 = arith.constant 0 : i32
      %add3A_689 = arith.addi %scan3A_684, %add3A_688 : i32
      %swap3A = arith.index_cast %add3A_689 : i32 to index
      %swap3A_690 = tpu.vector_load %arg7[%swap3A] {strides = array<i32>} : memref<1280xi32, #tpu.memory_space<vmem>>, vector<16xi32>,
      tpu.vector_store %arg7[%swap3A], %broadcast_in_dim3A_687 {strides = array<i32>} : memref<1280xi32, #tpu.memory_space<vmem>>, vector<16xi32>,
      %broadcast_in_dim3A_691 = arith.constant 1025 : i32
      %broadcast_in_dim3A_692 = vector.broadcast %broadcast_in_dim3A_691 : i32 to vector<16xi32>
      %add3A_693 = arith.constant 0 : i32
      %add3A_694 = arith.addi %scan3A_684, %add3A_693 : i32
      %swap3A_695 = arith.index_cast %add3A_694 : i32 to index
      %swap3A_696 = tpu.vector_load %arg8[%swap3A_695] {strides = array<i32>} : memref<1280xi32, #tpu.memory_space<vmem>>, vector<16xi32>,
      tpu.vector_store %arg8[%swap3A_695], %broadcast_in_dim3A_692 {strides = array<i32>} : memref<1280xi32, #tpu.memory_space<vmem>>, vector<16xi32>,
      %broadcast_in_dim3A_697 = arith.constant 0 : i32
      %broadcast_in_dim3A_698 = vector.broadcast %broadcast_in_dim3A_697 : i32 to vector<16xi32>
      %add3A_699 = arith.constant 16 : i32
      %add3A_700 = arith.addi %scan3A_684, %add3A_699 : i32
      %swap3A_701 = arith.index_cast %add3A_700 : i32 to index
      %swap3A_702 = tpu.vector_load %arg7[%swap3A_701] {strides = array<i32>} : memref<1280xi32, #tpu.memory_space<vmem>>, vector<16xi32>,
      tpu.vector_store %arg7[%swap3A_701], %broadcast_in_dim3A_698 {strides = array<i32>} : memref<1280xi32, #tpu.memory_space<vmem>>, vector<16xi32>,
      %broadcast_in_dim3A_703 = arith.constant 1025 : i32
      %broadcast_in_dim3A_704 = vector.broadcast %broadcast_in_dim3A_703 : i32 to vector<16xi32>
      %add3A_705 = arith.constant 16 : i32
      %add3A_706 = arith.addi %scan3A_684, %add3A_705 : i32
      %swap3A_707 = arith.index_cast %add3A_706 : i32 to index
      %swap3A_708 = tpu.vector_load %arg8[%swap3A_707] {strides = array<i32>} : memref<1280xi32, #tpu.memory_space<vmem>>, vector<16xi32>,
      tpu.vector_store %arg8[%swap3A_707], %broadcast_in_dim3A_704 {strides = array<i32>} : memref<1280xi32, #tpu.memory_space<vmem>>, vector<16xi32>,
      %broadcast_in_dim3A_709 = arith.constant 0 : i32
      %broadcast_in_dim3A_710 = vector.broadcast %broadcast_in_dim3A_709 : i32 to vector<16xi32>
      %add3A_711 = arith.constant 32 : i32
      %add3A_712 = arith.addi %scan3A_684, %add3A_711 : i32
      %swap3A_713 = arith.index_cast %add3A_712 : i32 to index
      %swap3A_714 = tpu.vector_load %arg7[%swap3A_713] {strides = array<i32>} : memref<1280xi32, #tpu.memory_space<vmem>>, vector<16xi32>,
      tpu.vector_store %arg7[%swap3A_713], %broadcast_in_dim3A_710 {strides = array<i32>} : memref<1280xi32, #tpu.memory_space<vmem>>, vector<16xi32>,
      %broadcast_in_dim3A_715 = arith.constant 1025 : i32
      %broadcast_in_dim3A_716 = vector.broadcast %broadcast_in_dim3A_715 : i32 to vector<16xi32>
      %add3A_717 = arith.constant 32 : i32
      %add3A_718 = arith.addi %scan3A_684, %add3A_717 : i32
      %swap3A_719 = arith.index_cast %add3A_718 : i32 to index
      %swap3A_720 = tpu.vector_load %arg8[%swap3A_719] {strides = array<i32>} : memref<1280xi32, #tpu.memory_space<vmem>>, vector<16xi32>,
      tpu.vector_store %arg8[%swap3A_719], %broadcast_in_dim3A_716 {strides = array<i32>} : memref<1280xi32, #tpu.memory_space<vmem>>, vector<16xi32>,
      %broadcast_in_dim3A_721 = arith.constant 0 : i32
      %broadcast_in_dim3A_722 = vector.broadcast %broadcast_in_dim3A_721 : i32 to vector<16xi32>
      %add3A_723 = arith.constant 48 : i32
      %add3A_724 = arith.addi %scan3A_684, %add3A_723 : i32
      %swap3A_725 = arith.index_cast %add3A_724 : i32 to index
      %swap3A_726 = tpu.vector_load %arg7[%swap3A_725] {strides = array<i32>} : memref<1280xi32, #tpu.memory_space<vmem>>, vector<16xi32>,
      tpu.vector_store %arg7[%swap3A_725], %broadcast_in_dim3A_722 {strides = array<i32>} : memref<1280xi32, #tpu.memory_space<vmem>>, vector<16xi32>,
      %broadcast_in_dim3A_727 = arith.constant 1025 : i32
      %broadcast_in_dim3A_728 = vector.broadcast %broadcast_in_dim3A_727 : i32 to vector<16xi32>
      %add3A_729 = arith.constant 48 : i32
      %add3A_730 = arith.addi %scan3A_684, %add3A_729 : i32
      %swap3A_731 = arith.index_cast %add3A_730 : i32 to index
      %swap3A_732 = tpu.vector_load %arg8[%swap3A_731] {strides = array<i32>} : memref<1280xi32, #tpu.memory_space<vmem>>, vector<16xi32>,
      tpu.vector_store %arg8[%swap3A_731], %broadcast_in_dim3A_728 {strides = array<i32>} : memref<1280xi32, #tpu.memory_space<vmem>>, vector<16xi32>,
      %broadcast_in_dim3A_733 = arith.constant 0 : i32
      %broadcast_in_dim3A_734 = vector.broadcast %broadcast_in_dim3A_733 : i32 to vector<16xi32>
      %add3A_735 = arith.constant 64 : i32
      %add3A_736 = arith.addi %scan3A_684, %add3A_735 : i32
      %swap3A_737 = arith.index_cast %add3A_736 : i32 to index
      %swap3A_738 = tpu.vector_load %arg7[%swap3A_737] {strides = array<i32>} : memref<1280xi32, #tpu.memory_space<vmem>>, vector<16xi32>,
      tpu.vector_store %arg7[%swap3A_737], %broadcast_in_dim3A_734 {strides = array<i32>} : memref<1280xi32, #tpu.memory_space<vmem>>, vector<16xi32>,
      %broadcast_in_dim3A_739 = arith.constant 1025 : i32
      %broadcast_in_dim3A_740 = vector.broadcast %broadcast_in_dim3A_739 : i32 to vector<16xi32>
      %add3A_741 = arith.constant 64 : i32
      %add3A_742 = arith.addi %scan3A_684, %add3A_741 : i32
      %swap3A_743 = arith.index_cast %add3A_742 : i32 to index
      %swap3A_744 = tpu.vector_load %arg8[%swap3A_743] {strides = array<i32>} : memref<1280xi32, #tpu.memory_space<vmem>>, vector<16xi32>,
      tpu.vector_store %arg8[%swap3A_743], %broadcast_in_dim3A_740 {strides = array<i32>} : memref<1280xi32, #tpu.memory_space<vmem>>, vector<16xi32>,
      %broadcast_in_dim3A_745 = arith.constant 0 : i32
      %broadcast_in_dim3A_746 = vector.broadcast %broadcast_in_dim3A_745 : i32 to vector<16xi32>
      %add3A_747 = arith.constant 80 : i32
      %add3A_748 = arith.addi %scan3A_684, %add3A_747 : i32
      %swap3A_749 = arith.index_cast %add3A_748 : i32 to index
      %swap3A_750 = tpu.vector_load %arg7[%swap3A_749] {strides = array<i32>} : memref<1280xi32, #tpu.memory_space<vmem>>, vector<16xi32>,
      tpu.vector_store %arg7[%swap3A_749], %broadcast_in_dim3A_746 {strides = array<i32>} : memref<1280xi32, #tpu.memory_space<vmem>>, vector<16xi32>,
      %broadcast_in_dim3A_751 = arith.constant 1025 : i32
      %broadcast_in_dim3A_752 = vector.broadcast %broadcast_in_dim3A_751 : i32 to vector<16xi32>
      %add3A_753 = arith.constant 80 : i32
      %add3A_754 = arith.addi %scan3A_684, %add3A_753 : i32
      %swap3A_755 = arith.index_cast %add3A_754 : i32 to index
      %swap3A_756 = tpu.vector_load %arg8[%swap3A_755] {strides = array<i32>} : memref<1280xi32, #tpu.memory_space<vmem>>, vector<16xi32>,
      tpu.vector_store %arg8[%swap3A_755], %broadcast_in_dim3A_752 {strides = array<i32>} : memref<1280xi32, #tpu.memory_space<vmem>>, vector<16xi32>,
      %broadcast_in_dim3A_757 = arith.constant 0 : i32
      %broadcast_in_dim3A_758 = vector.broadcast %broadcast_in_dim3A_757 : i32 to vector<16xi32>
      %add3A_759 = arith.constant 96 : i32
      %add3A_760 = arith.addi %scan3A_684, %add3A_759 : i32
      %swap3A_761 = arith.index_cast %add3A_760 : i32 to index
      %swap3A_762 = tpu.vector_load %arg7[%swap3A_761] {strides = array<i32>} : memref<1280xi32, #tpu.memory_space<vmem>>, vector<16xi32>,
      tpu.vector_store %arg7[%swap3A_761], %broadcast_in_dim3A_758 {strides = array<i32>} : memref<1280xi32, #tpu.memory_space<vmem>>, vector<16xi32>,
      %broadcast_in_dim3A_763 = arith.constant 1025 : i32
      %broadcast_in_dim3A_764 = vector.broadcast %broadcast_in_dim3A_763 : i32 to vector<16xi32>
      %add3A_765 = arith.constant 96 : i32
      %add3A_766 = arith.addi %scan3A_684, %add3A_765 : i32
      %swap3A_767 = arith.index_cast %add3A_766 : i32 to index
      %swap3A_768 = tpu.vector_load %arg8[%swap3A_767] {strides = array<i32>} : memref<1280xi32, #tpu.memory_space<vmem>>, vector<16xi32>,
      tpu.vector_store %arg8[%swap3A_767], %broadcast_in_dim3A_764 {strides = array<i32>} : memref<1280xi32, #tpu.memory_space<vmem>>, vector<16xi32>,
      %broadcast_in_dim3A_769 = arith.constant 0 : i32
      %broadcast_in_dim3A_770 = vector.broadcast %broadcast_in_dim3A_769 : i32 to vector<16xi32>
      %add3A_771 = arith.constant 112 : i32
      %add3A_772 = arith.addi %scan3A_684, %add3A_771 : i32
      %swap3A_773 = arith.index_cast %add3A_772 : i32 to index
      %swap3A_774 = tpu.vector_load %arg7[%swap3A_773] {strides = array<i32>} : memref<1280xi32, #tpu.memory_space<vmem>>, vector<16xi32>,
      tpu.vector_store %arg7[%swap3A_773], %broadcast_in_dim3A_770 {strides = array<i32>} : memref<1280xi32, #tpu.memory_space<vmem>>, vector<16xi32>,
      %broadcast_in_dim3A_775 = arith.constant 1025 : i32
      %broadcast_in_dim3A_776 = vector.broadcast %broadcast_in_dim3A_775 : i32 to vector<16xi32>
      %add3A_777 = arith.constant 112 : i32
      %add3A_778 = arith.addi %scan3A_684, %add3A_777 : i32
      %swap3A_779 = arith.index_cast %add3A_778 : i32 to index
      %swap3A_780 = tpu.vector_load %arg8[%swap3A_779] {strides = array<i32>} : memref<1280xi32, #tpu.memory_space<vmem>>, vector<16xi32>,
      tpu.vector_store %arg8[%swap3A_779], %broadcast_in_dim3A_776 {strides = array<i32>} : memref<1280xi32, #tpu.memory_space<vmem>>, vector<16xi32>,
      %add3A_781 = arith.constant 128 : i32
      %add3A_782 = arith.addi %scan3A_684, %add3A_781 : i32
      %sub3A_783 = arith.constant 1 : i32
      %sub3A_784 = arith.subi %add3A_782, %sub3A_783 : i32
      %jit3A_785 = arith.constant 128 : i32
      %div3A_786 = arith.divsi %sub3A_784, %jit3A_785 : i32
      %sign3A_787 = arith.constant 0 : i32
      %sign3A_788 = arith.cmpi sgt, %sub3A_784, %sign3A_787 : i32
      %sign3A_789 = arith.extui %sign3A_788 : i1 to i32
      %sign3A_790 = arith.constant 0 : i32
      %sign3A_791 = arith.cmpi slt, %sub3A_784, %sign3A_790 : i32
      %sign3A_792 = arith.extui %sign3A_791 : i1 to i32
      %sign3A_793 = arith.subi %sign3A_789, %sign3A_792 : i32
      %sign3A_794 = arith.constant 0 : i32
      %sign3A_795 = arith.cmpi sgt, %jit3A_785, %sign3A_794 : i32
      %sign3A_796 = arith.extui %sign3A_795 : i1 to i32
      %sign3A_797 = arith.constant 0 : i32
      %sign3A_798 = arith.cmpi slt, %jit3A_785, %sign3A_797 : i32
      %sign3A_799 = arith.extui %sign3A_798 : i1 to i32
      %sign3A_800 = arith.subi %sign3A_796, %sign3A_799 : i32
      %ne3A_801 = arith.cmpi ne, %sign3A_793, %sign3A_800 : i32
      %rem3A_802 = arith.remsi %sub3A_784, %jit3A_785 : i32
      %ne3A_803 = arith.constant 0 : i32
      %ne3A_804 = arith.cmpi ne, %rem3A_802, %ne3A_803 : i32
      %and3A_805 = arith.andi %ne3A_801, %ne3A_804 : i1
      %sub3A_806 = arith.constant 1 : i32
      %sub3A_807 = arith.subi %div3A_786, %sub3A_806 : i32
      %select_n3A_808 = arith.select %and3A_805, %sub3A_807, %div3A_786 : i32
      %while3A_809 = arith.constant 0 : i32
      %while3A_810 = arith.constant 0 : i32
      %while3A_811 = arith.subi %select_n3A_808, %while3A_809 : i32
      %while3A_812 = arith.addi %while3A_809, %while3A_811 : i32
      %while3A_813 = arith.constant 1 : i32
      %while3A_814 = arith.divsi %while3A_811, %while3A_813 : i32
      %while3A_815 = arith.muli %while3A_814, %while3A_813 : i32
      %while3A_816 = arith.addi %while3A_809, %while3A_815 : i32
      %while3A_817 = arith.constant 1 : i32
      %while3A_818 = scf.for %while3A_849 = %while3A_809 to %while3A_816 step %while3A_817 iter_args(%while3A_850 = %while3A_810) -> (i32)  : i32 {
        %scan3A_851 = arith.constant 0 : i32
        %scan3A_852 = arith.constant 0 : i32
        %scan3A_853 = arith.constant 8 : i32
        %scan3A_854 = arith.addi %scan3A_852, %scan3A_853 : i32
        %scan3A_855 = arith.constant 1 : i32
        %scan3A_856 = scf.for %scan3A_872 = %scan3A_852 to %scan3A_854 step %scan3A_855 iter_args(%scan3A_873 = %scan3A_851) -> (i32)  : i32 {
          %mul3A_874 = arith.constant 128 : i32
          %mul3A_875 = arith.muli %while3A_849, %mul3A_874 : i32
          %mul3A_876 = arith.constant 16 : i32
          %mul3A_877 = arith.muli %scan3A_872, %mul3A_876 : i32
          %add3A_878 = arith.addi %mul3A_875, %mul3A_877 : i32
          %get3A = arith.index_cast %add3A_878 : i32 to index
          %get3A_879 = tpu.vector_load %arg7[%get3A] {strides = array<i32>} : memref<1280xi32, #tpu.memory_space<vmem>>, vector<16xi32>,
          %mul3A_880 = arith.constant 16 : i32
          %mul3A_881 = arith.muli %scan3A_872, %mul3A_880 : i32
          %swap3A_882 = arith.index_cast %mul3A_881 : i32 to index
          %swap3A_883 = tpu.vector_load %arg9[%swap3A_882] {strides = array<i32>} : memref<128xi32, #tpu.memory_space<vmem>>, vector<16xi32>,
          tpu.vector_store %arg9[%swap3A_882], %get3A_879 {strides = array<i32>} : memref<128xi32, #tpu.memory_space<vmem>>, vector<16xi32>,
          %scan3A_884 = arith.constant 0 : i32
          scf.yield %scan3A_884 : i32
        }
        %scan3A_857 = arith.constant 8 : i32
        %dma_start3A_858 = arith.constant 0 : i32
        %dma_start3A_859 = arith.constant 0 : i32
        %dma_start3A_860 = tpu.memref_slice %arg2[%dma_start3A_858, %dma_start3A_859] : memref<40960x128xf32, #tpu.memory_space<hbm>> -> memref<40960x128xf32, #tpu.memory_space<hbm>>
        tpu.enqueue_indirect_dma source(%dma_start3A_860 : memref<40960x128xf32, #tpu.memory_space<hbm>>) target(%arg10 : memref<128x128xf32, #tpu.memory_space<vmem>>) offsets(%arg9 : memref<128xi32, #tpu.memory_space<vmem>>) semaphore(%arg12 : memref<!tpu.dma_semaphore, #tpu.memory_space<semaphore_mem>>)
        %dma_wait3A_861 = arith.constant 0 : i32
        %dma_wait3A_862 = arith.constant 0 : i32
        %dma_wait3A_863 = tpu.memref_slice %arg2[%dma_wait3A_861, %dma_wait3A_862] : memref<40960x128xf32, #tpu.memory_space<hbm>> -> memref<40960x128xf32, #tpu.memory_space<hbm>>
        tpu.wait_indirect_dma semaphore(%arg12 : memref<!tpu.dma_semaphore, #tpu.memory_space<semaphore_mem>>) src(%dma_wait3A_863 : memref<40960x128xf32, #tpu.memory_space<hbm>>) dst(%arg10 : memref<128x128xf32, #tpu.memory_space<vmem>>)
        %scan3A_864 = arith.constant 0 : i32
        %scan3A_865 = arith.constant 0 : i32
        %scan3A_866 = arith.constant 128 : i32
        %scan3A_867 = arith.addi %scan3A_865, %scan3A_866 : i32
        %scan3A_868 = arith.constant 1 : i32
        %scan3A_869 = scf.for %scan3A_872 = %scan3A_865 to %scan3A_867 step %scan3A_868 iter_args(%scan3A_873 = %scan3A_864) -> (i32)  : i32 {
          %mul3A_874 = arith.constant 128 : i32
          %mul3A_875 = arith.muli %while3A_849, %mul3A_874 : i32
          %add3A_876 = arith.addi %mul3A_875, %scan3A_872 : i32
          %get3A = arith.index_cast %add3A_876 : i32 to index
          %get3A_877 = tpu.vector_load %arg8[%get3A] {strides = array<i32>} : memref<1280xi32, #tpu.memory_space<vmem>>, vector<16xi32>,
          %slice3A = vector.extract_strided_slice %get3A_877 {offsets = [0], sizes = [1], strides = [1]} : vector<16xi32> to vector<1xi32>
          %squeeze3A = vector.extract %slice3A[0] : i32 from vector<1xi32>
          %broadcast_in_dim3A_878 = arith.constant 0 : i32
          %broadcast_in_dim3A_879 = vector.broadcast %broadcast_in_dim3A_878 : i32 to vector<16xi32>
          %add3A_880 = vector.broadcast %squeeze3A : i32 to vector<16xi32>
          %add3A_881 = arith.addi %add3A_880, %broadcast_in_dim3A_879 : vector<16xi32>
          %get3A_882 = arith.index_cast %scan3A_872 : i32 to index
          %get3A_883 = arith.constant 0 : index
          %get3A_884 = tpu.vector_load %arg10[%get3A_882, %get3A_883] {strides = array<i32>} : memref<128x128xf32, #tpu.memory_space<vmem>>, vector<16xf32>,
          %add3A_885 = arith.constant 0 : i32
          %add3A_886 = vector.broadcast %add3A_885 : i32 to vector<16xi32>
          %add3A_887 = arith.addi %iota3A, %add3A_886 : vector<16xi32>
          tpu.vector_store_idx %arg11[%add3A_887, %add3A_881], %get3A_884 : memref<64x1040xf32, #tpu.memory_space<vmem>>[vector<16xi32>, vector<16xi32>], vector<16xf32>,
          %get3A_888 = arith.index_cast %scan3A_872 : i32 to index
          %get3A_889 = arith.constant 16 : index
          %get3A_890 = tpu.vector_load %arg10[%get3A_888, %get3A_889] {strides = array<i32>} : memref<128x128xf32, #tpu.memory_space<vmem>>, vector<16xf32>,
          %add3A_891 = arith.constant 16 : i32
          %add3A_892 = vector.broadcast %add3A_891 : i32 to vector<16xi32>
          %add3A_893 = arith.addi %iota3A, %add3A_892 : vector<16xi32>
          tpu.vector_store_idx %arg11[%add3A_893, %add3A_881], %get3A_890 : memref<64x1040xf32, #tpu.memory_space<vmem>>[vector<16xi32>, vector<16xi32>], vector<16xf32>,
          %get3A_894 = arith.index_cast %scan3A_872 : i32 to index
          %get3A_895 = arith.constant 32 : index
          %get3A_896 = tpu.vector_load %arg10[%get3A_894, %get3A_895] {strides = array<i32>} : memref<128x128xf32, #tpu.memory_space<vmem>>, vector<16xf32>,
          %add3A_897 = arith.constant 32 : i32
          %add3A_898 = vector.broadcast %add3A_897 : i32 to vector<16xi32>
          %add3A_899 = arith.addi %iota3A, %add3A_898 : vector<16xi32>
          tpu.vector_store_idx %arg11[%add3A_899, %add3A_881], %get3A_896 : memref<64x1040xf32, #tpu.memory_space<vmem>>[vector<16xi32>, vector<16xi32>], vector<16xf32>,
          %get3A_900 = arith.index_cast %scan3A_872 : i32 to index
          %get3A_901 = arith.constant 48 : index
          %get3A_902 = tpu.vector_load %arg10[%get3A_900, %get3A_901] {strides = array<i32>} : memref<128x128xf32, #tpu.memory_space<vmem>>, vector<16xf32>,
          %add3A_903 = arith.constant 48 : i32
          %add3A_904 = vector.broadcast %add3A_903 : i32 to vector<16xi32>
          %add3A_905 = arith.addi %iota3A, %add3A_904 : vector<16xi32>
          tpu.vector_store_idx %arg11[%add3A_905, %add3A_881], %get3A_902 : memref<64x1040xf32, #tpu.memory_space<vmem>>[vector<16xi32>, vector<16xi32>], vector<16xf32>,
          %scan3A_906 = arith.constant 0 : i32
          scf.yield %scan3A_906 : i32
        }
        %scan3A_870 = arith.constant 128 : i32
        %while3A_871 = arith.constant 0 : i32
        scf.yield %while3A_871 : i32
      }
      %while3A_819 = arith.constant 1 : i32
      %while3A_820 = scf.for %while3A_849 = %while3A_816 to %while3A_812 step %while3A_819 iter_args(%while3A_850 = %while3A_818) -> (i32)  : i32 {
        %scan3A_851 = arith.constant 0 : i32
        %scan3A_852 = arith.constant 0 : i32
        %scan3A_853 = arith.constant 8 : i32
        %scan3A_854 = arith.addi %scan3A_852, %scan3A_853 : i32
        %scan3A_855 = arith.constant 1 : i32
        %scan3A_856 = scf.for %scan3A_872 = %scan3A_852 to %scan3A_854 step %scan3A_855 iter_args(%scan3A_873 = %scan3A_851) -> (i32)  : i32 {
          %mul3A_874 = arith.constant 128 : i32
          %mul3A_875 = arith.muli %while3A_849, %mul3A_874 : i32
          %mul3A_876 = arith.constant 16 : i32
          %mul3A_877 = arith.muli %scan3A_872, %mul3A_876 : i32
          %add3A_878 = arith.addi %mul3A_875, %mul3A_877 : i32
          %get3A = arith.index_cast %add3A_878 : i32 to index
          %get3A_879 = tpu.vector_load %arg7[%get3A] {strides = array<i32>} : memref<1280xi32, #tpu.memory_space<vmem>>, vector<16xi32>,
          %mul3A_880 = arith.constant 16 : i32
          %mul3A_881 = arith.muli %scan3A_872, %mul3A_880 : i32
          %swap3A_882 = arith.index_cast %mul3A_881 : i32 to index
          %swap3A_883 = tpu.vector_load %arg9[%swap3A_882] {strides = array<i32>} : memref<128xi32, #tpu.memory_space<vmem>>, vector<16xi32>,
          tpu.vector_store %arg9[%swap3A_882], %get3A_879 {strides = array<i32>} : memref<128xi32, #tpu.memory_space<vmem>>, vector<16xi32>,
          %scan3A_884 = arith.constant 0 : i32
          scf.yield %scan3A_884 : i32
        }
        %scan3A_857 = arith.constant 8 : i32
        %dma_start3A_858 = arith.constant 0 : i32
        %dma_start3A_859 = arith.constant 0 : i32
        %dma_start3A_860 = tpu.memref_slice %arg2[%dma_start3A_858, %dma_start3A_859] : memref<40960x128xf32, #tpu.memory_space<hbm>> -> memref<40960x128xf32, #tpu.memory_space<hbm>>
        tpu.enqueue_indirect_dma source(%dma_start3A_860 : memref<40960x128xf32, #tpu.memory_space<hbm>>) target(%arg10 : memref<128x128xf32, #tpu.memory_space<vmem>>) offsets(%arg9 : memref<128xi32, #tpu.memory_space<vmem>>) semaphore(%arg12 : memref<!tpu.dma_semaphore, #tpu.memory_space<semaphore_mem>>)
        %dma_wait3A_861 = arith.constant 0 : i32
        %dma_wait3A_862 = arith.constant 0 : i32
        %dma_wait3A_863 = tpu.memref_slice %arg2[%dma_wait3A_861, %dma_wait3A_862] : memref<40960x128xf32, #tpu.memory_space<hbm>> -> memref<40960x128xf32, #tpu.memory_space<hbm>>
        tpu.wait_indirect_dma semaphore(%arg12 : memref<!tpu.dma_semaphore, #tpu.memory_space<semaphore_mem>>) src(%dma_wait3A_863 : memref<40960x128xf32, #tpu.memory_space<hbm>>) dst(%arg10 : memref<128x128xf32, #tpu.memory_space<vmem>>)
        %scan3A_864 = arith.constant 0 : i32
        %scan3A_865 = arith.constant 0 : i32
        %scan3A_866 = arith.constant 128 : i32
        %scan3A_867 = arith.addi %scan3A_865, %scan3A_866 : i32
        %scan3A_868 = arith.constant 1 : i32
        %scan3A_869 = scf.for %scan3A_872 = %scan3A_865 to %scan3A_867 step %scan3A_868 iter_args(%scan3A_873 = %scan3A_864) -> (i32)  : i32 {
          %mul3A_874 = arith.constant 128 : i32
          %mul3A_875 = arith.muli %while3A_849, %mul3A_874 : i32
          %add3A_876 = arith.addi %mul3A_875, %scan3A_872 : i32
          %get3A = arith.index_cast %add3A_876 : i32 to index
          %get3A_877 = tpu.vector_load %arg8[%get3A] {strides = array<i32>} : memref<1280xi32, #tpu.memory_space<vmem>>, vector<16xi32>,
          %slice3A = vector.extract_strided_slice %get3A_877 {offsets = [0], sizes = [1], strides = [1]} : vector<16xi32> to vector<1xi32>
          %squeeze3A = vector.extract %slice3A[0] : i32 from vector<1xi32>
          %broadcast_in_dim3A_878 = arith.constant 0 : i32
          %broadcast_in_dim3A_879 = vector.broadcast %broadcast_in_dim3A_878 : i32 to vector<16xi32>
          %add3A_880 = vector.broadcast %squeeze3A : i32 to vector<16xi32>
          %add3A_881 = arith.addi %add3A_880, %broadcast_in_dim3A_879 : vector<16xi32>
          %get3A_882 = arith.index_cast %scan3A_872 : i32 to index
          %get3A_883 = arith.constant 0 : index
          %get3A_884 = tpu.vector_load %arg10[%get3A_882, %get3A_883] {strides = array<i32>} : memref<128x128xf32, #tpu.memory_space<vmem>>, vector<16xf32>,
          %add3A_885 = arith.constant 0 : i32
          %add3A_886 = vector.broadcast %add3A_885 : i32 to vector<16xi32>
          %add3A_887 = arith.addi %iota3A, %add3A_886 : vector<16xi32>
          tpu.vector_store_idx %arg11[%add3A_887, %add3A_881], %get3A_884 : memref<64x1040xf32, #tpu.memory_space<vmem>>[vector<16xi32>, vector<16xi32>], vector<16xf32>,
          %get3A_888 = arith.index_cast %scan3A_872 : i32 to index
          %get3A_889 = arith.constant 16 : index
          %get3A_890 = tpu.vector_load %arg10[%get3A_888, %get3A_889] {strides = array<i32>} : memref<128x128xf32, #tpu.memory_space<vmem>>, vector<16xf32>,
          %add3A_891 = arith.constant 16 : i32
          %add3A_892 = vector.broadcast %add3A_891 : i32 to vector<16xi32>
          %add3A_893 = arith.addi %iota3A, %add3A_892 : vector<16xi32>
          tpu.vector_store_idx %arg11[%add3A_893, %add3A_881], %get3A_890 : memref<64x1040xf32, #tpu.memory_space<vmem>>[vector<16xi32>, vector<16xi32>], vector<16xf32>,
          %get3A_894 = arith.index_cast %scan3A_872 : i32 to index
          %get3A_895 = arith.constant 32 : index
          %get3A_896 = tpu.vector_load %arg10[%get3A_894, %get3A_895] {strides = array<i32>} : memref<128x128xf32, #tpu.memory_space<vmem>>, vector<16xf32>,
          %add3A_897 = arith.constant 32 : i32
          %add3A_898 = vector.broadcast %add3A_897 : i32 to vector<16xi32>
          %add3A_899 = arith.addi %iota3A, %add3A_898 : vector<16xi32>
          tpu.vector_store_idx %arg11[%add3A_899, %add3A_881], %get3A_896 : memref<64x1040xf32, #tpu.memory_space<vmem>>[vector<16xi32>, vector<16xi32>], vector<16xf32>,
          %get3A_900 = arith.index_cast %scan3A_872 : i32 to index
          %get3A_901 = arith.constant 48 : index
          %get3A_902 = tpu.vector_load %arg10[%get3A_900, %get3A_901] {strides = array<i32>} : memref<128x128xf32, #tpu.memory_space<vmem>>, vector<16xf32>,
          %add3A_903 = arith.constant 48 : i32
          %add3A_904 = vector.broadcast %add3A_903 : i32 to vector<16xi32>
          %add3A_905 = arith.addi %iota3A, %add3A_904 : vector<16xi32>
          tpu.vector_store_idx %arg11[%add3A_905, %add3A_881], %get3A_902 : memref<64x1040xf32, #tpu.memory_space<vmem>>[vector<16xi32>, vector<16xi32>], vector<16xf32>,
          %scan3A_906 = arith.constant 0 : i32
          scf.yield %scan3A_906 : i32
        }
        %scan3A_870 = arith.constant 128 : i32
        %while3A_871 = arith.constant 0 : i32
        scf.yield %while3A_871 : i32
      }
      %add3A_821 = arith.constant 14336 : i32
      %add3A_822 = arith.addi %mul3A_16, %add3A_821 : i32
      %dma_start3A = arith.constant 0 : i32
      %dma_start3A_823 = arith.constant 0 : i32
      %dma_start3A_824 = tpu.memref_slice %arg11[%dma_start3A, %dma_start3A_823] : memref<64x1040xf32, #tpu.memory_space<vmem>> -> memref<64x256xf32, #tpu.memory_space<vmem>>
      %dma_start3A_825 = tpu.memref_slice %arg4[%mul3A_663, %add3A_822] : memref<128x214272xf32, #tpu.memory_space<hbm>> -> memref<64x256xf32, #tpu.memory_space<hbm>>
      %dma_start3A_826 = tpu.memref_slice %arg4[%mul3A_663, %add3A_822] : memref<128x214272xf32, #tpu.memory_space<hbm>> -> memref<64x256xf32, #tpu.memory_space<hbm>>
      %dma_start3A_827 = arith.constant 0 : i32
      %dma_start3A_828 = arith.constant 0 : i32
      %dma_start3A_829 = tpu.memref_slice %arg11[%dma_start3A_827, %dma_start3A_828] : memref<64x1040xf32, #tpu.memory_space<vmem>> -> memref<64x256xf32, #tpu.memory_space<vmem>>
      tpu.enqueue_dma source(%dma_start3A_829 : memref<64x256xf32, #tpu.memory_space<vmem>>) target(%dma_start3A_826 : memref<64x256xf32, #tpu.memory_space<hbm>>) target_semaphore(%arg12 : memref<!tpu.dma_semaphore, #tpu.memory_space<semaphore_mem>>)
      %dma_wait3A = arith.constant 0 : i32
      %dma_wait3A_830 = arith.constant 0 : i32
      %dma_wait3A_831 = tpu.memref_slice %arg11[%dma_wait3A, %dma_wait3A_830] : memref<64x1040xf32, #tpu.memory_space<vmem>> -> memref<64x256xf32, #tpu.memory_space<vmem>>
      %dma_wait3A_832 = tpu.memref_slice %arg4[%mul3A_663, %add3A_822] : memref<128x214272xf32, #tpu.memory_space<hbm>> -> memref<64x256xf32, #tpu.memory_space<hbm>>
      %dma_wait3A_833 = tpu.memref_slice %arg4[%mul3A_663, %add3A_822] : memref<128x214272xf32, #tpu.memory_space<hbm>> -> memref<64x256xf32, #tpu.memory_space<hbm>>
      %dma_wait3A_834 = arith.constant 0 : i32
      %dma_wait3A_835 = arith.constant 0 : i32
      %dma_wait3A_836 = tpu.memref_slice %arg11[%dma_wait3A_834, %dma_wait3A_835] : memref<64x1040xf32, #tpu.memory_space<vmem>> -> memref<64x256xf32, #tpu.memory_space<vmem>>
      tpu.wait_dma2 semaphore(%arg12 : memref<!tpu.dma_semaphore, #tpu.memory_space<semaphore_mem>>) src(%dma_wait3A_836 : memref<64x256xf32, #tpu.memory_space<vmem>>) dst(%dma_wait3A_833 : memref<64x256xf32, #tpu.memory_space<hbm>>)
      %while3A_837 = arith.constant 0 : i32
      %while3A_838 = arith.constant 0 : i32
      %while3A_839 = arith.subi %select_n3A_808, %while3A_837 : i32
      %while3A_840 = arith.addi %while3A_837, %while3A_839 : i32
      %while3A_841 = arith.constant 1 : i32
      %while3A_842 = arith.divsi %while3A_839, %while3A_841 : i32
      %while3A_843 = arith.muli %while3A_842, %while3A_841 : i32
      %while3A_844 = arith.addi %while3A_837, %while3A_843 : i32
      %while3A_845 = arith.constant 1 : i32
      %while3A_846 = scf.for %while3A_849 = %while3A_837 to %while3A_844 step %while3A_845 iter_args(%while3A_850 = %while3A_838) -> (i32)  : i32 {
        %scan3A_851 = arith.constant 0 : i32
        %scan3A_852 = arith.constant 0 : i32
        %scan3A_853 = arith.constant 128 : i32
        %scan3A_854 = arith.addi %scan3A_852, %scan3A_853 : i32
        %scan3A_855 = arith.constant 1 : i32
        %scan3A_856 = scf.for %scan3A_859 = %scan3A_852 to %scan3A_854 step %scan3A_855 iter_args(%scan3A_860 = %scan3A_851) -> (i32)  : i32 {
          %mul3A_861 = arith.constant 128 : i32
          %mul3A_862 = arith.muli %while3A_849, %mul3A_861 : i32
          %add3A_863 = arith.addi %mul3A_862, %scan3A_859 : i32
          %get3A = arith.index_cast %add3A_863 : i32 to index
          %get3A_864 = tpu.vector_load %arg8[%get3A] {strides = array<i32>} : memref<1280xi32, #tpu.memory_space<vmem>>, vector<16xi32>,
          %slice3A = vector.extract_strided_slice %get3A_864 {offsets = [0], sizes = [1], strides = [1]} : vector<16xi32> to vector<1xi32>
          %squeeze3A = vector.extract %slice3A[0] : i32 from vector<1xi32>
          %broadcast_in_dim3A_865 = arith.constant 0 : i32
          %broadcast_in_dim3A_866 = vector.broadcast %broadcast_in_dim3A_865 : i32 to vector<16xi32>
          %add3A_867 = vector.broadcast %squeeze3A : i32 to vector<16xi32>
          %add3A_868 = arith.addi %add3A_867, %broadcast_in_dim3A_866 : vector<16xi32>
          %add3A_869 = arith.constant 0 : i32
          %add3A_870 = vector.broadcast %add3A_869 : i32 to vector<16xi32>
          %add3A_871 = arith.addi %iota3A, %add3A_870 : vector<16xi32>
          %broadcast_in_dim3A_872 = arith.constant 0.000000e+00 : f32
          %broadcast_in_dim3A_873 = vector.broadcast %broadcast_in_dim3A_872 : f32 to vector<16xf32>
          tpu.vector_store_idx %arg11[%add3A_871, %add3A_868], %broadcast_in_dim3A_873 : memref<64x1040xf32, #tpu.memory_space<vmem>>[vector<16xi32>, vector<16xi32>], vector<16xf32>,
          %add3A_874 = arith.constant 16 : i32
          %add3A_875 = vector.broadcast %add3A_874 : i32 to vector<16xi32>
          %add3A_876 = arith.addi %iota3A, %add3A_875 : vector<16xi32>
          %broadcast_in_dim3A_877 = arith.constant 0.000000e+00 : f32
          %broadcast_in_dim3A_878 = vector.broadcast %broadcast_in_dim3A_877 : f32 to vector<16xf32>
          tpu.vector_store_idx %arg11[%add3A_876, %add3A_868], %broadcast_in_dim3A_878 : memref<64x1040xf32, #tpu.memory_space<vmem>>[vector<16xi32>, vector<16xi32>], vector<16xf32>,
          %add3A_879 = arith.constant 32 : i32
          %add3A_880 = vector.broadcast %add3A_879 : i32 to vector<16xi32>
          %add3A_881 = arith.addi %iota3A, %add3A_880 : vector<16xi32>
          %broadcast_in_dim3A_882 = arith.constant 0.000000e+00 : f32
          %broadcast_in_dim3A_883 = vector.broadcast %broadcast_in_dim3A_882 : f32 to vector<16xf32>
          tpu.vector_store_idx %arg11[%add3A_881, %add3A_868], %broadcast_in_dim3A_883 : memref<64x1040xf32, #tpu.memory_space<vmem>>[vector<16xi32>, vector<16xi32>], vector<16xf32>,
          %add3A_884 = arith.constant 48 : i32
          %add3A_885 = vector.broadcast %add3A_884 : i32 to vector<16xi32>
          %add3A_886 = arith.addi %iota3A, %add3A_885 : vector<16xi32>
          %broadcast_in_dim3A_887 = arith.constant 0.000000e+00 : f32
          %broadcast_in_dim3A_888 = vector.broadcast %broadcast_in_dim3A_887 : f32 to vector<16xf32>
          tpu.vector_store_idx %arg11[%add3A_886, %add3A_868], %broadcast_in_dim3A_888 : memref<64x1040xf32, #tpu.memory_space<vmem>>[vector<16xi32>, vector<16xi32>], vector<16xf32>,
          %scan3A_889 = arith.constant 0 : i32
          scf.yield %scan3A_889 : i32
        }
        %scan3A_857 = arith.constant 128 : i32
        %while3A_858 = arith.constant 0 : i32
        scf.yield %while3A_858 : i32
      }
      %while3A_847 = arith.constant 1 : i32
      %while3A_848 = scf.for %while3A_849 = %while3A_844 to %while3A_840 step %while3A_847 iter_args(%while3A_850 = %while3A_846) -> (i32)  : i32 {
        %scan3A_851 = arith.constant 0 : i32
        %scan3A_852 = arith.constant 0 : i32
        %scan3A_853 = arith.constant 128 : i32
        %scan3A_854 = arith.addi %scan3A_852, %scan3A_853 : i32
        %scan3A_855 = arith.constant 1 : i32
        %scan3A_856 = scf.for %scan3A_859 = %scan3A_852 to %scan3A_854 step %scan3A_855 iter_args(%scan3A_860 = %scan3A_851) -> (i32)  : i32 {
          %mul3A_861 = arith.constant 128 : i32
          %mul3A_862 = arith.muli %while3A_849, %mul3A_861 : i32
          %add3A_863 = arith.addi %mul3A_862, %scan3A_859 : i32
          %get3A = arith.index_cast %add3A_863 : i32 to index
          %get3A_864 = tpu.vector_load %arg8[%get3A] {strides = array<i32>} : memref<1280xi32, #tpu.memory_space<vmem>>, vector<16xi32>,
          %slice3A = vector.extract_strided_slice %get3A_864 {offsets = [0], sizes = [1], strides = [1]} : vector<16xi32> to vector<1xi32>
          %squeeze3A = vector.extract %slice3A[0] : i32 from vector<1xi32>
          %broadcast_in_dim3A_865 = arith.constant 0 : i32
          %broadcast_in_dim3A_866 = vector.broadcast %broadcast_in_dim3A_865 : i32 to vector<16xi32>
          %add3A_867 = vector.broadcast %squeeze3A : i32 to vector<16xi32>
          %add3A_868 = arith.addi %add3A_867, %broadcast_in_dim3A_866 : vector<16xi32>
          %add3A_869 = arith.constant 0 : i32
          %add3A_870 = vector.broadcast %add3A_869 : i32 to vector<16xi32>
          %add3A_871 = arith.addi %iota3A, %add3A_870 : vector<16xi32>
          %broadcast_in_dim3A_872 = arith.constant 0.000000e+00 : f32
          %broadcast_in_dim3A_873 = vector.broadcast %broadcast_in_dim3A_872 : f32 to vector<16xf32>
          tpu.vector_store_idx %arg11[%add3A_871, %add3A_868], %broadcast_in_dim3A_873 : memref<64x1040xf32, #tpu.memory_space<vmem>>[vector<16xi32>, vector<16xi32>], vector<16xf32>,
          %add3A_874 = arith.constant 16 : i32
          %add3A_875 = vector.broadcast %add3A_874 : i32 to vector<16xi32>
          %add3A_876 = arith.addi %iota3A, %add3A_875 : vector<16xi32>
          %broadcast_in_dim3A_877 = arith.constant 0.000000e+00 : f32
          %broadcast_in_dim3A_878 = vector.broadcast %broadcast_in_dim3A_877 : f32 to vector<16xf32>
          tpu.vector_store_idx %arg11[%add3A_876, %add3A_868], %broadcast_in_dim3A_878 : memref<64x1040xf32, #tpu.memory_space<vmem>>[vector<16xi32>, vector<16xi32>], vector<16xf32>,
          %add3A_879 = arith.constant 32 : i32
          %add3A_880 = vector.broadcast %add3A_879 : i32 to vector<16xi32>
          %add3A_881 = arith.addi %iota3A, %add3A_880 : vector<16xi32>
          %broadcast_in_dim3A_882 = arith.constant 0.000000e+00 : f32
          %broadcast_in_dim3A_883 = vector.broadcast %broadcast_in_dim3A_882 : f32 to vector<16xf32>
          tpu.vector_store_idx %arg11[%add3A_881, %add3A_868], %broadcast_in_dim3A_883 : memref<64x1040xf32, #tpu.memory_space<vmem>>[vector<16xi32>, vector<16xi32>], vector<16xf32>,
          %add3A_884 = arith.constant 48 : i32
          %add3A_885 = vector.broadcast %add3A_884 : i32 to vector<16xi32>
          %add3A_886 = arith.addi %iota3A, %add3A_885 : vector<16xi32>
          %broadcast_in_dim3A_887 = arith.constant 0.000000e+00 : f32
          %broadcast_in_dim3A_888 = vector.broadcast %broadcast_in_dim3A_887 : f32 to vector<16xf32>
          tpu.vector_store_idx %arg11[%add3A_886, %add3A_868], %broadcast_in_dim3A_888 : memref<64x1040xf32, #tpu.memory_space<vmem>>[vector<16xi32>, vector<16xi32>], vector<16xf32>,
          %scan3A_889 = arith.constant 0 : i32
          scf.yield %scan3A_889 : i32
        }
        %scan3A_857 = arith.constant 128 : i32
        %while3A_858 = arith.constant 0 : i32
        scf.yield %while3A_858 : i32
      }
    } else {
    }
    return
  }
}

module attributes {stable_mosaic.version = 14 : i64} {
  func.func @_p1_body(%arg0: i32, %arg1: memref<1024x128xf32, #tpu.memory_space<vmem>>, %arg2: memref<1024x4xi32, #tpu.memory_space<vmem>>, %arg3: memref<1024x1xi32, #tpu.memory_space<vmem>>, %arg4: memref<8x128xi32, #tpu.memory_space<vmem>>, %arg5: memref<8x128xi32, #tpu.memory_space<vmem>>, %arg6: memref<8x128xi32, #tpu.memory_space<vmem>>, %arg7: memref<128x2048xf32, #tpu.memory_space<vmem>>, %arg8: memref<128x8xf32, #tpu.memory_space<vmem>>, %arg9: memref<8x64xf32, #tpu.memory_space<vmem>>, %arg10: memref<1x64xf32, #tpu.memory_space<vmem>>, %arg11: memref<1024x128xf32, #tpu.memory_space<vmem>>, %arg12: memref<8x128xi32, #tpu.memory_space<vmem>>) attributes {dimension_semantics = [#tpu.dimension_semantics<arbitrary>], iteration_bounds = array<i64: 40>, scalar_prefetch = 0 : i64, scratch_operands = 0 : i64, tpu.core_type = #tpu.core_type<tc>, window_params = [{transform_indices = @transform_0, window_bounds = array<i64: 1024, 128>}, {transform_indices = @transform_1, window_bounds = array<i64: 1024, 4>}, {transform_indices = @transform_2, window_bounds = array<i64: 1024, 1>}, {transform_indices = @transform_3, window_bounds = array<i64: 8, 128>}, {transform_indices = @transform_4, window_bounds = array<i64: 8, 128>}, {transform_indices = @transform_5, window_bounds = array<i64: 8, 128>}, {pipeline_mode = #tpu.pipeline_mode<synchronous>, transform_indices = @transform_6, window_bounds = array<i64: 128, 2048>}, {pipeline_mode = #tpu.pipeline_mode<synchronous>, transform_indices = @transform_7, window_bounds = array<i64: 128, 8>}, {pipeline_mode = #tpu.pipeline_mode<synchronous>, transform_indices = @transform_8, window_bounds = array<i64: 8, 64>}, {pipeline_mode = #tpu.pipeline_mode<synchronous>, transform_indices = @transform_9, window_bounds = array<i64: 1, 64>}, {transform_indices = @transform_10, window_bounds = array<i64: 1024, 128>}, {transform_indices = @transform_11, window_bounds = array<i64: 8, 128>}]} {
    %get3A = arith.constant 0 : index
    %get3A_0 = arith.constant 0 : index
    %get3A_1 = vector.load %arg1[%get3A, %get3A_0] : memref<1024x128xf32, #tpu.memory_space<vmem>>, vector<1024x128xf32>
    %get3A_2 = arith.constant 0 : index
    %get3A_3 = arith.constant 0 : index
    %get3A_4 = vector.load %arg7[%get3A_2, %get3A_3] : memref<128x2048xf32, #tpu.memory_space<vmem>>, vector<128x2048xf32>
    %dot_general3A = arith.constant dense<0.000000e+00> : vector<1024x2048xf32>
    %dot_general3A_5 = tpu.matmul %get3A_1, %get3A_4, %dot_general3A {dimension_numbers = #tpu.dot_dimension_numbers<[1], [0], [0], [1], [0, 0, 1, 1], [], []>, transpose_lhs_hint = false} : vector<1024x128xf32>, vector<128x2048xf32>, vector<1024x2048xf32> -> vector<1024x2048xf32>
    %get3A_6 = arith.constant 0 : index
    %get3A_7 = arith.constant 0 : index
    %get3A_8 = vector.load %arg3[%get3A_6, %get3A_7] : memref<1024x1xi32, #tpu.memory_space<vmem>>, vector<1024x1xi32>
    %iota3A = tpu.iota {dimensions = array<i32: 1>} : vector<1x2048xi32>
    %jit3A = arith.constant 64 : i32
    %div3A = vector.broadcast %jit3A : i32 to vector<1x2048xi32>
    %div3A_9 = arith.divsi %iota3A, %div3A : vector<1x2048xi32>
    %sign3A = arith.constant 0 : i32
    %sign3A_10 = vector.broadcast %sign3A : i32 to vector<1x2048xi32>
    %sign3A_11 = arith.cmpi sgt, %iota3A, %sign3A_10 : vector<1x2048xi32>
    %sign3A_12 = arith.extui %sign3A_11 : vector<1x2048xi1> to vector<1x2048xi32>
    %sign3A_13 = arith.constant 0 : i32
    %sign3A_14 = vector.broadcast %sign3A_13 : i32 to vector<1x2048xi32>
    %sign3A_15 = arith.cmpi slt, %iota3A, %sign3A_14 : vector<1x2048xi32>
    %sign3A_16 = arith.extui %sign3A_15 : vector<1x2048xi1> to vector<1x2048xi32>
    %sign3A_17 = arith.subi %sign3A_12, %sign3A_16 : vector<1x2048xi32>
    %sign3A_18 = arith.constant 0 : i32
    %sign3A_19 = arith.cmpi sgt, %jit3A, %sign3A_18 : i32
    %sign3A_20 = arith.extui %sign3A_19 : i1 to i32
    %sign3A_21 = arith.constant 0 : i32
    %sign3A_22 = arith.cmpi slt, %jit3A, %sign3A_21 : i32
    %sign3A_23 = arith.extui %sign3A_22 : i1 to i32
    %sign3A_24 = arith.subi %sign3A_20, %sign3A_23 : i32
    %ne3A = vector.broadcast %sign3A_24 : i32 to vector<1x2048xi32>
    %ne3A_25 = arith.cmpi ne, %sign3A_17, %ne3A : vector<1x2048xi32>
    %rem3A = vector.broadcast %jit3A : i32 to vector<1x2048xi32>
    %rem3A_26 = arith.remsi %iota3A, %rem3A : vector<1x2048xi32>
    %ne3A_27 = arith.constant 0 : i32
    %ne3A_28 = vector.broadcast %ne3A_27 : i32 to vector<1x2048xi32>
    %ne3A_29 = arith.cmpi ne, %rem3A_26, %ne3A_28 : vector<1x2048xi32>
    %and3A = arith.andi %ne3A_25, %ne3A_29 : vector<1x2048xi1>
    %sub3A = arith.constant 1 : i32
    %sub3A_30 = vector.broadcast %sub3A : i32 to vector<1x2048xi32>
    %sub3A_31 = arith.subi %div3A_9, %sub3A_30 : vector<1x2048xi32>
    %select_n3A = arith.select %and3A, %sub3A_31, %div3A_9 : vector<1x2048xi1>, vector<1x2048xi32>
    %lt3A = vector.broadcast %select_n3A : vector<1x2048xi32> to vector<1024x2048xi32>
    %lt3A_32 = vector.broadcast %get3A_8 : vector<1024x1xi32> to vector<1024x2048xi32>
    %lt3A_33 = arith.cmpi slt, %lt3A, %lt3A_32 : vector<1024x2048xi32>
    %jit3A_34 = arith.constant -1.000000e+30 : f32
    %broadcast_in_dim3A = vector.broadcast %jit3A_34 : f32 to vector<1024x2048xf32>
    %select_n3A_35 = arith.select %lt3A_33, %dot_general3A_5, %broadcast_in_dim3A : vector<1024x2048xi1>, vector<1024x2048xf32>
    %slice3A = vector.extract_strided_slice %select_n3A_35 {offsets = [0, 0], sizes = [1024, 1024], strides = [1, 1]} : vector<1024x2048xf32> to vector<1024x1024xf32>
    %slice3A_36 = vector.extract_strided_slice %select_n3A_35 {offsets = [0, 1024], sizes = [1024, 1024], strides = [1, 1]} : vector<1024x2048xf32> to vector<1024x1024xf32>
    %max3A = arith.maximumf %slice3A, %slice3A_36 : vector<1024x1024xf32>
    %slice3A_37 = vector.extract_strided_slice %max3A {offsets = [0, 0], sizes = [1024, 512], strides = [1, 1]} : vector<1024x1024xf32> to vector<1024x512xf32>
    %slice3A_38 = vector.extract_strided_slice %max3A {offsets = [0, 512], sizes = [1024, 512], strides = [1, 1]} : vector<1024x1024xf32> to vector<1024x512xf32>
    %max3A_39 = arith.maximumf %slice3A_37, %slice3A_38 : vector<1024x512xf32>
    %slice3A_40 = vector.extract_strided_slice %max3A_39 {offsets = [0, 0], sizes = [1024, 256], strides = [1, 1]} : vector<1024x512xf32> to vector<1024x256xf32>
    %slice3A_41 = vector.extract_strided_slice %max3A_39 {offsets = [0, 256], sizes = [1024, 256], strides = [1, 1]} : vector<1024x512xf32> to vector<1024x256xf32>
    %max3A_42 = arith.maximumf %slice3A_40, %slice3A_41 : vector<1024x256xf32>
    %slice3A_43 = vector.extract_strided_slice %max3A_42 {offsets = [0, 0], sizes = [1024, 128], strides = [1, 1]} : vector<1024x256xf32> to vector<1024x128xf32>
    %slice3A_44 = vector.extract_strided_slice %max3A_42 {offsets = [0, 128], sizes = [1024, 128], strides = [1, 1]} : vector<1024x256xf32> to vector<1024x128xf32>
    %max3A_45 = arith.maximumf %slice3A_43, %slice3A_44 : vector<1024x128xf32>
    %slice3A_46 = vector.extract_strided_slice %max3A_45 {offsets = [0, 0], sizes = [1024, 64], strides = [1, 1]} : vector<1024x128xf32> to vector<1024x64xf32>
    %slice3A_47 = vector.extract_strided_slice %max3A_45 {offsets = [0, 64], sizes = [1024, 64], strides = [1, 1]} : vector<1024x128xf32> to vector<1024x64xf32>
    %max3A_48 = arith.maximumf %slice3A_46, %slice3A_47 : vector<1024x64xf32>
    %get3A_49 = arith.constant 0 : index
    %get3A_50 = arith.constant 0 : index
    %get3A_51 = vector.load %arg8[%get3A_49, %get3A_50] : memref<128x8xf32, #tpu.memory_space<vmem>>, vector<128x8xf32>
    %dot_general3A_52 = arith.constant dense<0.000000e+00> : vector<1024x8xf32>
    %dot_general3A_53 = tpu.matmul %get3A_1, %get3A_51, %dot_general3A_52 {dimension_numbers = #tpu.dot_dimension_numbers<[1], [0], [0], [1], [0, 0, 1, 1], [], []>, transpose_lhs_hint = false} : vector<1024x128xf32>, vector<128x8xf32>, vector<1024x8xf32> -> vector<1024x8xf32>
    %convert_element_type3A = arith.sitofp %get3A_8 : vector<1024x1xi32> to vector<1024x1xf32>
    %get3A_54 = arith.constant 0 : index
    %get3A_55 = arith.constant 0 : index
    %get3A_56 = vector.load %arg2[%get3A_54, %get3A_55] : memref<1024x4xi32, #tpu.memory_space<vmem>>, vector<1024x4xi32>
    %convert_element_type3A_57 = arith.sitofp %get3A_56 : vector<1024x4xi32> to vector<1024x4xf32>
    %slice3A_58 = vector.extract_strided_slice %convert_element_type3A_57 {offsets = [0, 0], sizes = [1024, 1], strides = [1, 1]} : vector<1024x4xf32> to vector<1024x1xf32>
    %mul3A = arith.constant 1.600000e-01 : f32
    %mul3A_59 = vector.broadcast %mul3A : f32 to vector<1024x1xf32>
    %mul3A_60 = arith.mulf %slice3A_58, %mul3A_59 : vector<1024x1xf32>
    %add3A = arith.constant 8.000000e-02 : f32
    %add3A_61 = vector.broadcast %add3A : f32 to vector<1024x1xf32>
    %add3A_62 = arith.addf %mul3A_60, %add3A_61 : vector<1024x1xf32>
    %slice3A_63 = vector.extract_strided_slice %convert_element_type3A_57 {offsets = [0, 1], sizes = [1024, 1], strides = [1, 1]} : vector<1024x4xf32> to vector<1024x1xf32>
    %mul3A_64 = arith.constant 1.600000e-01 : f32
    %mul3A_65 = vector.broadcast %mul3A_64 : f32 to vector<1024x1xf32>
    %mul3A_66 = arith.mulf %slice3A_63, %mul3A_65 : vector<1024x1xf32>
    %add3A_67 = arith.constant -3.960000e+01 : f32
    %add3A_68 = vector.broadcast %add3A_67 : f32 to vector<1024x1xf32>
    %add3A_69 = arith.addf %mul3A_66, %add3A_68 : vector<1024x1xf32>
    %slice3A_70 = vector.extract_strided_slice %dot_general3A_53 {offsets = [0, 0], sizes = [1024, 1], strides = [1, 1]} : vector<1024x8xf32> to vector<1024x1xf32>
    %div3A_71 = arith.divf %slice3A_70, %convert_element_type3A : vector<1024x1xf32>
    %slice3A_72 = vector.extract_strided_slice %dot_general3A_53 {offsets = [0, 1], sizes = [1024, 1], strides = [1, 1]} : vector<1024x8xf32> to vector<1024x1xf32>
    %div3A_73 = arith.divf %slice3A_72, %convert_element_type3A : vector<1024x1xf32>
    %slice3A_74 = vector.extract_strided_slice %dot_general3A_53 {offsets = [0, 2], sizes = [1024, 1], strides = [1, 1]} : vector<1024x8xf32> to vector<1024x1xf32>
    %div3A_75 = arith.divf %slice3A_74, %convert_element_type3A : vector<1024x1xf32>
    %broadcast_in_dim3A_76 = arith.constant 1.000000e+00 : f32
    %broadcast_in_dim3A_77 = vector.broadcast %broadcast_in_dim3A_76 : f32 to vector<1024x1xf32>
    %broadcast_in_dim3A_78 = arith.constant 0.000000e+00 : f32
    %broadcast_in_dim3A_79 = vector.broadcast %broadcast_in_dim3A_78 : f32 to vector<1024x1xf32>
    %concatenate3A = tpu.concatenate %add3A_62, %add3A_69, %div3A_71, %div3A_73, %div3A_75, %broadcast_in_dim3A_77, %broadcast_in_dim3A_79, %broadcast_in_dim3A_79 in 1 : vector<1024x1xf32>, vector<1024x1xf32>, vector<1024x1xf32>, vector<1024x1xf32>, vector<1024x1xf32>, vector<1024x1xf32>, vector<1024x1xf32>, vector<1024x1xf32> -> vector<1024x8xf32>
    %get3A_80 = arith.constant 0 : index
    %get3A_81 = arith.constant 0 : index
    %get3A_82 = vector.load %arg9[%get3A_80, %get3A_81] : memref<8x64xf32, #tpu.memory_space<vmem>>, vector<8x64xf32>
    %dot_general3A_83 = arith.constant dense<0.000000e+00> : vector<1024x64xf32>
    %dot_general3A_84 = tpu.matmul %concatenate3A, %get3A_82, %dot_general3A_83 {dimension_numbers = #tpu.dot_dimension_numbers<[1], [0], [0], [1], [0, 0, 1, 1], [], []>, transpose_lhs_hint = false} : vector<1024x8xf32>, vector<8x64xf32>, vector<1024x64xf32> -> vector<1024x64xf32>
    %lt3A_85 = arith.constant 32 : i32
    %lt3A_86 = vector.broadcast %lt3A_85 : i32 to vector<1024x1xi32>
    %lt3A_87 = arith.cmpi slt, %get3A_8, %lt3A_86 : vector<1024x1xi32>
    %jit3A_88 = arith.constant 0.000000e+00 : f32
    %jit3A_89 = arith.constant -1.000000e+30 : f32
    %broadcast_in_dim3A_90 = vector.broadcast %jit3A_88 : f32 to vector<1024x1xf32>
    %broadcast_in_dim3A_91 = vector.broadcast %jit3A_89 : f32 to vector<1024x1xf32>
    %select_n3A_92 = arith.select %lt3A_87, %broadcast_in_dim3A_90, %broadcast_in_dim3A_91 : vector<1024x1xi1>, vector<1024x1xf32>
    %add3A_93 = arith.addf %max3A_48, %dot_general3A_84 : vector<1024x64xf32>
    %max3A_94 = vector.broadcast %select_n3A_92 : vector<1024x1xf32> to vector<1024x64xf32>
    %max3A_95 = arith.maximumf %add3A_93, %max3A_94 : vector<1024x64xf32>
    %get3A_96 = arith.constant 0 : index
    %get3A_97 = arith.constant 0 : index
    %get3A_98 = vector.load %arg10[%get3A_96, %get3A_97] : memref<1x64xf32, #tpu.memory_space<vmem>>, vector<1x64xf32>
    %add3A_99 = vector.broadcast %get3A_98 : vector<1x64xf32> to vector<1024x64xf32>
    %add3A_100 = arith.addf %max3A_95, %add3A_99 : vector<1024x64xf32>
    %max3A_101 = arith.constant 0.000000e+00 : f32
    %max3A_102 = vector.broadcast %max3A_101 : f32 to vector<1024x64xf32>
    %max3A_103 = arith.maximumf %add3A_100, %max3A_102 : vector<1024x64xf32>
    %broadcast_in_dim3A_104 = arith.constant 0.000000e+00 : f32
    %broadcast_in_dim3A_105 = vector.broadcast %broadcast_in_dim3A_104 : f32 to vector<1024x64xf32>
    %concatenate3A_106 = tpu.concatenate %max3A_103, %broadcast_in_dim3A_105 in 1 : vector<1024x64xf32>, vector<1024x64xf32> -> vector<1024x128xf32>
    %swap3A = arith.constant 0 : index
    %swap3A_107 = arith.constant 0 : index
    %swap3A_108 = vector.load %arg11[%swap3A, %swap3A_107] : memref<1024x128xf32, #tpu.memory_space<vmem>>, vector<1024x128xf32>
    tpu.vector_store %arg11[%swap3A, %swap3A_107], %concatenate3A_106 {strides = array<i32>} : memref<1024x128xf32, #tpu.memory_space<vmem>>, vector<1024x128xf32>,
    %get3A_109 = arith.constant 0 : index
    %get3A_110 = arith.constant 0 : index
    %get3A_111 = vector.load %arg6[%get3A_109, %get3A_110] : memref<8x128xi32, #tpu.memory_space<vmem>>, vector<8x128xi32>
    %mul3A_112 = arith.constant 214272 : i32
    %mul3A_113 = vector.broadcast %mul3A_112 : i32 to vector<8x128xi32>
    %mul3A_114 = arith.muli %get3A_111, %mul3A_113 : vector<8x128xi32>
    %get3A_115 = arith.constant 0 : index
    %get3A_116 = arith.constant 0 : index
    %get3A_117 = vector.load %arg5[%get3A_115, %get3A_116] : memref<8x128xi32, #tpu.memory_space<vmem>>, vector<8x128xi32>
    %mul3A_118 = arith.constant 432 : i32
    %mul3A_119 = vector.broadcast %mul3A_118 : i32 to vector<8x128xi32>
    %mul3A_120 = arith.muli %get3A_117, %mul3A_119 : vector<8x128xi32>
    %add3A_121 = arith.addi %mul3A_114, %mul3A_120 : vector<8x128xi32>
    %get3A_122 = arith.constant 0 : index
    %get3A_123 = arith.constant 0 : index
    %get3A_124 = vector.load %arg4[%get3A_122, %get3A_123] : memref<8x128xi32, #tpu.memory_space<vmem>>, vector<8x128xi32>
    %add3A_125 = arith.addi %add3A_121, %get3A_124 : vector<8x128xi32>
    %swap3A_126 = arith.constant 0 : index
    %swap3A_127 = arith.constant 0 : index
    %swap3A_128 = vector.load %arg12[%swap3A_126, %swap3A_127] : memref<8x128xi32, #tpu.memory_space<vmem>>, vector<8x128xi32>
    tpu.vector_store %arg12[%swap3A_126, %swap3A_127], %add3A_125 {strides = array<i32>} : memref<8x128xi32, #tpu.memory_space<vmem>>, vector<8x128xi32>,
    return
  }
  func.func @transform_0(%arg0: i32) -> (i32, i32) {
    %c0_i32 = arith.constant 0 : i32
    %c0_i32_0 = arith.constant 0 : i32
    return %arg0, %c0_i32 : i32, i32
  }
  func.func @transform_1(%arg0: i32) -> (i32, i32) {
    %c0_i32 = arith.constant 0 : i32
    %c0_i32_0 = arith.constant 0 : i32
    return %arg0, %c0_i32 : i32, i32
  }
  func.func @transform_2(%arg0: i32) -> (i32, i32) {
    %c0_i32 = arith.constant 0 : i32
    %c0_i32_0 = arith.constant 0 : i32
    return %arg0, %c0_i32 : i32, i32
  }
  func.func @transform_3(%arg0: i32) -> (i32, i32) {
    %c0_i32 = arith.constant 0 : i32
    %c0_i32_0 = arith.constant 0 : i32
    return %arg0, %c0_i32 : i32, i32
  }
  func.func @transform_4(%arg0: i32) -> (i32, i32) {
    %c0_i32 = arith.constant 0 : i32
    %c0_i32_0 = arith.constant 0 : i32
    return %arg0, %c0_i32 : i32, i32
  }
  func.func @transform_5(%arg0: i32) -> (i32, i32) {
    %c0_i32 = arith.constant 0 : i32
    %c0_i32_0 = arith.constant 0 : i32
    return %arg0, %c0_i32 : i32, i32
  }
  func.func @transform_6(%arg0: i32) -> (i32, i32) {
    %c0_i32 = arith.constant 0 : i32
    %c0_i32_0 = arith.constant 0 : i32
    %c0_i32_1 = arith.constant 0 : i32
    return %c0_i32, %c0_i32_0 : i32, i32
  }
  func.func @transform_7(%arg0: i32) -> (i32, i32) {
    %c0_i32 = arith.constant 0 : i32
    %c0_i32_0 = arith.constant 0 : i32
    %c0_i32_1 = arith.constant 0 : i32
    return %c0_i32, %c0_i32_0 : i32, i32
  }
  func.func @transform_8(%arg0: i32) -> (i32, i32) {
    %c0_i32 = arith.constant 0 : i32
    %c0_i32_0 = arith.constant 0 : i32
    %c0_i32_1 = arith.constant 0 : i32
    return %c0_i32, %c0_i32_0 : i32, i32
  }
  func.func @transform_9(%arg0: i32) -> (i32, i32) {
    %c0_i32 = arith.constant 0 : i32
    %c0_i32_0 = arith.constant 0 : i32
    %c0_i32_1 = arith.constant 0 : i32
    return %c0_i32, %c0_i32_0 : i32, i32
  }
  func.func @transform_10(%arg0: i32) -> (i32, i32) {
    %c0_i32 = arith.constant 0 : i32
    %c0_i32_0 = arith.constant 0 : i32
    return %arg0, %c0_i32 : i32, i32
  }
  func.func @transform_11(%arg0: i32) -> (i32, i32) {
    %c0_i32 = arith.constant 0 : i32
    %c0_i32_0 = arith.constant 0 : i32
    return %arg0, %c0_i32 : i32, i32
  }
}

module attributes {stable_mosaic.version = 14 : i64} {
  func.func @_r_body(%arg0: i32, %arg1: i32, %arg2: memref<8x214272xf32, #tpu.memory_space<vmem>>, %arg3: memref<1x8x496x432xf32, #tpu.memory_space<vmem>>) attributes {dimension_semantics = [#tpu.dimension_semantics<arbitrary>, #tpu.dimension_semantics<arbitrary>], iteration_bounds = array<i64: 2, 8>, scalar_prefetch = 0 : i64, scratch_operands = 0 : i64, tpu.core_type = #tpu.core_type<tc>, window_params = [{transform_indices = @transform_0, window_bounds = array<i64: 8, 214272>}, {transform_indices = @transform_1, window_bounds = array<i64: 1, 8, 496, 432>}]} {
    %get3A = arith.constant 0 : index
    %get3A_0 = arith.constant 0 : index
    %get3A_1 = vector.load %arg2[%get3A, %get3A_0] : memref<8x214272xf32, #tpu.memory_space<vmem>>, vector<8x214272xf32>
    %reshape3A = vector.shape_cast %get3A_1 : vector<8x214272xf32> to vector<1x8x496x432xf32>
    %swap3A = arith.constant 0 : index
    %swap3A_2 = arith.constant 0 : index
    %swap3A_3 = arith.constant 0 : index
    %swap3A_4 = arith.constant 0 : index
    %swap3A_5 = vector.load %arg3[%swap3A, %swap3A_2, %swap3A_3, %swap3A_4] : memref<1x8x496x432xf32, #tpu.memory_space<vmem>>, vector<1x8x496x432xf32>
    tpu.vector_store %arg3[%swap3A, %swap3A_2, %swap3A_3, %swap3A_4], %reshape3A {strides = array<i32>} : memref<1x8x496x432xf32, #tpu.memory_space<vmem>>, vector<1x8x496x432xf32>,
    return
  }
  func.func @transform_0(%arg0: i32, %arg1: i32) -> (i32, i32) {
    %mul3A = arith.constant 8 : i32
    %mul3A_0 = arith.muli %arg0, %mul3A : i32
    %add3A = arith.addi %mul3A_0, %arg1 : i32
    %c0_i32 = arith.constant 0 : i32
    %c0_i32_1 = arith.constant 0 : i32
    return %add3A, %c0_i32 : i32, i32
  }
  func.func @transform_1(%arg0: i32, %arg1: i32) -> (i32, i32, i32, i32) {
    %c0_i32 = arith.constant 0 : i32
    %c0_i32_0 = arith.constant 0 : i32
    %c0_i32_1 = arith.constant 0 : i32
    return %arg0, %arg1, %c0_i32, %c0_i32_0 : i32, i32, i32, i32
  }
}

</mosaic_0001>

<sc_bundles>
// kernel: kernel.5.cloned.1.call-start
scs
__scs_entry_jumppad:
0x0: {  	(pc) =	sbr.rel $0x88, $3  }
0x1: {  	(tag) =	ssettag $0x0;
	lr =	simm.s32 $0x1  }
0x2: {  	[smem:$0x3F99] =	sst lr;
	_ =	strace $0xD0000000  }
0x3: {  	_ = 	snop  }
0x4: {  	_ = 	snop  }
0x5: {  	_ = 	snop  }
0x6: {  	_ = 	snop  }
0x7: {  	_ = 	snop  }
__scs_overlays_trampoline_lowered:
0x8: {  	[smem:$0x3FA8] =	sst s0  }
0x9: {  	[smem:$0x3FA9] =	sst s1  }
0xa: {  	[smem:$0x3FAA] =	sst s2  }
0xb: {  	[smem:$0x3FAB] =	sst s3  }
0xc: {  	[smem:$0x3FAC] =	sst s4  }
0xd: {  	[smem:$0x3FAD] =	sst s5  }
0xe: {  	[smem:$0x3FAE] =	sst s6  }
0xf: {  	[smem:$0x3FAF] =	sst s7  }
0x10: {  	[smem:$0x3FB0] =	sst s8  }
0x11: {  	[smem:$0x3FB1] =	sst s9;
	s0 =	simm.s32 @!p0 $0x0  }
0x12: {  	s1 =	sld [smem:$0x3F97];
	s0 =	simm.s32 @p0 $0x1  }
0x13: {  	[smem:$0x3FB2] =	sst s0;
	s0 =	simm.s32 @!p1 $0x0  }
0x14: {  	s2 =	sld [smem:$0x3F96];
	s0 =	simm.s32 @p1 $0x1  }
0x15: {  	[smem:$0x3FB3] =	sst s0;
	s0 =	simm.s32 @!p2 $0x0  }
0x16: {  	s3 =	sld [smem:$0x3FDB];
	s0 =	simm.s32 @p2 $0x1  }
0x17: {  	s4 =	simm.s32 $0x1BF5;
	[smem:$0x3FB5] =	sst s0  }
0x18: {  	s0 =	sld [smem:$0x3F98];
	_ =	swait.ge [sflag:s4], $0x0  }
0x19: {  	s7 =	sld [smem:$0x3F99]  }
0x1a: {  	s8 =	sadd.s32 $0xFFFFE003, lr  }
0x1b: {  	s9 =	sadd.s32 $0xFFFFFEF7, lr;
	s5 =	simm.s32 $0xFFFFFFFF;
	p2 =	slt.u32 s8, $0xFFFFF086  }
0x1c: {  	p1 =	slt.u32 s9, $0xF7A;
	s5 =	simm.s32 @!p2 $0x0  }
0x1d: {  	s5 =	simm.s32 @p1 $0x1;
	p0 =	seq.s32 s7, s2  }
0x1e: {  	s7 =	smul.u32 @!p0 $0xF7A, s2;
	p2 =	seq.s32 @!p0 s5, $0x0  }
0x1f: {  	s9 =	smul.u32 $0xF7A, s1;
	s8 =	simm.s32 @!p0 $0x1BF5;
	p2 =	por !p2, p0  }
0x20: {  	[sflag:s8] =	ssyncset.s32 @!p0 $0xFFFFF086;
	s6 =	sadd.s32 @!p0 s3, s7;
	s7 =	simm.s32 @!p0 $0x108  }
0x21: {  	s3 =	sadd.s32 s3, s9;
	s6 =	sadd.s32 @!p0 $0x88, s6;
	s7 =	simm.s32 @p2 $0x1082  }
0x22: {  	[simem:s7], [sflag:s8] =	dma.local @!p0 [hbm:s6], $0xF7A  }
0x23: {  	s9 =	sor.u32 $0xD0000000, s2;
	s6 =	simm.s32 $0x108;
	_ =	swait.ge @!p0 [sflag:s8], $0x0  }
0x24: {  	s3 =	sadd.s32 $0x88, s3;
	s6 =	simm.s32 @!p1 $0x1082;
	[sflag:s4] =	ssyncset.s32 $0xFFFFF086  }
0x25: {  	[simem:s6], [sflag:s4] =	dma.local [hbm:s3], $0xF7A  }
0x26: {  	[smem:$0x3F99] =	sst s1;
	(tag) =	ssettag s2;
	_ =	strace s9  }
0x27: {  	s1 =	sld [smem:$0x3FA9]  }
0x28: {  	s2 =	sld [smem:$0x3FAA]  }
0x29: {  	s4 =	sld [smem:$0x3FAC]  }
0x2a: {  	p0 =	seq.s32 s5, $0x0;
	s5 =	sld [smem:$0x3FAD]  }
0x2b: {  	s6 =	sld [smem:$0x3FAE]  }
0x2c: {  	s7 =	sld [smem:$0x3FAF]  }
0x2d: {  	s3 =	simm.s32 $0x108;
	s8 =	sld [smem:$0x3FB0]  }
0x2e: {  	s3 =	simm.s32 @!p0 $0x1082;
	s9 =	sld [smem:$0x3FB1]  }
0x2f: {  	lr =	sadd.s32 s0, s3;
	s0 =	sld [smem:$0x3FA8]  }
0x30: {  	s3 =	sld [smem:$0x3FAB]  }
0x31: {  	[smem:$0x3FB4] =	sst s10  }
0x32: {  	s10 =	sld [smem:$0x3FB2];
	_ =	sdelay $0x3  }
0x33: {  	p0 =	seq.s32 s10, $0x1;
	s10 =	sld [smem:$0x3FB4];
	_ =	sdelay $0x3  }
0x34: {  	[smem:$0x3FB4] =	sst s10  }
0x35: {  	s10 =	sld [smem:$0x3FB3];
	_ =	sdelay $0x3  }
0x36: {  	p1 =	seq.s32 s10, $0x1;
	s10 =	sld [smem:$0x3FB4];
	_ =	sdelay $0x3  }
0x37: {  	[smem:$0x3FB4] =	sst s10  }
0x38: {  	s10 =	sld [smem:$0x3FB5]  }
0x39: {  	_ = 	snop;
	(pc) =	sbr.ind lr, $3  }
0x3a: {  	_ = 	snop  }
0x3b: {  	_ = 	snop  }
0x3c: {  	p2 =	seq.s32 s10, $0x1;
	s10 =	sld [smem:$0x3FB4]  }
0x3d: {  	_ =	shalt  }
0x3e: {  	_ =	shalt  }
0x3f: {  	_ =	shalt  }
0x40: {  	_ =	shalt  }
0x41: {  	_ =	shalt  }
0x42: {  	_ =	shalt  }
0x43: {  	_ =	shalt  }
0x44: {  	_ =	shalt  }
0x45: {  	_ =	shalt  }
0x46: {  	_ =	shalt  }
0x47: {  	_ =	shalt  }
0x48: {  	_ =	shalt  }
0x49: {  	_ =	shalt  }
0x4a: {  	_ =	shalt  }
0x4b: {  	_ =	shalt  }
0x4c: {  	_ =	shalt  }
0x4d: {  	_ =	shalt  }
0x4e: {  	_ =	shalt  }
0x4f: {  	_ =	shalt  }
0x50: {  	_ =	shalt  }
0x51: {  	_ =	shalt  }
0x52: {  	_ =	shalt  }
0x53: {  	_ =	shalt  }
0x54: {  	_ =	shalt  }
0x55: {  	_ =	shalt  }
0x56: {  	_ =	shalt  }
0x57: {  	_ =	shalt  }
0x58: {  	_ =	shalt  }
0x59: {  	_ =	shalt  }
0x5a: {  	_ =	shalt  }
0x5b: {  	_ =	shalt  }
0x5c: {  	_ =	shalt  }
0x5d: {  	_ =	shalt  }
0x5e: {  	_ =	shalt  }
0x5f: {  	_ =	shalt  }
0x60: {  	_ =	shalt  }
0x61: {  	_ =	shalt  }
0x62: {  	_ =	shalt  }
0x63: {  	_ =	shalt  }
0x64: {  	_ =	shalt  }
0x65: {  	_ =	shalt  }
0x66: {  	_ =	shalt  }
0x67: {  	_ =	shalt  }
0x68: {  	_ =	shalt  }
0x69: {  	_ =	shalt  }
0x6a: {  	_ =	shalt  }
0x6b: {  	_ =	shalt  }
0x6c: {  	_ =	shalt  }
0x6d: {  	_ =	shalt  }
0x6e: {  	_ =	shalt  }
0x6f: {  	_ =	shalt  }
0x70: {  	_ =	shalt  }
0x71: {  	_ =	shalt  }
0x72: {  	_ =	shalt  }
0x73: {  	_ =	shalt  }
0x74: {  	_ =	shalt  }
0x75: {  	_ =	shalt  }
0x76: {  	_ =	shalt  }
0x77: {  	_ =	shalt  }
0x78: {  	_ =	shalt  }
0x79: {  	_ =	shalt  }
0x7a: {  	_ =	shalt  }
0x7b: {  	_ =	shalt  }
0x7c: {  	_ =	shalt  }
0x7d: {  	_ =	shalt  }
0x7e: {  	_ =	shalt  }
0x7f: {  	_ =	shalt  }
0x80: {  	_ =	shalt  }
0x81: {  	_ =	shalt  }
0x82: {  	_ =	shalt  }
0x83: {  	_ =	shalt  }
0x84: {  	_ =	shalt  }
0x85: {  	_ =	shalt  }
0x86: {  	_ =	shalt  }
0x87: {  	_ =	shalt  }
.Lfunc_end0:
.L_simem_size_0:
called_computation_lowered:
.L_overlay_start_0:
0x88: {  	s2 =	sld [smem:$0x3FD9]  }
0x89: {  	s3 =	sld [smem:$0x3FFE];
	_ =	sdelay $0x1  }
0x8a: {  	s1 =	srdreg.scid  }
0x8b: {  	s0 =	sand.u32 $0x1, s1  }
0x8c: {  	s17 =	sshll.u32 s0, $0xA;
	s2 =	sadd.s32 s3, s2  }
0x8d: {  	s2 =	sadd.s32 s2, s17  }
0x8e: {  	[smem:$0x3FC0] =	sst s2  }
0x8f: {  	_ = 	snop  }
0x90: {  	s2 =	sld [smem:$0x3FD0];
	(tm) =	ssettm $0x1  }
0x91: {  	s18 =	sld [smem:$0x3FFB];
	_ =	sdelay $0x3  }
0x92: {  	_ =	strace s18  }
0x93: {  	s3 =	sld [smem:$0x3FFC];
	_ =	sdelay $0x3  }
0x94: {  	_ =	strace s3  }
0x95: {  	s3 =	sld [smem:$0x3FFD];
	_ =	sdelay $0x3  }
0x96: {  	_ =	strace s3  }
0x97: {  	_ =	strace $0x8FFFFFFF  }
0x98: {  	s19 =	sld [smem:$0x3FDB];
	_ =	sdelay $0x1  }
0x99: {  	s4 =	simm.s32 $_scs_section_size  }
0x9a: {  	s5 =	simm.s32 $_size__tile_overlayer_lowered;
	s6 =	simm.s32 $_tile_overlayer_lowered  }
0x9b: {  	s22 =	simm.s32 $0x1BFF;
	s21 =	sshll.u32 s6, $0x1;
	s3 =	sadd.s32 s4, s19  }
0x9c: {  	s7 =	simm.s32 $0x0;
	s20 =	sshll.u32 s5, $0x1;
	s5 =	sadd.s32 s21, s3  }
0x9d: {  	[timem:s7], [sflag:s22] =	dma.local [hbm:s5], s20  }
0x9e: {  	_ =	swait.ge [sflag:s22], s20  }
0x9f: {  	s4 =	ssub.s32 $0x0, s20;
	[sflag:s22] =	ssyncset.done $0x0  }
0xa0: {  	[sflag:s22] =	ssyncadd.s32 s4;
	_ =	sdelay $0x1  }
0xa1: {  	s23 =	simm.s32 $0x1B8B  }
0xa2: {  	_ =	swait.ge [sflag:s23], $0x1  }
0xa3: {  	[sflag:s23] =	ssyncset.done $0x0  }
0xa4: {  	s25 =	simm.s32 $0x1B8E;
	s24 =	sld [smem:$0x3FFE];
	[sflag:s23] =	ssyncadd.s32 $0xFFFFFFFF  }
0xa5: {  	s26 =	simm.s32 $execute0_lowered;
	[smem:$0x3FD2] =	sst s25  }
0xa6: {  	s5 =	sshll.u32 s26, $0x1;
	_ =	strace $0x80000046;
	[dreg:$0x1] =	wrdreg $0xFFFFFFFF  }
0xa7: {  	s28 =	simm.s32 $_size_execute0_lowered;
	s3 =	sadd.s32 s3, s5;
	[dreg:$0x0] =	wrdreg $0x0  }
0xa8: {  	s5 =	sshll.u32 s28, $0x1;
	[dreg:$0x2] =	wrdreg s3  }
0xa9: {  	[dreg:$0x3] =	wrdreg s5  }
0xaa: {  	[dreg:$0x4] =	wrdreg $0xC0  }
0xab: {  	_ =	task [dreg:s7], $0x5FFFF  }
0xac: {  	[dreg:$0x1] =	wrdreg $0xFFFFFFFF  }
0xad: {  	[dreg:$0x0] =	wrdreg $0x60  }
0xae: {  	[dreg:$0x2] =	wrdreg s24  }
0xaf: {  	[dreg:$0x3] =	wrdreg s2  }
0xb0: {  	[dreg:$0x4] =	wrdreg $0x9  }
0xb1: {  	_ =	task.clear_ibuf [dreg:s7], $0x5FFFF;
	_ =	strace $0x90000046  }
0xb2: {  	s29 =	simm.s32 $0x9;
	_ =	strace $0x80000048  }
0xb3: {  	_ =	swait.ge [sflag:s29], $0x1  }
0xb4: {  	[sflag:s29] =	ssyncadd.s32 $0xFFFFFFFF  }
0xb5: {  	_ =	strace $0x90000048  }
0xb6: {  	_ =	sfence  }
0xb7: {  	s30 =	sld [smem:$0x0];
	_ =	sdelay $0x2  }
0xb8: {  	s31 =	sshll.u32 s1, $0xD;
	s1 =	sshrl.u32 s1, $0x2  }
0xb9: {  	s3 =	sand.u32 $0x4000, s31;
	s1 =	sadd.s32 s1, s30  }
0xba: {  	s0 =	sor.u32 s3, s0;
	s1 =	sshll.u32 s1, $0x11  }
0xbb: {  	s0 =	sor.u32 s1, s0  }
0xbc: {  	s0 =	sadd.s32 $0x8F2B, s0  }
0xbd: {  	[sflag:s0] =	ssyncadd.remote.s32 $0x1  }
0xbe: {  	_ =	sfence.sel $0xFFFF  }
0xbf: {  	[dreg:$0x0] =	wrdreg $0xFFFFFFFF;
	(pc) =	sbr.abs _section_cstart, $3  }
0xc0: {  	[dreg:$0x1] =	wrdreg $0xFFFFFFFF  }
0xc1: {  	_ =	task.clear_ibuf [dreg:s7], $0x2FFFF;
	_ =	strace $0x9FFFFFFF  }
0xc2: {  	(tm) =	ssettm $0x7FFFFFFF  }
0xc3: {  	_ =	shalt  }
tec
execute0_lowered:
.L_overlay_start_1:
0x0: {  	(tag) =	ssettag $0x1  }
0x1: {  	v0 =	vimm.s32 $0x2780;
	vm14 =	vcmask $0x300  }
0x2: {  	vm13 =	vcmask $0x704;
	v0 =	vsel vm14, $0x0, v0  }
0x3: {  	vm12 =	vcmask $0xB08;
	v0 =	vsel vm13, $0x80, v0  }
0x4: {  	s7 =	stileid.u32;
	vm11 =	vcmask $0xF0C;
	v0 =	vsel vm12, $0x100, v0  }
0x5: {  	s0 =	srdreg.scid;
	vm10 =	vcmask $0x1310;
	s1 =	sshll.u32 s7, $0x1;
	v0 =	vsel vm11, $0x180, v0  }
0x6: {  	vm9 =	vcmask $0x1714;
	s5 =	sand.u32 $0x1, s0;
	s2 =	sshrl.u32 s7, $0x3;
	s22 =	sand.u32 $0xE, s1;
	v0 =	vsel vm10, $0x200, v0  }
0x7: {  	vm8 =	vcmask $0x1B18;
	s2 =	smul.u32 $0x34500, s2;
	s0 =	sor.u32 s5, s22;
	v0 =	vsel vm9, $0x280, v0  }
0x8: {  	vm7 =	vcmask $0x1F1C;
	s23 =	smul.u32 $0x3400, s0;
	v0 =	vsel vm8, $0x300, v0  }
0x9: {  	vm4 =	vcmask $0x2320;
	s3 =	simm.s32 $0x3900;
	p0 =	seq.s32 s0, $0xF;
	v0 =	vsel vm7, $0x380, v0  }
0xa: {  	vm5 =	vcmask $0x2724;
	s1 =	rddreg [dreg:$0x0];
	s3 =	simm.s32 @!p0 $0x3400;
	s2 =	sadd.s32 s2, s23;
	v1 =	vsel vm4, $0x2400, v0  }
0xb: {  	v0 =	vmov s2;
	s2 =	rddreg [dreg:$0x1];
	v2 =	vsel vm5, $0x2480, v1;
	v1 =	vmov s3;
	s3 =	simm.s32 $0x0  }
0xc: {  	s6 =	sadd.s32 $0xA1600, s1;
	[smem:$0x7FF] =	sst s3  }
0xd: {  	s8 =	sadd.s32 $0xA1700, s1;
	_ =	strace $0x80000047;
	[dreg:$0x3] =	wrdreg s6  }
0xe: {  	s30 =	simm.s32 $0x2;
	s25 =	sadd.s32 $0xA1800, s1;
	[dreg:$0x4] =	wrdreg s8  }
0xf: {  	s31 =	simm.s32 $0x4100;
	s26 =	sadd.s32 $0xA1900, s1;
	[dreg:$0x5] =	wrdreg s25  }
0x10: {  	vm6 =	vcmask $0x2B28;
	vm3 =	vcmask $0x2F2C;
	vm2 =	vcmask $0x3330;
	s7 =	sand.u32 $0x8, s7;
	s9 =	sadd.s32 $0xA1A00, s1;
	[dreg:$0x6] =	wrdreg s26  }
0x11: {  	vm1 =	vcmask $0x3734;
	vm0 =	vcmask $0x3B38;
	v6 =	vimm.s32 $0x401;
	s17 =	smul.u32 $0x1A2800, s7;
	s10 =	sadd.s32 $0xA1B00, s1;
	[dreg:$0x7] =	wrdreg s9  }
0x12: {  	v8 =	vimm.s32 $0x6F80;
	v9 =	vimm.s32 $0xB780;
	v10 =	vimm.s32 $0xFF80;
	s7 =	simm.s32 $0x4B80;
	s11 =	sadd.s32 $0xA1C00, s1;
	[dreg:$0x8] =	wrdreg s10  }
0x13: {  	v8 =	vsel vm14, $0x4800, v8;
	v9 =	vsel vm14, $0x9000, v9;
	v10 =	vsel vm14, $0xD800, v10;
	s4 =	sadd.s32 $0x1600, s1;
	s12 =	sadd.s32 $0xA1D00, s1;
	[dreg:$0x9] =	wrdreg s11  }
0x14: {  	v8 =	vsel vm13, $0x4880, v8;
	v9 =	vsel vm13, $0x9080, v9;
	v10 =	vsel vm13, $0xD880, v10;
	s5 =	ssub.s32 $0x2, s5;
	s13 =	sadd.s32 $0xA1E00, s1;
	[dreg:$0xa] =	wrdreg s12  }
0x15: {  	s14 =	sadd.s32 $0xA1F00, s1;
	s15 =	sadd.s32 $0xA2000, s1;
	v8 =	vsel vm12, $0x4900, v8;
	v9 =	vsel vm12, $0x9100, v9;
	v10 =	vsel vm12, $0xD900, v10;
	[dreg:$0xb] =	wrdreg s13  }
0x16: {  	s16 =	sadd.s32 $0xA2100, s1;
	s18 =	sadd.s32 $0xA2200, s1;
	v8 =	vsel vm11, $0x4980, v8;
	v9 =	vsel vm11, $0x9180, v9;
	v10 =	vsel vm11, $0xD980, v10;
	[dreg:$0xc] =	wrdreg s14  }
0x17: {  	s20 =	sadd.s32 $0xA2300, s1;
	s21 =	sadd.s32 $0xA2400, s1;
	v8 =	vsel vm10, $0x4A00, v8;
	v9 =	vsel vm10, $0x9200, v9;
	v10 =	vsel vm10, $0xDA00, v10;
	[dreg:$0xd] =	wrdreg s15  }
0x18: {  	s22 =	sadd.s32 $0xA2500, s1;
	s24 =	sshrl.u32 s5, $0x1;
	v8 =	vsel vm9, $0x4A80, v8;
	v9 =	vsel vm9, $0x9280, v9;
	v10 =	vsel vm9, $0xDA80, v10;
	[dreg:$0xe] =	wrdreg s16  }
0x19: {  	s19 =	smul.u32 $0x1A000, s0;
	s5 =	ssub.s32 s5, s24;
	v8 =	vsel vm8, $0x4B00, v8;
	v9 =	vsel vm8, $0x9300, v9;
	v10 =	vsel vm8, $0xDB00, v10;
	[dreg:$0xf] =	wrdreg s18  }
0x1a: {  	s24 =	sadd.s32 $0xA2600, s1;
	s23 =	sshrl.u32 s17, $0x3;
	v8 =	vsel vm7, $0x4B80, v8;
	v9 =	vsel vm7, $0x9380, v9;
	v10 =	vsel vm7, $0xDB80, v10;
	[dreg:$0x10] =	wrdreg s20  }
0x1b: {  	s29 =	smax.u32 s5, $0x1;
	s5 =	simm.s32 $0x80;
	v8 =	vsel vm4, $0x6C00, v8;
	v9 =	vsel vm4, $0xB400, v9;
	v10 =	vsel vm4, $0xFC00, v10;
	[dreg:$0x11] =	wrdreg s21  }
0x1c: {  	v8 =	vsel vm5, $0x6C80, v8;
	v9 =	vsel vm5, $0xB480, v9;
	v10 =	vsel vm5, $0xFC80, v10;
	s18 =	simm.s32 $0xE;
	[dreg:$0x12] =	wrdreg s22;
	s22 =	sadd.s32 s17, s19  }
0x1d: {  	v3 =	vsel vm6, $0x2500, v2;
	v2 =	vimm.s32 $0xFFFFFFFF;
	v8 =	vsel vm6, $0x6D00, v8;
	[dreg:$0x13] =	wrdreg s24;
	s25 =	sadd.s32 $0xA2700, s1;
	s26 =	sadd.s32 $0xA2800, s1  }
0x1e: {  	v9 =	vsel vm6, $0xB500, v9;
	v10 =	vsel vm6, $0xFD00, v10;
	v4 =	vsel vm3, $0x2580, v3;
	s1 =	sadd.s32 $0xA2900, s1;
	s6 =	simm.s32 $0x4B00;
	s8 =	simm.s32 $0x8B80  }
0x1f: {  	v3 =	vimm.f32 $0.0e+00;
	v8 =	vsel vm3, $0x6D80, v8;
	v9 =	vsel vm3, $0xB580, v9;
	s9 =	simm.s32 $0xAF80;
	s10 =	simm.s32 $0xD380;
	s11 =	simm.s32 $0xF780  }
.Ltmp0:
0x20: {  	v10 =	vsel vm3, $0xFD80, v10;
	s12 =	simm.s32 $0x11B80;
	s13 =	simm.s32 $0x13F80;
	v5 =	vsel vm2, $0x2600, v4;
	v4 =	vlaneseq.u32;
	(pc) =	sbr.rel .LBB2_1-.Ltmp0, $4  }
0x21: {  	s14 =	simm.s32 $0x16380;
	s15 =	simm.s32 $0x18780;
	[dreg:$0x14] =	wrdreg s25;
	v8 =	vsel vm2, $0x6E00, v8;
	v9 =	vsel vm2, $0xB600, v9;
	v10 =	vsel vm2, $0xFE00, v10  }
0x22: {  	s16 =	simm.s32 $0x0;
	s18 =	simm.s32 @!p0 $0xD;
	[dreg:$0x15] =	wrdreg s26;
	v7 =	vsel vm1, $0x2680, v5;
	v5 =	vimm.s32 $0x0;
	v8 =	vsel vm1, $0x6E80, v8  }
0x23: {  	p0 =	sne.s32 s0, $0xF;
	[dreg:$0x16] =	wrdreg s1;
	s0 =	sadd.s32 s2, s23;
	v9 =	vsel vm1, $0xB680, v9;
	v10 =	vsel vm1, $0xFE80, v10;
	v7 =	vsel vm0, $0x2700, v7  }
0x24: {  	s1 =	simm.s32 $0x4600;
	s28 =	sadd.s32 $0x34400, s0;
	s0 =	simm.s32 $0x1;
	v8 =	vsel vm0, $0x6F00, v8;
	v9 =	vsel vm0, $0xB700, v9;
	v10 =	vsel vm0, $0xFF00, v10  }
.LBB2_194:
0x25: {  	s16 =	sadd.s32 $0x1, s16  }
0x26: {  	p1 =	sne.s32 s16, s29  }
.Ltmp1:
0x27: {  	_ = 	snop;
	(pc) =	sbr.rel @!p1 .LBB2_195-.Ltmp1, $1  }
0x28: {  	_ =	sdelay $0x3  }
.LBB2_1:
0x29: {  	s17 =	simm.s32 $0x40;
	s20 =	simm.s32 $0x0  }
.LBB2_2:
0x2a: {  	p1 =	sne.s32 s17, $0xE3C0;
	[tilespmem:s20+$0x0] =	vst v2;
	s19 =	smov.u32 s17;
	s17 =	sadd.s32 $0x40, s17  }
.Ltmp2:
0x2b: {  	(pc) =	sbr.rel @p1 .LBB2_2-.Ltmp2, $2  }
0x2c: {  	_ =	sdelay $0x2  }
0x2d: {  	s20 =	sshra.s32 s19, $0x2  }
0x2e: {  	s19 =	simm.s32 $0x0  }
0x2f: {  	s17 =	sand.u32 $0x70, s19;
	s21 =	sand.u32 $0x3C00, s19  }
0x30: {  	[tilespmem:s20+$0x0] =	vst v2;
	s17 =	sor.u32 s17, s21  }
0x31: {  	s20 =	simm.s32 $0x10;
	s21 =	simm.s32 $0x0;
	[tilespmem:s17+$0x8B80] =	vst v3  }
.LBB2_4:
0x32: {  	p1 =	sne.s32 s20, $0x400  }
.Ltmp3:
0x33: {  	_ = 	snop;
	(pc) =	sbr.rel @p1 .LBB2_4-.Ltmp3, $4  }
0x34: {  	s21 =	sadd.s32 $0x80, s21  }
0x35: {  	s23 =	sand.u32 $0x70, s20;
	s24 =	sand.u32 $0x3C00, s21  }
0x36: {  	s23 =	sor.u32 s23, s24  }
0x37: {  	s20 =	sadd.s32 $0x10, s20;
	[tilespmem:s23+$0x8B80] =	vst v3  }
0x38: {  	s20 =	simm.s32 $0x10;
	[tilespmem:s17+$0x8C00] =	vst v3  }
.LBB2_6:
0x39: {  	p1 =	sne.s32 s20, $0x400  }
.Ltmp4:
0x3a: {  	_ = 	snop;
	(pc) =	sbr.rel @p1 .LBB2_6-.Ltmp4, $4  }
0x3b: {  	s19 =	sadd.s32 $0x80, s19  }
0x3c: {  	s17 =	sand.u32 $0x70, s20;
	s21 =	sand.u32 $0x3C00, s19  }
0x3d: {  	s17 =	sor.u32 s17, s21  }
0x3e: {  	s20 =	sadd.s32 $0x10, s20;
	[tilespmem:s17+$0x8C00] =	vst v3;
	s17 =	simm.s32 $0x0  }
0x3f: {  	s19 =	sand.u32 $0x70, s17;
	s20 =	sand.u32 $0x3C00, s17  }
0x40: {  	s19 =	sor.u32 s19, s20  }
0x41: {  	s21 =	simm.s32 $0x0;
	s20 =	simm.s32 $0x10;
	[tilespmem:s19+$0x8C80] =	vst v3  }
.LBB2_8:
0x42: {  	p1 =	sne.s32 s20, $0x400  }
.Ltmp5:
0x43: {  	_ = 	snop;
	(pc) =	sbr.rel @p1 .LBB2_8-.Ltmp5, $4  }
0x44: {  	s21 =	sadd.s32 $0x80, s21  }
0x45: {  	s23 =	sand.u32 $0x70, s20;
	s24 =	sand.u32 $0x3C00, s21  }
0x46: {  	s23 =	sor.u32 s23, s24  }
0x47: {  	s20 =	sadd.s32 $0x10, s20;
	[tilespmem:s23+$0x8C80] =	vst v3  }
0x48: {  	s20 =	simm.s32 $0x10;
	[tilespmem:s19+$0x8D00] =	vst v3  }
.LBB2_10:
0x49: {  	p1 =	sne.s32 s20, $0x400  }
.Ltmp6:
0x4a: {  	_ = 	snop;
	(pc) =	sbr.rel @p1 .LBB2_10-.Ltmp6, $4  }
0x4b: {  	s17 =	sadd.s32 $0x80, s17  }
0x4c: {  	s19 =	sand.u32 $0x70, s20;
	s21 =	sand.u32 $0x3C00, s17  }
0x4d: {  	s19 =	sor.u32 s19, s21  }
0x4e: {  	s20 =	sadd.s32 $0x10, s20;
	[tilespmem:s19+$0x8D00] =	vst v3;
	s19 =	simm.s32 $0x0  }
0x4f: {  	s17 =	sand.u32 $0x70, s19;
	s20 =	sand.u32 $0x3C00, s19  }
0x50: {  	s17 =	sor.u32 s17, s20  }
0x51: {  	s21 =	simm.s32 $0x0;
	s20 =	simm.s32 $0x10;
	[tilespmem:s17+$0x8D80] =	vst v3  }
.LBB2_12:
0x52: {  	p1 =	sne.s32 s20, $0x400  }
.Ltmp7:
0x53: {  	_ = 	snop;
	(pc) =	sbr.rel @p1 .LBB2_12-.Ltmp7, $4  }
0x54: {  	s21 =	sadd.s32 $0x80, s21  }
0x55: {  	s23 =	sand.u32 $0x70, s20;
	s24 =	sand.u32 $0x3C00, s21  }
0x56: {  	s23 =	sor.u32 s23, s24  }
0x57: {  	s20 =	sadd.s32 $0x10, s20;
	[tilespmem:s23+$0x8D80] =	vst v3  }
0x58: {  	s20 =	simm.s32 $0x10;
	[tilespmem:s17+$0x8E00] =	vst v3  }
.LBB2_14:
0x59: {  	p1 =	sne.s32 s20, $0x400  }
.Ltmp8:
0x5a: {  	_ = 	snop;
	(pc) =	sbr.rel @p1 .LBB2_14-.Ltmp8, $4  }
0x5b: {  	s19 =	sadd.s32 $0x80, s19  }
0x5c: {  	s17 =	sand.u32 $0x70, s20;
	s21 =	sand.u32 $0x3C00, s19  }
0x5d: {  	s17 =	sor.u32 s17, s21  }
0x5e: {  	s20 =	sadd.s32 $0x10, s20;
	[tilespmem:s17+$0x8E00] =	vst v3;
	s17 =	simm.s32 $0x0  }
0x5f: {  	s19 =	sand.u32 $0x70, s17;
	s20 =	sand.u32 $0x3C00, s17  }
0x60: {  	s20 =	sor.u32 s19, s20  }
0x61: {  	s19 =	simm.s32 $0x10;
	[tilespmem:s20+$0x8E80] =	vst v3;
	s20 =	simm.s32 $0x0  }
.LBB2_16:
0x62: {  	p1 =	sne.s32 s19, $0x400  }
.Ltmp9:
0x63: {  	_ = 	snop;
	(pc) =	sbr.rel @p1 .LBB2_16-.Ltmp9, $4  }
0x64: {  	s20 =	sadd.s32 $0x80, s20  }
0x65: {  	s21 =	sand.u32 $0x70, s19;
	s23 =	sand.u32 $0x3C00, s20  }
0x66: {  	s21 =	sor.u32 s21, s23  }
0x67: {  	s19 =	sadd.s32 $0x10, s19;
	[tilespmem:s21+$0x8E80] =	vst v3  }
0x68: {  	s19 =	sand.u32 $0x7, s17  }
0x69: {  	s19 =	sshll.u32 s19, $0x4  }
0x6a: {  	s19 =	sadd.s32 $0x0, s19  }
0x6b: {  	s19 =	sor.u32 $0x380, s19  }
0x6c: {  	s20 =	simm.s32 $0x10;
	s21 =	simm.s32 $0x1;
	[tilespmem:s19+$0x8B80] =	vst v3  }
.LBB2_18:
0x6d: {  	s19 =	sand.u32 $0x7, s21;
	p1 =	sne.s32 s20, $0x400;
	s20 =	sadd.s32 $0x10, s20  }
.Ltmp10:
0x6e: {  	s17 =	sadd.s32 $0x80, s17;
	s19 =	sshll.u32 s19, $0x4;
	(pc) =	sbr.rel @p1 .LBB2_18-.Ltmp10, $4  }
0x6f: {  	s19 =	sadd.s32 s19, s17  }
0x70: {  	s19 =	sor.u32 $0x380, s19  }
0x71: {  	[tilespmem:s19+$0x8B80] =	vst v3;
	s19 =	simm.s32 $0x0  }
0x72: {  	s21 =	sadd.s32 $0x1, s21  }
0x73: {  	s17 =	sand.u32 $0x70, s19;
	s20 =	sand.u32 $0x3C00, s19  }
0x74: {  	s17 =	sor.u32 s17, s20  }
0x75: {  	s21 =	simm.s32 $0x0;
	s20 =	simm.s32 $0x10;
	[tilespmem:s17+$0xAF80] =	vst v3  }
.LBB2_20:
0x76: {  	p1 =	sne.s32 s20, $0x400  }
.Ltmp11:
0x77: {  	_ = 	snop;
	(pc) =	sbr.rel @p1 .LBB2_20-.Ltmp11, $4  }
0x78: {  	s21 =	sadd.s32 $0x80, s21  }
0x79: {  	s23 =	sand.u32 $0x70, s20;
	s24 =	sand.u32 $0x3C00, s21  }
0x7a: {  	s23 =	sor.u32 s23, s24  }
0x7b: {  	s20 =	sadd.s32 $0x10, s20;
	[tilespmem:s23+$0xAF80] =	vst v3  }
0x7c: {  	s20 =	simm.s32 $0x10;
	[tilespmem:s17+$0xB000] =	vst v3  }
.LBB2_22:
0x7d: {  	p1 =	sne.s32 s20, $0x400  }
.Ltmp12:
0x7e: {  	_ = 	snop;
	(pc) =	sbr.rel @p1 .LBB2_22-.Ltmp12, $4  }
0x7f: {  	s19 =	sadd.s32 $0x80, s19  }
0x80: {  	s17 =	sand.u32 $0x70, s20;
	s21 =	sand.u32 $0x3C00, s19  }
0x81: {  	s17 =	sor.u32 s17, s21  }
0x82: {  	s20 =	sadd.s32 $0x10, s20;
	[tilespmem:s17+$0xB000] =	vst v3;
	s17 =	simm.s32 $0x0  }
0x83: {  	s19 =	sand.u32 $0x70, s17;
	s20 =	sand.u32 $0x3C00, s17  }
0x84: {  	s19 =	sor.u32 s19, s20  }
0x85: {  	s21 =	simm.s32 $0x0;
	s20 =	simm.s32 $0x10;
	[tilespmem:s19+$0xB080] =	vst v3  }
.LBB2_24:
0x86: {  	p1 =	sne.s32 s20, $0x400  }
.Ltmp13:
0x87: {  	_ = 	snop;
	(pc) =	sbr.rel @p1 .LBB2_24-.Ltmp13, $4  }
0x88: {  	s21 =	sadd.s32 $0x80, s21  }
0x89: {  	s23 =	sand.u32 $0x70, s20;
	s24 =	sand.u32 $0x3C00, s21  }
0x8a: {  	s23 =	sor.u32 s23, s24  }
0x8b: {  	s20 =	sadd.s32 $0x10, s20;
	[tilespmem:s23+$0xB080] =	vst v3  }
0x8c: {  	s20 =	simm.s32 $0x10;
	[tilespmem:s19+$0xB100] =	vst v3  }
.LBB2_26:
0x8d: {  	p1 =	sne.s32 s20, $0x400  }
.Ltmp14:
0x8e: {  	_ = 	snop;
	(pc) =	sbr.rel @p1 .LBB2_26-.Ltmp14, $4  }
0x8f: {  	s17 =	sadd.s32 $0x80, s17  }
0x90: {  	s19 =	sand.u32 $0x70, s20;
	s21 =	sand.u32 $0x3C00, s17  }
0x91: {  	s19 =	sor.u32 s19, s21  }
0x92: {  	s20 =	sadd.s32 $0x10, s20;
	[tilespmem:s19+$0xB100] =	vst v3;
	s19 =	simm.s32 $0x0  }
0x93: {  	s17 =	sand.u32 $0x70, s19;
	s20 =	sand.u32 $0x3C00, s19  }
0x94: {  	s17 =	sor.u32 s17, s20  }
0x95: {  	s21 =	simm.s32 $0x0;
	s20 =	simm.s32 $0x10;
	[tilespmem:s17+$0xB180] =	vst v3  }
.LBB2_28:
0x96: {  	p1 =	sne.s32 s20, $0x400  }
.Ltmp15:
0x97: {  	_ = 	snop;
	(pc) =	sbr.rel @p1 .LBB2_28-.Ltmp15, $4  }
0x98: {  	s21 =	sadd.s32 $0x80, s21  }
0x99: {  	s23 =	sand.u32 $0x70, s20;
	s24 =	sand.u32 $0x3C00, s21  }
0x9a: {  	s23 =	sor.u32 s23, s24  }
0x9b: {  	s20 =	sadd.s32 $0x10, s20;
	[tilespmem:s23+$0xB180] =	vst v3  }
0x9c: {  	s20 =	simm.s32 $0x10;
	[tilespmem:s17+$0xB200] =	vst v3  }
.LBB2_30:
0x9d: {  	p1 =	sne.s32 s20, $0x400  }
.Ltmp16:
0x9e: {  	_ = 	snop;
	(pc) =	sbr.rel @p1 .LBB2_30-.Ltmp16, $4  }
0x9f: {  	s19 =	sadd.s32 $0x80, s19  }
0xa0: {  	s17 =	sand.u32 $0x70, s20;
	s21 =	sand.u32 $0x3C00, s19  }
0xa1: {  	s17 =	sor.u32 s17, s21  }
0xa2: {  	s20 =	sadd.s32 $0x10, s20;
	[tilespmem:s17+$0xB200] =	vst v3;
	s17 =	simm.s32 $0x0  }
0xa3: {  	s19 =	sand.u32 $0x70, s17;
	s20 =	sand.u32 $0x3C00, s17  }
0xa4: {  	s19 =	sor.u32 s19, s20  }
0xa5: {  	s21 =	simm.s32 $0x0;
	s20 =	simm.s32 $0x10;
	[tilespmem:s19+$0xB280] =	vst v3  }
.LBB2_32:
0xa6: {  	p1 =	sne.s32 s20, $0x400  }
.Ltmp17:
0xa7: {  	_ = 	snop;
	(pc) =	sbr.rel @p1 .LBB2_32-.Ltmp17, $4  }
0xa8: {  	s21 =	sadd.s32 $0x80, s21  }
0xa9: {  	s23 =	sand.u32 $0x70, s20;
	s24 =	sand.u32 $0x3C00, s21  }
0xaa: {  	s23 =	sor.u32 s23, s24  }
0xab: {  	s20 =	sadd.s32 $0x10, s20;
	[tilespmem:s23+$0xB280] =	vst v3  }
0xac: {  	s20 =	simm.s32 $0x10;
	[tilespmem:s19+$0xB300] =	vst v3  }
.LBB2_34:
0xad: {  	p1 =	sne.s32 s20, $0x400  }
.Ltmp18:
0xae: {  	_ = 	snop;
	(pc) =	sbr.rel @p1 .LBB2_34-.Ltmp18, $4  }
0xaf: {  	s17 =	sadd.s32 $0x80, s17  }
0xb0: {  	s19 =	sand.u32 $0x70, s20;
	s21 =	sand.u32 $0x3C00, s17  }
0xb1: {  	s19 =	sor.u32 s19, s21  }
0xb2: {  	s20 =	sadd.s32 $0x10, s20;
	[tilespmem:s19+$0xB300] =	vst v3;
	s19 =	simm.s32 $0x0  }
0xb3: {  	s17 =	sand.u32 $0x70, s19;
	s20 =	sand.u32 $0x3C00, s19  }
0xb4: {  	s17 =	sor.u32 s17, s20  }
0xb5: {  	s21 =	simm.s32 $0x0;
	s20 =	simm.s32 $0x10;
	[tilespmem:s17+$0xD380] =	vst v3  }
.LBB2_36:
0xb6: {  	p1 =	sne.s32 s20, $0x400  }
.Ltmp19:
0xb7: {  	_ = 	snop;
	(pc) =	sbr.rel @p1 .LBB2_36-.Ltmp19, $4  }
0xb8: {  	s21 =	sadd.s32 $0x80, s21  }
0xb9: {  	s23 =	sand.u32 $0x70, s20;
	s24 =	sand.u32 $0x3C00, s21  }
0xba: {  	s23 =	sor.u32 s23, s24  }
0xbb: {  	s20 =	sadd.s32 $0x10, s20;
	[tilespmem:s23+$0xD380] =	vst v3  }
0xbc: {  	s20 =	simm.s32 $0x10;
	[tilespmem:s17+$0xD400] =	vst v3  }
.LBB2_38:
0xbd: {  	p1 =	sne.s32 s20, $0x400  }
.Ltmp20:
0xbe: {  	_ = 	snop;
	(pc) =	sbr.rel @p1 .LBB2_38-.Ltmp20, $4  }
0xbf: {  	s19 =	sadd.s32 $0x80, s19  }
0xc0: {  	s17 =	sand.u32 $0x70, s20;
	s21 =	sand.u32 $0x3C00, s19  }
0xc1: {  	s17 =	sor.u32 s17, s21  }
0xc2: {  	s20 =	sadd.s32 $0x10, s20;
	[tilespmem:s17+$0xD400] =	vst v3;
	s17 =	simm.s32 $0x0  }
0xc3: {  	s19 =	sand.u32 $0x70, s17;
	s20 =	sand.u32 $0x3C00, s17  }
0xc4: {  	s19 =	sor.u32 s19, s20  }
0xc5: {  	s21 =	simm.s32 $0x0;
	s20 =	simm.s32 $0x10;
	[tilespmem:s19+$0xD480] =	vst v3  }
.LBB2_40:
0xc6: {  	p1 =	sne.s32 s20, $0x400  }
.Ltmp21:
0xc7: {  	_ = 	snop;
	(pc) =	sbr.rel @p1 .LBB2_40-.Ltmp21, $4  }
0xc8: {  	s21 =	sadd.s32 $0x80, s21  }
0xc9: {  	s23 =	sand.u32 $0x70, s20;
	s24 =	sand.u32 $0x3C00, s21  }
0xca: {  	s23 =	sor.u32 s23, s24  }
0xcb: {  	s20 =	sadd.s32 $0x10, s20;
	[tilespmem:s23+$0xD480] =	vst v3  }
0xcc: {  	s20 =	simm.s32 $0x10;
	[tilespmem:s19+$0xD500] =	vst v3  }
.LBB2_42:
0xcd: {  	p1 =	sne.s32 s20, $0x400  }
.Ltmp22:
0xce: {  	_ = 	snop;
	(pc) =	sbr.rel @p1 .LBB2_42-.Ltmp22, $4  }
0xcf: {  	s17 =	sadd.s32 $0x80, s17  }
0xd0: {  	s19 =	sand.u32 $0x70, s20;
	s21 =	sand.u32 $0x3C00, s17  }
0xd1: {  	s19 =	sor.u32 s19, s21  }
0xd2: {  	s20 =	sadd.s32 $0x10, s20;
	[tilespmem:s19+$0xD500] =	vst v3;
	s19 =	simm.s32 $0x0  }
0xd3: {  	s17 =	sand.u32 $0x70, s19;
	s20 =	sand.u32 $0x3C00, s19  }
0xd4: {  	s17 =	sor.u32 s17, s20  }
0xd5: {  	s21 =	simm.s32 $0x0;
	s20 =	simm.s32 $0x10;
	[tilespmem:s17+$0xD580] =	vst v3  }
.LBB2_44:
0xd6: {  	p1 =	sne.s32 s20, $0x400  }
.Ltmp23:
0xd7: {  	_ = 	snop;
	(pc) =	sbr.rel @p1 .LBB2_44-.Ltmp23, $4  }
0xd8: {  	s21 =	sadd.s32 $0x80, s21  }
0xd9: {  	s23 =	sand.u32 $0x70, s20;
	s24 =	sand.u32 $0x3C00, s21  }
0xda: {  	s23 =	sor.u32 s23, s24  }
0xdb: {  	s20 =	sadd.s32 $0x10, s20;
	[tilespmem:s23+$0xD580] =	vst v3  }
0xdc: {  	s20 =	simm.s32 $0x10;
	[tilespmem:s17+$0xD600] =	vst v3  }
.LBB2_46:
0xdd: {  	p1 =	sne.s32 s20, $0x400  }
.Ltmp24:
0xde: {  	_ = 	snop;
	(pc) =	sbr.rel @p1 .LBB2_46-.Ltmp24, $4  }
0xdf: {  	s19 =	sadd.s32 $0x80, s19  }
0xe0: {  	s17 =	sand.u32 $0x70, s20;
	s21 =	sand.u32 $0x3C00, s19  }
0xe1: {  	s17 =	sor.u32 s17, s21  }
0xe2: {  	s20 =	sadd.s32 $0x10, s20;
	[tilespmem:s17+$0xD600] =	vst v3;
	s17 =	simm.s32 $0x0  }
0xe3: {  	s19 =	sand.u32 $0x70, s17;
	s20 =	sand.u32 $0x3C00, s17  }
0xe4: {  	s19 =	sor.u32 s19, s20  }
0xe5: {  	s21 =	simm.s32 $0x0;
	s20 =	simm.s32 $0x10;
	[tilespmem:s19+$0xD680] =	vst v3  }
.LBB2_48:
0xe6: {  	p1 =	sne.s32 s20, $0x400  }
.Ltmp25:
0xe7: {  	_ = 	snop;
	(pc) =	sbr.rel @p1 .LBB2_48-.Ltmp25, $4  }
0xe8: {  	s21 =	sadd.s32 $0x80, s21  }
0xe9: {  	s23 =	sand.u32 $0x70, s20;
	s24 =	sand.u32 $0x3C00, s21  }
0xea: {  	s23 =	sor.u32 s23, s24  }
0xeb: {  	s20 =	sadd.s32 $0x10, s20;
	[tilespmem:s23+$0xD680] =	vst v3  }
0xec: {  	s20 =	simm.s32 $0x10;
	[tilespmem:s19+$0xD700] =	vst v3  }
.LBB2_50:
0xed: {  	p1 =	sne.s32 s20, $0x400  }
.Ltmp26:
0xee: {  	_ = 	snop;
	(pc) =	sbr.rel @p1 .LBB2_50-.Ltmp26, $4  }
0xef: {  	s17 =	sadd.s32 $0x80, s17  }
0xf0: {  	s19 =	sand.u32 $0x70, s20;
	s21 =	sand.u32 $0x3C00, s17  }
0xf1: {  	s19 =	sor.u32 s19, s21  }
0xf2: {  	s20 =	sadd.s32 $0x10, s20;
	[tilespmem:s19+$0xD700] =	vst v3;
	s19 =	simm.s32 $0x0  }
0xf3: {  	s17 =	sand.u32 $0x70, s19;
	s20 =	sand.u32 $0x3C00, s19  }
0xf4: {  	s17 =	sor.u32 s17, s20  }
0xf5: {  	s21 =	simm.s32 $0x0;
	s20 =	simm.s32 $0x10;
	[tilespmem:s17+$0xF780] =	vst v3  }
.LBB2_52:
0xf6: {  	p1 =	sne.s32 s20, $0x400  }
.Ltmp27:
0xf7: {  	_ = 	snop;
	(pc) =	sbr.rel @p1 .LBB2_52-.Ltmp27, $4  }
0xf8: {  	s21 =	sadd.s32 $0x80, s21  }
0xf9: {  	s23 =	sand.u32 $0x70, s20;
	s24 =	sand.u32 $0x3C00, s21  }
0xfa: {  	s23 =	sor.u32 s23, s24  }
0xfb: {  	s20 =	sadd.s32 $0x10, s20;
	[tilespmem:s23+$0xF780] =	vst v3  }
0xfc: {  	s20 =	simm.s32 $0x10;
	[tilespmem:s17+$0xF800] =	vst v3  }
.LBB2_54:
0xfd: {  	p1 =	sne.s32 s20, $0x400  }
.Ltmp28:
0xfe: {  	_ = 	snop;
	(pc) =	sbr.rel @p1 .LBB2_54-.Ltmp28, $4  }
0xff: {  	s19 =	sadd.s32 $0x80, s19  }
0x100: {  	s17 =	sand.u32 $0x70, s20;
	s21 =	sand.u32 $0x3C00, s19  }
0x101: {  	s17 =	sor.u32 s17, s21  }
0x102: {  	s20 =	sadd.s32 $0x10, s20;
	[tilespmem:s17+$0xF800] =	vst v3;
	s17 =	simm.s32 $0x0  }
0x103: {  	s19 =	sand.u32 $0x70, s17;
	s20 =	sand.u32 $0x3C00, s17  }
0x104: {  	s19 =	sor.u32 s19, s20  }
0x105: {  	s21 =	simm.s32 $0x0;
	s20 =	simm.s32 $0x10;
	[tilespmem:s19+$0xF880] =	vst v3  }
.LBB2_56:
0x106: {  	p1 =	sne.s32 s20, $0x400  }
.Ltmp29:
0x107: {  	_ = 	snop;
	(pc) =	sbr.rel @p1 .LBB2_56-.Ltmp29, $4  }
0x108: {  	s21 =	sadd.s32 $0x80, s21  }
0x109: {  	s23 =	sand.u32 $0x70, s20;
	s24 =	sand.u32 $0x3C00, s21  }
0x10a: {  	s23 =	sor.u32 s23, s24  }
0x10b: {  	s20 =	sadd.s32 $0x10, s20;
	[tilespmem:s23+$0xF880] =	vst v3  }
0x10c: {  	s20 =	simm.s32 $0x10;
	[tilespmem:s19+$0xF900] =	vst v3  }
.LBB2_58:
0x10d: {  	p1 =	sne.s32 s20, $0x400  }
.Ltmp30:
0x10e: {  	_ = 	snop;
	(pc) =	sbr.rel @p1 .LBB2_58-.Ltmp30, $4  }
0x10f: {  	s17 =	sadd.s32 $0x80, s17  }
0x110: {  	s19 =	sand.u32 $0x70, s20;
	s21 =	sand.u32 $0x3C00, s17  }
0x111: {  	s19 =	sor.u32 s19, s21  }
0x112: {  	s20 =	sadd.s32 $0x10, s20;
	[tilespmem:s19+$0xF900] =	vst v3;
	s19 =	simm.s32 $0x0  }
0x113: {  	s17 =	sand.u32 $0x70, s19;
	s20 =	sand.u32 $0x3C00, s19  }
0x114: {  	s17 =	sor.u32 s17, s20  }
0x115: {  	s21 =	simm.s32 $0x0;
	s20 =	simm.s32 $0x10;
	[tilespmem:s17+$0xF980] =	vst v3  }
.LBB2_60:
0x116: {  	p1 =	sne.s32 s20, $0x400  }
.Ltmp31:
0x117: {  	_ = 	snop;
	(pc) =	sbr.rel @p1 .LBB2_60-.Ltmp31, $4  }
0x118: {  	s21 =	sadd.s32 $0x80, s21  }
0x119: {  	s23 =	sand.u32 $0x70, s20;
	s24 =	sand.u32 $0x3C00, s21  }
0x11a: {  	s23 =	sor.u32 s23, s24  }
0x11b: {  	s20 =	sadd.s32 $0x10, s20;
	[tilespmem:s23+$0xF980] =	vst v3  }
0x11c: {  	s20 =	simm.s32 $0x10;
	[tilespmem:s17+$0xFA00] =	vst v3  }
.LBB2_62:
0x11d: {  	p1 =	sne.s32 s20, $0x400  }
.Ltmp32:
0x11e: {  	_ = 	snop;
	(pc) =	sbr.rel @p1 .LBB2_62-.Ltmp32, $4  }
0x11f: {  	s19 =	sadd.s32 $0x80, s19  }
0x120: {  	s17 =	sand.u32 $0x70, s20;
	s21 =	sand.u32 $0x3C00, s19  }
0x121: {  	s17 =	sor.u32 s17, s21  }
0x122: {  	s20 =	sadd.s32 $0x10, s20;
	[tilespmem:s17+$0xFA00] =	vst v3;
	s17 =	simm.s32 $0x0  }
0x123: {  	s19 =	sand.u32 $0x70, s17;
	s20 =	sand.u32 $0x3C00, s17  }
0x124: {  	s19 =	sor.u32 s19, s20  }
0x125: {  	s21 =	simm.s32 $0x0;
	s20 =	simm.s32 $0x10;
	[tilespmem:s19+$0xFA80] =	vst v3  }
.LBB2_64:
0x126: {  	p1 =	sne.s32 s20, $0x400  }
.Ltmp33:
0x127: {  	_ = 	snop;
	(pc) =	sbr.rel @p1 .LBB2_64-.Ltmp33, $4  }
0x128: {  	s21 =	sadd.s32 $0x80, s21  }
0x129: {  	s23 =	sand.u32 $0x70, s20;
	s24 =	sand.u32 $0x3C00, s21  }
0x12a: {  	s23 =	sor.u32 s23, s24  }
0x12b: {  	s20 =	sadd.s32 $0x10, s20;
	[tilespmem:s23+$0xFA80] =	vst v3  }
0x12c: {  	s20 =	simm.s32 $0x10;
	[tilespmem:s19+$0xFB00] =	vst v3  }
.LBB2_66:
0x12d: {  	p1 =	sne.s32 s20, $0x400  }
.Ltmp34:
0x12e: {  	_ = 	snop;
	(pc) =	sbr.rel @p1 .LBB2_66-.Ltmp34, $4  }
0x12f: {  	s17 =	sadd.s32 $0x80, s17  }
0x130: {  	s19 =	sand.u32 $0x70, s20;
	s21 =	sand.u32 $0x3C00, s17  }
0x131: {  	s19 =	sor.u32 s19, s21  }
0x132: {  	s20 =	sadd.s32 $0x10, s20;
	[tilespmem:s19+$0xFB00] =	vst v3;
	s19 =	simm.s32 $0x0  }
0x133: {  	s17 =	sand.u32 $0x70, s19;
	s20 =	sand.u32 $0x3C00, s19  }
0x134: {  	s17 =	sor.u32 s17, s20  }
0x135: {  	s21 =	simm.s32 $0x0;
	s20 =	simm.s32 $0x10;
	[tilespmem:s17+$0x11B80] =	vst v3  }
.LBB2_68:
0x136: {  	p1 =	sne.s32 s20, $0x400  }
.Ltmp35:
0x137: {  	_ = 	snop;
	(pc) =	sbr.rel @p1 .LBB2_68-.Ltmp35, $4  }
0x138: {  	s21 =	sadd.s32 $0x80, s21  }
0x139: {  	s23 =	sand.u32 $0x70, s20;
	s24 =	sand.u32 $0x3C00, s21  }
0x13a: {  	s23 =	sor.u32 s23, s24  }
0x13b: {  	s20 =	sadd.s32 $0x10, s20;
	[tilespmem:s23+$0x11B80] =	vst v3  }
0x13c: {  	s20 =	simm.s32 $0x10;
	[tilespmem:s17+$0x11C00] =	vst v3  }
.LBB2_70:
0x13d: {  	p1 =	sne.s32 s20, $0x400  }
.Ltmp36:
0x13e: {  	_ = 	snop;
	(pc) =	sbr.rel @p1 .LBB2_70-.Ltmp36, $4  }
0x13f: {  	s19 =	sadd.s32 $0x80, s19  }
0x140: {  	s17 =	sand.u32 $0x70, s20;
	s21 =	sand.u32 $0x3C00, s19  }
0x141: {  	s17 =	sor.u32 s17, s21  }
0x142: {  	s20 =	sadd.s32 $0x10, s20;
	[tilespmem:s17+$0x11C00] =	vst v3;
	s17 =	simm.s32 $0x0  }
0x143: {  	s19 =	sand.u32 $0x70, s17;
	s20 =	sand.u32 $0x3C00, s17  }
0x144: {  	s19 =	sor.u32 s19, s20  }
0x145: {  	s21 =	simm.s32 $0x0;
	s20 =	simm.s32 $0x10;
	[tilespmem:s19+$0x11C80] =	vst v3  }
.LBB2_72:
0x146: {  	p1 =	sne.s32 s20, $0x400  }
.Ltmp37:
0x147: {  	_ = 	snop;
	(pc) =	sbr.rel @p1 .LBB2_72-.Ltmp37, $4  }
0x148: {  	s21 =	sadd.s32 $0x80, s21  }
0x149: {  	s23 =	sand.u32 $0x70, s20;
	s24 =	sand.u32 $0x3C00, s21  }
0x14a: {  	s23 =	sor.u32 s23, s24  }
0x14b: {  	s20 =	sadd.s32 $0x10, s20;
	[tilespmem:s23+$0x11C80] =	vst v3  }
0x14c: {  	s20 =	simm.s32 $0x10;
	[tilespmem:s19+$0x11D00] =	vst v3  }
.LBB2_74:
0x14d: {  	p1 =	sne.s32 s20, $0x400  }
.Ltmp38:
0x14e: {  	_ = 	snop;
	(pc) =	sbr.rel @p1 .LBB2_74-.Ltmp38, $4  }
0x14f: {  	s17 =	sadd.s32 $0x80, s17  }
0x150: {  	s19 =	sand.u32 $0x70, s20;
	s21 =	sand.u32 $0x3C00, s17  }
0x151: {  	s19 =	sor.u32 s19, s21  }
0x152: {  	s20 =	sadd.s32 $0x10, s20;
	[tilespmem:s19+$0x11D00] =	vst v3;
	s19 =	simm.s32 $0x0  }
0x153: {  	s17 =	sand.u32 $0x70, s19;
	s20 =	sand.u32 $0x3C00, s19  }
0x154: {  	s17 =	sor.u32 s17, s20  }
0x155: {  	s21 =	simm.s32 $0x0;
	s20 =	simm.s32 $0x10;
	[tilespmem:s17+$0x11D80] =	vst v3  }
.LBB2_76:
0x156: {  	p1 =	sne.s32 s20, $0x400  }
.Ltmp39:
0x157: {  	_ = 	snop;
	(pc) =	sbr.rel @p1 .LBB2_76-.Ltmp39, $4  }
0x158: {  	s21 =	sadd.s32 $0x80, s21  }
0x159: {  	s23 =	sand.u32 $0x70, s20;
	s24 =	sand.u32 $0x3C00, s21  }
0x15a: {  	s23 =	sor.u32 s23, s24  }
0x15b: {  	s20 =	sadd.s32 $0x10, s20;
	[tilespmem:s23+$0x11D80] =	vst v3  }
0x15c: {  	s20 =	simm.s32 $0x10;
	[tilespmem:s17+$0x11E00] =	vst v3  }
.LBB2_78:
0x15d: {  	p1 =	sne.s32 s20, $0x400  }
.Ltmp40:
0x15e: {  	_ = 	snop;
	(pc) =	sbr.rel @p1 .LBB2_78-.Ltmp40, $4  }
0x15f: {  	s19 =	sadd.s32 $0x80, s19  }
0x160: {  	s17 =	sand.u32 $0x70, s20;
	s21 =	sand.u32 $0x3C00, s19  }
0x161: {  	s17 =	sor.u32 s17, s21  }
0x162: {  	s20 =	sadd.s32 $0x10, s20;
	[tilespmem:s17+$0x11E00] =	vst v3;
	s17 =	simm.s32 $0x0  }
0x163: {  	s19 =	sand.u32 $0x70, s17;
	s20 =	sand.u32 $0x3C00, s17  }
0x164: {  	s19 =	sor.u32 s19, s20  }
0x165: {  	s21 =	simm.s32 $0x0;
	s20 =	simm.s32 $0x10;
	[tilespmem:s19+$0x11E80] =	vst v3  }
.LBB2_80:
0x166: {  	p1 =	sne.s32 s20, $0x400  }
.Ltmp41:
0x167: {  	_ = 	snop;
	(pc) =	sbr.rel @p1 .LBB2_80-.Ltmp41, $4  }
0x168: {  	s21 =	sadd.s32 $0x80, s21  }
0x169: {  	s23 =	sand.u32 $0x70, s20;
	s24 =	sand.u32 $0x3C00, s21  }
0x16a: {  	s23 =	sor.u32 s23, s24  }
0x16b: {  	s20 =	sadd.s32 $0x10, s20;
	[tilespmem:s23+$0x11E80] =	vst v3  }
0x16c: {  	s20 =	simm.s32 $0x10;
	[tilespmem:s19+$0x11F00] =	vst v3  }
.LBB2_82:
0x16d: {  	p1 =	sne.s32 s20, $0x400  }
.Ltmp42:
0x16e: {  	_ = 	snop;
	(pc) =	sbr.rel @p1 .LBB2_82-.Ltmp42, $4  }
0x16f: {  	s17 =	sadd.s32 $0x80, s17  }
0x170: {  	s19 =	sand.u32 $0x70, s20;
	s21 =	sand.u32 $0x3C00, s17  }
0x171: {  	s19 =	sor.u32 s19, s21  }
0x172: {  	s20 =	sadd.s32 $0x10, s20;
	[tilespmem:s19+$0x11F00] =	vst v3;
	s19 =	simm.s32 $0x0  }
0x173: {  	s17 =	sand.u32 $0x70, s19;
	s20 =	sand.u32 $0x3C00, s19  }
0x174: {  	s17 =	sor.u32 s17, s20  }
0x175: {  	s21 =	simm.s32 $0x0;
	s20 =	simm.s32 $0x10;
	[tilespmem:s17+$0x13F80] =	vst v3  }
.LBB2_84:
0x176: {  	p1 =	sne.s32 s20, $0x400  }
.Ltmp43:
0x177: {  	_ = 	snop;
	(pc) =	sbr.rel @p1 .LBB2_84-.Ltmp43, $4  }
0x178: {  	s21 =	sadd.s32 $0x80, s21  }
0x179: {  	s23 =	sand.u32 $0x70, s20;
	s24 =	sand.u32 $0x3C00, s21  }
0x17a: {  	s23 =	sor.u32 s23, s24  }
0x17b: {  	s20 =	sadd.s32 $0x10, s20;
	[tilespmem:s23+$0x13F80] =	vst v3  }
0x17c: {  	s20 =	simm.s32 $0x10;
	[tilespmem:s17+$0x14000] =	vst v3  }
.LBB2_86:
0x17d: {  	p1 =	sne.s32 s20, $0x400  }
.Ltmp44:
0x17e: {  	_ = 	snop;
	(pc) =	sbr.rel @p1 .LBB2_86-.Ltmp44, $4  }
0x17f: {  	s19 =	sadd.s32 $0x80, s19  }
0x180: {  	s17 =	sand.u32 $0x70, s20;
	s21 =	sand.u32 $0x3C00, s19  }
0x181: {  	s17 =	sor.u32 s17, s21  }
0x182: {  	s20 =	sadd.s32 $0x10, s20;
	[tilespmem:s17+$0x14000] =	vst v3;
	s17 =	simm.s32 $0x0  }
0x183: {  	s19 =	sand.u32 $0x70, s17;
	s20 =	sand.u32 $0x3C00, s17  }
0x184: {  	s19 =	sor.u32 s19, s20  }
0x185: {  	s21 =	simm.s32 $0x0;
	s20 =	simm.s32 $0x10;
	[tilespmem:s19+$0x14080] =	vst v3  }
.LBB2_88:
0x186: {  	p1 =	sne.s32 s20, $0x400  }
.Ltmp45:
0x187: {  	_ = 	snop;
	(pc) =	sbr.rel @p1 .LBB2_88-.Ltmp45, $4  }
0x188: {  	s21 =	sadd.s32 $0x80, s21  }
0x189: {  	s23 =	sand.u32 $0x70, s20;
	s24 =	sand.u32 $0x3C00, s21  }
0x18a: {  	s23 =	sor.u32 s23, s24  }
0x18b: {  	s20 =	sadd.s32 $0x10, s20;
	[tilespmem:s23+$0x14080] =	vst v3  }
0x18c: {  	s20 =	simm.s32 $0x10;
	[tilespmem:s19+$0x14100] =	vst v3  }
.LBB2_90:
0x18d: {  	p1 =	sne.s32 s20, $0x400  }
.Ltmp46:
0x18e: {  	_ = 	snop;
	(pc) =	sbr.rel @p1 .LBB2_90-.Ltmp46, $4  }
0x18f: {  	s17 =	sadd.s32 $0x80, s17  }
0x190: {  	s19 =	sand.u32 $0x70, s20;
	s21 =	sand.u32 $0x3C00, s17  }
0x191: {  	s19 =	sor.u32 s19, s21  }
0x192: {  	s20 =	sadd.s32 $0x10, s20;
	[tilespmem:s19+$0x14100] =	vst v3;
	s19 =	simm.s32 $0x0  }
0x193: {  	s17 =	sand.u32 $0x70, s19;
	s20 =	sand.u32 $0x3C00, s19  }
0x194: {  	s17 =	sor.u32 s17, s20  }
0x195: {  	s21 =	simm.s32 $0x0;
	s20 =	simm.s32 $0x10;
	[tilespmem:s17+$0x14180] =	vst v3  }
.LBB2_92:
0x196: {  	p1 =	sne.s32 s20, $0x400  }
.Ltmp47:
0x197: {  	_ = 	snop;
	(pc) =	sbr.rel @p1 .LBB2_92-.Ltmp47, $4  }
0x198: {  	s21 =	sadd.s32 $0x80, s21  }
0x199: {  	s23 =	sand.u32 $0x70, s20;
	s24 =	sand.u32 $0x3C00, s21  }
0x19a: {  	s23 =	sor.u32 s23, s24  }
0x19b: {  	s20 =	sadd.s32 $0x10, s20;
	[tilespmem:s23+$0x14180] =	vst v3  }
0x19c: {  	s20 =	simm.s32 $0x10;
	[tilespmem:s17+$0x14200] =	vst v3  }
.LBB2_94:
0x19d: {  	p1 =	sne.s32 s20, $0x400  }
.Ltmp48:
0x19e: {  	_ = 	snop;
	(pc) =	sbr.rel @p1 .LBB2_94-.Ltmp48, $4  }
0x19f: {  	s19 =	sadd.s32 $0x80, s19  }
0x1a0: {  	s17 =	sand.u32 $0x70, s20;
	s21 =	sand.u32 $0x3C00, s19  }
0x1a1: {  	s17 =	sor.u32 s17, s21  }
0x1a2: {  	s20 =	sadd.s32 $0x10, s20;
	[tilespmem:s17+$0x14200] =	vst v3;
	s17 =	simm.s32 $0x0  }
0x1a3: {  	s19 =	sand.u32 $0x70, s17;
	s20 =	sand.u32 $0x3C00, s17  }
0x1a4: {  	s19 =	sor.u32 s19, s20  }
0x1a5: {  	s21 =	simm.s32 $0x0;
	s20 =	simm.s32 $0x10;
	[tilespmem:s19+$0x14280] =	vst v3  }
.LBB2_96:
0x1a6: {  	p1 =	sne.s32 s20, $0x400  }
.Ltmp49:
0x1a7: {  	_ = 	snop;
	(pc) =	sbr.rel @p1 .LBB2_96-.Ltmp49, $4  }
0x1a8: {  	s21 =	sadd.s32 $0x80, s21  }
0x1a9: {  	s23 =	sand.u32 $0x70, s20;
	s24 =	sand.u32 $0x3C00, s21  }
0x1aa: {  	s23 =	sor.u32 s23, s24  }
0x1ab: {  	s20 =	sadd.s32 $0x10, s20;
	[tilespmem:s23+$0x14280] =	vst v3  }
0x1ac: {  	s20 =	simm.s32 $0x10;
	[tilespmem:s19+$0x14300] =	vst v3  }
.LBB2_98:
0x1ad: {  	p1 =	sne.s32 s20, $0x400  }
.Ltmp50:
0x1ae: {  	_ = 	snop;
	(pc) =	sbr.rel @p1 .LBB2_98-.Ltmp50, $4  }
0x1af: {  	s17 =	sadd.s32 $0x80, s17  }
0x1b0: {  	s19 =	sand.u32 $0x70, s20;
	s21 =	sand.u32 $0x3C00, s17  }
0x1b1: {  	s19 =	sor.u32 s19, s21  }
0x1b2: {  	s20 =	sadd.s32 $0x10, s20;
	[tilespmem:s19+$0x14300] =	vst v3;
	s19 =	simm.s32 $0x0  }
0x1b3: {  	s17 =	sand.u32 $0x70, s19;
	s20 =	sand.u32 $0x3C00, s19  }
0x1b4: {  	s17 =	sor.u32 s17, s20  }
0x1b5: {  	s21 =	simm.s32 $0x0;
	s20 =	simm.s32 $0x10;
	[tilespmem:s17+$0x16380] =	vst v3  }
.LBB2_100:
0x1b6: {  	p1 =	sne.s32 s20, $0x400  }
.Ltmp51:
0x1b7: {  	_ = 	snop;
	(pc) =	sbr.rel @p1 .LBB2_100-.Ltmp51, $4  }
0x1b8: {  	s21 =	sadd.s32 $0x80, s21  }
0x1b9: {  	s23 =	sand.u32 $0x70, s20;
	s24 =	sand.u32 $0x3C00, s21  }
0x1ba: {  	s23 =	sor.u32 s23, s24  }
0x1bb: {  	s20 =	sadd.s32 $0x10, s20;
	[tilespmem:s23+$0x16380] =	vst v3  }
0x1bc: {  	s20 =	simm.s32 $0x10;
	[tilespmem:s17+$0x16400] =	vst v3  }
.LBB2_102:
0x1bd: {  	p1 =	sne.s32 s20, $0x400  }
.Ltmp52:
0x1be: {  	_ = 	snop;
	(pc) =	sbr.rel @p1 .LBB2_102-.Ltmp52, $4  }
0x1bf: {  	s19 =	sadd.s32 $0x80, s19  }
0x1c0: {  	s17 =	sand.u32 $0x70, s20;
	s21 =	sand.u32 $0x3C00, s19  }
0x1c1: {  	s17 =	sor.u32 s17, s21  }
0x1c2: {  	s20 =	sadd.s32 $0x10, s20;
	[tilespmem:s17+$0x16400] =	vst v3;
	s17 =	simm.s32 $0x0  }
0x1c3: {  	s19 =	sand.u32 $0x70, s17;
	s20 =	sand.u32 $0x3C00, s17  }
0x1c4: {  	s19 =	sor.u32 s19, s20  }
0x1c5: {  	s21 =	simm.s32 $0x0;
	s20 =	simm.s32 $0x10;
	[tilespmem:s19+$0x16480] =	vst v3  }
.LBB2_104:
0x1c6: {  	p1 =	sne.s32 s20, $0x400  }
.Ltmp53:
0x1c7: {  	_ = 	snop;
	(pc) =	sbr.rel @p1 .LBB2_104-.Ltmp53, $4  }
0x1c8: {  	s21 =	sadd.s32 $0x80, s21  }
0x1c9: {  	s23 =	sand.u32 $0x70, s20;
	s24 =	sand.u32 $0x3C00, s21  }
0x1ca: {  	s23 =	sor.u32 s23, s24  }
0x1cb: {  	s20 =	sadd.s32 $0x10, s20;
	[tilespmem:s23+$0x16480] =	vst v3  }
0x1cc: {  	s20 =	simm.s32 $0x10;
	[tilespmem:s19+$0x16500] =	vst v3  }
.LBB2_106:
0x1cd: {  	p1 =	sne.s32 s20, $0x400  }
.Ltmp54:
0x1ce: {  	_ = 	snop;
	(pc) =	sbr.rel @p1 .LBB2_106-.Ltmp54, $4  }
0x1cf: {  	s17 =	sadd.s32 $0x80, s17  }
0x1d0: {  	s19 =	sand.u32 $0x70, s20;
	s21 =	sand.u32 $0x3C00, s17  }
0x1d1: {  	s19 =	sor.u32 s19, s21  }
0x1d2: {  	s20 =	sadd.s32 $0x10, s20;
	[tilespmem:s19+$0x16500] =	vst v3;
	s19 =	simm.s32 $0x0  }
0x1d3: {  	s17 =	sand.u32 $0x70, s19;
	s20 =	sand.u32 $0x3C00, s19  }
0x1d4: {  	s17 =	sor.u32 s17, s20  }
0x1d5: {  	s21 =	simm.s32 $0x0;
	s20 =	simm.s32 $0x10;
	[tilespmem:s17+$0x16580] =	vst v3  }
.LBB2_108:
0x1d6: {  	p1 =	sne.s32 s20, $0x400  }
.Ltmp55:
0x1d7: {  	_ = 	snop;
	(pc) =	sbr.rel @p1 .LBB2_108-.Ltmp55, $4  }
0x1d8: {  	s21 =	sadd.s32 $0x80, s21  }
0x1d9: {  	s23 =	sand.u32 $0x70, s20;
	s24 =	sand.u32 $0x3C00, s21  }
0x1da: {  	s23 =	sor.u32 s23, s24  }
0x1db: {  	s20 =	sadd.s32 $0x10, s20;
	[tilespmem:s23+$0x16580] =	vst v3  }
0x1dc: {  	s20 =	simm.s32 $0x10;
	[tilespmem:s17+$0x16600] =	vst v3  }
.LBB2_110:
0x1dd: {  	p1 =	sne.s32 s20, $0x400  }
.Ltmp56:
0x1de: {  	_ = 	snop;
	(pc) =	sbr.rel @p1 .LBB2_110-.Ltmp56, $4  }
0x1df: {  	s19 =	sadd.s32 $0x80, s19  }
0x1e0: {  	s17 =	sand.u32 $0x70, s20;
	s21 =	sand.u32 $0x3C00, s19  }
0x1e1: {  	s17 =	sor.u32 s17, s21  }
0x1e2: {  	s20 =	sadd.s32 $0x10, s20;
	[tilespmem:s17+$0x16600] =	vst v3;
	s17 =	simm.s32 $0x0  }
0x1e3: {  	s19 =	sand.u32 $0x70, s17;
	s20 =	sand.u32 $0x3C00, s17  }
0x1e4: {  	s19 =	sor.u32 s19, s20  }
0x1e5: {  	s21 =	simm.s32 $0x0;
	s20 =	simm.s32 $0x10;
	[tilespmem:s19+$0x16680] =	vst v3  }
.LBB2_112:
0x1e6: {  	p1 =	sne.s32 s20, $0x400  }
.Ltmp57:
0x1e7: {  	_ = 	snop;
	(pc) =	sbr.rel @p1 .LBB2_112-.Ltmp57, $4  }
0x1e8: {  	s21 =	sadd.s32 $0x80, s21  }
0x1e9: {  	s23 =	sand.u32 $0x70, s20;
	s24 =	sand.u32 $0x3C00, s21  }
0x1ea: {  	s23 =	sor.u32 s23, s24  }
0x1eb: {  	s20 =	sadd.s32 $0x10, s20;
	[tilespmem:s23+$0x16680] =	vst v3  }
0x1ec: {  	s20 =	simm.s32 $0x10;
	[tilespmem:s19+$0x16700] =	vst v3  }
.LBB2_114:
0x1ed: {  	p1 =	sne.s32 s20, $0x400  }
.Ltmp58:
0x1ee: {  	_ = 	snop;
	(pc) =	sbr.rel @p1 .LBB2_114-.Ltmp58, $4  }
0x1ef: {  	s17 =	sadd.s32 $0x80, s17  }
0x1f0: {  	s19 =	sand.u32 $0x70, s20;
	s21 =	sand.u32 $0x3C00, s17  }
0x1f1: {  	s19 =	sor.u32 s19, s21  }
0x1f2: {  	s20 =	sadd.s32 $0x10, s20;
	[tilespmem:s19+$0x16700] =	vst v3;
	s19 =	simm.s32 $0x0  }
0x1f3: {  	s17 =	sand.u32 $0x70, s19;
	s20 =	sand.u32 $0x3C00, s19  }
0x1f4: {  	s17 =	sor.u32 s17, s20  }
0x1f5: {  	s21 =	simm.s32 $0x0;
	s20 =	simm.s32 $0x10;
	[tilespmem:s17+$0x18780] =	vst v3  }
.LBB2_116:
0x1f6: {  	p1 =	sne.s32 s20, $0x400  }
.Ltmp59:
0x1f7: {  	_ = 	snop;
	(pc) =	sbr.rel @p1 .LBB2_116-.Ltmp59, $4  }
0x1f8: {  	s21 =	sadd.s32 $0x80, s21  }
0x1f9: {  	s23 =	sand.u32 $0x70, s20;
	s24 =	sand.u32 $0x3C00, s21  }
0x1fa: {  	s23 =	sor.u32 s23, s24  }
0x1fb: {  	s20 =	sadd.s32 $0x10, s20;
	[tilespmem:s23+$0x18780] =	vst v3  }
0x1fc: {  	s20 =	simm.s32 $0x10;
	[tilespmem:s17+$0x18800] =	vst v3  }
.LBB2_118:
0x1fd: {  	p1 =	sne.s32 s20, $0x400  }
.Ltmp60:
0x1fe: {  	_ = 	snop;
	(pc) =	sbr.rel @p1 .LBB2_118-.Ltmp60, $4  }
0x1ff: {  	s19 =	sadd.s32 $0x80, s19  }
0x200: {  	s17 =	sand.u32 $0x70, s20;
	s21 =	sand.u32 $0x3C00, s19  }
0x201: {  	s17 =	sor.u32 s17, s21  }
0x202: {  	s20 =	sadd.s32 $0x10, s20;
	[tilespmem:s17+$0x18800] =	vst v3;
	s17 =	simm.s32 $0x0  }
0x203: {  	s19 =	sand.u32 $0x70, s17;
	s20 =	sand.u32 $0x3C00, s17  }
0x204: {  	s19 =	sor.u32 s19, s20  }
0x205: {  	s21 =	simm.s32 $0x0;
	s20 =	simm.s32 $0x10;
	[tilespmem:s19+$0x18880] =	vst v3  }
.LBB2_120:
0x206: {  	p1 =	sne.s32 s20, $0x400  }
.Ltmp61:
0x207: {  	_ = 	snop;
	(pc) =	sbr.rel @p1 .LBB2_120-.Ltmp61, $4  }
0x208: {  	s21 =	sadd.s32 $0x80, s21  }
0x209: {  	s23 =	sand.u32 $0x70, s20;
	s24 =	sand.u32 $0x3C00, s21  }
0x20a: {  	s23 =	sor.u32 s23, s24  }
0x20b: {  	s20 =	sadd.s32 $0x10, s20;
	[tilespmem:s23+$0x18880] =	vst v3  }
0x20c: {  	s20 =	simm.s32 $0x10;
	[tilespmem:s19+$0x18900] =	vst v3  }
.LBB2_122:
0x20d: {  	p1 =	sne.s32 s20, $0x400  }
.Ltmp62:
0x20e: {  	_ = 	snop;
	(pc) =	sbr.rel @p1 .LBB2_122-.Ltmp62, $4  }
0x20f: {  	s17 =	sadd.s32 $0x80, s17  }
0x210: {  	s19 =	sand.u32 $0x70, s20;
	s21 =	sand.u32 $0x3C00, s17  }
0x211: {  	s19 =	sor.u32 s19, s21  }
0x212: {  	s20 =	sadd.s32 $0x10, s20;
	[tilespmem:s19+$0x18900] =	vst v3;
	s19 =	simm.s32 $0x0  }
0x213: {  	s17 =	sand.u32 $0x70, s19;
	s20 =	sand.u32 $0x3C00, s19  }
0x214: {  	s17 =	sor.u32 s17, s20  }
0x215: {  	s21 =	simm.s32 $0x0;
	s20 =	simm.s32 $0x10;
	[tilespmem:s17+$0x18980] =	vst v3  }
.LBB2_124:
0x216: {  	p1 =	sne.s32 s20, $0x400  }
.Ltmp63:
0x217: {  	_ = 	snop;
	(pc) =	sbr.rel @p1 .LBB2_124-.Ltmp63, $4  }
0x218: {  	s21 =	sadd.s32 $0x80, s21  }
0x219: {  	s23 =	sand.u32 $0x70, s20;
	s24 =	sand.u32 $0x3C00, s21  }
0x21a: {  	s23 =	sor.u32 s23, s24  }
0x21b: {  	s20 =	sadd.s32 $0x10, s20;
	[tilespmem:s23+$0x18980] =	vst v3  }
0x21c: {  	s20 =	simm.s32 $0x10;
	[tilespmem:s17+$0x18A00] =	vst v3  }
.LBB2_126:
0x21d: {  	p1 =	sne.s32 s20, $0x400  }
.Ltmp64:
0x21e: {  	_ = 	snop;
	(pc) =	sbr.rel @p1 .LBB2_126-.Ltmp64, $4  }
0x21f: {  	s19 =	sadd.s32 $0x80, s19  }
0x220: {  	s17 =	sand.u32 $0x70, s20;
	s21 =	sand.u32 $0x3C00, s19  }
0x221: {  	s17 =	sor.u32 s17, s21  }
0x222: {  	s20 =	sadd.s32 $0x10, s20;
	[tilespmem:s17+$0x18A00] =	vst v3;
	s17 =	simm.s32 $0x0  }
0x223: {  	s19 =	sand.u32 $0x70, s17;
	s20 =	sand.u32 $0x3C00, s17  }
0x224: {  	s19 =	sor.u32 s19, s20  }
0x225: {  	s21 =	simm.s32 $0x0;
	s20 =	simm.s32 $0x10;
	[tilespmem:s19+$0x18A80] =	vst v3  }
.LBB2_128:
0x226: {  	p1 =	sne.s32 s20, $0x400  }
.Ltmp65:
0x227: {  	_ = 	snop;
	(pc) =	sbr.rel @p1 .LBB2_128-.Ltmp65, $4  }
0x228: {  	s21 =	sadd.s32 $0x80, s21  }
0x229: {  	s23 =	sand.u32 $0x70, s20;
	s24 =	sand.u32 $0x3C00, s21  }
0x22a: {  	s23 =	sor.u32 s23, s24  }
0x22b: {  	s20 =	sadd.s32 $0x10, s20;
	[tilespmem:s23+$0x18A80] =	vst v3  }
0x22c: {  	s20 =	simm.s32 $0x10;
	[tilespmem:s19+$0x18B00] =	vst v3  }
.LBB2_130:
0x22d: {  	p1 =	sne.s32 s20, $0x400  }
.Ltmp66:
0x22e: {  	_ = 	snop;
	(pc) =	sbr.rel @p1 .LBB2_130-.Ltmp66, $4  }
0x22f: {  	s17 =	sadd.s32 $0x80, s17  }
0x230: {  	s19 =	sand.u32 $0x70, s20;
	s21 =	sand.u32 $0x3C00, s17  }
0x231: {  	s19 =	sor.u32 s19, s21  }
0x232: {  	s20 =	sadd.s32 $0x10, s20;
	[tilespmem:s19+$0x18B00] =	vst v3  }
0x233: {  	s17 =	simm.s32 $0x0;
	s19 =	simm.s32 $0x3900;
	s20 =	rddreg [dreg:$0x3]  }
0x234: {  	[tilespmem:s19], [sflag:$0x2] =	stream.linear.gather [hbm4b:s20+s17], $0x800, $0x38;
	[tilespmem:$0x1AB80] =	vst v63  }
0x235: {  	_ =	swait.ge [sflag:s30], $0x800  }
0x236: {  	[sflag:s30] =	ssyncset.done $0x0  }
0x237: {  	[sflag:s30] =	ssyncadd.s32 $0xFFFFF800  }
0x238: {  	s20 =	simm.s32 $0x10;
	v11 =	vld [tilespmem:s19+$0x0]  }
.LBB2_132:
0x239: {  	p1 =	sne.s32 s20, $0x7F0;
	_ =	sdelay $0x3  }
0x23a: {  	v12 =	vsub.s32 v11, v0  }
0x23b: {  	v13 =	vmov s17;
	vm0 =	vgt.s32 v12, $0xFFFFFFFF;
	vm1 =	vlt.s32 v12, v1  }
0x23c: {  	vm0 =	vmand vm0, vm1;
	vm1 =	vlt.u32 v13, $0x9C40  }
0x23d: {  	v11 =	vand.u32 $0x7F, v11;
	v12 =	vand.u32 $0xFFFFFF80, v12;
	vm0 =	vmand vm1, vm0  }
0x23e: {  	v11 =	vor.u32 v11, v12;
	_ =	sdelay $0x1  }
.Ltmp67:
0x23f: {  	(pc) =	sbr.rel @p1 .LBB2_132-.Ltmp67, $4  }
0x240: {  	_ = 	snop  }
0x241: {  	v12 =	vor.u32 s17, v4;
	s17 =	smov.u32 s20  }
0x242: {  	s19 =	sadd.s32 $0x10, s19;
	[tilespmem:v11+s3+$0x0] =	vst.idx.msk vm0, v12  }
0x243: {  	s20 =	sadd.s32 $0x10, s20;
	v11 =	vld [tilespmem:s19+$0x0]  }
0x244: {  	_ =	sdelay $0x3  }
0x245: {  	v12 =	vsub.s32 v11, v0  }
0x246: {  	v13 =	vmov s17;
	vm0 =	vgt.s32 v12, $0xFFFFFFFF;
	vm1 =	vlt.s32 v12, v1  }
0x247: {  	vm15 =	vlt.u32 v13, $0x9C40;
	vm0 =	vmand vm0, vm1  }
0x248: {  	v11 =	vand.u32 $0x7F, v11;
	v12 =	vand.u32 $0xFFFFFF80, v12;
	vm0 =	vmand vm15, vm0  }
0x249: {  	v11 =	vor.u32 v11, v12;
	_ =	sdelay $0x3  }
0x24a: {  	v63 =	vor.u32 s17, v4  }
0x24b: {  	s19 =	simm.s32 $0x3900;
	s26 =	rddreg [dreg:$0x4];
	[tilespmem:v11+s3+$0x0] =	vst.idx.msk vm0, v63  }
0x24c: {  	[tilespmem:s19], [sflag:$0x2] =	stream.linear.gather [hbm4b:s26+s3], $0x800, $0x38;
	[tilespmem:$0x1AB80] =	vst v63  }
0x24d: {  	_ =	swait.ge [sflag:s30], $0x800  }
0x24e: {  	[sflag:s30] =	ssyncset.done $0x0  }
0x24f: {  	[sflag:s30] =	ssyncadd.s32 $0xFFFFF800  }
0x250: {  	s17 =	simm.s32 $0x800;
	s20 =	simm.s32 $0x810;
	v11 =	vld [tilespmem:s19+$0x0]  }
.LBB2_134:
0x251: {  	p1 =	sne.s32 s20, $0xFF0;
	_ =	sdelay $0x3  }
0x252: {  	v12 =	vsub.s32 v11, v0  }
0x253: {  	v13 =	vmov s17;
	vm0 =	vgt.s32 v12, $0xFFFFFFFF;
	vm1 =	vlt.s32 v12, v1  }
0x254: {  	vm0 =	vmand vm0, vm1;
	vm1 =	vlt.u32 v13, $0x9C40  }
0x255: {  	v11 =	vand.u32 $0x7F, v11;
	v12 =	vand.u32 $0xFFFFFF80, v12;
	vm0 =	vmand vm1, vm0  }
0x256: {  	v11 =	vor.u32 v11, v12;
	_ =	sdelay $0x1  }
.Ltmp68:
0x257: {  	(pc) =	sbr.rel @p1 .LBB2_134-.Ltmp68, $4  }
0x258: {  	_ = 	snop  }
0x259: {  	v12 =	vor.u32 s17, v4;
	s17 =	smov.u32 s20  }
0x25a: {  	s19 =	sadd.s32 $0x10, s19;
	[tilespmem:v11+s3+$0x0] =	vst.idx.msk vm0, v12  }
0x25b: {  	s20 =	sadd.s32 $0x10, s20;
	v11 =	vld [tilespmem:s19+$0x0]  }
0x25c: {  	_ =	sdelay $0x3  }
0x25d: {  	v12 =	vsub.s32 v11, v0  }
0x25e: {  	v13 =	vmov s17;
	vm0 =	vgt.s32 v12, $0xFFFFFFFF;
	vm1 =	vlt.s32 v12, v1  }
0x25f: {  	vm15 =	vlt.u32 v13, $0x9C40;
	vm0 =	vmand vm0, vm1  }
0x260: {  	v11 =	vand.u32 $0x7F, v11;
	v12 =	vand.u32 $0xFFFFFF80, v12;
	vm0 =	vmand vm15, vm0  }
0x261: {  	v11 =	vor.u32 v11, v12;
	_ =	sdelay $0x3  }
0x262: {  	v63 =	vor.u32 s17, v4  }
0x263: {  	s19 =	simm.s32 $0x3900;
	s26 =	rddreg [dreg:$0x5];
	[tilespmem:v11+s3+$0x0] =	vst.idx.msk vm0, v63  }
0x264: {  	[tilespmem:s19], [sflag:$0x2] =	stream.linear.gather [hbm4b:s26+s3], $0x800, $0x38;
	[tilespmem:$0x1AB80] =	vst v63  }
0x265: {  	_ =	swait.ge [sflag:s30], $0x800  }
0x266: {  	[sflag:s30] =	ssyncset.done $0x0  }
0x267: {  	[sflag:s30] =	ssyncadd.s32 $0xFFFFF800  }
0x268: {  	s17 =	simm.s32 $0x1000;
	s20 =	simm.s32 $0x1010;
	v11 =	vld [tilespmem:s19+$0x0]  }
.LBB2_136:
0x269: {  	p1 =	sne.s32 s20, $0x17F0;
	_ =	sdelay $0x3  }
0x26a: {  	v12 =	vsub.s32 v11, v0  }
0x26b: {  	v13 =	vmov s17;
	vm0 =	vgt.s32 v12, $0xFFFFFFFF;
	vm1 =	vlt.s32 v12, v1  }
0x26c: {  	vm0 =	vmand vm0, vm1;
	vm1 =	vlt.u32 v13, $0x9C40  }
0x26d: {  	v11 =	vand.u32 $0x7F, v11;
	v12 =	vand.u32 $0xFFFFFF80, v12;
	vm0 =	vmand vm1, vm0  }
0x26e: {  	v11 =	vor.u32 v11, v12;
	_ =	sdelay $0x1  }
.Ltmp69:
0x26f: {  	(pc) =	sbr.rel @p1 .LBB2_136-.Ltmp69, $4  }
0x270: {  	_ = 	snop  }
0x271: {  	v12 =	vor.u32 s17, v4;
	s17 =	smov.u32 s20  }
0x272: {  	s19 =	sadd.s32 $0x10, s19;
	[tilespmem:v11+s3+$0x0] =	vst.idx.msk vm0, v12  }
0x273: {  	s20 =	sadd.s32 $0x10, s20;
	v11 =	vld [tilespmem:s19+$0x0]  }
0x274: {  	_ =	sdelay $0x3  }
0x275: {  	v12 =	vsub.s32 v11, v0  }
0x276: {  	v13 =	vmov s17;
	vm0 =	vgt.s32 v12, $0xFFFFFFFF;
	vm1 =	vlt.s32 v12, v1  }
0x277: {  	vm15 =	vlt.u32 v13, $0x9C40;
	vm0 =	vmand vm0, vm1  }
0x278: {  	v11 =	vand.u32 $0x7F, v11;
	v12 =	vand.u32 $0xFFFFFF80, v12;
	vm0 =	vmand vm15, vm0  }
0x279: {  	v11 =	vor.u32 v11, v12;
	_ =	sdelay $0x3  }
0x27a: {  	v63 =	vor.u32 s17, v4  }
0x27b: {  	s19 =	simm.s32 $0x3900;
	s26 =	rddreg [dreg:$0x6];
	[tilespmem:v11+s3+$0x0] =	vst.idx.msk vm0, v63  }
0x27c: {  	[tilespmem:s19], [sflag:$0x2] =	stream.linear.gather [hbm4b:s26+s3], $0x800, $0x38;
	[tilespmem:$0x1AB80] =	vst v63  }
0x27d: {  	_ =	swait.ge [sflag:s30], $0x800  }
0x27e: {  	[sflag:s30] =	ssyncset.done $0x0  }
0x27f: {  	[sflag:s30] =	ssyncadd.s32 $0xFFFFF800  }
0x280: {  	s17 =	simm.s32 $0x1800;
	s20 =	simm.s32 $0x1810;
	v11 =	vld [tilespmem:s19+$0x0]  }
.LBB2_138:
0x281: {  	p1 =	sne.s32 s20, $0x1FF0;
	_ =	sdelay $0x3  }
0x282: {  	v12 =	vsub.s32 v11, v0  }
0x283: {  	v13 =	vmov s17;
	vm0 =	vgt.s32 v12, $0xFFFFFFFF;
	vm1 =	vlt.s32 v12, v1  }
0x284: {  	vm0 =	vmand vm0, vm1;
	vm1 =	vlt.u32 v13, $0x9C40  }
0x285: {  	v11 =	vand.u32 $0x7F, v11;
	v12 =	vand.u32 $0xFFFFFF80, v12;
	vm0 =	vmand vm1, vm0  }
0x286: {  	v11 =	vor.u32 v11, v12;
	_ =	sdelay $0x1  }
.Ltmp70:
0x287: {  	(pc) =	sbr.rel @p1 .LBB2_138-.Ltmp70, $4  }
0x288: {  	_ = 	snop  }
0x289: {  	v12 =	vor.u32 s17, v4;
	s17 =	smov.u32 s20  }
0x28a: {  	s19 =	sadd.s32 $0x10, s19;
	[tilespmem:v11+s3+$0x0] =	vst.idx.msk vm0, v12  }
0x28b: {  	s20 =	sadd.s32 $0x10, s20;
	v11 =	vld [tilespmem:s19+$0x0]  }
0x28c: {  	_ =	sdelay $0x3  }
0x28d: {  	v12 =	vsub.s32 v11, v0  }
0x28e: {  	v13 =	vmov s17;
	vm0 =	vgt.s32 v12, $0xFFFFFFFF;
	vm1 =	vlt.s32 v12, v1  }
0x28f: {  	vm15 =	vlt.u32 v13, $0x9C40;
	vm0 =	vmand vm0, vm1  }
0x290: {  	v11 =	vand.u32 $0x7F, v11;
	v12 =	vand.u32 $0xFFFFFF80, v12;
	vm0 =	vmand vm15, vm0  }
0x291: {  	v11 =	vor.u32 v11, v12;
	_ =	sdelay $0x3  }
0x292: {  	v63 =	vor.u32 s17, v4  }
0x293: {  	s19 =	simm.s32 $0x3900;
	s26 =	rddreg [dreg:$0x7];
	[tilespmem:v11+s3+$0x0] =	vst.idx.msk vm0, v63  }
0x294: {  	[tilespmem:s19], [sflag:$0x2] =	stream.linear.gather [hbm4b:s26+s3], $0x800, $0x38;
	[tilespmem:$0x1AB80] =	vst v63  }
0x295: {  	_ =	swait.ge [sflag:s30], $0x800  }
0x296: {  	[sflag:s30] =	ssyncset.done $0x0  }
0x297: {  	[sflag:s30] =	ssyncadd.s32 $0xFFFFF800  }
0x298: {  	s17 =	simm.s32 $0x2000;
	s20 =	simm.s32 $0x2010;
	v11 =	vld [tilespmem:s19+$0x0]  }
.LBB2_140:
0x299: {  	p1 =	sne.s32 s20, $0x27F0;
	_ =	sdelay $0x3  }
0x29a: {  	v12 =	vsub.s32 v11, v0  }
0x29b: {  	v13 =	vmov s17;
	vm0 =	vgt.s32 v12, $0xFFFFFFFF;
	vm1 =	vlt.s32 v12, v1  }
0x29c: {  	vm0 =	vmand vm0, vm1;
	vm1 =	vlt.u32 v13, $0x9C40  }
0x29d: {  	v11 =	vand.u32 $0x7F, v11;
	v12 =	vand.u32 $0xFFFFFF80, v12;
	vm0 =	vmand vm1, vm0  }
0x29e: {  	v11 =	vor.u32 v11, v12;
	_ =	sdelay $0x1  }
.Ltmp71:
0x29f: {  	(pc) =	sbr.rel @p1 .LBB2_140-.Ltmp71, $4  }
0x2a0: {  	_ = 	snop  }
0x2a1: {  	v12 =	vor.u32 s17, v4;
	s17 =	smov.u32 s20  }
0x2a2: {  	s19 =	sadd.s32 $0x10, s19;
	[tilespmem:v11+s3+$0x0] =	vst.idx.msk vm0, v12  }
0x2a3: {  	s20 =	sadd.s32 $0x10, s20;
	v11 =	vld [tilespmem:s19+$0x0]  }
0x2a4: {  	_ =	sdelay $0x3  }
0x2a5: {  	v12 =	vsub.s32 v11, v0  }
0x2a6: {  	v13 =	vmov s17;
	vm0 =	vgt.s32 v12, $0xFFFFFFFF;
	vm1 =	vlt.s32 v12, v1  }
0x2a7: {  	vm15 =	vlt.u32 v13, $0x9C40;
	vm0 =	vmand vm0, vm1  }
0x2a8: {  	v11 =	vand.u32 $0x7F, v11;
	v12 =	vand.u32 $0xFFFFFF80, v12;
	vm0 =	vmand vm15, vm0  }
0x2a9: {  	v11 =	vor.u32 v11, v12;
	_ =	sdelay $0x3  }
0x2aa: {  	v63 =	vor.u32 s17, v4  }
0x2ab: {  	s19 =	simm.s32 $0x3900;
	s26 =	rddreg [dreg:$0x8];
	[tilespmem:v11+s3+$0x0] =	vst.idx.msk vm0, v63  }
0x2ac: {  	[tilespmem:s19], [sflag:$0x2] =	stream.linear.gather [hbm4b:s26+s3], $0x800, $0x38;
	[tilespmem:$0x1AB80] =	vst v63  }
0x2ad: {  	_ =	swait.ge [sflag:s30], $0x800  }
0x2ae: {  	[sflag:s30] =	ssyncset.done $0x0  }
0x2af: {  	[sflag:s30] =	ssyncadd.s32 $0xFFFFF800  }
0x2b0: {  	s17 =	simm.s32 $0x2800;
	s20 =	simm.s32 $0x2810;
	v11 =	vld [tilespmem:s19+$0x0]  }
.LBB2_142:
0x2b1: {  	p1 =	sne.s32 s20, $0x2FF0;
	_ =	sdelay $0x3  }
0x2b2: {  	v12 =	vsub.s32 v11, v0  }
0x2b3: {  	v13 =	vmov s17;
	vm0 =	vgt.s32 v12, $0xFFFFFFFF;
	vm1 =	vlt.s32 v12, v1  }
0x2b4: {  	vm0 =	vmand vm0, vm1;
	vm1 =	vlt.u32 v13, $0x9C40  }
0x2b5: {  	v11 =	vand.u32 $0x7F, v11;
	v12 =	vand.u32 $0xFFFFFF80, v12;
	vm0 =	vmand vm1, vm0  }
0x2b6: {  	v11 =	vor.u32 v11, v12;
	_ =	sdelay $0x1  }
.Ltmp72:
0x2b7: {  	(pc) =	sbr.rel @p1 .LBB2_142-.Ltmp72, $4  }
0x2b8: {  	_ = 	snop  }
0x2b9: {  	v12 =	vor.u32 s17, v4;
	s17 =	smov.u32 s20  }
0x2ba: {  	s19 =	sadd.s32 $0x10, s19;
	[tilespmem:v11+s3+$0x0] =	vst.idx.msk vm0, v12  }
0x2bb: {  	s20 =	sadd.s32 $0x10, s20;
	v11 =	vld [tilespmem:s19+$0x0]  }
0x2bc: {  	_ =	sdelay $0x3  }
0x2bd: {  	v12 =	vsub.s32 v11, v0  }
0x2be: {  	v13 =	vmov s17;
	vm0 =	vgt.s32 v12, $0xFFFFFFFF;
	vm1 =	vlt.s32 v12, v1  }
0x2bf: {  	vm15 =	vlt.u32 v13, $0x9C40;
	vm0 =	vmand vm0, vm1  }
0x2c0: {  	v11 =	vand.u32 $0x7F, v11;
	v12 =	vand.u32 $0xFFFFFF80, v12;
	vm0 =	vmand vm15, vm0  }
0x2c1: {  	v11 =	vor.u32 v11, v12;
	_ =	sdelay $0x3  }
0x2c2: {  	v63 =	vor.u32 s17, v4  }
0x2c3: {  	s19 =	simm.s32 $0x3900;
	s26 =	rddreg [dreg:$0x9];
	[tilespmem:v11+s3+$0x0] =	vst.idx.msk vm0, v63  }
0x2c4: {  	[tilespmem:s19], [sflag:$0x2] =	stream.linear.gather [hbm4b:s26+s3], $0x800, $0x38;
	[tilespmem:$0x1AB80] =	vst v63  }
0x2c5: {  	_ =	swait.ge [sflag:s30], $0x800  }
0x2c6: {  	[sflag:s30] =	ssyncset.done $0x0  }
0x2c7: {  	[sflag:s30] =	ssyncadd.s32 $0xFFFFF800  }
0x2c8: {  	s17 =	simm.s32 $0x3000;
	s20 =	simm.s32 $0x3010;
	v11 =	vld [tilespmem:s19+$0x0]  }
.LBB2_144:
0x2c9: {  	p1 =	sne.s32 s20, $0x37F0;
	_ =	sdelay $0x3  }
0x2ca: {  	v12 =	vsub.s32 v11, v0  }
0x2cb: {  	v13 =	vmov s17;
	vm0 =	vgt.s32 v12, $0xFFFFFFFF;
	vm1 =	vlt.s32 v12, v1  }
0x2cc: {  	vm0 =	vmand vm0, vm1;
	vm1 =	vlt.u32 v13, $0x9C40  }
0x2cd: {  	v11 =	vand.u32 $0x7F, v11;
	v12 =	vand.u32 $0xFFFFFF80, v12;
	vm0 =	vmand vm1, vm0  }
0x2ce: {  	v11 =	vor.u32 v11, v12;
	_ =	sdelay $0x1  }
.Ltmp73:
0x2cf: {  	(pc) =	sbr.rel @p1 .LBB2_144-.Ltmp73, $4  }
0x2d0: {  	_ = 	snop  }
0x2d1: {  	v12 =	vor.u32 s17, v4;
	s17 =	smov.u32 s20  }
0x2d2: {  	s19 =	sadd.s32 $0x10, s19;
	[tilespmem:v11+s3+$0x0] =	vst.idx.msk vm0, v12  }
0x2d3: {  	s20 =	sadd.s32 $0x10, s20;
	v11 =	vld [tilespmem:s19+$0x0]  }
0x2d4: {  	_ =	sdelay $0x3  }
0x2d5: {  	v12 =	vsub.s32 v11, v0  }
0x2d6: {  	v13 =	vmov s17;
	vm0 =	vgt.s32 v12, $0xFFFFFFFF;
	vm1 =	vlt.s32 v12, v1  }
0x2d7: {  	vm15 =	vlt.u32 v13, $0x9C40;
	vm0 =	vmand vm0, vm1  }
0x2d8: {  	v11 =	vand.u32 $0x7F, v11;
	v12 =	vand.u32 $0xFFFFFF80, v12;
	vm0 =	vmand vm15, vm0  }
0x2d9: {  	v11 =	vor.u32 v11, v12;
	_ =	sdelay $0x3  }
0x2da: {  	v63 =	vor.u32 s17, v4  }
0x2db: {  	s19 =	simm.s32 $0x3900;
	s26 =	rddreg [dreg:$0xa];
	[tilespmem:v11+s3+$0x0] =	vst.idx.msk vm0, v63  }
0x2dc: {  	[tilespmem:s19], [sflag:$0x2] =	stream.linear.gather [hbm4b:s26+s3], $0x800, $0x38;
	[tilespmem:$0x1AB80] =	vst v63  }
0x2dd: {  	_ =	swait.ge [sflag:s30], $0x800  }
0x2de: {  	[sflag:s30] =	ssyncset.done $0x0  }
0x2df: {  	[sflag:s30] =	ssyncadd.s32 $0xFFFFF800  }
0x2e0: {  	s17 =	simm.s32 $0x3800;
	s20 =	simm.s32 $0x3810;
	v11 =	vld [tilespmem:s19+$0x0]  }
.LBB2_146:
0x2e1: {  	p1 =	sne.s32 s20, $0x3FF0;
	_ =	sdelay $0x3  }
0x2e2: {  	v12 =	vsub.s32 v11, v0  }
0x2e3: {  	v13 =	vmov s17;
	vm0 =	vgt.s32 v12, $0xFFFFFFFF;
	vm1 =	vlt.s32 v12, v1  }
0x2e4: {  	vm0 =	vmand vm0, vm1;
	vm1 =	vlt.u32 v13, $0x9C40  }
0x2e5: {  	v11 =	vand.u32 $0x7F, v11;
	v12 =	vand.u32 $0xFFFFFF80, v12;
	vm0 =	vmand vm1, vm0  }
0x2e6: {  	v11 =	vor.u32 v11, v12;
	_ =	sdelay $0x1  }
.Ltmp74:
0x2e7: {  	(pc) =	sbr.rel @p1 .LBB2_146-.Ltmp74, $4  }
0x2e8: {  	_ = 	snop  }
0x2e9: {  	v12 =	vor.u32 s17, v4;
	s17 =	smov.u32 s20  }
0x2ea: {  	s19 =	sadd.s32 $0x10, s19;
	[tilespmem:v11+s3+$0x0] =	vst.idx.msk vm0, v12  }
0x2eb: {  	s20 =	sadd.s32 $0x10, s20;
	v11 =	vld [tilespmem:s19+$0x0]  }
0x2ec: {  	_ =	sdelay $0x3  }
0x2ed: {  	v12 =	vsub.s32 v11, v0  }
0x2ee: {  	v13 =	vmov s17;
	vm0 =	vgt.s32 v12, $0xFFFFFFFF;
	vm1 =	vlt.s32 v12, v1  }
0x2ef: {  	vm15 =	vlt.u32 v13, $0x9C40;
	vm0 =	vmand vm0, vm1  }
0x2f0: {  	v11 =	vand.u32 $0x7F, v11;
	v12 =	vand.u32 $0xFFFFFF80, v12;
	vm0 =	vmand vm15, vm0  }
0x2f1: {  	v11 =	vor.u32 v11, v12;
	_ =	sdelay $0x3  }
0x2f2: {  	v63 =	vor.u32 s17, v4  }
0x2f3: {  	s19 =	simm.s32 $0x3900;
	s26 =	rddreg [dreg:$0xb];
	[tilespmem:v11+s3+$0x0] =	vst.idx.msk vm0, v63  }
0x2f4: {  	[tilespmem:s19], [sflag:$0x2] =	stream.linear.gather [hbm4b:s26+s3], $0x800, $0x38;
	[tilespmem:$0x1AB80] =	vst v63  }
0x2f5: {  	_ =	swait.ge [sflag:s30], $0x800  }
0x2f6: {  	[sflag:s30] =	ssyncset.done $0x0  }
0x2f7: {  	[sflag:s30] =	ssyncadd.s32 $0xFFFFF800  }
0x2f8: {  	s17 =	simm.s32 $0x4000;
	s20 =	simm.s32 $0x4010;
	v11 =	vld [tilespmem:s19+$0x0]  }
.LBB2_148:
0x2f9: {  	p1 =	sne.s32 s20, $0x47F0;
	_ =	sdelay $0x3  }
0x2fa: {  	v12 =	vsub.s32 v11, v0  }
0x2fb: {  	v13 =	vmov s17;
	vm0 =	vgt.s32 v12, $0xFFFFFFFF;
	vm1 =	vlt.s32 v12, v1  }
0x2fc: {  	vm0 =	vmand vm0, vm1;
	vm1 =	vlt.u32 v13, $0x9C40  }
0x2fd: {  	v11 =	vand.u32 $0x7F, v11;
	v12 =	vand.u32 $0xFFFFFF80, v12;
	vm0 =	vmand vm1, vm0  }
0x2fe: {  	v11 =	vor.u32 v11, v12;
	_ =	sdelay $0x1  }
.Ltmp75:
0x2ff: {  	(pc) =	sbr.rel @p1 .LBB2_148-.Ltmp75, $4  }
0x300: {  	_ = 	snop  }
0x301: {  	v12 =	vor.u32 s17, v4;
	s17 =	smov.u32 s20  }
0x302: {  	s19 =	sadd.s32 $0x10, s19;
	[tilespmem:v11+s3+$0x0] =	vst.idx.msk vm0, v12  }
0x303: {  	s20 =	sadd.s32 $0x10, s20;
	v11 =	vld [tilespmem:s19+$0x0]  }
0x304: {  	_ =	sdelay $0x3  }
0x305: {  	v12 =	vsub.s32 v11, v0  }
0x306: {  	v13 =	vmov s17;
	vm0 =	vgt.s32 v12, $0xFFFFFFFF;
	vm1 =	vlt.s32 v12, v1  }
0x307: {  	vm15 =	vlt.u32 v13, $0x9C40;
	vm0 =	vmand vm0, vm1  }
0x308: {  	v11 =	vand.u32 $0x7F, v11;
	v12 =	vand.u32 $0xFFFFFF80, v12;
	vm0 =	vmand vm15, vm0  }
0x309: {  	v11 =	vor.u32 v11, v12;
	_ =	sdelay $0x3  }
0x30a: {  	v63 =	vor.u32 s17, v4  }
0x30b: {  	s19 =	simm.s32 $0x3900;
	s26 =	rddreg [dreg:$0xc];
	[tilespmem:v11+s3+$0x0] =	vst.idx.msk vm0, v63  }
0x30c: {  	[tilespmem:s19], [sflag:$0x2] =	stream.linear.gather [hbm4b:s26+s3], $0x800, $0x38;
	[tilespmem:$0x1AB80] =	vst v63  }
0x30d: {  	_ =	swait.ge [sflag:s30], $0x800  }
0x30e: {  	[sflag:s30] =	ssyncset.done $0x0  }
0x30f: {  	[sflag:s30] =	ssyncadd.s32 $0xFFFFF800  }
0x310: {  	s17 =	simm.s32 $0x4800;
	s20 =	simm.s32 $0x4810;
	v11 =	vld [tilespmem:s19+$0x0]  }
.LBB2_150:
0x311: {  	p1 =	sne.s32 s20, $0x4FF0;
	_ =	sdelay $0x3  }
0x312: {  	v12 =	vsub.s32 v11, v0  }
0x313: {  	v13 =	vmov s17;
	vm0 =	vgt.s32 v12, $0xFFFFFFFF;
	vm1 =	vlt.s32 v12, v1  }
0x314: {  	vm0 =	vmand vm0, vm1;
	vm1 =	vlt.u32 v13, $0x9C40  }
0x315: {  	v11 =	vand.u32 $0x7F, v11;
	v12 =	vand.u32 $0xFFFFFF80, v12;
	vm0 =	vmand vm1, vm0  }
0x316: {  	v11 =	vor.u32 v11, v12;
	_ =	sdelay $0x1  }
.Ltmp76:
0x317: {  	(pc) =	sbr.rel @p1 .LBB2_150-.Ltmp76, $4  }
0x318: {  	_ = 	snop  }
0x319: {  	v12 =	vor.u32 s17, v4;
	s17 =	smov.u32 s20  }
0x31a: {  	s19 =	sadd.s32 $0x10, s19;
	[tilespmem:v11+s3+$0x0] =	vst.idx.msk vm0, v12  }
0x31b: {  	s20 =	sadd.s32 $0x10, s20;
	v11 =	vld [tilespmem:s19+$0x0]  }
0x31c: {  	_ =	sdelay $0x3  }
0x31d: {  	v12 =	vsub.s32 v11, v0  }
0x31e: {  	v13 =	vmov s17;
	vm0 =	vgt.s32 v12, $0xFFFFFFFF;
	vm1 =	vlt.s32 v12, v1  }
0x31f: {  	vm15 =	vlt.u32 v13, $0x9C40;
	vm0 =	vmand vm0, vm1  }
0x320: {  	v11 =	vand.u32 $0x7F, v11;
	v12 =	vand.u32 $0xFFFFFF80, v12;
	vm0 =	vmand vm15, vm0  }
0x321: {  	v11 =	vor.u32 v11, v12;
	_ =	sdelay $0x3  }
0x322: {  	v63 =	vor.u32 s17, v4  }
0x323: {  	s19 =	simm.s32 $0x3900;
	s26 =	rddreg [dreg:$0xd];
	[tilespmem:v11+s3+$0x0] =	vst.idx.msk vm0, v63  }
0x324: {  	[tilespmem:s19], [sflag:$0x2] =	stream.linear.gather [hbm4b:s26+s3], $0x800, $0x38;
	[tilespmem:$0x1AB80] =	vst v63  }
0x325: {  	_ =	swait.ge [sflag:s30], $0x800  }
0x326: {  	[sflag:s30] =	ssyncset.done $0x0  }
0x327: {  	[sflag:s30] =	ssyncadd.s32 $0xFFFFF800  }
0x328: {  	s17 =	simm.s32 $0x5000;
	s20 =	simm.s32 $0x5010;
	v11 =	vld [tilespmem:s19+$0x0]  }
.LBB2_152:
0x329: {  	p1 =	sne.s32 s20, $0x57F0;
	_ =	sdelay $0x3  }
0x32a: {  	v12 =	vsub.s32 v11, v0  }
0x32b: {  	v13 =	vmov s17;
	vm0 =	vgt.s32 v12, $0xFFFFFFFF;
	vm1 =	vlt.s32 v12, v1  }
0x32c: {  	vm0 =	vmand vm0, vm1;
	vm1 =	vlt.u32 v13, $0x9C40  }
0x32d: {  	v11 =	vand.u32 $0x7F, v11;
	v12 =	vand.u32 $0xFFFFFF80, v12;
	vm0 =	vmand vm1, vm0  }
0x32e: {  	v11 =	vor.u32 v11, v12;
	_ =	sdelay $0x1  }
.Ltmp77:
0x32f: {  	(pc) =	sbr.rel @p1 .LBB2_152-.Ltmp77, $4  }
0x330: {  	_ = 	snop  }
0x331: {  	v12 =	vor.u32 s17, v4;
	s17 =	smov.u32 s20  }
0x332: {  	s19 =	sadd.s32 $0x10, s19;
	[tilespmem:v11+s3+$0x0] =	vst.idx.msk vm0, v12  }
0x333: {  	s20 =	sadd.s32 $0x10, s20;
	v11 =	vld [tilespmem:s19+$0x0]  }
0x334: {  	_ =	sdelay $0x3  }
0x335: {  	v12 =	vsub.s32 v11, v0  }
0x336: {  	v13 =	vmov s17;
	vm0 =	vgt.s32 v12, $0xFFFFFFFF;
	vm1 =	vlt.s32 v12, v1  }
0x337: {  	vm15 =	vlt.u32 v13, $0x9C40;
	vm0 =	vmand vm0, vm1  }
0x338: {  	v11 =	vand.u32 $0x7F, v11;
	v12 =	vand.u32 $0xFFFFFF80, v12;
	vm0 =	vmand vm15, vm0  }
0x339: {  	v11 =	vor.u32 v11, v12;
	_ =	sdelay $0x3  }
0x33a: {  	v63 =	vor.u32 s17, v4  }
0x33b: {  	s19 =	simm.s32 $0x3900;
	s26 =	rddreg [dreg:$0xe];
	[tilespmem:v11+s3+$0x0] =	vst.idx.msk vm0, v63  }
0x33c: {  	[tilespmem:s19], [sflag:$0x2] =	stream.linear.gather [hbm4b:s26+s3], $0x800, $0x38;
	[tilespmem:$0x1AB80] =	vst v63  }
0x33d: {  	_ =	swait.ge [sflag:s30], $0x800  }
0x33e: {  	[sflag:s30] =	ssyncset.done $0x0  }
0x33f: {  	[sflag:s30] =	ssyncadd.s32 $0xFFFFF800  }
0x340: {  	s17 =	simm.s32 $0x5800;
	s20 =	simm.s32 $0x5810;
	v11 =	vld [tilespmem:s19+$0x0]  }
.LBB2_154:
0x341: {  	p1 =	sne.s32 s20, $0x5FF0;
	_ =	sdelay $0x3  }
0x342: {  	v12 =	vsub.s32 v11, v0  }
0x343: {  	v13 =	vmov s17;
	vm0 =	vgt.s32 v12, $0xFFFFFFFF;
	vm1 =	vlt.s32 v12, v1  }
0x344: {  	vm0 =	vmand vm0, vm1;
	vm1 =	vlt.u32 v13, $0x9C40  }
0x345: {  	v11 =	vand.u32 $0x7F, v11;
	v12 =	vand.u32 $0xFFFFFF80, v12;
	vm0 =	vmand vm1, vm0  }
0x346: {  	v11 =	vor.u32 v11, v12;
	_ =	sdelay $0x1  }
.Ltmp78:
0x347: {  	(pc) =	sbr.rel @p1 .LBB2_154-.Ltmp78, $4  }
0x348: {  	_ = 	snop  }
0x349: {  	v12 =	vor.u32 s17, v4;
	s17 =	smov.u32 s20  }
0x34a: {  	s19 =	sadd.s32 $0x10, s19;
	[tilespmem:v11+s3+$0x0] =	vst.idx.msk vm0, v12  }
0x34b: {  	s20 =	sadd.s32 $0x10, s20;
	v11 =	vld [tilespmem:s19+$0x0]  }
0x34c: {  	_ =	sdelay $0x3  }
0x34d: {  	v12 =	vsub.s32 v11, v0  }
0x34e: {  	v13 =	vmov s17;
	vm0 =	vgt.s32 v12, $0xFFFFFFFF;
	vm1 =	vlt.s32 v12, v1  }
0x34f: {  	vm15 =	vlt.u32 v13, $0x9C40;
	vm0 =	vmand vm0, vm1  }
0x350: {  	v11 =	vand.u32 $0x7F, v11;
	v12 =	vand.u32 $0xFFFFFF80, v12;
	vm0 =	vmand vm15, vm0  }
0x351: {  	v11 =	vor.u32 v11, v12;
	_ =	sdelay $0x3  }
0x352: {  	v63 =	vor.u32 s17, v4  }
0x353: {  	s19 =	simm.s32 $0x3900;
	s26 =	rddreg [dreg:$0xf];
	[tilespmem:v11+s3+$0x0] =	vst.idx.msk vm0, v63  }
0x354: {  	[tilespmem:s19], [sflag:$0x2] =	stream.linear.gather [hbm4b:s26+s3], $0x800, $0x38;
	[tilespmem:$0x1AB80] =	vst v63  }
0x355: {  	_ =	swait.ge [sflag:s30], $0x800  }
0x356: {  	[sflag:s30] =	ssyncset.done $0x0  }
0x357: {  	[sflag:s30] =	ssyncadd.s32 $0xFFFFF800  }
0x358: {  	s17 =	simm.s32 $0x6000;
	s20 =	simm.s32 $0x6010;
	v11 =	vld [tilespmem:s19+$0x0]  }
.LBB2_156:
0x359: {  	p1 =	sne.s32 s20, $0x67F0;
	_ =	sdelay $0x3  }
0x35a: {  	v12 =	vsub.s32 v11, v0  }
0x35b: {  	v13 =	vmov s17;
	vm0 =	vgt.s32 v12, $0xFFFFFFFF;
	vm1 =	vlt.s32 v12, v1  }
0x35c: {  	vm0 =	vmand vm0, vm1;
	vm1 =	vlt.u32 v13, $0x9C40  }
0x35d: {  	v11 =	vand.u32 $0x7F, v11;
	v12 =	vand.u32 $0xFFFFFF80, v12;
	vm0 =	vmand vm1, vm0  }
0x35e: {  	v11 =	vor.u32 v11, v12;
	_ =	sdelay $0x1  }
.Ltmp79:
0x35f: {  	(pc) =	sbr.rel @p1 .LBB2_156-.Ltmp79, $4  }
0x360: {  	_ = 	snop  }
0x361: {  	v12 =	vor.u32 s17, v4;
	s17 =	smov.u32 s20  }
0x362: {  	s19 =	sadd.s32 $0x10, s19;
	[tilespmem:v11+s3+$0x0] =	vst.idx.msk vm0, v12  }
0x363: {  	s20 =	sadd.s32 $0x10, s20;
	v11 =	vld [tilespmem:s19+$0x0]  }
0x364: {  	_ =	sdelay $0x3  }
0x365: {  	v12 =	vsub.s32 v11, v0  }
0x366: {  	v13 =	vmov s17;
	vm0 =	vgt.s32 v12, $0xFFFFFFFF;
	vm1 =	vlt.s32 v12, v1  }
0x367: {  	vm15 =	vlt.u32 v13, $0x9C40;
	vm0 =	vmand vm0, vm1  }
0x368: {  	v11 =	vand.u32 $0x7F, v11;
	v12 =	vand.u32 $0xFFFFFF80, v12;
	vm0 =	vmand vm15, vm0  }
0x369: {  	v11 =	vor.u32 v11, v12;
	_ =	sdelay $0x3  }
0x36a: {  	v63 =	vor.u32 s17, v4  }
0x36b: {  	s19 =	simm.s32 $0x3900;
	s26 =	rddreg [dreg:$0x10];
	[tilespmem:v11+s3+$0x0] =	vst.idx.msk vm0, v63  }
0x36c: {  	[tilespmem:s19], [sflag:$0x2] =	stream.linear.gather [hbm4b:s26+s3], $0x800, $0x38;
	[tilespmem:$0x1AB80] =	vst v63  }
0x36d: {  	_ =	swait.ge [sflag:s30], $0x800  }
0x36e: {  	[sflag:s30] =	ssyncset.done $0x0  }
0x36f: {  	[sflag:s30] =	ssyncadd.s32 $0xFFFFF800  }
0x370: {  	s17 =	simm.s32 $0x6800;
	s20 =	simm.s32 $0x6810;
	v11 =	vld [tilespmem:s19+$0x0]  }
.LBB2_158:
0x371: {  	p1 =	sne.s32 s20, $0x6FF0;
	_ =	sdelay $0x3  }
0x372: {  	v12 =	vsub.s32 v11, v0  }
0x373: {  	v13 =	vmov s17;
	vm0 =	vgt.s32 v12, $0xFFFFFFFF;
	vm1 =	vlt.s32 v12, v1  }
0x374: {  	vm0 =	vmand vm0, vm1;
	vm1 =	vlt.u32 v13, $0x9C40  }
0x375: {  	v11 =	vand.u32 $0x7F, v11;
	v12 =	vand.u32 $0xFFFFFF80, v12;
	vm0 =	vmand vm1, vm0  }
0x376: {  	v11 =	vor.u32 v11, v12;
	_ =	sdelay $0x1  }
.Ltmp80:
0x377: {  	(pc) =	sbr.rel @p1 .LBB2_158-.Ltmp80, $4  }
0x378: {  	_ = 	snop  }
0x379: {  	v12 =	vor.u32 s17, v4;
	s17 =	smov.u32 s20  }
0x37a: {  	s19 =	sadd.s32 $0x10, s19;
	[tilespmem:v11+s3+$0x0] =	vst.idx.msk vm0, v12  }
0x37b: {  	s20 =	sadd.s32 $0x10, s20;
	v11 =	vld [tilespmem:s19+$0x0]  }
0x37c: {  	_ =	sdelay $0x3  }
0x37d: {  	v12 =	vsub.s32 v11, v0  }
0x37e: {  	v13 =	vmov s17;
	vm0 =	vgt.s32 v12, $0xFFFFFFFF;
	vm1 =	vlt.s32 v12, v1  }
0x37f: {  	vm15 =	vlt.u32 v13, $0x9C40;
	vm0 =	vmand vm0, vm1  }
0x380: {  	v11 =	vand.u32 $0x7F, v11;
	v12 =	vand.u32 $0xFFFFFF80, v12;
	vm0 =	vmand vm15, vm0  }
0x381: {  	v11 =	vor.u32 v11, v12;
	_ =	sdelay $0x3  }
0x382: {  	v63 =	vor.u32 s17, v4  }
0x383: {  	s19 =	simm.s32 $0x3900;
	s26 =	rddreg [dreg:$0x11];
	[tilespmem:v11+s3+$0x0] =	vst.idx.msk vm0, v63  }
0x384: {  	[tilespmem:s19], [sflag:$0x2] =	stream.linear.gather [hbm4b:s26+s3], $0x800, $0x38;
	[tilespmem:$0x1AB80] =	vst v63  }
0x385: {  	_ =	swait.ge [sflag:s30], $0x800  }
0x386: {  	[sflag:s30] =	ssyncset.done $0x0  }
0x387: {  	[sflag:s30] =	ssyncadd.s32 $0xFFFFF800  }
0x388: {  	s17 =	simm.s32 $0x7000;
	s20 =	simm.s32 $0x7010;
	v11 =	vld [tilespmem:s19+$0x0]  }
.LBB2_160:
0x389: {  	p1 =	sne.s32 s20, $0x77F0;
	_ =	sdelay $0x3  }
0x38a: {  	v12 =	vsub.s32 v11, v0  }
0x38b: {  	v13 =	vmov s17;
	vm0 =	vgt.s32 v12, $0xFFFFFFFF;
	vm1 =	vlt.s32 v12, v1  }
0x38c: {  	vm0 =	vmand vm0, vm1;
	vm1 =	vlt.u32 v13, $0x9C40  }
0x38d: {  	v11 =	vand.u32 $0x7F, v11;
	v12 =	vand.u32 $0xFFFFFF80, v12;
	vm0 =	vmand vm1, vm0  }
0x38e: {  	v11 =	vor.u32 v11, v12;
	_ =	sdelay $0x1  }
.Ltmp81:
0x38f: {  	(pc) =	sbr.rel @p1 .LBB2_160-.Ltmp81, $4  }
0x390: {  	_ = 	snop  }
0x391: {  	v12 =	vor.u32 s17, v4;
	s17 =	smov.u32 s20  }
0x392: {  	s19 =	sadd.s32 $0x10, s19;
	[tilespmem:v11+s3+$0x0] =	vst.idx.msk vm0, v12  }
0x393: {  	s20 =	sadd.s32 $0x10, s20;
	v11 =	vld [tilespmem:s19+$0x0]  }
0x394: {  	_ =	sdelay $0x3  }
0x395: {  	v12 =	vsub.s32 v11, v0  }
0x396: {  	v13 =	vmov s17;
	vm0 =	vgt.s32 v12, $0xFFFFFFFF;
	vm1 =	vlt.s32 v12, v1  }
0x397: {  	vm15 =	vlt.u32 v13, $0x9C40;
	vm0 =	vmand vm0, vm1  }
0x398: {  	v11 =	vand.u32 $0x7F, v11;
	v12 =	vand.u32 $0xFFFFFF80, v12;
	vm0 =	vmand vm15, vm0  }
0x399: {  	v11 =	vor.u32 v11, v12;
	_ =	sdelay $0x3  }
0x39a: {  	v63 =	vor.u32 s17, v4  }
0x39b: {  	s19 =	simm.s32 $0x3900;
	s26 =	rddreg [dreg:$0x12];
	[tilespmem:v11+s3+$0x0] =	vst.idx.msk vm0, v63  }
0x39c: {  	[tilespmem:s19], [sflag:$0x2] =	stream.linear.gather [hbm4b:s26+s3], $0x800, $0x38;
	[tilespmem:$0x1AB80] =	vst v63  }
0x39d: {  	_ =	swait.ge [sflag:s30], $0x800  }
0x39e: {  	[sflag:s30] =	ssyncset.done $0x0  }
0x39f: {  	[sflag:s30] =	ssyncadd.s32 $0xFFFFF800  }
0x3a0: {  	s17 =	simm.s32 $0x7800;
	s20 =	simm.s32 $0x7810;
	v11 =	vld [tilespmem:s19+$0x0]  }
.LBB2_162:
0x3a1: {  	p1 =	sne.s32 s20, $0x7FF0;
	_ =	sdelay $0x3  }
0x3a2: {  	v12 =	vsub.s32 v11, v0  }
0x3a3: {  	v13 =	vmov s17;
	vm0 =	vgt.s32 v12, $0xFFFFFFFF;
	vm1 =	vlt.s32 v12, v1  }
0x3a4: {  	vm0 =	vmand vm0, vm1;
	vm1 =	vlt.u32 v13, $0x9C40  }
0x3a5: {  	v11 =	vand.u32 $0x7F, v11;
	v12 =	vand.u32 $0xFFFFFF80, v12;
	vm0 =	vmand vm1, vm0  }
0x3a6: {  	v11 =	vor.u32 v11, v12;
	_ =	sdelay $0x1  }
.Ltmp82:
0x3a7: {  	(pc) =	sbr.rel @p1 .LBB2_162-.Ltmp82, $4  }
0x3a8: {  	_ = 	snop  }
0x3a9: {  	v12 =	vor.u32 s17, v4;
	s17 =	smov.u32 s20  }
0x3aa: {  	s19 =	sadd.s32 $0x10, s19;
	[tilespmem:v11+s3+$0x0] =	vst.idx.msk vm0, v12  }
0x3ab: {  	s20 =	sadd.s32 $0x10, s20;
	v11 =	vld [tilespmem:s19+$0x0]  }
0x3ac: {  	_ =	sdelay $0x3  }
0x3ad: {  	v12 =	vsub.s32 v11, v0  }
0x3ae: {  	v13 =	vmov s17;
	vm0 =	vgt.s32 v12, $0xFFFFFFFF;
	vm1 =	vlt.s32 v12, v1  }
0x3af: {  	vm15 =	vlt.u32 v13, $0x9C40;
	vm0 =	vmand vm0, vm1  }
0x3b0: {  	v11 =	vand.u32 $0x7F, v11;
	v12 =	vand.u32 $0xFFFFFF80, v12;
	vm0 =	vmand vm15, vm0  }
0x3b1: {  	v11 =	vor.u32 v11, v12;
	_ =	sdelay $0x3  }
0x3b2: {  	v63 =	vor.u32 s17, v4  }
0x3b3: {  	s19 =	simm.s32 $0x3900;
	s26 =	rddreg [dreg:$0x13];
	[tilespmem:v11+s3+$0x0] =	vst.idx.msk vm0, v63  }
0x3b4: {  	[tilespmem:s19], [sflag:$0x2] =	stream.linear.gather [hbm4b:s26+s3], $0x800, $0x38;
	[tilespmem:$0x1AB80] =	vst v63  }
0x3b5: {  	_ =	swait.ge [sflag:s30], $0x800  }
0x3b6: {  	[sflag:s30] =	ssyncset.done $0x0  }
0x3b7: {  	[sflag:s30] =	ssyncadd.s32 $0xFFFFF800  }
0x3b8: {  	s17 =	simm.s32 $0x8000;
	s20 =	simm.s32 $0x8010;
	v11 =	vld [tilespmem:s19+$0x0]  }
.LBB2_164:
0x3b9: {  	p1 =	sne.s32 s20, $0x87F0;
	_ =	sdelay $0x3  }
0x3ba: {  	v12 =	vsub.s32 v11, v0  }
0x3bb: {  	v13 =	vmov s17;
	vm0 =	vgt.s32 v12, $0xFFFFFFFF;
	vm1 =	vlt.s32 v12, v1  }
0x3bc: {  	vm0 =	vmand vm0, vm1;
	vm1 =	vlt.u32 v13, $0x9C40  }
0x3bd: {  	v11 =	vand.u32 $0x7F, v11;
	v12 =	vand.u32 $0xFFFFFF80, v12;
	vm0 =	vmand vm1, vm0  }
0x3be: {  	v11 =	vor.u32 v11, v12;
	_ =	sdelay $0x1  }
.Ltmp83:
0x3bf: {  	(pc) =	sbr.rel @p1 .LBB2_164-.Ltmp83, $4  }
0x3c0: {  	_ = 	snop  }
0x3c1: {  	v12 =	vor.u32 s17, v4;
	s17 =	smov.u32 s20  }
0x3c2: {  	s19 =	sadd.s32 $0x10, s19;
	[tilespmem:v11+s3+$0x0] =	vst.idx.msk vm0, v12  }
0x3c3: {  	s20 =	sadd.s32 $0x10, s20;
	v11 =	vld [tilespmem:s19+$0x0]  }
0x3c4: {  	_ =	sdelay $0x3  }
0x3c5: {  	v12 =	vsub.s32 v11, v0  }
0x3c6: {  	v13 =	vmov s17;
	vm0 =	vgt.s32 v12, $0xFFFFFFFF;
	vm1 =	vlt.s32 v12, v1  }
0x3c7: {  	vm15 =	vlt.u32 v13, $0x9C40;
	vm0 =	vmand vm0, vm1  }
0x3c8: {  	v11 =	vand.u32 $0x7F, v11;
	v12 =	vand.u32 $0xFFFFFF80, v12;
	vm0 =	vmand vm15, vm0  }
0x3c9: {  	v11 =	vor.u32 v11, v12;
	_ =	sdelay $0x3  }
0x3ca: {  	v63 =	vor.u32 s17, v4  }
0x3cb: {  	s19 =	simm.s32 $0x3900;
	s26 =	rddreg [dreg:$0x14];
	[tilespmem:v11+s3+$0x0] =	vst.idx.msk vm0, v63  }
0x3cc: {  	[tilespmem:s19], [sflag:$0x2] =	stream.linear.gather [hbm4b:s26+s3], $0x800, $0x38;
	[tilespmem:$0x1AB80] =	vst v63  }
0x3cd: {  	_ =	swait.ge [sflag:s30], $0x800  }
0x3ce: {  	[sflag:s30] =	ssyncset.done $0x0  }
0x3cf: {  	[sflag:s30] =	ssyncadd.s32 $0xFFFFF800  }
0x3d0: {  	s17 =	simm.s32 $0x8800;
	s20 =	simm.s32 $0x8810;
	v11 =	vld [tilespmem:s19+$0x0]  }
.LBB2_166:
0x3d1: {  	p1 =	sne.s32 s20, $0x8FF0;
	_ =	sdelay $0x3  }
0x3d2: {  	v12 =	vsub.s32 v11, v0  }
0x3d3: {  	v13 =	vmov s17;
	vm0 =	vgt.s32 v12, $0xFFFFFFFF;
	vm1 =	vlt.s32 v12, v1  }
0x3d4: {  	vm0 =	vmand vm0, vm1;
	vm1 =	vlt.u32 v13, $0x9C40  }
0x3d5: {  	v11 =	vand.u32 $0x7F, v11;
	v12 =	vand.u32 $0xFFFFFF80, v12;
	vm0 =	vmand vm1, vm0  }
0x3d6: {  	v11 =	vor.u32 v11, v12;
	_ =	sdelay $0x1  }
.Ltmp84:
0x3d7: {  	(pc) =	sbr.rel @p1 .LBB2_166-.Ltmp84, $4  }
0x3d8: {  	_ = 	snop  }
0x3d9: {  	v12 =	vor.u32 s17, v4;
	s17 =	smov.u32 s20  }
0x3da: {  	s19 =	sadd.s32 $0x10, s19;
	[tilespmem:v11+s3+$0x0] =	vst.idx.msk vm0, v12  }
0x3db: {  	s20 =	sadd.s32 $0x10, s20;
	v11 =	vld [tilespmem:s19+$0x0]  }
0x3dc: {  	_ =	sdelay $0x3  }
0x3dd: {  	v12 =	vsub.s32 v11, v0  }
0x3de: {  	v13 =	vmov s17;
	vm0 =	vgt.s32 v12, $0xFFFFFFFF;
	vm1 =	vlt.s32 v12, v1  }
0x3df: {  	vm15 =	vlt.u32 v13, $0x9C40;
	vm0 =	vmand vm0, vm1  }
0x3e0: {  	v11 =	vand.u32 $0x7F, v11;
	v12 =	vand.u32 $0xFFFFFF80, v12;
	vm0 =	vmand vm15, vm0  }
0x3e1: {  	v11 =	vor.u32 v11, v12;
	_ =	sdelay $0x3  }
0x3e2: {  	v63 =	vor.u32 s17, v4  }
0x3e3: {  	s19 =	simm.s32 $0x3900;
	s26 =	rddreg [dreg:$0x15];
	[tilespmem:v11+s3+$0x0] =	vst.idx.msk vm0, v63  }
0x3e4: {  	[tilespmem:s19], [sflag:$0x2] =	stream.linear.gather [hbm4b:s26+s3], $0x800, $0x38;
	[tilespmem:$0x1AB80] =	vst v63  }
0x3e5: {  	_ =	swait.ge [sflag:s30], $0x800  }
0x3e6: {  	[sflag:s30] =	ssyncset.done $0x0  }
0x3e7: {  	[sflag:s30] =	ssyncadd.s32 $0xFFFFF800  }
0x3e8: {  	s17 =	simm.s32 $0x9000;
	s20 =	simm.s32 $0x9010;
	v11 =	vld [tilespmem:s19+$0x0]  }
.LBB2_168:
0x3e9: {  	p1 =	sne.s32 s20, $0x97F0;
	_ =	sdelay $0x3  }
0x3ea: {  	v12 =	vsub.s32 v11, v0  }
0x3eb: {  	v13 =	vmov s17;
	vm0 =	vgt.s32 v12, $0xFFFFFFFF;
	vm1 =	vlt.s32 v12, v1  }
0x3ec: {  	vm0 =	vmand vm0, vm1;
	vm1 =	vlt.u32 v13, $0x9C40  }
0x3ed: {  	v11 =	vand.u32 $0x7F, v11;
	v12 =	vand.u32 $0xFFFFFF80, v12;
	vm0 =	vmand vm1, vm0  }
0x3ee: {  	v11 =	vor.u32 v11, v12;
	_ =	sdelay $0x1  }
.Ltmp85:
0x3ef: {  	(pc) =	sbr.rel @p1 .LBB2_168-.Ltmp85, $4  }
0x3f0: {  	_ = 	snop  }
0x3f1: {  	v12 =	vor.u32 s17, v4;
	s17 =	smov.u32 s20  }
0x3f2: {  	s19 =	sadd.s32 $0x10, s19;
	[tilespmem:v11+s3+$0x0] =	vst.idx.msk vm0, v12  }
0x3f3: {  	s20 =	sadd.s32 $0x10, s20;
	v11 =	vld [tilespmem:s19+$0x0]  }
0x3f4: {  	_ =	sdelay $0x3  }
0x3f5: {  	v12 =	vsub.s32 v11, v0  }
0x3f6: {  	v13 =	vmov s17;
	vm0 =	vgt.s32 v12, $0xFFFFFFFF;
	vm1 =	vlt.s32 v12, v1  }
0x3f7: {  	vm15 =	vlt.u32 v13, $0x9C40;
	vm0 =	vmand vm0, vm1  }
0x3f8: {  	v11 =	vand.u32 $0x7F, v11;
	v12 =	vand.u32 $0xFFFFFF80, v12;
	vm0 =	vmand vm15, vm0  }
0x3f9: {  	v11 =	vor.u32 v11, v12;
	_ =	sdelay $0x3  }
0x3fa: {  	v63 =	vor.u32 s17, v4  }
0x3fb: {  	s20 =	simm.s32 $0x3900;
	s26 =	rddreg [dreg:$0x16];
	[tilespmem:v11+s3+$0x0] =	vst.idx.msk vm0, v63  }
0x3fc: {  	[tilespmem:s20], [sflag:$0x2] =	stream.linear.gather [hbm4b:s26+s3], $0x800, $0x38;
	[tilespmem:$0x1AB80] =	vst v63  }
0x3fd: {  	_ =	swait.ge [sflag:s30], $0x800  }
0x3fe: {  	[sflag:s30] =	ssyncset.done $0x0  }
0x3ff: {  	[sflag:s30] =	ssyncadd.s32 $0xFFFFF800  }
0x400: {  	s19 =	simm.s32 $0x9800;
	s21 =	simm.s32 $0x9810;
	v11 =	vld [tilespmem:s20+$0x0]  }
.LBB2_170:
0x401: {  	p1 =	sne.s32 s21, $0x9FF0;
	_ =	sdelay $0x3  }
0x402: {  	v12 =	vsub.s32 v11, v0  }
0x403: {  	v13 =	vmov s19;
	vm0 =	vgt.s32 v12, $0xFFFFFFFF;
	vm1 =	vlt.s32 v12, v1  }
0x404: {  	vm0 =	vmand vm0, vm1;
	vm1 =	vlt.u32 v13, $0x9C40  }
0x405: {  	v11 =	vand.u32 $0x7F, v11;
	v12 =	vand.u32 $0xFFFFFF80, v12;
	vm0 =	vmand vm1, vm0  }
0x406: {  	v11 =	vor.u32 v11, v12;
	_ =	sdelay $0x1  }
.Ltmp86:
0x407: {  	(pc) =	sbr.rel @p1 .LBB2_170-.Ltmp86, $4  }
0x408: {  	_ = 	snop  }
0x409: {  	s17 =	simm.s32 $0x0;
	v12 =	vor.u32 s19, v4;
	s19 =	smov.u32 s21  }
0x40a: {  	s20 =	sadd.s32 $0x10, s20;
	[tilespmem:v11+s17+$0x0] =	vst.idx.msk vm0, v12  }
0x40b: {  	s21 =	sadd.s32 $0x10, s21;
	v11 =	vld [tilespmem:s20+$0x0]  }
0x40c: {  	_ =	sdelay $0x3  }
0x40d: {  	v12 =	vsub.s32 v11, v0  }
0x40e: {  	v13 =	vmov s19;
	vm0 =	vgt.s32 v12, $0xFFFFFFFF;
	vm1 =	vlt.s32 v12, v1  }
0x40f: {  	vm15 =	vlt.u32 v13, $0x9C40;
	vm0 =	vmand vm0, vm1  }
0x410: {  	v11 =	vand.u32 $0x7F, v11;
	v12 =	vand.u32 $0xFFFFFF80, v12;
	vm0 =	vmand vm15, vm0  }
0x411: {  	v11 =	vor.u32 v11, v12  }
.Ltmp87:
0x412: {  	_ = 	snop;
	(pc) =	sbr.rel .LBB2_172-.Ltmp87, $3  }
0x413: {  	_ =	sdelay $0x1  }
0x414: {  	v63 =	vor.u32 s19, v4  }
0x415: {  	s19 =	simm.s32 $0x0;
	[tilespmem:v11+s17+$0x0] =	vst.idx.msk vm0, v63  }
.LBB2_182:
0x416: {  	s19 =	sadd.s32 $0x1, s19  }
0x417: {  	p1 =	sne.s32 s19, s18  }
.Ltmp88:
0x418: {  	_ = 	snop;
	(pc) =	sbr.rel @!p1 .LBB2_183-.Ltmp88, $1  }
0x419: {  	_ =	sdelay $0x3  }
.LBB2_172:
0x41a: {  	s20 =	sshll.u32 s19, $0xC  }
0x41b: {  	s26 =	sand.u32 $0x380, s17;
	s21 =	sshra.s32 s20, $0x2  }
0x41c: {  	s23 =	sand.u32 $0x70, s17;
	s20 =	sadd.s32 s26, s21  }
0x41d: {  	s20 =	sadd.s32 s23, s20  }
0x41e: {  	v13 =	vld [tilespmem:s20+$0x0];
	_ =	sdelay $0x4  }
0x41f: {  	vm0 =	vgt.s32 v13, $0xFFFFFFFF  }
0x420: {  	v11 =	vsel vm0, $0x1, v5  }
0x421: {  	(xrf0) =	vadd.scan.msk.s32 $0xffff, v11;
	_ =	sdelay $0x5  }
0x422: {  	v11, _, _ =	vpop (xrf0)  }
0x423: {  	v12 =	vmov s17;
	v14 =	vxor.u32 $0x80000000, v11  }
0x424: {  	v12 =	vadd.s32 $0xFFFFFFFF, v12;
	(xrf0) =	vmax.scan.msk.u32 $0xffff, v14  }
0x425: {  	v12 =	vbroadcast v12, $0x0;
	_ =	sdelay $0x1  }
0x426: {  	v11 =	vadd.s32 v11, v12;
	_ =	sdelay $0x2  }
0x427: {  	v12, _, _ =	vpop (xrf0)  }
0x428: {  	s20 =	simm.s32 $0x10;
	(v2sf) =	vpush v12, $0xF  }
0x429: {  	s24 =	simm.s32 $0x20;
	s23 =	simm.s32 $0x0;
	s25 =	sand.u32 $0x380, s20;
	[tilespmem:v11+s31+$0x0] =	vst.idx.msk vm0, v13;
	v12 =	vor.u32 s17, v4  }
.LBB2_173:
0x42a: {  	p1 =	sne.s32 s24, $0x3F0;
	s26 =	sand.u32 $0x70, s20;
	s25 =	sadd.s32 s25, s21;
	[tilespmem:v11+s1+$0x0] =	vst.idx.msk vm0, v12  }
0x42b: {  	s25 =	sadd.s32 s26, s25  }
0x42c: {  	v13 =	vld [tilespmem:s25+$0x0];
	_ =	sdelay $0x4  }
0x42d: {  	vm0 =	vgt.s32 v13, $0xFFFFFFFF  }
0x42e: {  	v11 =	vsel vm0, $0x1, v5  }
0x42f: {  	(xrf0) =	vadd.scan.msk.s32 $0xffff, v11;
	_ =	sdelay $0x3  }
0x430: {  	s25 =	spop (v2sf)  }
0x431: {  	s23 =	sadd.s32 s25, s23  }
0x432: {  	v11, _, _ =	vpop (xrf0);
	s23 =	sadd.s32 $0x80000000, s23  }
0x433: {  	v12 =	vmov s23;
	v14 =	vxor.u32 $0x80000000, v11  }
0x434: {  	v12 =	vadd.s32 $0xFFFFFFFF, v12;
	(xrf0) =	vmax.scan.msk.u32 $0xffff, v14  }
0x435: {  	v12 =	vbroadcast v12, $0x0;
	_ =	sdelay $0x1  }
0x436: {  	v11 =	vadd.s32 v11, v12  }
.Ltmp89:
0x437: {  	(pc) =	sbr.rel @p1 .LBB2_173-.Ltmp89, $4  }
0x438: {  	_ = 	snop  }
0x439: {  	v12, _, _ =	vpop (xrf0)  }
0x43a: {  	(v2sf) =	vpush v12, $0xF  }
0x43b: {  	s25 =	sand.u32 $0x380, s24;
	v12 =	vor.u32 s20, v4;
	s20 =	smov.u32 s24;
	s24 =	sadd.s32 $0x10, s24;
	[tilespmem:v11+s31+$0x0] =	vst.idx.msk vm0, v13  }
0x43c: {  	_ =	sdelay $0x3  }
0x43d: {  	s24 =	sand.u32 $0x70, s20;
	s21 =	sadd.s32 s25, s21  }
0x43e: {  	[tilespmem:v11+s1+$0x0] =	vst.idx.msk vm0, v12;
	s21 =	sadd.s32 s24, s21  }
0x43f: {  	v11 =	vld [tilespmem:s21+$0x0];
	_ =	sdelay $0x4  }
0x440: {  	vm15 =	vgt.s32 v11, $0xFFFFFFFF  }
0x441: {  	v61 =	vsel vm15, $0x1, v5  }
0x442: {  	(xrf0) =	vadd.scan.msk.s32 $0xffff, v61;
	_ =	sdelay $0x5  }
0x443: {  	v12, _, _ =	vpop (xrf0)  }
0x444: {  	v13 =	vxor.u32 $0x80000000, v12  }
0x445: {  	(xrf0) =	vmax.scan.msk.u32 $0xffff, v13;
	_ =	sdelay $0x5  }
0x446: {  	v13, _, _ =	vpop (xrf0)  }
0x447: {  	(v2sf) =	vpush v13, $0xF;
	_ =	sdelay $0x3  }
0x448: {  	s25 =	spop (v2sf)  }
0x449: {  	s21 =	sadd.s32 s25, s23  }
0x44a: {  	s21 =	sadd.s32 $0x80000000, s21  }
0x44b: {  	v62 =	vmov s21  }
0x44c: {  	v13 =	vadd.s32 $0xFFFFFFFF, v62  }
0x44d: {  	v13 =	vbroadcast v13, $0x0;
	_ =	sdelay $0x1  }
0x44e: {  	v12 =	vadd.s32 v12, v13;
	_ =	sdelay $0x3  }
0x44f: {  	s26 =	spop (v2sf)  }
0x450: {  	v63 =	vor.u32 s20, v4;
	[tilespmem:v12+s31+$0x0] =	vst.idx.msk vm15, v11;
	s23 =	sadd.s32 s26, s21  }
0x451: {  	[tilespmem:v12+s1+$0x0] =	vst.idx.msk vm15, v63;
	s21 =	sadd.s32 $0x80000000, s23  }
0x452: {  	[tilespmem:s21+$0x4100] =	vst v5  }
0x453: {  	[tilespmem:s21+$0x4600] =	vst v6  }
0x454: {  	[tilespmem:s21+$0x4110] =	vst v5  }
0x455: {  	[tilespmem:s21+$0x4610] =	vst v6;
	s20 =	sadd.s32 $0x7F, s21  }
0x456: {  	[tilespmem:s21+$0x4120] =	vst v5;
	s24 =	sand.u32 $0x7F, s20  }
0x457: {  	[tilespmem:s21+$0x4620] =	vst v6;
	s25 =	sshra.s32 s20, $0x1F;
	p1 =	slt.s32 s20, $0x1;
	p2 =	sne.s32 s24, $0x0  }
0x458: {  	[tilespmem:s21+$0x4130] =	vst v5;
	s26 =	sshrl.u32 s25, $0x19;
	p1 =	por !p1, !p2  }
0x459: {  	s23 =	simm.s32 $0x1;
	[tilespmem:s21+$0x4630] =	vst v6;
	s20 =	sadd.s32 s26, s20;
	p1 =	por !p1, !p1  }
0x45a: {  	[tilespmem:s21+$0x4140] =	vst v5;
	s20 =	sshra.s32 s20, $0x7;
	s23 =	simm.s32 @!p1 $0x0  }
0x45b: {  	[tilespmem:s21+$0x4640] =	vst v6;
	s20 =	ssub.s32 s20, s23  }
0x45c: {  	[tilespmem:s21+$0x4150] =	vst v5;
	p1 =	slt.s32 s20, $0x1  }
.Ltmp90:
0x45d: {  	[tilespmem:s21+$0x4650] =	vst v6;
	(pc) =	sbr.rel @p1 .LBB2_178-.Ltmp90, $4  }
0x45e: {  	[tilespmem:s21+$0x4160] =	vst v5  }
0x45f: {  	[tilespmem:s21+$0x4660] =	vst v6  }
0x460: {  	[tilespmem:s21+$0x4170] =	vst v5  }
0x461: {  	[tilespmem:s21+$0x4670] =	vst v6;
	s21 =	simm.s32 $0x0;
	s23 =	simm.s32 $0x4600  }
.LBB2_175:
0x462: {  	s24 =	sshll.u32 s21, $0x9  }
0x463: {  	s24 =	sshra.s32 s24, $0x2  }
0x464: {  	v11 =	vld [tilespmem:s24+$0x4100];
	_ =	sdelay $0x4  }
0x465: {  	[tilespmem:$0x4B00] =	vst v11  }
0x466: {  	v11 =	vld [tilespmem:s24+$0x4110];
	_ =	sdelay $0x4  }
0x467: {  	[tilespmem:$0x4B10] =	vst v11  }
0x468: {  	v11 =	vld [tilespmem:s24+$0x4120];
	_ =	sdelay $0x4  }
0x469: {  	[tilespmem:$0x4B20] =	vst v11  }
0x46a: {  	v11 =	vld [tilespmem:s24+$0x4130];
	_ =	sdelay $0x4  }
0x46b: {  	[tilespmem:$0x4B30] =	vst v11  }
0x46c: {  	v11 =	vld [tilespmem:s24+$0x4140];
	_ =	sdelay $0x4  }
0x46d: {  	[tilespmem:$0x4B40] =	vst v11  }
0x46e: {  	v11 =	vld [tilespmem:s24+$0x4150];
	_ =	sdelay $0x4  }
0x46f: {  	[tilespmem:$0x4B50] =	vst v11  }
0x470: {  	v11 =	vld [tilespmem:s24+$0x4160];
	_ =	sdelay $0x4  }
0x471: {  	[tilespmem:$0x4B60] =	vst v11  }
0x472: {  	v11 =	vld [tilespmem:s24+$0x4170];
	_ =	sdelay $0x4  }
0x473: {  	[tilespmem:$0x4B70] =	vst v11  }
0x474: {  	[tilespmem:s7], [sflag:$0x1] =	stream.indirect.gather [hbm4b:s4+s5], $0x80, s6, s5, $0xb8;
	[tilespmem:$0x1AB80] =	vst v63  }
0x475: {  	_ =	swait.ge [sflag:s0], $0x4000  }
0x476: {  	[sflag:s0] =	ssyncset.done $0x0  }
0x477: {  	s26 =	sadd.s32 $0x0, s23;
	[sflag:s0] =	ssyncadd.s32 $0xFFFFC000  }
0x478: {  	v11 =	vld.msk [tilespmem:s26+$0x0 ss:$0x0], $0xffff;
	_ =	sdelay $0x4  }
0x479: {  	v12 =	vshll.u32 v11, $0x3  }
0x47a: {  	v11 =	vand.u32 $0x7F, v11;
	v12 =	vand.u32 $0xFFFFFC00, v12  }
0x47b: {  	s24 =	simm.s32 $0x4BA0;
	v12 =	vor.u32 v11, v12  }
0x47c: {  	v11 =	vld [tilespmem:s24+$0xFFFFFFE0];
	v13 =	vadd.s32 v7, v12;
	_ =	sdelay $0x4  }
0x47d: {  	[tilespmem:v13+s8+$0x0] =	vst.idx.msk $0xffff, v11  }
0x47e: {  	v13 =	vadd.s32 v8, v12;
	v11 =	vld [tilespmem:s24+$0xFFFFFFF0];
	_ =	sdelay $0x4  }
0x47f: {  	[tilespmem:v13+s8+$0x0] =	vst.idx.msk $0xffff, v11  }
0x480: {  	v13 =	vadd.s32 v9, v12;
	v11 =	vld [tilespmem:s24+$0x0];
	_ =	sdelay $0x4  }
0x481: {  	[tilespmem:v13+s8+$0x0] =	vst.idx.msk $0xffff, v11  }
0x482: {  	v12 =	vadd.s32 v10, v12;
	v11 =	vld [tilespmem:s24+$0x10];
	_ =	sdelay $0x3  }
0x483: {  	s25 =	simm.s32 $0x8;
	s26 =	simm.s32 $0x1  }
.LBB2_176:
0x484: {  	p2 =	sne.s32 s25, $0x1FC;
	s26 =	sadd.s32 s26, s23;
	[tilespmem:v12+s8+$0x0] =	vst.idx.msk $0xffff, v11  }
0x485: {  	s24 =	sadd.s32 $0x80, s24;
	v11 =	vld.msk [tilespmem:s26+$0x0 ss:$0x0], $0xffff  }
0x486: {  	v12 =	vld [tilespmem:s24+$0xFFFFFFE0];
	_ =	sdelay $0x4  }
0x487: {  	v13 =	vshll.u32 v11, $0x3  }
0x488: {  	v11 =	vand.u32 $0x7F, v11;
	v13 =	vand.u32 $0xFFFFFC00, v13  }
0x489: {  	v13 =	vor.u32 v11, v13  }
0x48a: {  	v11 =	vadd.s32 v7, v13;
	_ =	sdelay $0x4  }
0x48b: {  	[tilespmem:v11+s8+$0x0] =	vst.idx.msk $0xffff, v12  }
0x48c: {  	v12 =	vadd.s32 v8, v13;
	v11 =	vld [tilespmem:s24+$0xFFFFFFF0];
	_ =	sdelay $0x4  }
0x48d: {  	[tilespmem:v12+s8+$0x0] =	vst.idx.msk $0xffff, v11  }
0x48e: {  	v12 =	vadd.s32 v9, v13;
	v11 =	vld [tilespmem:s24+$0x0];
	_ =	sdelay $0x4  }
0x48f: {  	[tilespmem:v12+s8+$0x0] =	vst.idx.msk $0xffff, v11  }
.Ltmp91:
0x490: {  	v12 =	vadd.s32 v10, v13;
	v11 =	vld [tilespmem:s24+$0x10];
	(pc) =	sbr.rel @p2 .LBB2_176-.Ltmp91, $2  }
0x491: {  	_ =	sdelay $0x2  }
0x492: {  	s26 =	sshra.s32 s25, $0x2;
	s25 =	sadd.s32 $0x4, s25  }
0x493: {  	_ =	sdelay $0x3  }
0x494: {  	s25 =	sadd.s32 s26, s23;
	[tilespmem:v12+s8+$0x0] =	vst.idx.msk $0xffff, v11  }
0x495: {  	v11 =	vld.msk [tilespmem:s25+$0x0 ss:$0x0], $0xffff;
	_ =	sdelay $0x4  }
0x496: {  	v60 =	vshll.u32 v11, $0x3  }
0x497: {  	v11 =	vand.u32 $0x7F, v11;
	v12 =	vand.u32 $0xFFFFFC00, v60  }
0x498: {  	s24 =	sadd.s32 $0x80, s24;
	v11 =	vor.u32 v11, v12  }
0x499: {  	v61 =	vld [tilespmem:s24+$0xFFFFFFE0];
	v13 =	vadd.s32 v7, v11;
	_ =	sdelay $0x4  }
0x49a: {  	[tilespmem:v13+s8+$0x0] =	vst.idx.msk $0xffff, v61  }
0x49b: {  	v62 =	vadd.s32 v8, v11;
	v12 =	vld [tilespmem:s24+$0xFFFFFFF0];
	_ =	sdelay $0x4  }
0x49c: {  	[tilespmem:v62+s8+$0x0] =	vst.idx.msk $0xffff, v12  }
0x49d: {  	v63 =	vadd.s32 v9, v11;
	v12 =	vld [tilespmem:s24+$0x0];
	_ =	sdelay $0x4  }
0x49e: {  	s21 =	sadd.s32 $0x1, s21;
	[tilespmem:v63+s8+$0x0] =	vst.idx.msk $0xffff, v12  }
0x49f: {  	p2 =	sne.s32 s21, s20;
	v11 =	vadd.s32 v10, v11;
	v12 =	vld [tilespmem:s24+$0x10]  }
.Ltmp92:
0x4a0: {  	_ = 	snop;
	(pc) =	sbr.rel @p2 .LBB2_175-.Ltmp92, $2  }
0x4a1: {  	_ =	sdelay $0x2  }
0x4a2: {  	s23 =	sadd.s32 $0x80, s23;
	[tilespmem:v11+s8+$0x0] =	vst.idx.msk $0xffff, v12  }
.LBB2_178:
0x4a3: {  	s21 =	sshll.u32 s19, $0xD  }
0x4a4: {  	s21 =	sadd.s32 s21, s22  }
0x4a5: {  	s21 =	sshrl.u32 s21, $0x3  }
0x4a6: {  	s23 =	sadd.s32 s2, s21;
	s21 =	simm.s32 $0x0  }
0x4a7: {  	[hbm4b:s23+s21] =	stream.linear.scatter [tilespmem:s8], [sflag:$0x1], $0x2000, $0x38;
	[tilespmem:$0x1AB80] =	vst v63  }
0x4a8: {  	s24 =	sadd.s32 $0x34500, s23  }
0x4a9: {  	[hbm4b:s24+s21] =	stream.linear.scatter [tilespmem:s9], [sflag:$0x1], $0x2000, $0x38;
	[tilespmem:$0x1AB80] =	vst v63  }
0x4aa: {  	s26 =	sadd.s32 $0x68A00, s23  }
0x4ab: {  	[hbm4b:s26+s21] =	stream.linear.scatter [tilespmem:s10], [sflag:$0x1], $0x2000, $0x38;
	[tilespmem:$0x1AB80] =	vst v63  }
0x4ac: {  	s25 =	sadd.s32 $0x9CF00, s23  }
0x4ad: {  	[hbm4b:s25+s21] =	stream.linear.scatter [tilespmem:s11], [sflag:$0x1], $0x2000, $0x38;
	[tilespmem:$0x1AB80] =	vst v63  }
0x4ae: {  	s26 =	sadd.s32 $0xD1400, s23  }
0x4af: {  	[hbm4b:s26+s21] =	stream.linear.scatter [tilespmem:s12], [sflag:$0x1], $0x2000, $0x38;
	[tilespmem:$0x1AB80] =	vst v63  }
0x4b0: {  	s25 =	sadd.s32 $0x105900, s23  }
0x4b1: {  	[hbm4b:s25+s21] =	stream.linear.scatter [tilespmem:s13], [sflag:$0x1], $0x2000, $0x38;
	[tilespmem:$0x1AB80] =	vst v63  }
0x4b2: {  	s26 =	sadd.s32 $0x139E00, s23  }
0x4b3: {  	[hbm4b:s26+s21] =	stream.linear.scatter [tilespmem:s14], [sflag:$0x1], $0x2000, $0x38;
	[tilespmem:$0x1AB80] =	vst v63  }
.Ltmp93:
0x4b4: {  	s23 =	sadd.s32 $0x16E300, s23;
	(pc) =	sbr.rel @p1 .LBB2_182-.Ltmp93, $4  }
0x4b5: {  	[hbm4b:s23+s21] =	stream.linear.scatter [tilespmem:s15], [sflag:$0x1], $0x2000, $0x38;
	[tilespmem:$0x1AB80] =	vst v63  }
0x4b6: {  	_ =	swait.ge [sflag:s0], $0x10000  }
0x4b7: {  	[sflag:s0] =	ssyncset.done $0x0  }
0x4b8: {  	s23 =	simm.s32 $0x4600;
	[sflag:s0] =	ssyncadd.s32 $0xFFFF0000  }
.LBB2_179:
0x4b9: {  	s24 =	sadd.s32 $0x0, s23  }
0x4ba: {  	v11 =	vld.msk [tilespmem:s24+$0x0 ss:$0x0], $0xffff;
	_ =	sdelay $0x4  }
0x4bb: {  	v12 =	vshll.u32 v11, $0x3  }
0x4bc: {  	v11 =	vand.u32 $0x7F, v11;
	v12 =	vand.u32 $0xFFFFFC00, v12  }
0x4bd: {  	v11 =	vor.u32 v11, v12  }
0x4be: {  	v12 =	vadd.s32 v7, v11  }
0x4bf: {  	v13 =	vadd.s32 v8, v11  }
0x4c0: {  	v14 =	vadd.s32 v9, v11;
	_ =	sdelay $0x1  }
0x4c1: {  	v11 =	vadd.s32 v10, v11  }
0x4c2: {  	[tilespmem:v12+s8+$0x0] =	vst.idx.msk $0xffff, v3  }
0x4c3: {  	[tilespmem:v13+s8+$0x0] =	vst.idx.msk $0xffff, v3  }
0x4c4: {  	s25 =	simm.s32 $0x1;
	s24 =	simm.s32 $0x8;
	[tilespmem:v14+s8+$0x0] =	vst.idx.msk $0xffff, v3  }
.LBB2_180:
0x4c5: {  	p1 =	sne.s32 s24, $0x1FC  }
0x4c6: {  	s25 =	sadd.s32 s25, s23;
	[tilespmem:v11+s8+$0x0] =	vst.idx.msk $0xffff, v3;
	s26 =	smov.u32 s24;
	s24 =	sadd.s32 $0x4, s24  }
0x4c7: {  	v11 =	vld.msk [tilespmem:s25+$0x0 ss:$0x0], $0xffff;
	_ =	sdelay $0x5  }
0x4c8: {  	v12 =	vshll.u32 v11, $0x3  }
0x4c9: {  	v11 =	vand.u32 $0x7F, v11;
	v12 =	vand.u32 $0xFFFFFC00, v12  }
0x4ca: {  	v11 =	vor.u32 v11, v12  }
0x4cb: {  	v12 =	vadd.s32 v7, v11  }
0x4cc: {  	v13 =	vadd.s32 v8, v11  }
0x4cd: {  	v14 =	vadd.s32 v9, v11  }
.Ltmp94:
0x4ce: {  	v11 =	vadd.s32 v10, v11;
	(pc) =	sbr.rel @p1 .LBB2_180-.Ltmp94, $4  }
0x4cf: {  	_ = 	snop  }
0x4d0: {  	[tilespmem:v12+s8+$0x0] =	vst.idx.msk $0xffff, v3  }
0x4d1: {  	[tilespmem:v13+s8+$0x0] =	vst.idx.msk $0xffff, v3  }
0x4d2: {  	s25 =	sshra.s32 s26, $0x2;
	[tilespmem:v14+s8+$0x0] =	vst.idx.msk $0xffff, v3  }
0x4d3: {  	_ =	sdelay $0x3  }
0x4d4: {  	s24 =	sadd.s32 s25, s23;
	[tilespmem:v11+s8+$0x0] =	vst.idx.msk $0xffff, v3  }
0x4d5: {  	v11 =	vld.msk [tilespmem:s24+$0x0 ss:$0x0], $0xffff;
	_ =	sdelay $0x4  }
0x4d6: {  	v12 =	vshll.u32 v11, $0x3  }
0x4d7: {  	v11 =	vand.u32 $0x7F, v11;
	v12 =	vand.u32 $0xFFFFFC00, v12  }
0x4d8: {  	v11 =	vor.u32 v11, v12  }
0x4d9: {  	v12 =	vadd.s32 v7, v11  }
0x4da: {  	v13 =	vadd.s32 v8, v11  }
0x4db: {  	s21 =	sadd.s32 $0x1, s21;
	v14 =	vadd.s32 v9, v11  }
0x4dc: {  	p1 =	sne.s32 s21, s20;
	v11 =	vadd.s32 v10, v11  }
.Ltmp95:
0x4dd: {  	_ = 	snop;
	(pc) =	sbr.rel @p1 .LBB2_179-.Ltmp95, $4  }
.Ltmp96:
0x4de: {  	[tilespmem:v12+s8+$0x0] =	vst.idx.msk $0xffff, v3;
	(pc) =	sbr.rel @!p1 .LBB2_182-.Ltmp96, $4  }
0x4df: {  	[tilespmem:v13+s8+$0x0] =	vst.idx.msk $0xffff, v3  }
0x4e0: {  	[tilespmem:v14+s8+$0x0] =	vst.idx.msk $0xffff, v3  }
0x4e1: {  	s23 =	sadd.s32 $0x80, s23;
	[tilespmem:v11+s8+$0x0] =	vst.idx.msk $0xffff, v3  }
0x4e2: {  	_ = 	snop  }
.LBB2_183:
.Ltmp97:
0x4e3: {  	(pc) =	sbr.rel @p0 .LBB2_194-.Ltmp97, $2  }
0x4e4: {  	_ =	sdelay $0x2  }
0x4e5: {  	s17 =	simm.s32 $0x0  }
0x4e6: {  	s19 =	sand.u32 $0xF0, s17  }
0x4e7: {  	v11 =	vld [tilespmem:s19+$0x3800];
	_ =	sdelay $0x4  }
0x4e8: {  	vm0 =	vgt.s32 v11, $0xFFFFFFFF  }
0x4e9: {  	v12 =	vsel vm0, $0x1, v5  }
0x4ea: {  	(xrf0) =	vadd.scan.msk.s32 $0xffff, v12;
	_ =	sdelay $0x5  }
0x4eb: {  	v13, _, _ =	vpop (xrf0)  }
0x4ec: {  	v14 =	vxor.u32 $0x80000000, v13  }
0x4ed: {  	v61 =	vmov s17;
	(xrf0) =	vmax.scan.msk.u32 $0xffff, v14  }
0x4ee: {  	v12 =	vadd.s32 $0xFFFFFFFF, v61  }
0x4ef: {  	v12 =	vbroadcast v12, $0x0;
	_ =	sdelay $0x1  }
0x4f0: {  	v12 =	vadd.s32 v13, v12;
	_ =	sdelay $0x1  }
0x4f1: {  	v62, _, _ =	vpop (xrf0)  }
0x4f2: {  	(v2sf) =	vpush v62, $0xF;
	_ =	sdelay $0x1  }
0x4f3: {  	v63 =	vor.u32 s17, v4;
	s19 =	simm.s32 $0x10;
	[tilespmem:v12+s31+$0x0] =	vst.idx.msk vm0, v11  }
0x4f4: {  	s20 =	simm.s32 $0x20;
	s21 =	sand.u32 $0xF0, s19;
	[tilespmem:v12+s1+$0x0] =	vst.idx.msk vm0, v63  }
.LBB2_185:
0x4f5: {  	p1 =	sne.s32 s20, $0xF0;
	v11 =	vld [tilespmem:s21+$0x3800];
	_ =	sdelay $0x4  }
0x4f6: {  	vm0 =	vgt.s32 v11, $0xFFFFFFFF  }
0x4f7: {  	v12 =	vsel vm0, $0x1, v5  }
0x4f8: {  	(xrf0) =	vadd.scan.msk.s32 $0xffff, v12;
	_ =	sdelay $0x3  }
0x4f9: {  	s21 =	spop (v2sf)  }
0x4fa: {  	s17 =	sadd.s32 s21, s17  }
0x4fb: {  	v12, _, _ =	vpop (xrf0);
	s17 =	sadd.s32 $0x80000000, s17  }
0x4fc: {  	v13 =	vmov s17;
	v14 =	vxor.u32 $0x80000000, v12  }
0x4fd: {  	v13 =	vadd.s32 $0xFFFFFFFF, v13;
	(xrf0) =	vmax.scan.msk.u32 $0xffff, v14  }
0x4fe: {  	v13 =	vbroadcast v13, $0x0;
	_ =	sdelay $0x1  }
0x4ff: {  	v12 =	vadd.s32 v12, v13;
	_ =	sdelay $0x2  }
.Ltmp98:
0x500: {  	v13, _, _ =	vpop (xrf0);
	(pc) =	sbr.rel @p1 .LBB2_185-.Ltmp98, $4  }
0x501: {  	(v2sf) =	vpush v13, $0xF  }
0x502: {  	v13 =	vor.u32 s19, v4;
	s19 =	smov.u32 s20;
	[tilespmem:v12+s31+$0x0] =	vst.idx.msk vm0, v11  }
0x503: {  	[tilespmem:v12+s1+$0x0] =	vst.idx.msk vm0, v13  }
0x504: {  	s20 =	sadd.s32 $0x10, s20;
	s21 =	sand.u32 $0xF0, s19  }
0x505: {  	v11 =	vld [tilespmem:s21+$0x3800];
	_ =	sdelay $0x4  }
0x506: {  	vm0 =	vgt.s32 v11, $0xFFFFFFFF  }
0x507: {  	v12 =	vsel vm0, $0x1, v5  }
0x508: {  	(xrf0) =	vadd.scan.msk.s32 $0xffff, v12;
	_ =	sdelay $0x5  }
0x509: {  	v12, _, _ =	vpop (xrf0)  }
0x50a: {  	v13 =	vxor.u32 $0x80000000, v12  }
0x50b: {  	(xrf0) =	vmax.scan.msk.u32 $0xffff, v13;
	_ =	sdelay $0x5  }
0x50c: {  	v13, _, _ =	vpop (xrf0)  }
0x50d: {  	(v2sf) =	vpush v13, $0xF;
	_ =	sdelay $0x3  }
0x50e: {  	s20 =	spop (v2sf)  }
0x50f: {  	s17 =	sadd.s32 s20, s17  }
0x510: {  	s17 =	sadd.s32 $0x80000000, s17  }
0x511: {  	v62 =	vmov s17  }
0x512: {  	v13 =	vadd.s32 $0xFFFFFFFF, v62  }
0x513: {  	v13 =	vbroadcast v13, $0x0;
	_ =	sdelay $0x1  }
0x514: {  	v12 =	vadd.s32 v12, v13;
	_ =	sdelay $0x3  }
0x515: {  	s23 =	spop (v2sf)  }
0x516: {  	v63 =	vor.u32 s19, v4;
	[tilespmem:v12+s31+$0x0] =	vst.idx.msk vm0, v11;
	s17 =	sadd.s32 s23, s17  }
0x517: {  	[tilespmem:v12+s1+$0x0] =	vst.idx.msk vm0, v63;
	s24 =	sadd.s32 $0x80000000, s17  }
0x518: {  	[tilespmem:s24+$0x4100] =	vst v5  }
0x519: {  	[tilespmem:s24+$0x4600] =	vst v6  }
0x51a: {  	[tilespmem:s24+$0x4110] =	vst v5  }
0x51b: {  	[tilespmem:s24+$0x4610] =	vst v6;
	s17 =	sadd.s32 $0x7F, s24  }
0x51c: {  	[tilespmem:s24+$0x4120] =	vst v5;
	s25 =	sand.u32 $0x7F, s17  }
0x51d: {  	[tilespmem:s24+$0x4620] =	vst v6;
	s26 =	sshra.s32 s17, $0x1F;
	p2 =	slt.s32 s17, $0x1;
	p1 =	sne.s32 s25, $0x0  }
0x51e: {  	[tilespmem:s24+$0x4130] =	vst v5;
	s20 =	sshrl.u32 s26, $0x19;
	p1 =	por !p2, !p1  }
0x51f: {  	[tilespmem:s24+$0x4630] =	vst v6;
	s17 =	sadd.s32 s20, s17;
	s20 =	simm.s32 $0x1;
	p1 =	por !p1, !p1  }
0x520: {  	[tilespmem:s24+$0x4140] =	vst v5;
	s17 =	sshra.s32 s17, $0x7;
	s20 =	simm.s32 @!p1 $0x0  }
0x521: {  	[tilespmem:s24+$0x4640] =	vst v6;
	s17 =	ssub.s32 s17, s20  }
0x522: {  	[tilespmem:s24+$0x4150] =	vst v5;
	p1 =	slt.s32 s17, $0x1  }
.Ltmp99:
0x523: {  	[tilespmem:s24+$0x4650] =	vst v6;
	(pc) =	sbr.rel @p1 .LBB2_190-.Ltmp99, $4  }
0x524: {  	[tilespmem:s24+$0x4160] =	vst v5  }
0x525: {  	[tilespmem:s24+$0x4660] =	vst v6  }
0x526: {  	[tilespmem:s24+$0x4170] =	vst v5  }
0x527: {  	s19 =	simm.s32 $0x0;
	[tilespmem:s24+$0x4670] =	vst v6;
	s20 =	simm.s32 $0x4600  }
.LBB2_187:
0x528: {  	s21 =	sshll.u32 s19, $0x9  }
0x529: {  	s21 =	sshra.s32 s21, $0x2  }
0x52a: {  	v11 =	vld [tilespmem:s21+$0x4100];
	_ =	sdelay $0x4  }
0x52b: {  	[tilespmem:$0x4B00] =	vst v11  }
0x52c: {  	v11 =	vld [tilespmem:s21+$0x4110];
	_ =	sdelay $0x4  }
0x52d: {  	[tilespmem:$0x4B10] =	vst v11  }
0x52e: {  	v11 =	vld [tilespmem:s21+$0x4120];
	_ =	sdelay $0x4  }
0x52f: {  	[tilespmem:$0x4B20] =	vst v11  }
0x530: {  	v11 =	vld [tilespmem:s21+$0x4130];
	_ =	sdelay $0x4  }
0x531: {  	[tilespmem:$0x4B30] =	vst v11  }
0x532: {  	v11 =	vld [tilespmem:s21+$0x4140];
	_ =	sdelay $0x4  }
0x533: {  	[tilespmem:$0x4B40] =	vst v11  }
0x534: {  	v11 =	vld [tilespmem:s21+$0x4150];
	_ =	sdelay $0x4  }
0x535: {  	[tilespmem:$0x4B50] =	vst v11  }
0x536: {  	v11 =	vld [tilespmem:s21+$0x4160];
	_ =	sdelay $0x4  }
0x537: {  	[tilespmem:$0x4B60] =	vst v11  }
0x538: {  	v11 =	vld [tilespmem:s21+$0x4170];
	_ =	sdelay $0x4  }
0x539: {  	[tilespmem:$0x4B70] =	vst v11  }
0x53a: {  	[tilespmem:s7], [sflag:$0x1] =	stream.indirect.gather [hbm4b:s4+s5], $0x80, s6, s5, $0xb8;
	[tilespmem:$0x1AB80] =	vst v63  }
0x53b: {  	_ =	swait.ge [sflag:s0], $0x4000  }
0x53c: {  	[sflag:s0] =	ssyncset.done $0x0  }
0x53d: {  	s26 =	sadd.s32 $0x0, s20;
	[sflag:s0] =	ssyncadd.s32 $0xFFFFC000  }
0x53e: {  	v11 =	vld.msk [tilespmem:s26+$0x0 ss:$0x0], $0xffff;
	_ =	sdelay $0x4  }
0x53f: {  	v12 =	vshll.u32 v11, $0x3  }
0x540: {  	v11 =	vand.u32 $0x7F, v11;
	v12 =	vand.u32 $0xFFFFFC00, v12  }
0x541: {  	s21 =	simm.s32 $0x4BA0;
	v12 =	vor.u32 v11, v12  }
0x542: {  	v11 =	vld [tilespmem:s21+$0xFFFFFFE0];
	v13 =	vadd.s32 v7, v12;
	_ =	sdelay $0x4  }
0x543: {  	[tilespmem:v13+s8+$0x0] =	vst.idx.msk $0xffff, v11  }
0x544: {  	v13 =	vadd.s32 v8, v12;
	v11 =	vld [tilespmem:s21+$0xFFFFFFF0];
	_ =	sdelay $0x4  }
0x545: {  	[tilespmem:v13+s8+$0x0] =	vst.idx.msk $0xffff, v11  }
0x546: {  	v13 =	vadd.s32 v9, v12;
	v11 =	vld [tilespmem:s21+$0x0];
	_ =	sdelay $0x4  }
0x547: {  	[tilespmem:v13+s8+$0x0] =	vst.idx.msk $0xffff, v11  }
0x548: {  	v12 =	vadd.s32 v10, v12;
	v11 =	vld [tilespmem:s21+$0x10];
	_ =	sdelay $0x3  }
0x549: {  	s24 =	simm.s32 $0x1;
	s23 =	simm.s32 $0x8  }
.LBB2_188:
0x54a: {  	p2 =	sne.s32 s23, $0x1FC;
	s24 =	sadd.s32 s24, s20;
	[tilespmem:v12+s8+$0x0] =	vst.idx.msk $0xffff, v11  }
0x54b: {  	s21 =	sadd.s32 $0x80, s21;
	v11 =	vld.msk [tilespmem:s24+$0x0 ss:$0x0], $0xffff  }
0x54c: {  	v12 =	vld [tilespmem:s21+$0xFFFFFFE0];
	_ =	sdelay $0x4  }
0x54d: {  	v13 =	vshll.u32 v11, $0x3  }
0x54e: {  	v11 =	vand.u32 $0x7F, v11;
	v13 =	vand.u32 $0xFFFFFC00, v13  }
0x54f: {  	v13 =	vor.u32 v11, v13  }
0x550: {  	v11 =	vadd.s32 v7, v13;
	_ =	sdelay $0x4  }
0x551: {  	[tilespmem:v11+s8+$0x0] =	vst.idx.msk $0xffff, v12  }
0x552: {  	v12 =	vadd.s32 v8, v13;
	v11 =	vld [tilespmem:s21+$0xFFFFFFF0];
	_ =	sdelay $0x4  }
0x553: {  	[tilespmem:v12+s8+$0x0] =	vst.idx.msk $0xffff, v11  }
0x554: {  	v12 =	vadd.s32 v9, v13;
	v11 =	vld [tilespmem:s21+$0x0];
	_ =	sdelay $0x4  }
0x555: {  	[tilespmem:v12+s8+$0x0] =	vst.idx.msk $0xffff, v11  }
.Ltmp100:
0x556: {  	v12 =	vadd.s32 v10, v13;
	v11 =	vld [tilespmem:s21+$0x10];
	(pc) =	sbr.rel @p2 .LBB2_188-.Ltmp100, $2  }
0x557: {  	_ =	sdelay $0x2  }
0x558: {  	s24 =	sshra.s32 s23, $0x2;
	s23 =	sadd.s32 $0x4, s23  }
0x559: {  	_ =	sdelay $0x3  }
0x55a: {  	s23 =	sadd.s32 s24, s20;
	[tilespmem:v12+s8+$0x0] =	vst.idx.msk $0xffff, v11  }
0x55b: {  	v11 =	vld.msk [tilespmem:s23+$0x0 ss:$0x0], $0xffff;
	_ =	sdelay $0x4  }
0x55c: {  	v60 =	vshll.u32 v11, $0x3  }
0x55d: {  	v11 =	vand.u32 $0x7F, v11;
	v12 =	vand.u32 $0xFFFFFC00, v60  }
0x55e: {  	s21 =	sadd.s32 $0x80, s21;
	v11 =	vor.u32 v11, v12  }
0x55f: {  	v61 =	vld [tilespmem:s21+$0xFFFFFFE0];
	v13 =	vadd.s32 v7, v11;
	_ =	sdelay $0x4  }
0x560: {  	[tilespmem:v13+s8+$0x0] =	vst.idx.msk $0xffff, v61  }
0x561: {  	v62 =	vadd.s32 v8, v11;
	v12 =	vld [tilespmem:s21+$0xFFFFFFF0];
	_ =	sdelay $0x4  }
0x562: {  	[tilespmem:v62+s8+$0x0] =	vst.idx.msk $0xffff, v12  }
0x563: {  	v63 =	vadd.s32 v9, v11;
	v12 =	vld [tilespmem:s21+$0x0];
	_ =	sdelay $0x4  }
0x564: {  	s19 =	sadd.s32 $0x1, s19;
	[tilespmem:v63+s8+$0x0] =	vst.idx.msk $0xffff, v12  }
0x565: {  	p2 =	sne.s32 s19, s17;
	v11 =	vadd.s32 v10, v11;
	v12 =	vld [tilespmem:s21+$0x10]  }
.Ltmp101:
0x566: {  	_ = 	snop;
	(pc) =	sbr.rel @p2 .LBB2_187-.Ltmp101, $2  }
0x567: {  	_ =	sdelay $0x2  }
0x568: {  	s20 =	sadd.s32 $0x80, s20;
	[tilespmem:v11+s8+$0x0] =	vst.idx.msk $0xffff, v12  }
.LBB2_190:
0x569: {  	s19 =	simm.s32 $0x0  }
0x56a: {  	[hbm4b:s28+s19] =	stream.linear.scatter [tilespmem:s8], [sflag:$0x1], $0x800, $0x38;
	[tilespmem:$0x1AB80] =	vst v63  }
0x56b: {  	s20 =	sadd.s32 $0x34500, s28  }
0x56c: {  	[hbm4b:s20+s19] =	stream.linear.scatter [tilespmem:s9], [sflag:$0x1], $0x800, $0x38;
	[tilespmem:$0x1AB80] =	vst v63  }
0x56d: {  	s26 =	sadd.s32 $0x68A00, s28  }
0x56e: {  	[hbm4b:s26+s19] =	stream.linear.scatter [tilespmem:s10], [sflag:$0x1], $0x800, $0x38;
	[tilespmem:$0x1AB80] =	vst v63  }
0x56f: {  	s21 =	sadd.s32 $0x9CF00, s28  }
0x570: {  	[hbm4b:s21+s19] =	stream.linear.scatter [tilespmem:s11], [sflag:$0x1], $0x800, $0x38;
	[tilespmem:$0x1AB80] =	vst v63  }
0x571: {  	s23 =	sadd.s32 $0xD1400, s28  }
0x572: {  	[hbm4b:s23+s19] =	stream.linear.scatter [tilespmem:s12], [sflag:$0x1], $0x800, $0x38;
	[tilespmem:$0x1AB80] =	vst v63  }
0x573: {  	s24 =	sadd.s32 $0x105900, s28  }
0x574: {  	[hbm4b:s24+s19] =	stream.linear.scatter [tilespmem:s13], [sflag:$0x1], $0x800, $0x38;
	[tilespmem:$0x1AB80] =	vst v63  }
0x575: {  	s25 =	sadd.s32 $0x139E00, s28  }
0x576: {  	[hbm4b:s25+s19] =	stream.linear.scatter [tilespmem:s14], [sflag:$0x1], $0x800, $0x38;
	[tilespmem:$0x1AB80] =	vst v63  }
.Ltmp102:
0x577: {  	s26 =	sadd.s32 $0x16E300, s28;
	(pc) =	sbr.rel @p1 .LBB2_194-.Ltmp102, $4  }
0x578: {  	[hbm4b:s26+s19] =	stream.linear.scatter [tilespmem:s15], [sflag:$0x1], $0x800, $0x38;
	[tilespmem:$0x1AB80] =	vst v63  }
0x579: {  	_ =	swait.ge [sflag:s0], $0x4000  }
0x57a: {  	[sflag:s0] =	ssyncset.done $0x0  }
0x57b: {  	s20 =	simm.s32 $0x4600;
	[sflag:s0] =	ssyncadd.s32 $0xFFFFC000  }
.LBB2_191:
0x57c: {  	s21 =	sadd.s32 $0x0, s20  }
0x57d: {  	v11 =	vld.msk [tilespmem:s21+$0x0 ss:$0x0], $0xffff;
	_ =	sdelay $0x4  }
0x57e: {  	v12 =	vshll.u32 v11, $0x3  }
0x57f: {  	v11 =	vand.u32 $0x7F, v11;
	v12 =	vand.u32 $0xFFFFFC00, v12  }
0x580: {  	v11 =	vor.u32 v11, v12  }
0x581: {  	v12 =	vadd.s32 v7, v11  }
0x582: {  	v13 =	vadd.s32 v8, v11  }
0x583: {  	v14 =	vadd.s32 v9, v11;
	_ =	sdelay $0x1  }
0x584: {  	v11 =	vadd.s32 v10, v11  }
0x585: {  	[tilespmem:v12+s8+$0x0] =	vst.idx.msk $0xffff, v3  }
0x586: {  	[tilespmem:v13+s8+$0x0] =	vst.idx.msk $0xffff, v3  }
0x587: {  	s23 =	simm.s32 $0x1;
	s21 =	simm.s32 $0x8;
	[tilespmem:v14+s8+$0x0] =	vst.idx.msk $0xffff, v3  }
.LBB2_192:
0x588: {  	p1 =	sne.s32 s21, $0x1FC  }
0x589: {  	s23 =	sadd.s32 s23, s20;
	[tilespmem:v11+s8+$0x0] =	vst.idx.msk $0xffff, v3;
	s24 =	smov.u32 s21;
	s21 =	sadd.s32 $0x4, s21  }
0x58a: {  	v11 =	vld.msk [tilespmem:s23+$0x0 ss:$0x0], $0xffff;
	_ =	sdelay $0x5  }
0x58b: {  	v12 =	vshll.u32 v11, $0x3  }
0x58c: {  	v11 =	vand.u32 $0x7F, v11;
	v12 =	vand.u32 $0xFFFFFC00, v12  }
0x58d: {  	v11 =	vor.u32 v11, v12  }
0x58e: {  	v12 =	vadd.s32 v7, v11  }
0x58f: {  	v13 =	vadd.s32 v8, v11  }
0x590: {  	v14 =	vadd.s32 v9, v11  }
.Ltmp103:
0x591: {  	v11 =	vadd.s32 v10, v11;
	(pc) =	sbr.rel @p1 .LBB2_192-.Ltmp103, $4  }
0x592: {  	_ = 	snop  }
0x593: {  	[tilespmem:v12+s8+$0x0] =	vst.idx.msk $0xffff, v3  }
0x594: {  	[tilespmem:v13+s8+$0x0] =	vst.idx.msk $0xffff, v3  }
0x595: {  	s23 =	sshra.s32 s24, $0x2;
	[tilespmem:v14+s8+$0x0] =	vst.idx.msk $0xffff, v3  }
0x596: {  	_ =	sdelay $0x3  }
0x597: {  	s21 =	sadd.s32 s23, s20;
	[tilespmem:v11+s8+$0x0] =	vst.idx.msk $0xffff, v3  }
0x598: {  	v11 =	vld.msk [tilespmem:s21+$0x0 ss:$0x0], $0xffff;
	_ =	sdelay $0x4  }
0x599: {  	v12 =	vshll.u32 v11, $0x3  }
0x59a: {  	v11 =	vand.u32 $0x7F, v11;
	v12 =	vand.u32 $0xFFFFFC00, v12  }
0x59b: {  	v11 =	vor.u32 v11, v12  }
0x59c: {  	v12 =	vadd.s32 v7, v11  }
0x59d: {  	v13 =	vadd.s32 v8, v11  }
0x59e: {  	s19 =	sadd.s32 $0x1, s19;
	v14 =	vadd.s32 v9, v11  }
0x59f: {  	p1 =	sne.s32 s19, s17;
	v11 =	vadd.s32 v10, v11  }
.Ltmp104:
0x5a0: {  	_ = 	snop;
	(pc) =	sbr.rel @p1 .LBB2_191-.Ltmp104, $4  }
.Ltmp105:
0x5a1: {  	[tilespmem:v12+s8+$0x0] =	vst.idx.msk $0xffff, v3;
	(pc) =	sbr.rel @!p1 .LBB2_194-.Ltmp105, $4  }
0x5a2: {  	[tilespmem:v13+s8+$0x0] =	vst.idx.msk $0xffff, v3  }
0x5a3: {  	[tilespmem:v14+s8+$0x0] =	vst.idx.msk $0xffff, v3  }
0x5a4: {  	s20 =	sadd.s32 $0x80, s20;
	[tilespmem:v11+s8+$0x0] =	vst.idx.msk $0xffff, v3  }
0x5a5: {  	_ = 	snop  }
.LBB2_195:
0x5a6: {  	_ =	sfence.sel $0x180000  }
0x5a7: {  	[bflag:$0x0] =	sbarrier.arrive $0xFFFF  }
0x5a8: {  	_ =	strace $0x90000047  }
0x5a9: {  	s0 =	stileid.u32;
	[bflag:$0x2] =	sbarrier.arrive $0xFFFF  }
0x5aa: {  	p0 =	sne.s32 s0, $0x0;
	s0 =	rddreg [dreg:$0x2]  }
0x5ab: {  	s0 =	sadd.s32 @!p0 $0x100000, s0  }
0x5ac: {  	[sflag:s0] =	ssyncadd.tile.s32 @!p0 $0x1;
	_ =	shalt  }
.Lfunc_end2:
_tile_overlayer_lowered:
.L_overlay_start_2:
0x5ad: {  	(tag) =	ssettag $0x2  }
0x5ae: {  	s0 =	rddreg [dreg:$0x0];
	s2 =	stileid.u32  }
0x5af: {  	s1 =	rddreg [dreg:$0x1];
	p0 =	sne.s32 s2, $0x0  }
0x5b0: {  	s3 =	rddreg [dreg:$0x2];
	[bflag:$0x3] =	sbarrier.arrive $0xFFFF;
	s2 =	simm.s32 @!p0 $0x1C02  }
0x5b1: {  	[timem:s3], [sflag:s2] =	dma.local @!p0 [hbm:s0], s1  }
0x5b2: {  	s0 =	simm.s32 @!p0 $0x2  }
0x5b3: {  	_ =	swait.ge @!p0 [sflag:s0], s1  }
0x5b4: {  	s1 =	ssub.s32 @!p0 $0x0, s1;
	[sflag:s0] =	ssyncset.done @!p0 $0x0  }
0x5b5: {  	[sflag:s0] =	ssyncadd.s32 @!p0 s1  }
0x5b6: {  	[bflag:$0x3] =	sbarrier.arrive $0xFFFF  }
0x5b7: {  	_ =	shalt  }

</sc_bundles>
